<compile_context>
chip_gen: v7x
topology: tpu7x:2x2x1
jax: 0.10.2.dev20260603
libtpu: 0.0.44.dev20260713+nightly
codegen_flags: <defaults>
</compile_context>

<pallas_src>
import jax
import jax.numpy as jnp
from jax import lax
from jax.experimental import pallas as pl
from jax.experimental.pallas import tpu as pltpu
from jax.experimental.pallas import tpu_sc as plsc

_PH = 7
_PW = 7
_STRIDE = 16.0
_K = 4
_NW = 32
_CHUNKS = 16


def _bin_bounds(lo, hi, nbins, limit):
    size = jnp.maximum(hi - lo + 1, 1).astype(jnp.float32)
    bs = size / float(nbins)
    p = jnp.arange(nbins, dtype=jnp.float32)
    start = jnp.floor(p[None, :] * bs[:, None]).astype(jnp.int32) + lo[:, None]
    end = jnp.ceil((p[None, :] + 1.0) * bs[:, None]).astype(jnp.int32) + lo[:, None]
    return jnp.clip(start, 0, limit), jnp.clip(end, 0, limit)


def _cell_indices(features_shape, rois):
    B, C, H, W = features_shape
    N = rois.shape[0]
    zero_row = B * H * W

    b_idx = rois[:, 0].astype(jnp.int32)
    coords = jnp.round(rois[:, 1:] * (1.0 / _STRIDE)).astype(jnp.int32)
    x1, y1, x2, y2 = coords[:, 0], coords[:, 1], coords[:, 2], coords[:, 3]
    hs, he = _bin_bounds(y1, y2, _PH, H)
    ws, we = _bin_bounds(x1, x2, _PW, W)

    kh = jnp.arange(16, dtype=jnp.int32) // _K
    kw = jnp.arange(16, dtype=jnp.int32) % _K
    hc = hs[:, :, None] + kh[None, None, :]
    wc = ws[:, :, None] + kw[None, None, :]
    vh = hc < he[:, :, None]
    vw = wc < we[:, :, None]
    hc4 = jnp.minimum(hc, H - 1)[:, :, None, :]
    wc4 = jnp.minimum(wc, W - 1)[:, None, :, :]
    valid = vh[:, :, None, :] & vw[:, None, :, :]
    rowid = (b_idx[:, None, None, None] * H + hc4) * W + wc4
    fv = ((b_idx[:, None, None] * H + jnp.minimum(hs, H - 1)[:, :, None]) * W
          + jnp.minimum(ws, W - 1)[:, None, :])
    idx = jnp.where(valid, rowid, fv[:, :, :, None])
    empty = (he <= hs)[:, :, None] | (we <= ws)[:, None, :]
    idx = jnp.where(empty[:, :, :, None], zero_row, idx)
    return idx.reshape(N, _PH * _PW, 16).astype(jnp.int32)


def kernel(features, rois):
    B, C, H, W = features.shape
    N = rois.shape[0]
    nbins = _PH * _PW

    table = jnp.transpose(features, (0, 2, 3, 1)).reshape(B * H * W, C)
    table = jnp.pad(table, ((0, 8), (0, 0)))
    cellidx = _cell_indices(features.shape, rois)

    mesh = plsc.VectorSubcoreMesh(
        core_axis_name="c", subcore_axis_name="s", num_cores=2, num_subcores=16)

    import functools

    @functools.partial(
        pl.kernel,
        mesh=mesh,
        out_type=jax.ShapeDtypeStruct((N, nbins, C), jnp.float32),
        scratch_types=[
            pltpu.VMEM((nbins, 16), jnp.int32),
            pltpu.VMEM((16, C), jnp.float32),
            pltpu.VMEM((16, C), jnp.float32),
            pltpu.VMEM((nbins, C), jnp.float32),
            pltpu.SemaphoreType.DMA,
            pltpu.SemaphoreType.DMA,
        ],
    )
    def sc_pool(table_hbm, idx_hbm, out_hbm, idx_v, buf0, buf1, out_v, sem0, sem1):
        wid = lax.axis_index("s") * 2 + lax.axis_index("c")

        def start(bin_i, buf, sem):
            pltpu.make_async_copy(table_hbm.at[idx_v.at[bin_i]], buf, sem).start()

        def wait(buf, sem):
            pltpu.make_async_copy(table_hbm.at[idx_v.at[0]], buf, sem).wait()

        def compute(buf, bin_i):
            for c in range(_CHUNKS):
                sl = pl.ds(c * 16, 16)
                vals = [buf[k, sl] for k in range(16)]
                while len(vals) > 1:
                    vals = [jnp.maximum(vals[i], vals[i + 1])
                            for i in range(0, len(vals) - 1, 2)] + (
                        [vals[-1]] if len(vals) % 2 else [])
                out_v[bin_i, sl] = vals[0]

        def roi_body(t, carry):
            r = wid + _NW * t

            @pl.when(r < N)
            def _():
                pltpu.sync_copy(idx_hbm.at[r], idx_v)
                start(0, buf0, sem0)

                def pair_body(p, c2):
                    b0 = 2 * p
                    start(b0 + 1, buf1, sem1)
                    wait(buf0, sem0)
                    compute(buf0, b0)
                    start(b0 + 2, buf0, sem0)
                    wait(buf1, sem1)
                    compute(buf1, b0 + 1)
                    return c2

                lax.fori_loop(0, (nbins - 1) // 2, pair_body, 0)
                wait(buf0, sem0)
                compute(buf0, nbins - 1)
                pltpu.sync_copy(out_v, out_hbm.at[r])

            return carry

        lax.fori_loop(0, (N + _NW - 1) // _NW, roi_body, 0)

    out = sc_pool(table, cellidx)
    return jnp.transpose(out.reshape(N, _PH, _PW, C), (0, 3, 1, 2))

# --- scband reference (transcript-rebuilt; emitter-appended) ---
"""Pipeline reference for scband-frroi-process-layer-29635274342938 (READ-ONLY COPY).

The authoritative reference and input builder live on the scoring server;
editing this copy changes nothing except your own understanding.
"""

import jax, jax.numpy as jnp
import numpy as np

PH = 7
PW = 7
STRIDE = 16.0


def setup_inputs(seed: int = 0) -> dict:
    key = jax.random.key(seed)
    k1, k2, k3, k4, k5 = jax.random.split(key, 5)
    B, C, H, W = 2, 256, 50, 50
    N = 1000
    features = jax.random.normal(k1, (B, C, H, W), dtype=jnp.float32)
    # rois: [batch_idx, x1, y1, x2, y2] in image coords (800px image, stride 16 feature map)
    batch_idx = jax.random.randint(k2, (N,), 0, B).astype(jnp.float32)
    x1 = jax.random.uniform(k3, (N,), minval=0.0, maxval=700.0)
    y1 = jax.random.uniform(k4, (N,), minval=0.0, maxval=700.0)
    wh = jax.random.uniform(k5, (N, 2), minval=16.0, maxval=300.0)
    x2 = jnp.clip(x1 + wh[:, 0], 0.0, 799.0)
    y2 = jnp.clip(y1 + wh[:, 1], 0.0, 799.0)
    rois = jnp.stack([batch_idx, x1, y1, x2, y2], axis=1).astype(jnp.float32)
    return {"features": features, "rois": rois}


def _roi_pool(features, rois):
    B, C, H, W = features.shape
    scale = 1.0 / STRIDE
    neg = -jnp.inf

    def body(roi):
        b = roi[0].astype(jnp.int32)
        coords = jnp.round(roi[1:] * scale).astype(jnp.int32)
        x1, y1, x2, y2 = coords[0], coords[1], coords[2], coords[3]
        roi_w = jnp.maximum(x2 - x1 + 1, 1).astype(jnp.float32)
        roi_h = jnp.maximum(y2 - y1 + 1, 1).astype(jnp.float32)
        bsw = roi_w / PW
        bsh = roi_h / PH
        ph = jnp.arange(PH, dtype=jnp.float32)
        pw = jnp.arange(PW, dtype=jnp.float32)
        hstart = jnp.clip(jnp.floor(ph * bsh).astype(jnp.int32) + y1, 0, H)
        hend = jnp.clip(jnp.ceil((ph + 1.0) * bsh).astype(jnp.int32) + y1, 0, H)
        wstart = jnp.clip(jnp.floor(pw * bsw).astype(jnp.int32) + x1, 0, W)
        wend = jnp.clip(jnp.ceil((pw + 1.0) * bsw).astype(jnp.int32) + x1, 0, W)
        hh = jnp.arange(H)
        ww = jnp.arange(W)
        mh = (hh[None, :] >= hstart[:, None]) & (hh[None, :] < hend[:, None])  # [PH,H]
        mw = (ww[None, :] >= wstart[:, None]) & (ww[None, :] < wend[:, None])  # [PW,W]
        feat = features[b]  # [C,H,W] gather over batch index
        # reduce W first: [C,PW,H]
        tmp = jnp.where(mw[None, :, None, :], feat[:, None, :, :], neg).max(axis=-1)
        # reduce H: [C,PW,PH]
        out = jnp.where(mh[None, None, :, :], tmp[:, :, None, :], neg).max(axis=-1)
        out = jnp.transpose(out, (0, 2, 1))  # [C,PH,PW]
        valid = mh.any(axis=1)[:, None] & mw.any(axis=1)[None, :]  # [PH,PW]; empty bin -> 0
        return jnp.where(valid[None, :, :], out, 0.0)

    return jax.lax.map(body, rois)  # [N,C,PH,PW]


def reference(features, rois):
    return _roi_pool(features, rois)

if __name__ == "__main__":
    import jax
    _d = setup_inputs()
    print(jax.jit(kernel)(*tuple(_d.values())))

</pallas_src>

<mosaic_0001>
#map = affine_map<(d0, d1) -> (0, 0)>
#map1 = affine_map<(d0, d1) -> (0, 0, 0)>
module attributes {stable_mosaic.version = 14 : i64} {
  func.func @sc_pool(%arg0: i32, %arg1: i32, %arg2: memref<5008x256xf32, #tpu.memory_space<hbm>>, %arg3: memref<1000x49x16xi32, #tpu.memory_space<hbm>>, %arg4: memref<1000x49x256xf32, #tpu.memory_space<hbm>>, %arg5: memref<49x16xi32, #tpu.memory_space<vmem>>, %arg6: memref<16x256xf32, #tpu.memory_space<vmem>>, %arg7: memref<16x256xf32, #tpu.memory_space<vmem>>, %arg8: memref<49x256xf32, #tpu.memory_space<vmem>>, %arg9: memref<!tpu.dma_semaphore, #tpu.memory_space<semaphore_mem>>, %arg10: memref<!tpu.dma_semaphore, #tpu.memory_space<semaphore_mem>>) attributes {dimension_semantics = [#tpu.dimension_semantics<core_parallel>, #tpu.dimension_semantics<subcore_parallel>], iteration_bounds = array<i64: 2, 16>, scalar_prefetch = 0 : i64, scratch_operands = 6 : i64, tpu.core_type = #tpu.core_type<sc_vector_subcore>, window_params = [{transform_indices = #map}, {transform_indices = #map1}, {transform_indices = #map1}]} {
    %mul3A = arith.constant 2 : i32
    %mul3A_0 = arith.muli %arg1, %mul3A : i32
    %add3A = arith.addi %mul3A_0, %arg0 : i32
    %scan3A = arith.constant 0 : i32
    %scan3A_1 = arith.constant 0 : i32
    %scan3A_2 = arith.constant 32 : i32
    %scan3A_3 = arith.addi %scan3A_1, %scan3A_2 : i32
    %scan3A_4 = arith.constant 1 : i32
    scf.for %scan3A_6 = %scan3A_1 to %scan3A_3 step %scan3A_4  : i32 {
      %mul3A_7 = arith.constant 32 : i32
      %mul3A_8 = arith.muli %mul3A_7, %scan3A_6 : i32
      %add3A_9 = arith.addi %add3A, %mul3A_8 : i32
      %lt3A = arith.constant 1000 : i32
      %lt3A_10 = arith.cmpi slt, %add3A_9, %lt3A : i32
      %convert_element_type3A = arith.extui %lt3A_10 : i1 to i32
      %cond3A = arith.constant 0 : i32
      %cond3A_11 = arith.cmpi ne, %convert_element_type3A, %cond3A : i32
      scf.if %cond3A_11 {
        "tpu.region"() ({
          %run_scoped3A = tpu.sem_alloc : memref<!tpu.dma_semaphore, #tpu.memory_space<semaphore_mem>>
          %dma_start3A_1643 = arith.constant 0 : i32
          %dma_start3A_1644 = arith.constant 0 : i32
          %dma_start3A_1645 = tpu.memref_slice %arg3[%add3A_9, %dma_start3A_1643, %dma_start3A_1644] : memref<1000x49x16xi32, #tpu.memory_space<hbm>> -> memref<1x49x16xi32, #tpu.memory_space<hbm>>
          %dma_start3A_1646 = tpu.memref_squeeze %dma_start3A_1645 : memref<1x49x16xi32, #tpu.memory_space<hbm>> -> memref<49x16xi32, #tpu.memory_space<hbm>>
          %dma_start3A_1647 = arith.constant 0 : i32
          %dma_start3A_1648 = arith.constant 0 : i32
          %dma_start3A_1649 = tpu.memref_slice %arg3[%add3A_9, %dma_start3A_1647, %dma_start3A_1648] : memref<1000x49x16xi32, #tpu.memory_space<hbm>> -> memref<1x49x16xi32, #tpu.memory_space<hbm>>
          %dma_start3A_1650 = tpu.memref_squeeze %dma_start3A_1649 : memref<1x49x16xi32, #tpu.memory_space<hbm>> -> memref<49x16xi32, #tpu.memory_space<hbm>>
          tpu.enqueue_dma source(%dma_start3A_1650 : memref<49x16xi32, #tpu.memory_space<hbm>>) target(%arg5 : memref<49x16xi32, #tpu.memory_space<vmem>>) target_semaphore(%run_scoped3A : memref<!tpu.dma_semaphore, #tpu.memory_space<semaphore_mem>>)
          %dma_wait3A_1651 = arith.constant 0 : i32
          %dma_wait3A_1652 = arith.constant 0 : i32
          %dma_wait3A_1653 = tpu.memref_slice %arg3[%add3A_9, %dma_wait3A_1651, %dma_wait3A_1652] : memref<1000x49x16xi32, #tpu.memory_space<hbm>> -> memref<1x49x16xi32, #tpu.memory_space<hbm>>
          %dma_wait3A_1654 = tpu.memref_squeeze %dma_wait3A_1653 : memref<1x49x16xi32, #tpu.memory_space<hbm>> -> memref<49x16xi32, #tpu.memory_space<hbm>>
          %dma_wait3A_1655 = arith.constant 0 : i32
          %dma_wait3A_1656 = arith.constant 0 : i32
          %dma_wait3A_1657 = tpu.memref_slice %arg3[%add3A_9, %dma_wait3A_1655, %dma_wait3A_1656] : memref<1000x49x16xi32, #tpu.memory_space<hbm>> -> memref<1x49x16xi32, #tpu.memory_space<hbm>>
          %dma_wait3A_1658 = tpu.memref_squeeze %dma_wait3A_1657 : memref<1x49x16xi32, #tpu.memory_space<hbm>> -> memref<49x16xi32, #tpu.memory_space<hbm>>
          tpu.wait_dma2 semaphore(%run_scoped3A : memref<!tpu.dma_semaphore, #tpu.memory_space<semaphore_mem>>) src(%dma_wait3A_1658 : memref<49x16xi32, #tpu.memory_space<hbm>>) dst(%arg5 : memref<49x16xi32, #tpu.memory_space<vmem>>)
          tpu.yield
        }) : () -> ()
        %dma_start3A = arith.constant 0 : i32
        %dma_start3A_12 = arith.constant 0 : i32
        %dma_start3A_13 = tpu.memref_slice %arg5[%dma_start3A, %dma_start3A_12] : memref<49x16xi32, #tpu.memory_space<vmem>> -> memref<1x16xi32, #tpu.memory_space<vmem>>
        %dma_start3A_14 = tpu.memref_squeeze %dma_start3A_13 : memref<1x16xi32, #tpu.memory_space<vmem>> -> memref<16xi32, #tpu.memory_space<vmem>>
        %dma_start3A_15 = arith.constant 0 : i32
        %dma_start3A_16 = arith.constant 0 : i32
        %dma_start3A_17 = tpu.memref_slice %arg2[%dma_start3A_15, %dma_start3A_16] : memref<5008x256xf32, #tpu.memory_space<hbm>> -> memref<5008x256xf32, #tpu.memory_space<hbm>>
        tpu.enqueue_indirect_dma source(%dma_start3A_17 : memref<5008x256xf32, #tpu.memory_space<hbm>>) target(%arg6 : memref<16x256xf32, #tpu.memory_space<vmem>>) offsets(%dma_start3A_14 : memref<16xi32, #tpu.memory_space<vmem>>) semaphore(%arg9 : memref<!tpu.dma_semaphore, #tpu.memory_space<semaphore_mem>>)
        %scan3A_18 = arith.constant 0 : i32
        %scan3A_19 = arith.constant 0 : i32
        %scan3A_20 = arith.constant 24 : i32
        %scan3A_21 = arith.addi %scan3A_19, %scan3A_20 : i32
        %scan3A_22 = arith.constant 1 : i32
        scf.for %scan3A_1643 = %scan3A_19 to %scan3A_21 step %scan3A_22  : i32 {
          %mul3A_1644 = arith.constant 2 : i32
          %mul3A_1645 = arith.muli %mul3A_1644, %scan3A_1643 : i32
          %add3A_1646 = arith.constant 1 : i32
          %add3A_1647 = arith.addi %mul3A_1645, %add3A_1646 : i32
          %dma_start3A_1648 = arith.constant 0 : i32
          %dma_start3A_1649 = tpu.memref_slice %arg5[%add3A_1647, %dma_start3A_1648] : memref<49x16xi32, #tpu.memory_space<vmem>> -> memref<1x16xi32, #tpu.memory_space<vmem>>
          %dma_start3A_1650 = tpu.memref_squeeze %dma_start3A_1649 : memref<1x16xi32, #tpu.memory_space<vmem>> -> memref<16xi32, #tpu.memory_space<vmem>>
          %dma_start3A_1651 = arith.constant 0 : i32
          %dma_start3A_1652 = arith.constant 0 : i32
          %dma_start3A_1653 = tpu.memref_slice %arg2[%dma_start3A_1651, %dma_start3A_1652] : memref<5008x256xf32, #tpu.memory_space<hbm>> -> memref<5008x256xf32, #tpu.memory_space<hbm>>
          tpu.enqueue_indirect_dma source(%dma_start3A_1653 : memref<5008x256xf32, #tpu.memory_space<hbm>>) target(%arg7 : memref<16x256xf32, #tpu.memory_space<vmem>>) offsets(%dma_start3A_1650 : memref<16xi32, #tpu.memory_space<vmem>>) semaphore(%arg10 : memref<!tpu.dma_semaphore, #tpu.memory_space<semaphore_mem>>)
          %dma_wait3A_1654 = arith.constant 0 : i32
          %dma_wait3A_1655 = arith.constant 0 : i32
          %dma_wait3A_1656 = tpu.memref_slice %arg5[%dma_wait3A_1654, %dma_wait3A_1655] : memref<49x16xi32, #tpu.memory_space<vmem>> -> memref<1x16xi32, #tpu.memory_space<vmem>>
          %dma_wait3A_1657 = tpu.memref_squeeze %dma_wait3A_1656 : memref<1x16xi32, #tpu.memory_space<vmem>> -> memref<16xi32, #tpu.memory_space<vmem>>
          %dma_wait3A_1658 = arith.constant 0 : i32
          %dma_wait3A_1659 = arith.constant 0 : i32
          %dma_wait3A_1660 = tpu.memref_slice %arg2[%dma_wait3A_1658, %dma_wait3A_1659] : memref<5008x256xf32, #tpu.memory_space<hbm>> -> memref<5008x256xf32, #tpu.memory_space<hbm>>
          tpu.wait_indirect_dma semaphore(%arg9 : memref<!tpu.dma_semaphore, #tpu.memory_space<semaphore_mem>>) src(%dma_wait3A_1660 : memref<5008x256xf32, #tpu.memory_space<hbm>>) dst(%arg6 : memref<16x256xf32, #tpu.memory_space<vmem>>)
          %get3A_1661 = arith.constant 0 : i32
          %get3A_1662 = arith.index_cast %get3A_1661 : i32 to index
          %get3A_1663 = arith.constant 0 : index
          %get3A_1664 = tpu.vector_load %arg6[%get3A_1662, %get3A_1663] {strides = array<i32>} : memref<16x256xf32, #tpu.memory_space<vmem>>, vector<1x16xf32>,
          %get3A_1665 = vector.shape_cast %get3A_1664 : vector<1x16xf32> to vector<16xf32>
          %get3A_1666 = arith.constant 1 : i32
          %get3A_1667 = arith.index_cast %get3A_1666 : i32 to index
          %get3A_1668 = arith.constant 0 : index
          %get3A_1669 = tpu.vector_load %arg6[%get3A_1667, %get3A_1668] {strides = array<i32>} : memref<16x256xf32, #tpu.memory_space<vmem>>, vector<1x16xf32>,
          %get3A_1670 = vector.shape_cast %get3A_1669 : vector<1x16xf32> to vector<16xf32>
          %get3A_1671 = arith.constant 2 : i32
          %get3A_1672 = arith.index_cast %get3A_1671 : i32 to index
          %get3A_1673 = arith.constant 0 : index
          %get3A_1674 = tpu.vector_load %arg6[%get3A_1672, %get3A_1673] {strides = array<i32>} : memref<16x256xf32, #tpu.memory_space<vmem>>, vector<1x16xf32>,
          %get3A_1675 = vector.shape_cast %get3A_1674 : vector<1x16xf32> to vector<16xf32>
          %get3A_1676 = arith.constant 3 : i32
          %get3A_1677 = arith.index_cast %get3A_1676 : i32 to index
          %get3A_1678 = arith.constant 0 : index
          %get3A_1679 = tpu.vector_load %arg6[%get3A_1677, %get3A_1678] {strides = array<i32>} : memref<16x256xf32, #tpu.memory_space<vmem>>, vector<1x16xf32>,
          %get3A_1680 = vector.shape_cast %get3A_1679 : vector<1x16xf32> to vector<16xf32>
          %get3A_1681 = arith.constant 4 : i32
          %get3A_1682 = arith.index_cast %get3A_1681 : i32 to index
          %get3A_1683 = arith.constant 0 : index
          %get3A_1684 = tpu.vector_load %arg6[%get3A_1682, %get3A_1683] {strides = array<i32>} : memref<16x256xf32, #tpu.memory_space<vmem>>, vector<1x16xf32>,
          %get3A_1685 = vector.shape_cast %get3A_1684 : vector<1x16xf32> to vector<16xf32>
          %get3A_1686 = arith.constant 5 : i32
          %get3A_1687 = arith.index_cast %get3A_1686 : i32 to index
          %get3A_1688 = arith.constant 0 : index
          %get3A_1689 = tpu.vector_load %arg6[%get3A_1687, %get3A_1688] {strides = array<i32>} : memref<16x256xf32, #tpu.memory_space<vmem>>, vector<1x16xf32>,
          %get3A_1690 = vector.shape_cast %get3A_1689 : vector<1x16xf32> to vector<16xf32>
          %get3A_1691 = arith.constant 6 : i32
          %get3A_1692 = arith.index_cast %get3A_1691 : i32 to index
          %get3A_1693 = arith.constant 0 : index
          %get3A_1694 = tpu.vector_load %arg6[%get3A_1692, %get3A_1693] {strides = array<i32>} : memref<16x256xf32, #tpu.memory_space<vmem>>, vector<1x16xf32>,
          %get3A_1695 = vector.shape_cast %get3A_1694 : vector<1x16xf32> to vector<16xf32>
          %get3A_1696 = arith.constant 7 : i32
          %get3A_1697 = arith.index_cast %get3A_1696 : i32 to index
          %get3A_1698 = arith.constant 0 : index
          %get3A_1699 = tpu.vector_load %arg6[%get3A_1697, %get3A_1698] {strides = array<i32>} : memref<16x256xf32, #tpu.memory_space<vmem>>, vector<1x16xf32>,
          %get3A_1700 = vector.shape_cast %get3A_1699 : vector<1x16xf32> to vector<16xf32>
          %get3A_1701 = arith.constant 8 : i32
          %get3A_1702 = arith.index_cast %get3A_1701 : i32 to index
          %get3A_1703 = arith.constant 0 : index
          %get3A_1704 = tpu.vector_load %arg6[%get3A_1702, %get3A_1703] {strides = array<i32>} : memref<16x256xf32, #tpu.memory_space<vmem>>, vector<1x16xf32>,
          %get3A_1705 = vector.shape_cast %get3A_1704 : vector<1x16xf32> to vector<16xf32>
          %get3A_1706 = arith.constant 9 : i32
          %get3A_1707 = arith.index_cast %get3A_1706 : i32 to index
          %get3A_1708 = arith.constant 0 : index
          %get3A_1709 = tpu.vector_load %arg6[%get3A_1707, %get3A_1708] {strides = array<i32>} : memref<16x256xf32, #tpu.memory_space<vmem>>, vector<1x16xf32>,
          %get3A_1710 = vector.shape_cast %get3A_1709 : vector<1x16xf32> to vector<16xf32>
          %get3A_1711 = arith.constant 10 : i32
          %get3A_1712 = arith.index_cast %get3A_1711 : i32 to index
          %get3A_1713 = arith.constant 0 : index
          %get3A_1714 = tpu.vector_load %arg6[%get3A_1712, %get3A_1713] {strides = array<i32>} : memref<16x256xf32, #tpu.memory_space<vmem>>, vector<1x16xf32>,
          %get3A_1715 = vector.shape_cast %get3A_1714 : vector<1x16xf32> to vector<16xf32>
          %get3A_1716 = arith.constant 11 : i32
          %get3A_1717 = arith.index_cast %get3A_1716 : i32 to index
          %get3A_1718 = arith.constant 0 : index
          %get3A_1719 = tpu.vector_load %arg6[%get3A_1717, %get3A_1718] {strides = array<i32>} : memref<16x256xf32, #tpu.memory_space<vmem>>, vector<1x16xf32>,
          %get3A_1720 = vector.shape_cast %get3A_1719 : vector<1x16xf32> to vector<16xf32>
          %get3A_1721 = arith.constant 12 : i32
          %get3A_1722 = arith.index_cast %get3A_1721 : i32 to index
          %get3A_1723 = arith.constant 0 : index
          %get3A_1724 = tpu.vector_load %arg6[%get3A_1722, %get3A_1723] {strides = array<i32>} : memref<16x256xf32, #tpu.memory_space<vmem>>, vector<1x16xf32>,
          %get3A_1725 = vector.shape_cast %get3A_1724 : vector<1x16xf32> to vector<16xf32>
          %get3A_1726 = arith.constant 13 : i32
          %get3A_1727 = arith.index_cast %get3A_1726 : i32 to index
          %get3A_1728 = arith.constant 0 : index
          %get3A_1729 = tpu.vector_load %arg6[%get3A_1727, %get3A_1728] {strides = array<i32>} : memref<16x256xf32, #tpu.memory_space<vmem>>, vector<1x16xf32>,
          %get3A_1730 = vector.shape_cast %get3A_1729 : vector<1x16xf32> to vector<16xf32>
          %get3A_1731 = arith.constant 14 : i32
          %get3A_1732 = arith.index_cast %get3A_1731 : i32 to index
          %get3A_1733 = arith.constant 0 : index
          %get3A_1734 = tpu.vector_load %arg6[%get3A_1732, %get3A_1733] {strides = array<i32>} : memref<16x256xf32, #tpu.memory_space<vmem>>, vector<1x16xf32>,
          %get3A_1735 = vector.shape_cast %get3A_1734 : vector<1x16xf32> to vector<16xf32>
          %get3A_1736 = arith.constant 15 : i32
          %get3A_1737 = arith.index_cast %get3A_1736 : i32 to index
          %get3A_1738 = arith.constant 0 : index
          %get3A_1739 = tpu.vector_load %arg6[%get3A_1737, %get3A_1738] {strides = array<i32>} : memref<16x256xf32, #tpu.memory_space<vmem>>, vector<1x16xf32>,
          %get3A_1740 = vector.shape_cast %get3A_1739 : vector<1x16xf32> to vector<16xf32>
          %max3A_1741 = arith.maximumf %get3A_1665, %get3A_1670 : vector<16xf32>
          %max3A_1742 = arith.maximumf %get3A_1675, %get3A_1680 : vector<16xf32>
          %max3A_1743 = arith.maximumf %get3A_1685, %get3A_1690 : vector<16xf32>
          %max3A_1744 = arith.maximumf %get3A_1695, %get3A_1700 : vector<16xf32>
          %max3A_1745 = arith.maximumf %get3A_1705, %get3A_1710 : vector<16xf32>
          %max3A_1746 = arith.maximumf %get3A_1715, %get3A_1720 : vector<16xf32>
          %max3A_1747 = arith.maximumf %get3A_1725, %get3A_1730 : vector<16xf32>
          %max3A_1748 = arith.maximumf %get3A_1735, %get3A_1740 : vector<16xf32>
          %max3A_1749 = arith.maximumf %max3A_1741, %max3A_1742 : vector<16xf32>
          %max3A_1750 = arith.maximumf %max3A_1743, %max3A_1744 : vector<16xf32>
          %max3A_1751 = arith.maximumf %max3A_1745, %max3A_1746 : vector<16xf32>
          %max3A_1752 = arith.maximumf %max3A_1747, %max3A_1748 : vector<16xf32>
          %max3A_1753 = arith.maximumf %max3A_1749, %max3A_1750 : vector<16xf32>
          %max3A_1754 = arith.maximumf %max3A_1751, %max3A_1752 : vector<16xf32>
          %max3A_1755 = arith.maximumf %max3A_1753, %max3A_1754 : vector<16xf32>
          %swap3A_1756 = arith.index_cast %mul3A_1645 : i32 to index
          %swap3A_1757 = arith.constant 0 : index
          %swap3A_1758 = tpu.vector_load %arg8[%swap3A_1756, %swap3A_1757] {strides = array<i32>} : memref<49x256xf32, #tpu.memory_space<vmem>>, vector<1x16xf32>,
          %swap3A_1759 = vector.shape_cast %swap3A_1758 : vector<1x16xf32> to vector<16xf32>
          %swap3A_1760 = vector.shape_cast %max3A_1755 : vector<16xf32> to vector<1x16xf32>
          tpu.vector_store %arg8[%swap3A_1756, %swap3A_1757], %swap3A_1760 {strides = array<i32>} : memref<49x256xf32, #tpu.memory_space<vmem>>, vector<1x16xf32>,
          %get3A_1761 = arith.constant 0 : i32
          %get3A_1762 = arith.index_cast %get3A_1761 : i32 to index
          %get3A_1763 = arith.constant 16 : index
          %get3A_1764 = tpu.vector_load %arg6[%get3A_1762, %get3A_1763] {strides = array<i32>} : memref<16x256xf32, #tpu.memory_space<vmem>>, vector<1x16xf32>,
          %get3A_1765 = vector.shape_cast %get3A_1764 : vector<1x16xf32> to vector<16xf32>
          %get3A_1766 = arith.constant 1 : i32
          %get3A_1767 = arith.index_cast %get3A_1766 : i32 to index
          %get3A_1768 = arith.constant 16 : index
          %get3A_1769 = tpu.vector_load %arg6[%get3A_1767, %get3A_1768] {strides = array<i32>} : memref<16x256xf32, #tpu.memory_space<vmem>>, vector<1x16xf32>,
          %get3A_1770 = vector.shape_cast %get3A_1769 : vector<1x16xf32> to vector<16xf32>
          %get3A_1771 = arith.constant 2 : i32
          %get3A_1772 = arith.index_cast %get3A_1771 : i32 to index
          %get3A_1773 = arith.constant 16 : index
          %get3A_1774 = tpu.vector_load %arg6[%get3A_1772, %get3A_1773] {strides = array<i32>} : memref<16x256xf32, #tpu.memory_space<vmem>>, vector<1x16xf32>,
          %get3A_1775 = vector.shape_cast %get3A_1774 : vector<1x16xf32> to vector<16xf32>
          %get3A_1776 = arith.constant 3 : i32
          %get3A_1777 = arith.index_cast %get3A_1776 : i32 to index
          %get3A_1778 = arith.constant 16 : index
          %get3A_1779 = tpu.vector_load %arg6[%get3A_1777, %get3A_1778] {strides = array<i32>} : memref<16x256xf32, #tpu.memory_space<vmem>>, vector<1x16xf32>,
          %get3A_1780 = vector.shape_cast %get3A_1779 : vector<1x16xf32> to vector<16xf32>
          %get3A_1781 = arith.constant 4 : i32
          %get3A_1782 = arith.index_cast %get3A_1781 : i32 to index
          %get3A_1783 = arith.constant 16 : index
          %get3A_1784 = tpu.vector_load %arg6[%get3A_1782, %get3A_1783] {strides = array<i32>} : memref<16x256xf32, #tpu.memory_space<vmem>>, vector<1x16xf32>,
          %get3A_1785 = vector.shape_cast %get3A_1784 : vector<1x16xf32> to vector<16xf32>
          %get3A_1786 = arith.constant 5 : i32
          %get3A_1787 = arith.index_cast %get3A_1786 : i32 to index
          %get3A_1788 = arith.constant 16 : index
          %get3A_1789 = tpu.vector_load %arg6[%get3A_1787, %get3A_1788] {strides = array<i32>} : memref<16x256xf32, #tpu.memory_space<vmem>>, vector<1x16xf32>,
          %get3A_1790 = vector.shape_cast %get3A_1789 : vector<1x16xf32> to vector<16xf32>
          %get3A_1791 = arith.constant 6 : i32
          %get3A_1792 = arith.index_cast %get3A_1791 : i32 to index
          %get3A_1793 = arith.constant 16 : index
          %get3A_1794 = tpu.vector_load %arg6[%get3A_1792, %get3A_1793] {strides = array<i32>} : memref<16x256xf32, #tpu.memory_space<vmem>>, vector<1x16xf32>,
          %get3A_1795 = vector.shape_cast %get3A_1794 : vector<1x16xf32> to vector<16xf32>
          %get3A_1796 = arith.constant 7 : i32
          %get3A_1797 = arith.index_cast %get3A_1796 : i32 to index
          %get3A_1798 = arith.constant 16 : index
          %get3A_1799 = tpu.vector_load %arg6[%get3A_1797, %get3A_1798] {strides = array<i32>} : memref<16x256xf32, #tpu.memory_space<vmem>>, vector<1x16xf32>,
          %get3A_1800 = vector.shape_cast %get3A_1799 : vector<1x16xf32> to vector<16xf32>
          %get3A_1801 = arith.constant 8 : i32
          %get3A_1802 = arith.index_cast %get3A_1801 : i32 to index
          %get3A_1803 = arith.constant 16 : index
          %get3A_1804 = tpu.vector_load %arg6[%get3A_1802, %get3A_1803] {strides = array<i32>} : memref<16x256xf32, #tpu.memory_space<vmem>>, vector<1x16xf32>,
          %get3A_1805 = vector.shape_cast %get3A_1804 : vector<1x16xf32> to vector<16xf32>
          %get3A_1806 = arith.constant 9 : i32
          %get3A_1807 = arith.index_cast %get3A_1806 : i32 to index
          %get3A_1808 = arith.constant 16 : index
          %get3A_1809 = tpu.vector_load %arg6[%get3A_1807, %get3A_1808] {strides = array<i32>} : memref<16x256xf32, #tpu.memory_space<vmem>>, vector<1x16xf32>,
          %get3A_1810 = vector.shape_cast %get3A_1809 : vector<1x16xf32> to vector<16xf32>
          %get3A_1811 = arith.constant 10 : i32
          %get3A_1812 = arith.index_cast %get3A_1811 : i32 to index
          %get3A_1813 = arith.constant 16 : index
          %get3A_1814 = tpu.vector_load %arg6[%get3A_1812, %get3A_1813] {strides = array<i32>} : memref<16x256xf32, #tpu.memory_space<vmem>>, vector<1x16xf32>,
          %get3A_1815 = vector.shape_cast %get3A_1814 : vector<1x16xf32> to vector<16xf32>
          %get3A_1816 = arith.constant 11 : i32
          %get3A_1817 = arith.index_cast %get3A_1816 : i32 to index
          %get3A_1818 = arith.constant 16 : index
          %get3A_1819 = tpu.vector_load %arg6[%get3A_1817, %get3A_1818] {strides = array<i32>} : memref<16x256xf32, #tpu.memory_space<vmem>>, vector<1x16xf32>,
          %get3A_1820 = vector.shape_cast %get3A_1819 : vector<1x16xf32> to vector<16xf32>
          %get3A_1821 = arith.constant 12 : i32
          %get3A_1822 = arith.index_cast %get3A_1821 : i32 to index
          %get3A_1823 = arith.constant 16 : index
          %get3A_1824 = tpu.vector_load %arg6[%get3A_1822, %get3A_1823] {strides = array<i32>} : memref<16x256xf32, #tpu.memory_space<vmem>>, vector<1x16xf32>,
          %get3A_1825 = vector.shape_cast %get3A_1824 : vector<1x16xf32> to vector<16xf32>
          %get3A_1826 = arith.constant 13 : i32
          %get3A_1827 = arith.index_cast %get3A_1826 : i32 to index
          %get3A_1828 = arith.constant 16 : index
          %get3A_1829 = tpu.vector_load %arg6[%get3A_1827, %get3A_1828] {strides = array<i32>} : memref<16x256xf32, #tpu.memory_space<vmem>>, vector<1x16xf32>,
          %get3A_1830 = vector.shape_cast %get3A_1829 : vector<1x16xf32> to vector<16xf32>
          %get3A_1831 = arith.constant 14 : i32
          %get3A_1832 = arith.index_cast %get3A_1831 : i32 to index
          %get3A_1833 = arith.constant 16 : index
          %get3A_1834 = tpu.vector_load %arg6[%get3A_1832, %get3A_1833] {strides = array<i32>} : memref<16x256xf32, #tpu.memory_space<vmem>>, vector<1x16xf32>,
          %get3A_1835 = vector.shape_cast %get3A_1834 : vector<1x16xf32> to vector<16xf32>
          %get3A_1836 = arith.constant 15 : i32
          %get3A_1837 = arith.index_cast %get3A_1836 : i32 to index
          %get3A_1838 = arith.constant 16 : index
          %get3A_1839 = tpu.vector_load %arg6[%get3A_1837, %get3A_1838] {strides = array<i32>} : memref<16x256xf32, #tpu.memory_space<vmem>>, vector<1x16xf32>,
          %get3A_1840 = vector.shape_cast %get3A_1839 : vector<1x16xf32> to vector<16xf32>
          %max3A_1841 = arith.maximumf %get3A_1765, %get3A_1770 : vector<16xf32>
          %max3A_1842 = arith.maximumf %get3A_1775, %get3A_1780 : vector<16xf32>
          %max3A_1843 = arith.maximumf %get3A_1785, %get3A_1790 : vector<16xf32>
          %max3A_1844 = arith.maximumf %get3A_1795, %get3A_1800 : vector<16xf32>
          %max3A_1845 = arith.maximumf %get3A_1805, %get3A_1810 : vector<16xf32>
          %max3A_1846 = arith.maximumf %get3A_1815, %get3A_1820 : vector<16xf32>
          %max3A_1847 = arith.maximumf %get3A_1825, %get3A_1830 : vector<16xf32>
          %max3A_1848 = arith.maximumf %get3A_1835, %get3A_1840 : vector<16xf32>
          %max3A_1849 = arith.maximumf %max3A_1841, %max3A_1842 : vector<16xf32>
          %max3A_1850 = arith.maximumf %max3A_1843, %max3A_1844 : vector<16xf32>
          %max3A_1851 = arith.maximumf %max3A_1845, %max3A_1846 : vector<16xf32>
          %max3A_1852 = arith.maximumf %max3A_1847, %max3A_1848 : vector<16xf32>
          %max3A_1853 = arith.maximumf %max3A_1849, %max3A_1850 : vector<16xf32>
          %max3A_1854 = arith.maximumf %max3A_1851, %max3A_1852 : vector<16xf32>
          %max3A_1855 = arith.maximumf %max3A_1853, %max3A_1854 : vector<16xf32>
          %swap3A_1856 = arith.index_cast %mul3A_1645 : i32 to index
          %swap3A_1857 = arith.constant 16 : index
          %swap3A_1858 = tpu.vector_load %arg8[%swap3A_1856, %swap3A_1857] {strides = array<i32>} : memref<49x256xf32, #tpu.memory_space<vmem>>, vector<1x16xf32>,
          %swap3A_1859 = vector.shape_cast %swap3A_1858 : vector<1x16xf32> to vector<16xf32>
          %swap3A_1860 = vector.shape_cast %max3A_1855 : vector<16xf32> to vector<1x16xf32>
          tpu.vector_store %arg8[%swap3A_1856, %swap3A_1857], %swap3A_1860 {strides = array<i32>} : memref<49x256xf32, #tpu.memory_space<vmem>>, vector<1x16xf32>,
          %get3A_1861 = arith.constant 0 : i32
          %get3A_1862 = arith.index_cast %get3A_1861 : i32 to index
          %get3A_1863 = arith.constant 32 : index
          %get3A_1864 = tpu.vector_load %arg6[%get3A_1862, %get3A_1863] {strides = array<i32>} : memref<16x256xf32, #tpu.memory_space<vmem>>, vector<1x16xf32>,
          %get3A_1865 = vector.shape_cast %get3A_1864 : vector<1x16xf32> to vector<16xf32>
          %get3A_1866 = arith.constant 1 : i32
          %get3A_1867 = arith.index_cast %get3A_1866 : i32 to index
          %get3A_1868 = arith.constant 32 : index
          %get3A_1869 = tpu.vector_load %arg6[%get3A_1867, %get3A_1868] {strides = array<i32>} : memref<16x256xf32, #tpu.memory_space<vmem>>, vector<1x16xf32>,
          %get3A_1870 = vector.shape_cast %get3A_1869 : vector<1x16xf32> to vector<16xf32>
          %get3A_1871 = arith.constant 2 : i32
          %get3A_1872 = arith.index_cast %get3A_1871 : i32 to index
          %get3A_1873 = arith.constant 32 : index
          %get3A_1874 = tpu.vector_load %arg6[%get3A_1872, %get3A_1873] {strides = array<i32>} : memref<16x256xf32, #tpu.memory_space<vmem>>, vector<1x16xf32>,
          %get3A_1875 = vector.shape_cast %get3A_1874 : vector<1x16xf32> to vector<16xf32>
          %get3A_1876 = arith.constant 3 : i32
          %get3A_1877 = arith.index_cast %get3A_1876 : i32 to index
          %get3A_1878 = arith.constant 32 : index
          %get3A_1879 = tpu.vector_load %arg6[%get3A_1877, %get3A_1878] {strides = array<i32>} : memref<16x256xf32, #tpu.memory_space<vmem>>, vector<1x16xf32>,
          %get3A_1880 = vector.shape_cast %get3A_1879 : vector<1x16xf32> to vector<16xf32>
          %get3A_1881 = arith.constant 4 : i32
          %get3A_1882 = arith.index_cast %get3A_1881 : i32 to index
          %get3A_1883 = arith.constant 32 : index
          %get3A_1884 = tpu.vector_load %arg6[%get3A_1882, %get3A_1883] {strides = array<i32>} : memref<16x256xf32, #tpu.memory_space<vmem>>, vector<1x16xf32>,
          %get3A_1885 = vector.shape_cast %get3A_1884 : vector<1x16xf32> to vector<16xf32>
          %get3A_1886 = arith.constant 5 : i32
          %get3A_1887 = arith.index_cast %get3A_1886 : i32 to index
          %get3A_1888 = arith.constant 32 : index
          %get3A_1889 = tpu.vector_load %arg6[%get3A_1887, %get3A_1888] {strides = array<i32>} : memref<16x256xf32, #tpu.memory_space<vmem>>, vector<1x16xf32>,
          %get3A_1890 = vector.shape_cast %get3A_1889 : vector<1x16xf32> to vector<16xf32>
          %get3A_1891 = arith.constant 6 : i32
          %get3A_1892 = arith.index_cast %get3A_1891 : i32 to index
          %get3A_1893 = arith.constant 32 : index
          %get3A_1894 = tpu.vector_load %arg6[%get3A_1892, %get3A_1893] {strides = array<i32>} : memref<16x256xf32, #tpu.memory_space<vmem>>, vector<1x16xf32>,
          %get3A_1895 = vector.shape_cast %get3A_1894 : vector<1x16xf32> to vector<16xf32>
          %get3A_1896 = arith.constant 7 : i32
          %get3A_1897 = arith.index_cast %get3A_1896 : i32 to index
          %get3A_1898 = arith.constant 32 : index
          %get3A_1899 = tpu.vector_load %arg6[%get3A_1897, %get3A_1898] {strides = array<i32>} : memref<16x256xf32, #tpu.memory_space<vmem>>, vector<1x16xf32>,
          %get3A_1900 = vector.shape_cast %get3A_1899 : vector<1x16xf32> to vector<16xf32>
          %get3A_1901 = arith.constant 8 : i32
          %get3A_1902 = arith.index_cast %get3A_1901 : i32 to index
          %get3A_1903 = arith.constant 32 : index
          %get3A_1904 = tpu.vector_load %arg6[%get3A_1902, %get3A_1903] {strides = array<i32>} : memref<16x256xf32, #tpu.memory_space<vmem>>, vector<1x16xf32>,
          %get3A_1905 = vector.shape_cast %get3A_1904 : vector<1x16xf32> to vector<16xf32>
          %get3A_1906 = arith.constant 9 : i32
          %get3A_1907 = arith.index_cast %get3A_1906 : i32 to index
          %get3A_1908 = arith.constant 32 : index
          %get3A_1909 = tpu.vector_load %arg6[%get3A_1907, %get3A_1908] {strides = array<i32>} : memref<16x256xf32, #tpu.memory_space<vmem>>, vector<1x16xf32>,
          %get3A_1910 = vector.shape_cast %get3A_1909 : vector<1x16xf32> to vector<16xf32>
          %get3A_1911 = arith.constant 10 : i32
          %get3A_1912 = arith.index_cast %get3A_1911 : i32 to index
          %get3A_1913 = arith.constant 32 : index
          %get3A_1914 = tpu.vector_load %arg6[%get3A_1912, %get3A_1913] {strides = array<i32>} : memref<16x256xf32, #tpu.memory_space<vmem>>, vector<1x16xf32>,
          %get3A_1915 = vector.shape_cast %get3A_1914 : vector<1x16xf32> to vector<16xf32>
          %get3A_1916 = arith.constant 11 : i32
          %get3A_1917 = arith.index_cast %get3A_1916 : i32 to index
          %get3A_1918 = arith.constant 32 : index
          %get3A_1919 = tpu.vector_load %arg6[%get3A_1917, %get3A_1918] {strides = array<i32>} : memref<16x256xf32, #tpu.memory_space<vmem>>, vector<1x16xf32>,
          %get3A_1920 = vector.shape_cast %get3A_1919 : vector<1x16xf32> to vector<16xf32>
          %get3A_1921 = arith.constant 12 : i32
          %get3A_1922 = arith.index_cast %get3A_1921 : i32 to index
          %get3A_1923 = arith.constant 32 : index
          %get3A_1924 = tpu.vector_load %arg6[%get3A_1922, %get3A_1923] {strides = array<i32>} : memref<16x256xf32, #tpu.memory_space<vmem>>, vector<1x16xf32>,
          %get3A_1925 = vector.shape_cast %get3A_1924 : vector<1x16xf32> to vector<16xf32>
          %get3A_1926 = arith.constant 13 : i32
          %get3A_1927 = arith.index_cast %get3A_1926 : i32 to index
          %get3A_1928 = arith.constant 32 : index
          %get3A_1929 = tpu.vector_load %arg6[%get3A_1927, %get3A_1928] {strides = array<i32>} : memref<16x256xf32, #tpu.memory_space<vmem>>, vector<1x16xf32>,
          %get3A_1930 = vector.shape_cast %get3A_1929 : vector<1x16xf32> to vector<16xf32>
          %get3A_1931 = arith.constant 14 : i32
          %get3A_1932 = arith.index_cast %get3A_1931 : i32 to index
          %get3A_1933 = arith.constant 32 : index
          %get3A_1934 = tpu.vector_load %arg6[%get3A_1932, %get3A_1933] {strides = array<i32>} : memref<16x256xf32, #tpu.memory_space<vmem>>, vector<1x16xf32>,
          %get3A_1935 = vector.shape_cast %get3A_1934 : vector<1x16xf32> to vector<16xf32>
          %get3A_1936 = arith.constant 15 : i32
          %get3A_1937 = arith.index_cast %get3A_1936 : i32 to index
          %get3A_1938 = arith.constant 32 : index
          %get3A_1939 = tpu.vector_load %arg6[%get3A_1937, %get3A_1938] {strides = array<i32>} : memref<16x256xf32, #tpu.memory_space<vmem>>, vector<1x16xf32>,
          %get3A_1940 = vector.shape_cast %get3A_1939 : vector<1x16xf32> to vector<16xf32>
          %max3A_1941 = arith.maximumf %get3A_1865, %get3A_1870 : vector<16xf32>
          %max3A_1942 = arith.maximumf %get3A_1875, %get3A_1880 : vector<16xf32>
          %max3A_1943 = arith.maximumf %get3A_1885, %get3A_1890 : vector<16xf32>
          %max3A_1944 = arith.maximumf %get3A_1895, %get3A_1900 : vector<16xf32>
          %max3A_1945 = arith.maximumf %get3A_1905, %get3A_1910 : vector<16xf32>
          %max3A_1946 = arith.maximumf %get3A_1915, %get3A_1920 : vector<16xf32>
          %max3A_1947 = arith.maximumf %get3A_1925, %get3A_1930 : vector<16xf32>
          %max3A_1948 = arith.maximumf %get3A_1935, %get3A_1940 : vector<16xf32>
          %max3A_1949 = arith.maximumf %max3A_1941, %max3A_1942 : vector<16xf32>
          %max3A_1950 = arith.maximumf %max3A_1943, %max3A_1944 : vector<16xf32>
          %max3A_1951 = arith.maximumf %max3A_1945, %max3A_1946 : vector<16xf32>
          %max3A_1952 = arith.maximumf %max3A_1947, %max3A_1948 : vector<16xf32>
          %max3A_1953 = arith.maximumf %max3A_1949, %max3A_1950 : vector<16xf32>
          %max3A_1954 = arith.maximumf %max3A_1951, %max3A_1952 : vector<16xf32>
          %max3A_1955 = arith.maximumf %max3A_1953, %max3A_1954 : vector<16xf32>
          %swap3A_1956 = arith.index_cast %mul3A_1645 : i32 to index
          %swap3A_1957 = arith.constant 32 : index
          %swap3A_1958 = tpu.vector_load %arg8[%swap3A_1956, %swap3A_1957] {strides = array<i32>} : memref<49x256xf32, #tpu.memory_space<vmem>>, vector<1x16xf32>,
          %swap3A_1959 = vector.shape_cast %swap3A_1958 : vector<1x16xf32> to vector<16xf32>
          %swap3A_1960 = vector.shape_cast %max3A_1955 : vector<16xf32> to vector<1x16xf32>
          tpu.vector_store %arg8[%swap3A_1956, %swap3A_1957], %swap3A_1960 {strides = array<i32>} : memref<49x256xf32, #tpu.memory_space<vmem>>, vector<1x16xf32>,
          %get3A_1961 = arith.constant 0 : i32
          %get3A_1962 = arith.index_cast %get3A_1961 : i32 to index
          %get3A_1963 = arith.constant 48 : index
          %get3A_1964 = tpu.vector_load %arg6[%get3A_1962, %get3A_1963] {strides = array<i32>} : memref<16x256xf32, #tpu.memory_space<vmem>>, vector<1x16xf32>,
          %get3A_1965 = vector.shape_cast %get3A_1964 : vector<1x16xf32> to vector<16xf32>
          %get3A_1966 = arith.constant 1 : i32
          %get3A_1967 = arith.index_cast %get3A_1966 : i32 to index
          %get3A_1968 = arith.constant 48 : index
          %get3A_1969 = tpu.vector_load %arg6[%get3A_1967, %get3A_1968] {strides = array<i32>} : memref<16x256xf32, #tpu.memory_space<vmem>>, vector<1x16xf32>,
          %get3A_1970 = vector.shape_cast %get3A_1969 : vector<1x16xf32> to vector<16xf32>
          %get3A_1971 = arith.constant 2 : i32
          %get3A_1972 = arith.index_cast %get3A_1971 : i32 to index
          %get3A_1973 = arith.constant 48 : index
          %get3A_1974 = tpu.vector_load %arg6[%get3A_1972, %get3A_1973] {strides = array<i32>} : memref<16x256xf32, #tpu.memory_space<vmem>>, vector<1x16xf32>,
          %get3A_1975 = vector.shape_cast %get3A_1974 : vector<1x16xf32> to vector<16xf32>
          %get3A_1976 = arith.constant 3 : i32
          %get3A_1977 = arith.index_cast %get3A_1976 : i32 to index
          %get3A_1978 = arith.constant 48 : index
          %get3A_1979 = tpu.vector_load %arg6[%get3A_1977, %get3A_1978] {strides = array<i32>} : memref<16x256xf32, #tpu.memory_space<vmem>>, vector<1x16xf32>,
          %get3A_1980 = vector.shape_cast %get3A_1979 : vector<1x16xf32> to vector<16xf32>
          %get3A_1981 = arith.constant 4 : i32
          %get3A_1982 = arith.index_cast %get3A_1981 : i32 to index
          %get3A_1983 = arith.constant 48 : index
          %get3A_1984 = tpu.vector_load %arg6[%get3A_1982, %get3A_1983] {strides = array<i32>} : memref<16x256xf32, #tpu.memory_space<vmem>>, vector<1x16xf32>,
          %get3A_1985 = vector.shape_cast %get3A_1984 : vector<1x16xf32> to vector<16xf32>
          %get3A_1986 = arith.constant 5 : i32
          %get3A_1987 = arith.index_cast %get3A_1986 : i32 to index
          %get3A_1988 = arith.constant 48 : index
          %get3A_1989 = tpu.vector_load %arg6[%get3A_1987, %get3A_1988] {strides = array<i32>} : memref<16x256xf32, #tpu.memory_space<vmem>>, vector<1x16xf32>,
          %get3A_1990 = vector.shape_cast %get3A_1989 : vector<1x16xf32> to vector<16xf32>
          %get3A_1991 = arith.constant 6 : i32
          %get3A_1992 = arith.index_cast %get3A_1991 : i32 to index
          %get3A_1993 = arith.constant 48 : index
          %get3A_1994 = tpu.vector_load %arg6[%get3A_1992, %get3A_1993] {strides = array<i32>} : memref<16x256xf32, #tpu.memory_space<vmem>>, vector<1x16xf32>,
          %get3A_1995 = vector.shape_cast %get3A_1994 : vector<1x16xf32> to vector<16xf32>
          %get3A_1996 = arith.constant 7 : i32
          %get3A_1997 = arith.index_cast %get3A_1996 : i32 to index
          %get3A_1998 = arith.constant 48 : index
          %get3A_1999 = tpu.vector_load %arg6[%get3A_1997, %get3A_1998] {strides = array<i32>} : memref<16x256xf32, #tpu.memory_space<vmem>>, vector<1x16xf32>,
          %get3A_2000 = vector.shape_cast %get3A_1999 : vector<1x16xf32> to vector<16xf32>
          %get3A_2001 = arith.constant 8 : i32
          %get3A_2002 = arith.index_cast %get3A_2001 : i32 to index
          %get3A_2003 = arith.constant 48 : index
          %get3A_2004 = tpu.vector_load %arg6[%get3A_2002, %get3A_2003] {strides = array<i32>} : memref<16x256xf32, #tpu.memory_space<vmem>>, vector<1x16xf32>,
          %get3A_2005 = vector.shape_cast %get3A_2004 : vector<1x16xf32> to vector<16xf32>
          %get3A_2006 = arith.constant 9 : i32
          %get3A_2007 = arith.index_cast %get3A_2006 : i32 to index
          %get3A_2008 = arith.constant 48 : index
          %get3A_2009 = tpu.vector_load %arg6[%get3A_2007, %get3A_2008] {strides = array<i32>} : memref<16x256xf32, #tpu.memory_space<vmem>>, vector<1x16xf32>,
          %get3A_2010 = vector.shape_cast %get3A_2009 : vector<1x16xf32> to vector<16xf32>
          %get3A_2011 = arith.constant 10 : i32
          %get3A_2012 = arith.index_cast %get3A_2011 : i32 to index
          %get3A_2013 = arith.constant 48 : index
          %get3A_2014 = tpu.vector_load %arg6[%get3A_2012, %get3A_2013] {strides = array<i32>} : memref<16x256xf32, #tpu.memory_space<vmem>>, vector<1x16xf32>,
          %get3A_2015 = vector.shape_cast %get3A_2014 : vector<1x16xf32> to vector<16xf32>
          %get3A_2016 = arith.constant 11 : i32
          %get3A_2017 = arith.index_cast %get3A_2016 : i32 to index
          %get3A_2018 = arith.constant 48 : index
          %get3A_2019 = tpu.vector_load %arg6[%get3A_2017, %get3A_2018] {strides = array<i32>} : memref<16x256xf32, #tpu.memory_space<vmem>>, vector<1x16xf32>,
          %get3A_2020 = vector.shape_cast %get3A_2019 : vector<1x16xf32> to vector<16xf32>
          %get3A_2021 = arith.constant 12 : i32
          %get3A_2022 = arith.index_cast %get3A_2021 : i32 to index
          %get3A_2023 = arith.constant 48 : index
          %get3A_2024 = tpu.vector_load %arg6[%get3A_2022, %get3A_2023] {strides = array<i32>} : memref<16x256xf32, #tpu.memory_space<vmem>>, vector<1x16xf32>,
          %get3A_2025 = vector.shape_cast %get3A_2024 : vector<1x16xf32> to vector<16xf32>
          %get3A_2026 = arith.constant 13 : i32
          %get3A_2027 = arith.index_cast %get3A_2026 : i32 to index
          %get3A_2028 = arith.constant 48 : index
          %get3A_2029 = tpu.vector_load %arg6[%get3A_2027, %get3A_2028] {strides = array<i32>} : memref<16x256xf32, #tpu.memory_space<vmem>>, vector<1x16xf32>,
          %get3A_2030 = vector.shape_cast %get3A_2029 : vector<1x16xf32> to vector<16xf32>
          %get3A_2031 = arith.constant 14 : i32
          %get3A_2032 = arith.index_cast %get3A_2031 : i32 to index
          %get3A_2033 = arith.constant 48 : index
          %get3A_2034 = tpu.vector_load %arg6[%get3A_2032, %get3A_2033] {strides = array<i32>} : memref<16x256xf32, #tpu.memory_space<vmem>>, vector<1x16xf32>,
          %get3A_2035 = vector.shape_cast %get3A_2034 : vector<1x16xf32> to vector<16xf32>
          %get3A_2036 = arith.constant 15 : i32
          %get3A_2037 = arith.index_cast %get3A_2036 : i32 to index
          %get3A_2038 = arith.constant 48 : index
          %get3A_2039 = tpu.vector_load %arg6[%get3A_2037, %get3A_2038] {strides = array<i32>} : memref<16x256xf32, #tpu.memory_space<vmem>>, vector<1x16xf32>,
          %get3A_2040 = vector.shape_cast %get3A_2039 : vector<1x16xf32> to vector<16xf32>
          %max3A_2041 = arith.maximumf %get3A_1965, %get3A_1970 : vector<16xf32>
          %max3A_2042 = arith.maximumf %get3A_1975, %get3A_1980 : vector<16xf32>
          %max3A_2043 = arith.maximumf %get3A_1985, %get3A_1990 : vector<16xf32>
          %max3A_2044 = arith.maximumf %get3A_1995, %get3A_2000 : vector<16xf32>
          %max3A_2045 = arith.maximumf %get3A_2005, %get3A_2010 : vector<16xf32>
          %max3A_2046 = arith.maximumf %get3A_2015, %get3A_2020 : vector<16xf32>
          %max3A_2047 = arith.maximumf %get3A_2025, %get3A_2030 : vector<16xf32>
          %max3A_2048 = arith.maximumf %get3A_2035, %get3A_2040 : vector<16xf32>
          %max3A_2049 = arith.maximumf %max3A_2041, %max3A_2042 : vector<16xf32>
          %max3A_2050 = arith.maximumf %max3A_2043, %max3A_2044 : vector<16xf32>
          %max3A_2051 = arith.maximumf %max3A_2045, %max3A_2046 : vector<16xf32>
          %max3A_2052 = arith.maximumf %max3A_2047, %max3A_2048 : vector<16xf32>
          %max3A_2053 = arith.maximumf %max3A_2049, %max3A_2050 : vector<16xf32>
          %max3A_2054 = arith.maximumf %max3A_2051, %max3A_2052 : vector<16xf32>
          %max3A_2055 = arith.maximumf %max3A_2053, %max3A_2054 : vector<16xf32>
          %swap3A_2056 = arith.index_cast %mul3A_1645 : i32 to index
          %swap3A_2057 = arith.constant 48 : index
          %swap3A_2058 = tpu.vector_load %arg8[%swap3A_2056, %swap3A_2057] {strides = array<i32>} : memref<49x256xf32, #tpu.memory_space<vmem>>, vector<1x16xf32>,
          %swap3A_2059 = vector.shape_cast %swap3A_2058 : vector<1x16xf32> to vector<16xf32>
          %swap3A_2060 = vector.shape_cast %max3A_2055 : vector<16xf32> to vector<1x16xf32>
          tpu.vector_store %arg8[%swap3A_2056, %swap3A_2057], %swap3A_2060 {strides = array<i32>} : memref<49x256xf32, #tpu.memory_space<vmem>>, vector<1x16xf32>,
          %get3A_2061 = arith.constant 0 : i32
          %get3A_2062 = arith.index_cast %get3A_2061 : i32 to index
          %get3A_2063 = arith.constant 64 : index
          %get3A_2064 = tpu.vector_load %arg6[%get3A_2062, %get3A_2063] {strides = array<i32>} : memref<16x256xf32, #tpu.memory_space<vmem>>, vector<1x16xf32>,
          %get3A_2065 = vector.shape_cast %get3A_2064 : vector<1x16xf32> to vector<16xf32>
          %get3A_2066 = arith.constant 1 : i32
          %get3A_2067 = arith.index_cast %get3A_2066 : i32 to index
          %get3A_2068 = arith.constant 64 : index
          %get3A_2069 = tpu.vector_load %arg6[%get3A_2067, %get3A_2068] {strides = array<i32>} : memref<16x256xf32, #tpu.memory_space<vmem>>, vector<1x16xf32>,
          %get3A_2070 = vector.shape_cast %get3A_2069 : vector<1x16xf32> to vector<16xf32>
          %get3A_2071 = arith.constant 2 : i32
          %get3A_2072 = arith.index_cast %get3A_2071 : i32 to index
          %get3A_2073 = arith.constant 64 : index
          %get3A_2074 = tpu.vector_load %arg6[%get3A_2072, %get3A_2073] {strides = array<i32>} : memref<16x256xf32, #tpu.memory_space<vmem>>, vector<1x16xf32>,
          %get3A_2075 = vector.shape_cast %get3A_2074 : vector<1x16xf32> to vector<16xf32>
          %get3A_2076 = arith.constant 3 : i32
          %get3A_2077 = arith.index_cast %get3A_2076 : i32 to index
          %get3A_2078 = arith.constant 64 : index
          %get3A_2079 = tpu.vector_load %arg6[%get3A_2077, %get3A_2078] {strides = array<i32>} : memref<16x256xf32, #tpu.memory_space<vmem>>, vector<1x16xf32>,
          %get3A_2080 = vector.shape_cast %get3A_2079 : vector<1x16xf32> to vector<16xf32>
          %get3A_2081 = arith.constant 4 : i32
          %get3A_2082 = arith.index_cast %get3A_2081 : i32 to index
          %get3A_2083 = arith.constant 64 : index
          %get3A_2084 = tpu.vector_load %arg6[%get3A_2082, %get3A_2083] {strides = array<i32>} : memref<16x256xf32, #tpu.memory_space<vmem>>, vector<1x16xf32>,
          %get3A_2085 = vector.shape_cast %get3A_2084 : vector<1x16xf32> to vector<16xf32>
          %get3A_2086 = arith.constant 5 : i32
          %get3A_2087 = arith.index_cast %get3A_2086 : i32 to index
          %get3A_2088 = arith.constant 64 : index
          %get3A_2089 = tpu.vector_load %arg6[%get3A_2087, %get3A_2088] {strides = array<i32>} : memref<16x256xf32, #tpu.memory_space<vmem>>, vector<1x16xf32>,
          %get3A_2090 = vector.shape_cast %get3A_2089 : vector<1x16xf32> to vector<16xf32>
          %get3A_2091 = arith.constant 6 : i32
          %get3A_2092 = arith.index_cast %get3A_2091 : i32 to index
          %get3A_2093 = arith.constant 64 : index
          %get3A_2094 = tpu.vector_load %arg6[%get3A_2092, %get3A_2093] {strides = array<i32>} : memref<16x256xf32, #tpu.memory_space<vmem>>, vector<1x16xf32>,
          %get3A_2095 = vector.shape_cast %get3A_2094 : vector<1x16xf32> to vector<16xf32>
          %get3A_2096 = arith.constant 7 : i32
          %get3A_2097 = arith.index_cast %get3A_2096 : i32 to index
          %get3A_2098 = arith.constant 64 : index
          %get3A_2099 = tpu.vector_load %arg6[%get3A_2097, %get3A_2098] {strides = array<i32>} : memref<16x256xf32, #tpu.memory_space<vmem>>, vector<1x16xf32>,
          %get3A_2100 = vector.shape_cast %get3A_2099 : vector<1x16xf32> to vector<16xf32>
          %get3A_2101 = arith.constant 8 : i32
          %get3A_2102 = arith.index_cast %get3A_2101 : i32 to index
          %get3A_2103 = arith.constant 64 : index
          %get3A_2104 = tpu.vector_load %arg6[%get3A_2102, %get3A_2103] {strides = array<i32>} : memref<16x256xf32, #tpu.memory_space<vmem>>, vector<1x16xf32>,
          %get3A_2105 = vector.shape_cast %get3A_2104 : vector<1x16xf32> to vector<16xf32>
          %get3A_2106 = arith.constant 9 : i32
          %get3A_2107 = arith.index_cast %get3A_2106 : i32 to index
          %get3A_2108 = arith.constant 64 : index
          %get3A_2109 = tpu.vector_load %arg6[%get3A_2107, %get3A_2108] {strides = array<i32>} : memref<16x256xf32, #tpu.memory_space<vmem>>, vector<1x16xf32>,
          %get3A_2110 = vector.shape_cast %get3A_2109 : vector<1x16xf32> to vector<16xf32>
          %get3A_2111 = arith.constant 10 : i32
          %get3A_2112 = arith.index_cast %get3A_2111 : i32 to index
          %get3A_2113 = arith.constant 64 : index
          %get3A_2114 = tpu.vector_load %arg6[%get3A_2112, %get3A_2113] {strides = array<i32>} : memref<16x256xf32, #tpu.memory_space<vmem>>, vector<1x16xf32>,
          %get3A_2115 = vector.shape_cast %get3A_2114 : vector<1x16xf32> to vector<16xf32>
          %get3A_2116 = arith.constant 11 : i32
          %get3A_2117 = arith.index_cast %get3A_2116 : i32 to index
          %get3A_2118 = arith.constant 64 : index
          %get3A_2119 = tpu.vector_load %arg6[%get3A_2117, %get3A_2118] {strides = array<i32>} : memref<16x256xf32, #tpu.memory_space<vmem>>, vector<1x16xf32>,
          %get3A_2120 = vector.shape_cast %get3A_2119 : vector<1x16xf32> to vector<16xf32>
          %get3A_2121 = arith.constant 12 : i32
          %get3A_2122 = arith.index_cast %get3A_2121 : i32 to index
          %get3A_2123 = arith.constant 64 : index
          %get3A_2124 = tpu.vector_load %arg6[%get3A_2122, %get3A_2123] {strides = array<i32>} : memref<16x256xf32, #tpu.memory_space<vmem>>, vector<1x16xf32>,
          %get3A_2125 = vector.shape_cast %get3A_2124 : vector<1x16xf32> to vector<16xf32>
          %get3A_2126 = arith.constant 13 : i32
          %get3A_2127 = arith.index_cast %get3A_2126 : i32 to index
          %get3A_2128 = arith.constant 64 : index
          %get3A_2129 = tpu.vector_load %arg6[%get3A_2127, %get3A_2128] {strides = array<i32>} : memref<16x256xf32, #tpu.memory_space<vmem>>, vector<1x16xf32>,
          %get3A_2130 = vector.shape_cast %get3A_2129 : vector<1x16xf32> to vector<16xf32>
          %get3A_2131 = arith.constant 14 : i32
          %get3A_2132 = arith.index_cast %get3A_2131 : i32 to index
          %get3A_2133 = arith.constant 64 : index
          %get3A_2134 = tpu.vector_load %arg6[%get3A_2132, %get3A_2133] {strides = array<i32>} : memref<16x256xf32, #tpu.memory_space<vmem>>, vector<1x16xf32>,
          %get3A_2135 = vector.shape_cast %get3A_2134 : vector<1x16xf32> to vector<16xf32>
          %get3A_2136 = arith.constant 15 : i32
          %get3A_2137 = arith.index_cast %get3A_2136 : i32 to index
          %get3A_2138 = arith.constant 64 : index
          %get3A_2139 = tpu.vector_load %arg6[%get3A_2137, %get3A_2138] {strides = array<i32>} : memref<16x256xf32, #tpu.memory_space<vmem>>, vector<1x16xf32>,
          %get3A_2140 = vector.shape_cast %get3A_2139 : vector<1x16xf32> to vector<16xf32>
          %max3A_2141 = arith.maximumf %get3A_2065, %get3A_2070 : vector<16xf32>
          %max3A_2142 = arith.maximumf %get3A_2075, %get3A_2080 : vector<16xf32>
          %max3A_2143 = arith.maximumf %get3A_2085, %get3A_2090 : vector<16xf32>
          %max3A_2144 = arith.maximumf %get3A_2095, %get3A_2100 : vector<16xf32>
          %max3A_2145 = arith.maximumf %get3A_2105, %get3A_2110 : vector<16xf32>
          %max3A_2146 = arith.maximumf %get3A_2115, %get3A_2120 : vector<16xf32>
          %max3A_2147 = arith.maximumf %get3A_2125, %get3A_2130 : vector<16xf32>
          %max3A_2148 = arith.maximumf %get3A_2135, %get3A_2140 : vector<16xf32>
          %max3A_2149 = arith.maximumf %max3A_2141, %max3A_2142 : vector<16xf32>
          %max3A_2150 = arith.maximumf %max3A_2143, %max3A_2144 : vector<16xf32>
          %max3A_2151 = arith.maximumf %max3A_2145, %max3A_2146 : vector<16xf32>
          %max3A_2152 = arith.maximumf %max3A_2147, %max3A_2148 : vector<16xf32>
          %max3A_2153 = arith.maximumf %max3A_2149, %max3A_2150 : vector<16xf32>
          %max3A_2154 = arith.maximumf %max3A_2151, %max3A_2152 : vector<16xf32>
          %max3A_2155 = arith.maximumf %max3A_2153, %max3A_2154 : vector<16xf32>
          %swap3A_2156 = arith.index_cast %mul3A_1645 : i32 to index
          %swap3A_2157 = arith.constant 64 : index
          %swap3A_2158 = tpu.vector_load %arg8[%swap3A_2156, %swap3A_2157] {strides = array<i32>} : memref<49x256xf32, #tpu.memory_space<vmem>>, vector<1x16xf32>,
          %swap3A_2159 = vector.shape_cast %swap3A_2158 : vector<1x16xf32> to vector<16xf32>
          %swap3A_2160 = vector.shape_cast %max3A_2155 : vector<16xf32> to vector<1x16xf32>
          tpu.vector_store %arg8[%swap3A_2156, %swap3A_2157], %swap3A_2160 {strides = array<i32>} : memref<49x256xf32, #tpu.memory_space<vmem>>, vector<1x16xf32>,
          %get3A_2161 = arith.constant 0 : i32
          %get3A_2162 = arith.index_cast %get3A_2161 : i32 to index
          %get3A_2163 = arith.constant 80 : index
          %get3A_2164 = tpu.vector_load %arg6[%get3A_2162, %get3A_2163] {strides = array<i32>} : memref<16x256xf32, #tpu.memory_space<vmem>>, vector<1x16xf32>,
          %get3A_2165 = vector.shape_cast %get3A_2164 : vector<1x16xf32> to vector<16xf32>
          %get3A_2166 = arith.constant 1 : i32
          %get3A_2167 = arith.index_cast %get3A_2166 : i32 to index
          %get3A_2168 = arith.constant 80 : index
          %get3A_2169 = tpu.vector_load %arg6[%get3A_2167, %get3A_2168] {strides = array<i32>} : memref<16x256xf32, #tpu.memory_space<vmem>>, vector<1x16xf32>,
          %get3A_2170 = vector.shape_cast %get3A_2169 : vector<1x16xf32> to vector<16xf32>
          %get3A_2171 = arith.constant 2 : i32
          %get3A_2172 = arith.index_cast %get3A_2171 : i32 to index
          %get3A_2173 = arith.constant 80 : index
          %get3A_2174 = tpu.vector_load %arg6[%get3A_2172, %get3A_2173] {strides = array<i32>} : memref<16x256xf32, #tpu.memory_space<vmem>>, vector<1x16xf32>,
          %get3A_2175 = vector.shape_cast %get3A_2174 : vector<1x16xf32> to vector<16xf32>
          %get3A_2176 = arith.constant 3 : i32
          %get3A_2177 = arith.index_cast %get3A_2176 : i32 to index
          %get3A_2178 = arith.constant 80 : index
          %get3A_2179 = tpu.vector_load %arg6[%get3A_2177, %get3A_2178] {strides = array<i32>} : memref<16x256xf32, #tpu.memory_space<vmem>>, vector<1x16xf32>,
          %get3A_2180 = vector.shape_cast %get3A_2179 : vector<1x16xf32> to vector<16xf32>
          %get3A_2181 = arith.constant 4 : i32
          %get3A_2182 = arith.index_cast %get3A_2181 : i32 to index
          %get3A_2183 = arith.constant 80 : index
          %get3A_2184 = tpu.vector_load %arg6[%get3A_2182, %get3A_2183] {strides = array<i32>} : memref<16x256xf32, #tpu.memory_space<vmem>>, vector<1x16xf32>,
          %get3A_2185 = vector.shape_cast %get3A_2184 : vector<1x16xf32> to vector<16xf32>
          %get3A_2186 = arith.constant 5 : i32
          %get3A_2187 = arith.index_cast %get3A_2186 : i32 to index
          %get3A_2188 = arith.constant 80 : index
          %get3A_2189 = tpu.vector_load %arg6[%get3A_2187, %get3A_2188] {strides = array<i32>} : memref<16x256xf32, #tpu.memory_space<vmem>>, vector<1x16xf32>,
          %get3A_2190 = vector.shape_cast %get3A_2189 : vector<1x16xf32> to vector<16xf32>
          %get3A_2191 = arith.constant 6 : i32
          %get3A_2192 = arith.index_cast %get3A_2191 : i32 to index
          %get3A_2193 = arith.constant 80 : index
          %get3A_2194 = tpu.vector_load %arg6[%get3A_2192, %get3A_2193] {strides = array<i32>} : memref<16x256xf32, #tpu.memory_space<vmem>>, vector<1x16xf32>,
          %get3A_2195 = vector.shape_cast %get3A_2194 : vector<1x16xf32> to vector<16xf32>
          %get3A_2196 = arith.constant 7 : i32
          %get3A_2197 = arith.index_cast %get3A_2196 : i32 to index
          %get3A_2198 = arith.constant 80 : index
          %get3A_2199 = tpu.vector_load %arg6[%get3A_2197, %get3A_2198] {strides = array<i32>} : memref<16x256xf32, #tpu.memory_space<vmem>>, vector<1x16xf32>,
          %get3A_2200 = vector.shape_cast %get3A_2199 : vector<1x16xf32> to vector<16xf32>
          %get3A_2201 = arith.constant 8 : i32
          %get3A_2202 = arith.index_cast %get3A_2201 : i32 to index
          %get3A_2203 = arith.constant 80 : index
          %get3A_2204 = tpu.vector_load %arg6[%get3A_2202, %get3A_2203] {strides = array<i32>} : memref<16x256xf32, #tpu.memory_space<vmem>>, vector<1x16xf32>,
          %get3A_2205 = vector.shape_cast %get3A_2204 : vector<1x16xf32> to vector<16xf32>
          %get3A_2206 = arith.constant 9 : i32
          %get3A_2207 = arith.index_cast %get3A_2206 : i32 to index
          %get3A_2208 = arith.constant 80 : index
          %get3A_2209 = tpu.vector_load %arg6[%get3A_2207, %get3A_2208] {strides = array<i32>} : memref<16x256xf32, #tpu.memory_space<vmem>>, vector<1x16xf32>,
          %get3A_2210 = vector.shape_cast %get3A_2209 : vector<1x16xf32> to vector<16xf32>
          %get3A_2211 = arith.constant 10 : i32
          %get3A_2212 = arith.index_cast %get3A_2211 : i32 to index
          %get3A_2213 = arith.constant 80 : index
          %get3A_2214 = tpu.vector_load %arg6[%get3A_2212, %get3A_2213] {strides = array<i32>} : memref<16x256xf32, #tpu.memory_space<vmem>>, vector<1x16xf32>,
          %get3A_2215 = vector.shape_cast %get3A_2214 : vector<1x16xf32> to vector<16xf32>
          %get3A_2216 = arith.constant 11 : i32
          %get3A_2217 = arith.index_cast %get3A_2216 : i32 to index
          %get3A_2218 = arith.constant 80 : index
          %get3A_2219 = tpu.vector_load %arg6[%get3A_2217, %get3A_2218] {strides = array<i32>} : memref<16x256xf32, #tpu.memory_space<vmem>>, vector<1x16xf32>,
          %get3A_2220 = vector.shape_cast %get3A_2219 : vector<1x16xf32> to vector<16xf32>
          %get3A_2221 = arith.constant 12 : i32
          %get3A_2222 = arith.index_cast %get3A_2221 : i32 to index
          %get3A_2223 = arith.constant 80 : index
          %get3A_2224 = tpu.vector_load %arg6[%get3A_2222, %get3A_2223] {strides = array<i32>} : memref<16x256xf32, #tpu.memory_space<vmem>>, vector<1x16xf32>,
          %get3A_2225 = vector.shape_cast %get3A_2224 : vector<1x16xf32> to vector<16xf32>
          %get3A_2226 = arith.constant 13 : i32
          %get3A_2227 = arith.index_cast %get3A_2226 : i32 to index
          %get3A_2228 = arith.constant 80 : index
          %get3A_2229 = tpu.vector_load %arg6[%get3A_2227, %get3A_2228] {strides = array<i32>} : memref<16x256xf32, #tpu.memory_space<vmem>>, vector<1x16xf32>,
          %get3A_2230 = vector.shape_cast %get3A_2229 : vector<1x16xf32> to vector<16xf32>
          %get3A_2231 = arith.constant 14 : i32
          %get3A_2232 = arith.index_cast %get3A_2231 : i32 to index
          %get3A_2233 = arith.constant 80 : index
          %get3A_2234 = tpu.vector_load %arg6[%get3A_2232, %get3A_2233] {strides = array<i32>} : memref<16x256xf32, #tpu.memory_space<vmem>>, vector<1x16xf32>,
          %get3A_2235 = vector.shape_cast %get3A_2234 : vector<1x16xf32> to vector<16xf32>
          %get3A_2236 = arith.constant 15 : i32
          %get3A_2237 = arith.index_cast %get3A_2236 : i32 to index
          %get3A_2238 = arith.constant 80 : index
          %get3A_2239 = tpu.vector_load %arg6[%get3A_2237, %get3A_2238] {strides = array<i32>} : memref<16x256xf32, #tpu.memory_space<vmem>>, vector<1x16xf32>,
          %get3A_2240 = vector.shape_cast %get3A_2239 : vector<1x16xf32> to vector<16xf32>
          %max3A_2241 = arith.maximumf %get3A_2165, %get3A_2170 : vector<16xf32>
          %max3A_2242 = arith.maximumf %get3A_2175, %get3A_2180 : vector<16xf32>
          %max3A_2243 = arith.maximumf %get3A_2185, %get3A_2190 : vector<16xf32>
          %max3A_2244 = arith.maximumf %get3A_2195, %get3A_2200 : vector<16xf32>
          %max3A_2245 = arith.maximumf %get3A_2205, %get3A_2210 : vector<16xf32>
          %max3A_2246 = arith.maximumf %get3A_2215, %get3A_2220 : vector<16xf32>
          %max3A_2247 = arith.maximumf %get3A_2225, %get3A_2230 : vector<16xf32>
          %max3A_2248 = arith.maximumf %get3A_2235, %get3A_2240 : vector<16xf32>
          %max3A_2249 = arith.maximumf %max3A_2241, %max3A_2242 : vector<16xf32>
          %max3A_2250 = arith.maximumf %max3A_2243, %max3A_2244 : vector<16xf32>
          %max3A_2251 = arith.maximumf %max3A_2245, %max3A_2246 : vector<16xf32>
          %max3A_2252 = arith.maximumf %max3A_2247, %max3A_2248 : vector<16xf32>
          %max3A_2253 = arith.maximumf %max3A_2249, %max3A_2250 : vector<16xf32>
          %max3A_2254 = arith.maximumf %max3A_2251, %max3A_2252 : vector<16xf32>
          %max3A_2255 = arith.maximumf %max3A_2253, %max3A_2254 : vector<16xf32>
          %swap3A_2256 = arith.index_cast %mul3A_1645 : i32 to index
          %swap3A_2257 = arith.constant 80 : index
          %swap3A_2258 = tpu.vector_load %arg8[%swap3A_2256, %swap3A_2257] {strides = array<i32>} : memref<49x256xf32, #tpu.memory_space<vmem>>, vector<1x16xf32>,
          %swap3A_2259 = vector.shape_cast %swap3A_2258 : vector<1x16xf32> to vector<16xf32>
          %swap3A_2260 = vector.shape_cast %max3A_2255 : vector<16xf32> to vector<1x16xf32>
          tpu.vector_store %arg8[%swap3A_2256, %swap3A_2257], %swap3A_2260 {strides = array<i32>} : memref<49x256xf32, #tpu.memory_space<vmem>>, vector<1x16xf32>,
          %get3A_2261 = arith.constant 0 : i32
          %get3A_2262 = arith.index_cast %get3A_2261 : i32 to index
          %get3A_2263 = arith.constant 96 : index
          %get3A_2264 = tpu.vector_load %arg6[%get3A_2262, %get3A_2263] {strides = array<i32>} : memref<16x256xf32, #tpu.memory_space<vmem>>, vector<1x16xf32>,
          %get3A_2265 = vector.shape_cast %get3A_2264 : vector<1x16xf32> to vector<16xf32>
          %get3A_2266 = arith.constant 1 : i32
          %get3A_2267 = arith.index_cast %get3A_2266 : i32 to index
          %get3A_2268 = arith.constant 96 : index
          %get3A_2269 = tpu.vector_load %arg6[%get3A_2267, %get3A_2268] {strides = array<i32>} : memref<16x256xf32, #tpu.memory_space<vmem>>, vector<1x16xf32>,
          %get3A_2270 = vector.shape_cast %get3A_2269 : vector<1x16xf32> to vector<16xf32>
          %get3A_2271 = arith.constant 2 : i32
          %get3A_2272 = arith.index_cast %get3A_2271 : i32 to index
          %get3A_2273 = arith.constant 96 : index
          %get3A_2274 = tpu.vector_load %arg6[%get3A_2272, %get3A_2273] {strides = array<i32>} : memref<16x256xf32, #tpu.memory_space<vmem>>, vector<1x16xf32>,
          %get3A_2275 = vector.shape_cast %get3A_2274 : vector<1x16xf32> to vector<16xf32>
          %get3A_2276 = arith.constant 3 : i32
          %get3A_2277 = arith.index_cast %get3A_2276 : i32 to index
          %get3A_2278 = arith.constant 96 : index
          %get3A_2279 = tpu.vector_load %arg6[%get3A_2277, %get3A_2278] {strides = array<i32>} : memref<16x256xf32, #tpu.memory_space<vmem>>, vector<1x16xf32>,
          %get3A_2280 = vector.shape_cast %get3A_2279 : vector<1x16xf32> to vector<16xf32>
          %get3A_2281 = arith.constant 4 : i32
          %get3A_2282 = arith.index_cast %get3A_2281 : i32 to index
          %get3A_2283 = arith.constant 96 : index
          %get3A_2284 = tpu.vector_load %arg6[%get3A_2282, %get3A_2283] {strides = array<i32>} : memref<16x256xf32, #tpu.memory_space<vmem>>, vector<1x16xf32>,
          %get3A_2285 = vector.shape_cast %get3A_2284 : vector<1x16xf32> to vector<16xf32>
          %get3A_2286 = arith.constant 5 : i32
          %get3A_2287 = arith.index_cast %get3A_2286 : i32 to index
          %get3A_2288 = arith.constant 96 : index
          %get3A_2289 = tpu.vector_load %arg6[%get3A_2287, %get3A_2288] {strides = array<i32>} : memref<16x256xf32, #tpu.memory_space<vmem>>, vector<1x16xf32>,
          %get3A_2290 = vector.shape_cast %get3A_2289 : vector<1x16xf32> to vector<16xf32>
          %get3A_2291 = arith.constant 6 : i32
          %get3A_2292 = arith.index_cast %get3A_2291 : i32 to index
          %get3A_2293 = arith.constant 96 : index
          %get3A_2294 = tpu.vector_load %arg6[%get3A_2292, %get3A_2293] {strides = array<i32>} : memref<16x256xf32, #tpu.memory_space<vmem>>, vector<1x16xf32>,
          %get3A_2295 = vector.shape_cast %get3A_2294 : vector<1x16xf32> to vector<16xf32>
          %get3A_2296 = arith.constant 7 : i32
          %get3A_2297 = arith.index_cast %get3A_2296 : i32 to index
          %get3A_2298 = arith.constant 96 : index
          %get3A_2299 = tpu.vector_load %arg6[%get3A_2297, %get3A_2298] {strides = array<i32>} : memref<16x256xf32, #tpu.memory_space<vmem>>, vector<1x16xf32>,
          %get3A_2300 = vector.shape_cast %get3A_2299 : vector<1x16xf32> to vector<16xf32>
          %get3A_2301 = arith.constant 8 : i32
          %get3A_2302 = arith.index_cast %get3A_2301 : i32 to index
          %get3A_2303 = arith.constant 96 : index
          %get3A_2304 = tpu.vector_load %arg6[%get3A_2302, %get3A_2303] {strides = array<i32>} : memref<16x256xf32, #tpu.memory_space<vmem>>, vector<1x16xf32>,
          %get3A_2305 = vector.shape_cast %get3A_2304 : vector<1x16xf32> to vector<16xf32>
          %get3A_2306 = arith.constant 9 : i32
          %get3A_2307 = arith.index_cast %get3A_2306 : i32 to index
          %get3A_2308 = arith.constant 96 : index
          %get3A_2309 = tpu.vector_load %arg6[%get3A_2307, %get3A_2308] {strides = array<i32>} : memref<16x256xf32, #tpu.memory_space<vmem>>, vector<1x16xf32>,
          %get3A_2310 = vector.shape_cast %get3A_2309 : vector<1x16xf32> to vector<16xf32>
          %get3A_2311 = arith.constant 10 : i32
          %get3A_2312 = arith.index_cast %get3A_2311 : i32 to index
          %get3A_2313 = arith.constant 96 : index
          %get3A_2314 = tpu.vector_load %arg6[%get3A_2312, %get3A_2313] {strides = array<i32>} : memref<16x256xf32, #tpu.memory_space<vmem>>, vector<1x16xf32>,
          %get3A_2315 = vector.shape_cast %get3A_2314 : vector<1x16xf32> to vector<16xf32>
          %get3A_2316 = arith.constant 11 : i32
          %get3A_2317 = arith.index_cast %get3A_2316 : i32 to index
          %get3A_2318 = arith.constant 96 : index
          %get3A_2319 = tpu.vector_load %arg6[%get3A_2317, %get3A_2318] {strides = array<i32>} : memref<16x256xf32, #tpu.memory_space<vmem>>, vector<1x16xf32>,
          %get3A_2320 = vector.shape_cast %get3A_2319 : vector<1x16xf32> to vector<16xf32>
          %get3A_2321 = arith.constant 12 : i32
          %get3A_2322 = arith.index_cast %get3A_2321 : i32 to index
          %get3A_2323 = arith.constant 96 : index
          %get3A_2324 = tpu.vector_load %arg6[%get3A_2322, %get3A_2323] {strides = array<i32>} : memref<16x256xf32, #tpu.memory_space<vmem>>, vector<1x16xf32>,
          %get3A_2325 = vector.shape_cast %get3A_2324 : vector<1x16xf32> to vector<16xf32>
          %get3A_2326 = arith.constant 13 : i32
          %get3A_2327 = arith.index_cast %get3A_2326 : i32 to index
          %get3A_2328 = arith.constant 96 : index
          %get3A_2329 = tpu.vector_load %arg6[%get3A_2327, %get3A_2328] {strides = array<i32>} : memref<16x256xf32, #tpu.memory_space<vmem>>, vector<1x16xf32>,
          %get3A_2330 = vector.shape_cast %get3A_2329 : vector<1x16xf32> to vector<16xf32>
          %get3A_2331 = arith.constant 14 : i32
          %get3A_2332 = arith.index_cast %get3A_2331 : i32 to index
          %get3A_2333 = arith.constant 96 : index
          %get3A_2334 = tpu.vector_load %arg6[%get3A_2332, %get3A_2333] {strides = array<i32>} : memref<16x256xf32, #tpu.memory_space<vmem>>, vector<1x16xf32>,
          %get3A_2335 = vector.shape_cast %get3A_2334 : vector<1x16xf32> to vector<16xf32>
          %get3A_2336 = arith.constant 15 : i32
          %get3A_2337 = arith.index_cast %get3A_2336 : i32 to index
          %get3A_2338 = arith.constant 96 : index
          %get3A_2339 = tpu.vector_load %arg6[%get3A_2337, %get3A_2338] {strides = array<i32>} : memref<16x256xf32, #tpu.memory_space<vmem>>, vector<1x16xf32>,
          %get3A_2340 = vector.shape_cast %get3A_2339 : vector<1x16xf32> to vector<16xf32>
          %max3A_2341 = arith.maximumf %get3A_2265, %get3A_2270 : vector<16xf32>
          %max3A_2342 = arith.maximumf %get3A_2275, %get3A_2280 : vector<16xf32>
          %max3A_2343 = arith.maximumf %get3A_2285, %get3A_2290 : vector<16xf32>
          %max3A_2344 = arith.maximumf %get3A_2295, %get3A_2300 : vector<16xf32>
          %max3A_2345 = arith.maximumf %get3A_2305, %get3A_2310 : vector<16xf32>
          %max3A_2346 = arith.maximumf %get3A_2315, %get3A_2320 : vector<16xf32>
          %max3A_2347 = arith.maximumf %get3A_2325, %get3A_2330 : vector<16xf32>
          %max3A_2348 = arith.maximumf %get3A_2335, %get3A_2340 : vector<16xf32>
          %max3A_2349 = arith.maximumf %max3A_2341, %max3A_2342 : vector<16xf32>
          %max3A_2350 = arith.maximumf %max3A_2343, %max3A_2344 : vector<16xf32>
          %max3A_2351 = arith.maximumf %max3A_2345, %max3A_2346 : vector<16xf32>
          %max3A_2352 = arith.maximumf %max3A_2347, %max3A_2348 : vector<16xf32>
          %max3A_2353 = arith.maximumf %max3A_2349, %max3A_2350 : vector<16xf32>
          %max3A_2354 = arith.maximumf %max3A_2351, %max3A_2352 : vector<16xf32>
          %max3A_2355 = arith.maximumf %max3A_2353, %max3A_2354 : vector<16xf32>
          %swap3A_2356 = arith.index_cast %mul3A_1645 : i32 to index
          %swap3A_2357 = arith.constant 96 : index
          %swap3A_2358 = tpu.vector_load %arg8[%swap3A_2356, %swap3A_2357] {strides = array<i32>} : memref<49x256xf32, #tpu.memory_space<vmem>>, vector<1x16xf32>,
          %swap3A_2359 = vector.shape_cast %swap3A_2358 : vector<1x16xf32> to vector<16xf32>
          %swap3A_2360 = vector.shape_cast %max3A_2355 : vector<16xf32> to vector<1x16xf32>
          tpu.vector_store %arg8[%swap3A_2356, %swap3A_2357], %swap3A_2360 {strides = array<i32>} : memref<49x256xf32, #tpu.memory_space<vmem>>, vector<1x16xf32>,
          %get3A_2361 = arith.constant 0 : i32
          %get3A_2362 = arith.index_cast %get3A_2361 : i32 to index
          %get3A_2363 = arith.constant 112 : index
          %get3A_2364 = tpu.vector_load %arg6[%get3A_2362, %get3A_2363] {strides = array<i32>} : memref<16x256xf32, #tpu.memory_space<vmem>>, vector<1x16xf32>,
          %get3A_2365 = vector.shape_cast %get3A_2364 : vector<1x16xf32> to vector<16xf32>
          %get3A_2366 = arith.constant 1 : i32
          %get3A_2367 = arith.index_cast %get3A_2366 : i32 to index
          %get3A_2368 = arith.constant 112 : index
          %get3A_2369 = tpu.vector_load %arg6[%get3A_2367, %get3A_2368] {strides = array<i32>} : memref<16x256xf32, #tpu.memory_space<vmem>>, vector<1x16xf32>,
          %get3A_2370 = vector.shape_cast %get3A_2369 : vector<1x16xf32> to vector<16xf32>
          %get3A_2371 = arith.constant 2 : i32
          %get3A_2372 = arith.index_cast %get3A_2371 : i32 to index
          %get3A_2373 = arith.constant 112 : index
          %get3A_2374 = tpu.vector_load %arg6[%get3A_2372, %get3A_2373] {strides = array<i32>} : memref<16x256xf32, #tpu.memory_space<vmem>>, vector<1x16xf32>,
          %get3A_2375 = vector.shape_cast %get3A_2374 : vector<1x16xf32> to vector<16xf32>
          %get3A_2376 = arith.constant 3 : i32
          %get3A_2377 = arith.index_cast %get3A_2376 : i32 to index
          %get3A_2378 = arith.constant 112 : index
          %get3A_2379 = tpu.vector_load %arg6[%get3A_2377, %get3A_2378] {strides = array<i32>} : memref<16x256xf32, #tpu.memory_space<vmem>>, vector<1x16xf32>,
          %get3A_2380 = vector.shape_cast %get3A_2379 : vector<1x16xf32> to vector<16xf32>
          %get3A_2381 = arith.constant 4 : i32
          %get3A_2382 = arith.index_cast %get3A_2381 : i32 to index
          %get3A_2383 = arith.constant 112 : index
          %get3A_2384 = tpu.vector_load %arg6[%get3A_2382, %get3A_2383] {strides = array<i32>} : memref<16x256xf32, #tpu.memory_space<vmem>>, vector<1x16xf32>,
          %get3A_2385 = vector.shape_cast %get3A_2384 : vector<1x16xf32> to vector<16xf32>
          %get3A_2386 = arith.constant 5 : i32
          %get3A_2387 = arith.index_cast %get3A_2386 : i32 to index
          %get3A_2388 = arith.constant 112 : index
          %get3A_2389 = tpu.vector_load %arg6[%get3A_2387, %get3A_2388] {strides = array<i32>} : memref<16x256xf32, #tpu.memory_space<vmem>>, vector<1x16xf32>,
          %get3A_2390 = vector.shape_cast %get3A_2389 : vector<1x16xf32> to vector<16xf32>
          %get3A_2391 = arith.constant 6 : i32
          %get3A_2392 = arith.index_cast %get3A_2391 : i32 to index
          %get3A_2393 = arith.constant 112 : index
          %get3A_2394 = tpu.vector_load %arg6[%get3A_2392, %get3A_2393] {strides = array<i32>} : memref<16x256xf32, #tpu.memory_space<vmem>>, vector<1x16xf32>,
          %get3A_2395 = vector.shape_cast %get3A_2394 : vector<1x16xf32> to vector<16xf32>
          %get3A_2396 = arith.constant 7 : i32
          %get3A_2397 = arith.index_cast %get3A_2396 : i32 to index
          %get3A_2398 = arith.constant 112 : index
          %get3A_2399 = tpu.vector_load %arg6[%get3A_2397, %get3A_2398] {strides = array<i32>} : memref<16x256xf32, #tpu.memory_space<vmem>>, vector<1x16xf32>,
          %get3A_2400 = vector.shape_cast %get3A_2399 : vector<1x16xf32> to vector<16xf32>
          %get3A_2401 = arith.constant 8 : i32
          %get3A_2402 = arith.index_cast %get3A_2401 : i32 to index
          %get3A_2403 = arith.constant 112 : index
          %get3A_2404 = tpu.vector_load %arg6[%get3A_2402, %get3A_2403] {strides = array<i32>} : memref<16x256xf32, #tpu.memory_space<vmem>>, vector<1x16xf32>,
          %get3A_2405 = vector.shape_cast %get3A_2404 : vector<1x16xf32> to vector<16xf32>
          %get3A_2406 = arith.constant 9 : i32
          %get3A_2407 = arith.index_cast %get3A_2406 : i32 to index
          %get3A_2408 = arith.constant 112 : index
          %get3A_2409 = tpu.vector_load %arg6[%get3A_2407, %get3A_2408] {strides = array<i32>} : memref<16x256xf32, #tpu.memory_space<vmem>>, vector<1x16xf32>,
          %get3A_2410 = vector.shape_cast %get3A_2409 : vector<1x16xf32> to vector<16xf32>
          %get3A_2411 = arith.constant 10 : i32
          %get3A_2412 = arith.index_cast %get3A_2411 : i32 to index
          %get3A_2413 = arith.constant 112 : index
          %get3A_2414 = tpu.vector_load %arg6[%get3A_2412, %get3A_2413] {strides = array<i32>} : memref<16x256xf32, #tpu.memory_space<vmem>>, vector<1x16xf32>,
          %get3A_2415 = vector.shape_cast %get3A_2414 : vector<1x16xf32> to vector<16xf32>
          %get3A_2416 = arith.constant 11 : i32
          %get3A_2417 = arith.index_cast %get3A_2416 : i32 to index
          %get3A_2418 = arith.constant 112 : index
          %get3A_2419 = tpu.vector_load %arg6[%get3A_2417, %get3A_2418] {strides = array<i32>} : memref<16x256xf32, #tpu.memory_space<vmem>>, vector<1x16xf32>,
          %get3A_2420 = vector.shape_cast %get3A_2419 : vector<1x16xf32> to vector<16xf32>
          %get3A_2421 = arith.constant 12 : i32
          %get3A_2422 = arith.index_cast %get3A_2421 : i32 to index
          %get3A_2423 = arith.constant 112 : index
          %get3A_2424 = tpu.vector_load %arg6[%get3A_2422, %get3A_2423] {strides = array<i32>} : memref<16x256xf32, #tpu.memory_space<vmem>>, vector<1x16xf32>,
          %get3A_2425 = vector.shape_cast %get3A_2424 : vector<1x16xf32> to vector<16xf32>
          %get3A_2426 = arith.constant 13 : i32
          %get3A_2427 = arith.index_cast %get3A_2426 : i32 to index
          %get3A_2428 = arith.constant 112 : index
          %get3A_2429 = tpu.vector_load %arg6[%get3A_2427, %get3A_2428] {strides = array<i32>} : memref<16x256xf32, #tpu.memory_space<vmem>>, vector<1x16xf32>,
          %get3A_2430 = vector.shape_cast %get3A_2429 : vector<1x16xf32> to vector<16xf32>
          %get3A_2431 = arith.constant 14 : i32
          %get3A_2432 = arith.index_cast %get3A_2431 : i32 to index
          %get3A_2433 = arith.constant 112 : index
          %get3A_2434 = tpu.vector_load %arg6[%get3A_2432, %get3A_2433] {strides = array<i32>} : memref<16x256xf32, #tpu.memory_space<vmem>>, vector<1x16xf32>,
          %get3A_2435 = vector.shape_cast %get3A_2434 : vector<1x16xf32> to vector<16xf32>
          %get3A_2436 = arith.constant 15 : i32
          %get3A_2437 = arith.index_cast %get3A_2436 : i32 to index
          %get3A_2438 = arith.constant 112 : index
          %get3A_2439 = tpu.vector_load %arg6[%get3A_2437, %get3A_2438] {strides = array<i32>} : memref<16x256xf32, #tpu.memory_space<vmem>>, vector<1x16xf32>,
          %get3A_2440 = vector.shape_cast %get3A_2439 : vector<1x16xf32> to vector<16xf32>
          %max3A_2441 = arith.maximumf %get3A_2365, %get3A_2370 : vector<16xf32>
          %max3A_2442 = arith.maximumf %get3A_2375, %get3A_2380 : vector<16xf32>
          %max3A_2443 = arith.maximumf %get3A_2385, %get3A_2390 : vector<16xf32>
          %max3A_2444 = arith.maximumf %get3A_2395, %get3A_2400 : vector<16xf32>
          %max3A_2445 = arith.maximumf %get3A_2405, %get3A_2410 : vector<16xf32>
          %max3A_2446 = arith.maximumf %get3A_2415, %get3A_2420 : vector<16xf32>
          %max3A_2447 = arith.maximumf %get3A_2425, %get3A_2430 : vector<16xf32>
          %max3A_2448 = arith.maximumf %get3A_2435, %get3A_2440 : vector<16xf32>
          %max3A_2449 = arith.maximumf %max3A_2441, %max3A_2442 : vector<16xf32>
          %max3A_2450 = arith.maximumf %max3A_2443, %max3A_2444 : vector<16xf32>
          %max3A_2451 = arith.maximumf %max3A_2445, %max3A_2446 : vector<16xf32>
          %max3A_2452 = arith.maximumf %max3A_2447, %max3A_2448 : vector<16xf32>
          %max3A_2453 = arith.maximumf %max3A_2449, %max3A_2450 : vector<16xf32>
          %max3A_2454 = arith.maximumf %max3A_2451, %max3A_2452 : vector<16xf32>
          %max3A_2455 = arith.maximumf %max3A_2453, %max3A_2454 : vector<16xf32>
          %swap3A_2456 = arith.index_cast %mul3A_1645 : i32 to index
          %swap3A_2457 = arith.constant 112 : index
          %swap3A_2458 = tpu.vector_load %arg8[%swap3A_2456, %swap3A_2457] {strides = array<i32>} : memref<49x256xf32, #tpu.memory_space<vmem>>, vector<1x16xf32>,
          %swap3A_2459 = vector.shape_cast %swap3A_2458 : vector<1x16xf32> to vector<16xf32>
          %swap3A_2460 = vector.shape_cast %max3A_2455 : vector<16xf32> to vector<1x16xf32>
          tpu.vector_store %arg8[%swap3A_2456, %swap3A_2457], %swap3A_2460 {strides = array<i32>} : memref<49x256xf32, #tpu.memory_space<vmem>>, vector<1x16xf32>,
          %get3A_2461 = arith.constant 0 : i32
          %get3A_2462 = arith.index_cast %get3A_2461 : i32 to index
          %get3A_2463 = arith.constant 128 : index
          %get3A_2464 = tpu.vector_load %arg6[%get3A_2462, %get3A_2463] {strides = array<i32>} : memref<16x256xf32, #tpu.memory_space<vmem>>, vector<1x16xf32>,
          %get3A_2465 = vector.shape_cast %get3A_2464 : vector<1x16xf32> to vector<16xf32>
          %get3A_2466 = arith.constant 1 : i32
          %get3A_2467 = arith.index_cast %get3A_2466 : i32 to index
          %get3A_2468 = arith.constant 128 : index
          %get3A_2469 = tpu.vector_load %arg6[%get3A_2467, %get3A_2468] {strides = array<i32>} : memref<16x256xf32, #tpu.memory_space<vmem>>, vector<1x16xf32>,
          %get3A_2470 = vector.shape_cast %get3A_2469 : vector<1x16xf32> to vector<16xf32>
          %get3A_2471 = arith.constant 2 : i32
          %get3A_2472 = arith.index_cast %get3A_2471 : i32 to index
          %get3A_2473 = arith.constant 128 : index
          %get3A_2474 = tpu.vector_load %arg6[%get3A_2472, %get3A_2473] {strides = array<i32>} : memref<16x256xf32, #tpu.memory_space<vmem>>, vector<1x16xf32>,
          %get3A_2475 = vector.shape_cast %get3A_2474 : vector<1x16xf32> to vector<16xf32>
          %get3A_2476 = arith.constant 3 : i32
          %get3A_2477 = arith.index_cast %get3A_2476 : i32 to index
          %get3A_2478 = arith.constant 128 : index
          %get3A_2479 = tpu.vector_load %arg6[%get3A_2477, %get3A_2478] {strides = array<i32>} : memref<16x256xf32, #tpu.memory_space<vmem>>, vector<1x16xf32>,
          %get3A_2480 = vector.shape_cast %get3A_2479 : vector<1x16xf32> to vector<16xf32>
          %get3A_2481 = arith.constant 4 : i32
          %get3A_2482 = arith.index_cast %get3A_2481 : i32 to index
          %get3A_2483 = arith.constant 128 : index
          %get3A_2484 = tpu.vector_load %arg6[%get3A_2482, %get3A_2483] {strides = array<i32>} : memref<16x256xf32, #tpu.memory_space<vmem>>, vector<1x16xf32>,
          %get3A_2485 = vector.shape_cast %get3A_2484 : vector<1x16xf32> to vector<16xf32>
          %get3A_2486 = arith.constant 5 : i32
          %get3A_2487 = arith.index_cast %get3A_2486 : i32 to index
          %get3A_2488 = arith.constant 128 : index
          %get3A_2489 = tpu.vector_load %arg6[%get3A_2487, %get3A_2488] {strides = array<i32>} : memref<16x256xf32, #tpu.memory_space<vmem>>, vector<1x16xf32>,
          %get3A_2490 = vector.shape_cast %get3A_2489 : vector<1x16xf32> to vector<16xf32>
          %get3A_2491 = arith.constant 6 : i32
          %get3A_2492 = arith.index_cast %get3A_2491 : i32 to index
          %get3A_2493 = arith.constant 128 : index
          %get3A_2494 = tpu.vector_load %arg6[%get3A_2492, %get3A_2493] {strides = array<i32>} : memref<16x256xf32, #tpu.memory_space<vmem>>, vector<1x16xf32>,
          %get3A_2495 = vector.shape_cast %get3A_2494 : vector<1x16xf32> to vector<16xf32>
          %get3A_2496 = arith.constant 7 : i32
          %get3A_2497 = arith.index_cast %get3A_2496 : i32 to index
          %get3A_2498 = arith.constant 128 : index
          %get3A_2499 = tpu.vector_load %arg6[%get3A_2497, %get3A_2498] {strides = array<i32>} : memref<16x256xf32, #tpu.memory_space<vmem>>, vector<1x16xf32>,
          %get3A_2500 = vector.shape_cast %get3A_2499 : vector<1x16xf32> to vector<16xf32>
          %get3A_2501 = arith.constant 8 : i32
          %get3A_2502 = arith.index_cast %get3A_2501 : i32 to index
          %get3A_2503 = arith.constant 128 : index
          %get3A_2504 = tpu.vector_load %arg6[%get3A_2502, %get3A_2503] {strides = array<i32>} : memref<16x256xf32, #tpu.memory_space<vmem>>, vector<1x16xf32>,
          %get3A_2505 = vector.shape_cast %get3A_2504 : vector<1x16xf32> to vector<16xf32>
          %get3A_2506 = arith.constant 9 : i32
          %get3A_2507 = arith.index_cast %get3A_2506 : i32 to index
          %get3A_2508 = arith.constant 128 : index
          %get3A_2509 = tpu.vector_load %arg6[%get3A_2507, %get3A_2508] {strides = array<i32>} : memref<16x256xf32, #tpu.memory_space<vmem>>, vector<1x16xf32>,
          %get3A_2510 = vector.shape_cast %get3A_2509 : vector<1x16xf32> to vector<16xf32>
          %get3A_2511 = arith.constant 10 : i32
          %get3A_2512 = arith.index_cast %get3A_2511 : i32 to index
          %get3A_2513 = arith.constant 128 : index
          %get3A_2514 = tpu.vector_load %arg6[%get3A_2512, %get3A_2513] {strides = array<i32>} : memref<16x256xf32, #tpu.memory_space<vmem>>, vector<1x16xf32>,
          %get3A_2515 = vector.shape_cast %get3A_2514 : vector<1x16xf32> to vector<16xf32>
          %get3A_2516 = arith.constant 11 : i32
          %get3A_2517 = arith.index_cast %get3A_2516 : i32 to index
          %get3A_2518 = arith.constant 128 : index
          %get3A_2519 = tpu.vector_load %arg6[%get3A_2517, %get3A_2518] {strides = array<i32>} : memref<16x256xf32, #tpu.memory_space<vmem>>, vector<1x16xf32>,
          %get3A_2520 = vector.shape_cast %get3A_2519 : vector<1x16xf32> to vector<16xf32>
          %get3A_2521 = arith.constant 12 : i32
          %get3A_2522 = arith.index_cast %get3A_2521 : i32 to index
          %get3A_2523 = arith.constant 128 : index
          %get3A_2524 = tpu.vector_load %arg6[%get3A_2522, %get3A_2523] {strides = array<i32>} : memref<16x256xf32, #tpu.memory_space<vmem>>, vector<1x16xf32>,
          %get3A_2525 = vector.shape_cast %get3A_2524 : vector<1x16xf32> to vector<16xf32>
          %get3A_2526 = arith.constant 13 : i32
          %get3A_2527 = arith.index_cast %get3A_2526 : i32 to index
          %get3A_2528 = arith.constant 128 : index
          %get3A_2529 = tpu.vector_load %arg6[%get3A_2527, %get3A_2528] {strides = array<i32>} : memref<16x256xf32, #tpu.memory_space<vmem>>, vector<1x16xf32>,
          %get3A_2530 = vector.shape_cast %get3A_2529 : vector<1x16xf32> to vector<16xf32>
          %get3A_2531 = arith.constant 14 : i32
          %get3A_2532 = arith.index_cast %get3A_2531 : i32 to index
          %get3A_2533 = arith.constant 128 : index
          %get3A_2534 = tpu.vector_load %arg6[%get3A_2532, %get3A_2533] {strides = array<i32>} : memref<16x256xf32, #tpu.memory_space<vmem>>, vector<1x16xf32>,
          %get3A_2535 = vector.shape_cast %get3A_2534 : vector<1x16xf32> to vector<16xf32>
          %get3A_2536 = arith.constant 15 : i32
          %get3A_2537 = arith.index_cast %get3A_2536 : i32 to index
          %get3A_2538 = arith.constant 128 : index
          %get3A_2539 = tpu.vector_load %arg6[%get3A_2537, %get3A_2538] {strides = array<i32>} : memref<16x256xf32, #tpu.memory_space<vmem>>, vector<1x16xf32>,
          %get3A_2540 = vector.shape_cast %get3A_2539 : vector<1x16xf32> to vector<16xf32>
          %max3A_2541 = arith.maximumf %get3A_2465, %get3A_2470 : vector<16xf32>
          %max3A_2542 = arith.maximumf %get3A_2475, %get3A_2480 : vector<16xf32>
          %max3A_2543 = arith.maximumf %get3A_2485, %get3A_2490 : vector<16xf32>
          %max3A_2544 = arith.maximumf %get3A_2495, %get3A_2500 : vector<16xf32>
          %max3A_2545 = arith.maximumf %get3A_2505, %get3A_2510 : vector<16xf32>
          %max3A_2546 = arith.maximumf %get3A_2515, %get3A_2520 : vector<16xf32>
          %max3A_2547 = arith.maximumf %get3A_2525, %get3A_2530 : vector<16xf32>
          %max3A_2548 = arith.maximumf %get3A_2535, %get3A_2540 : vector<16xf32>
          %max3A_2549 = arith.maximumf %max3A_2541, %max3A_2542 : vector<16xf32>
          %max3A_2550 = arith.maximumf %max3A_2543, %max3A_2544 : vector<16xf32>
          %max3A_2551 = arith.maximumf %max3A_2545, %max3A_2546 : vector<16xf32>
          %max3A_2552 = arith.maximumf %max3A_2547, %max3A_2548 : vector<16xf32>
          %max3A_2553 = arith.maximumf %max3A_2549, %max3A_2550 : vector<16xf32>
          %max3A_2554 = arith.maximumf %max3A_2551, %max3A_2552 : vector<16xf32>
          %max3A_2555 = arith.maximumf %max3A_2553, %max3A_2554 : vector<16xf32>
          %swap3A_2556 = arith.index_cast %mul3A_1645 : i32 to index
          %swap3A_2557 = arith.constant 128 : index
          %swap3A_2558 = tpu.vector_load %arg8[%swap3A_2556, %swap3A_2557] {strides = array<i32>} : memref<49x256xf32, #tpu.memory_space<vmem>>, vector<1x16xf32>,
          %swap3A_2559 = vector.shape_cast %swap3A_2558 : vector<1x16xf32> to vector<16xf32>
          %swap3A_2560 = vector.shape_cast %max3A_2555 : vector<16xf32> to vector<1x16xf32>
          tpu.vector_store %arg8[%swap3A_2556, %swap3A_2557], %swap3A_2560 {strides = array<i32>} : memref<49x256xf32, #tpu.memory_space<vmem>>, vector<1x16xf32>,
          %get3A_2561 = arith.constant 0 : i32
          %get3A_2562 = arith.index_cast %get3A_2561 : i32 to index
          %get3A_2563 = arith.constant 144 : index
          %get3A_2564 = tpu.vector_load %arg6[%get3A_2562, %get3A_2563] {strides = array<i32>} : memref<16x256xf32, #tpu.memory_space<vmem>>, vector<1x16xf32>,
          %get3A_2565 = vector.shape_cast %get3A_2564 : vector<1x16xf32> to vector<16xf32>
          %get3A_2566 = arith.constant 1 : i32
          %get3A_2567 = arith.index_cast %get3A_2566 : i32 to index
          %get3A_2568 = arith.constant 144 : index
          %get3A_2569 = tpu.vector_load %arg6[%get3A_2567, %get3A_2568] {strides = array<i32>} : memref<16x256xf32, #tpu.memory_space<vmem>>, vector<1x16xf32>,
          %get3A_2570 = vector.shape_cast %get3A_2569 : vector<1x16xf32> to vector<16xf32>
          %get3A_2571 = arith.constant 2 : i32
          %get3A_2572 = arith.index_cast %get3A_2571 : i32 to index
          %get3A_2573 = arith.constant 144 : index
          %get3A_2574 = tpu.vector_load %arg6[%get3A_2572, %get3A_2573] {strides = array<i32>} : memref<16x256xf32, #tpu.memory_space<vmem>>, vector<1x16xf32>,
          %get3A_2575 = vector.shape_cast %get3A_2574 : vector<1x16xf32> to vector<16xf32>
          %get3A_2576 = arith.constant 3 : i32
          %get3A_2577 = arith.index_cast %get3A_2576 : i32 to index
          %get3A_2578 = arith.constant 144 : index
          %get3A_2579 = tpu.vector_load %arg6[%get3A_2577, %get3A_2578] {strides = array<i32>} : memref<16x256xf32, #tpu.memory_space<vmem>>, vector<1x16xf32>,
          %get3A_2580 = vector.shape_cast %get3A_2579 : vector<1x16xf32> to vector<16xf32>
          %get3A_2581 = arith.constant 4 : i32
          %get3A_2582 = arith.index_cast %get3A_2581 : i32 to index
          %get3A_2583 = arith.constant 144 : index
          %get3A_2584 = tpu.vector_load %arg6[%get3A_2582, %get3A_2583] {strides = array<i32>} : memref<16x256xf32, #tpu.memory_space<vmem>>, vector<1x16xf32>,
          %get3A_2585 = vector.shape_cast %get3A_2584 : vector<1x16xf32> to vector<16xf32>
          %get3A_2586 = arith.constant 5 : i32
          %get3A_2587 = arith.index_cast %get3A_2586 : i32 to index
          %get3A_2588 = arith.constant 144 : index
          %get3A_2589 = tpu.vector_load %arg6[%get3A_2587, %get3A_2588] {strides = array<i32>} : memref<16x256xf32, #tpu.memory_space<vmem>>, vector<1x16xf32>,
          %get3A_2590 = vector.shape_cast %get3A_2589 : vector<1x16xf32> to vector<16xf32>
          %get3A_2591 = arith.constant 6 : i32
          %get3A_2592 = arith.index_cast %get3A_2591 : i32 to index
          %get3A_2593 = arith.constant 144 : index
          %get3A_2594 = tpu.vector_load %arg6[%get3A_2592, %get3A_2593] {strides = array<i32>} : memref<16x256xf32, #tpu.memory_space<vmem>>, vector<1x16xf32>,
          %get3A_2595 = vector.shape_cast %get3A_2594 : vector<1x16xf32> to vector<16xf32>
          %get3A_2596 = arith.constant 7 : i32
          %get3A_2597 = arith.index_cast %get3A_2596 : i32 to index
          %get3A_2598 = arith.constant 144 : index
          %get3A_2599 = tpu.vector_load %arg6[%get3A_2597, %get3A_2598] {strides = array<i32>} : memref<16x256xf32, #tpu.memory_space<vmem>>, vector<1x16xf32>,
          %get3A_2600 = vector.shape_cast %get3A_2599 : vector<1x16xf32> to vector<16xf32>
          %get3A_2601 = arith.constant 8 : i32
          %get3A_2602 = arith.index_cast %get3A_2601 : i32 to index
          %get3A_2603 = arith.constant 144 : index
          %get3A_2604 = tpu.vector_load %arg6[%get3A_2602, %get3A_2603] {strides = array<i32>} : memref<16x256xf32, #tpu.memory_space<vmem>>, vector<1x16xf32>,
          %get3A_2605 = vector.shape_cast %get3A_2604 : vector<1x16xf32> to vector<16xf32>
          %get3A_2606 = arith.constant 9 : i32
          %get3A_2607 = arith.index_cast %get3A_2606 : i32 to index
          %get3A_2608 = arith.constant 144 : index
          %get3A_2609 = tpu.vector_load %arg6[%get3A_2607, %get3A_2608] {strides = array<i32>} : memref<16x256xf32, #tpu.memory_space<vmem>>, vector<1x16xf32>,
          %get3A_2610 = vector.shape_cast %get3A_2609 : vector<1x16xf32> to vector<16xf32>
          %get3A_2611 = arith.constant 10 : i32
          %get3A_2612 = arith.index_cast %get3A_2611 : i32 to index
          %get3A_2613 = arith.constant 144 : index
          %get3A_2614 = tpu.vector_load %arg6[%get3A_2612, %get3A_2613] {strides = array<i32>} : memref<16x256xf32, #tpu.memory_space<vmem>>, vector<1x16xf32>,
          %get3A_2615 = vector.shape_cast %get3A_2614 : vector<1x16xf32> to vector<16xf32>
          %get3A_2616 = arith.constant 11 : i32
          %get3A_2617 = arith.index_cast %get3A_2616 : i32 to index
          %get3A_2618 = arith.constant 144 : index
          %get3A_2619 = tpu.vector_load %arg6[%get3A_2617, %get3A_2618] {strides = array<i32>} : memref<16x256xf32, #tpu.memory_space<vmem>>, vector<1x16xf32>,
          %get3A_2620 = vector.shape_cast %get3A_2619 : vector<1x16xf32> to vector<16xf32>
          %get3A_2621 = arith.constant 12 : i32
          %get3A_2622 = arith.index_cast %get3A_2621 : i32 to index
          %get3A_2623 = arith.constant 144 : index
          %get3A_2624 = tpu.vector_load %arg6[%get3A_2622, %get3A_2623] {strides = array<i32>} : memref<16x256xf32, #tpu.memory_space<vmem>>, vector<1x16xf32>,
          %get3A_2625 = vector.shape_cast %get3A_2624 : vector<1x16xf32> to vector<16xf32>
          %get3A_2626 = arith.constant 13 : i32
          %get3A_2627 = arith.index_cast %get3A_2626 : i32 to index
          %get3A_2628 = arith.constant 144 : index
          %get3A_2629 = tpu.vector_load %arg6[%get3A_2627, %get3A_2628] {strides = array<i32>} : memref<16x256xf32, #tpu.memory_space<vmem>>, vector<1x16xf32>,
          %get3A_2630 = vector.shape_cast %get3A_2629 : vector<1x16xf32> to vector<16xf32>
          %get3A_2631 = arith.constant 14 : i32
          %get3A_2632 = arith.index_cast %get3A_2631 : i32 to index
          %get3A_2633 = arith.constant 144 : index
          %get3A_2634 = tpu.vector_load %arg6[%get3A_2632, %get3A_2633] {strides = array<i32>} : memref<16x256xf32, #tpu.memory_space<vmem>>, vector<1x16xf32>,
          %get3A_2635 = vector.shape_cast %get3A_2634 : vector<1x16xf32> to vector<16xf32>
          %get3A_2636 = arith.constant 15 : i32
          %get3A_2637 = arith.index_cast %get3A_2636 : i32 to index
          %get3A_2638 = arith.constant 144 : index
          %get3A_2639 = tpu.vector_load %arg6[%get3A_2637, %get3A_2638] {strides = array<i32>} : memref<16x256xf32, #tpu.memory_space<vmem>>, vector<1x16xf32>,
          %get3A_2640 = vector.shape_cast %get3A_2639 : vector<1x16xf32> to vector<16xf32>
          %max3A_2641 = arith.maximumf %get3A_2565, %get3A_2570 : vector<16xf32>
          %max3A_2642 = arith.maximumf %get3A_2575, %get3A_2580 : vector<16xf32>
          %max3A_2643 = arith.maximumf %get3A_2585, %get3A_2590 : vector<16xf32>
          %max3A_2644 = arith.maximumf %get3A_2595, %get3A_2600 : vector<16xf32>
          %max3A_2645 = arith.maximumf %get3A_2605, %get3A_2610 : vector<16xf32>
          %max3A_2646 = arith.maximumf %get3A_2615, %get3A_2620 : vector<16xf32>
          %max3A_2647 = arith.maximumf %get3A_2625, %get3A_2630 : vector<16xf32>
          %max3A_2648 = arith.maximumf %get3A_2635, %get3A_2640 : vector<16xf32>
          %max3A_2649 = arith.maximumf %max3A_2641, %max3A_2642 : vector<16xf32>
          %max3A_2650 = arith.maximumf %max3A_2643, %max3A_2644 : vector<16xf32>
          %max3A_2651 = arith.maximumf %max3A_2645, %max3A_2646 : vector<16xf32>
          %max3A_2652 = arith.maximumf %max3A_2647, %max3A_2648 : vector<16xf32>
          %max3A_2653 = arith.maximumf %max3A_2649, %max3A_2650 : vector<16xf32>
          %max3A_2654 = arith.maximumf %max3A_2651, %max3A_2652 : vector<16xf32>
          %max3A_2655 = arith.maximumf %max3A_2653, %max3A_2654 : vector<16xf32>
          %swap3A_2656 = arith.index_cast %mul3A_1645 : i32 to index
          %swap3A_2657 = arith.constant 144 : index
          %swap3A_2658 = tpu.vector_load %arg8[%swap3A_2656, %swap3A_2657] {strides = array<i32>} : memref<49x256xf32, #tpu.memory_space<vmem>>, vector<1x16xf32>,
          %swap3A_2659 = vector.shape_cast %swap3A_2658 : vector<1x16xf32> to vector<16xf32>
          %swap3A_2660 = vector.shape_cast %max3A_2655 : vector<16xf32> to vector<1x16xf32>
          tpu.vector_store %arg8[%swap3A_2656, %swap3A_2657], %swap3A_2660 {strides = array<i32>} : memref<49x256xf32, #tpu.memory_space<vmem>>, vector<1x16xf32>,
          %get3A_2661 = arith.constant 0 : i32
          %get3A_2662 = arith.index_cast %get3A_2661 : i32 to index
          %get3A_2663 = arith.constant 160 : index
          %get3A_2664 = tpu.vector_load %arg6[%get3A_2662, %get3A_2663] {strides = array<i32>} : memref<16x256xf32, #tpu.memory_space<vmem>>, vector<1x16xf32>,
          %get3A_2665 = vector.shape_cast %get3A_2664 : vector<1x16xf32> to vector<16xf32>
          %get3A_2666 = arith.constant 1 : i32
          %get3A_2667 = arith.index_cast %get3A_2666 : i32 to index
          %get3A_2668 = arith.constant 160 : index
          %get3A_2669 = tpu.vector_load %arg6[%get3A_2667, %get3A_2668] {strides = array<i32>} : memref<16x256xf32, #tpu.memory_space<vmem>>, vector<1x16xf32>,
          %get3A_2670 = vector.shape_cast %get3A_2669 : vector<1x16xf32> to vector<16xf32>
          %get3A_2671 = arith.constant 2 : i32
          %get3A_2672 = arith.index_cast %get3A_2671 : i32 to index
          %get3A_2673 = arith.constant 160 : index
          %get3A_2674 = tpu.vector_load %arg6[%get3A_2672, %get3A_2673] {strides = array<i32>} : memref<16x256xf32, #tpu.memory_space<vmem>>, vector<1x16xf32>,
          %get3A_2675 = vector.shape_cast %get3A_2674 : vector<1x16xf32> to vector<16xf32>
          %get3A_2676 = arith.constant 3 : i32
          %get3A_2677 = arith.index_cast %get3A_2676 : i32 to index
          %get3A_2678 = arith.constant 160 : index
          %get3A_2679 = tpu.vector_load %arg6[%get3A_2677, %get3A_2678] {strides = array<i32>} : memref<16x256xf32, #tpu.memory_space<vmem>>, vector<1x16xf32>,
          %get3A_2680 = vector.shape_cast %get3A_2679 : vector<1x16xf32> to vector<16xf32>
          %get3A_2681 = arith.constant 4 : i32
          %get3A_2682 = arith.index_cast %get3A_2681 : i32 to index
          %get3A_2683 = arith.constant 160 : index
          %get3A_2684 = tpu.vector_load %arg6[%get3A_2682, %get3A_2683] {strides = array<i32>} : memref<16x256xf32, #tpu.memory_space<vmem>>, vector<1x16xf32>,
          %get3A_2685 = vector.shape_cast %get3A_2684 : vector<1x16xf32> to vector<16xf32>
          %get3A_2686 = arith.constant 5 : i32
          %get3A_2687 = arith.index_cast %get3A_2686 : i32 to index
          %get3A_2688 = arith.constant 160 : index
          %get3A_2689 = tpu.vector_load %arg6[%get3A_2687, %get3A_2688] {strides = array<i32>} : memref<16x256xf32, #tpu.memory_space<vmem>>, vector<1x16xf32>,
          %get3A_2690 = vector.shape_cast %get3A_2689 : vector<1x16xf32> to vector<16xf32>
          %get3A_2691 = arith.constant 6 : i32
          %get3A_2692 = arith.index_cast %get3A_2691 : i32 to index
          %get3A_2693 = arith.constant 160 : index
          %get3A_2694 = tpu.vector_load %arg6[%get3A_2692, %get3A_2693] {strides = array<i32>} : memref<16x256xf32, #tpu.memory_space<vmem>>, vector<1x16xf32>,
          %get3A_2695 = vector.shape_cast %get3A_2694 : vector<1x16xf32> to vector<16xf32>
          %get3A_2696 = arith.constant 7 : i32
          %get3A_2697 = arith.index_cast %get3A_2696 : i32 to index
          %get3A_2698 = arith.constant 160 : index
          %get3A_2699 = tpu.vector_load %arg6[%get3A_2697, %get3A_2698] {strides = array<i32>} : memref<16x256xf32, #tpu.memory_space<vmem>>, vector<1x16xf32>,
          %get3A_2700 = vector.shape_cast %get3A_2699 : vector<1x16xf32> to vector<16xf32>
          %get3A_2701 = arith.constant 8 : i32
          %get3A_2702 = arith.index_cast %get3A_2701 : i32 to index
          %get3A_2703 = arith.constant 160 : index
          %get3A_2704 = tpu.vector_load %arg6[%get3A_2702, %get3A_2703] {strides = array<i32>} : memref<16x256xf32, #tpu.memory_space<vmem>>, vector<1x16xf32>,
          %get3A_2705 = vector.shape_cast %get3A_2704 : vector<1x16xf32> to vector<16xf32>
          %get3A_2706 = arith.constant 9 : i32
          %get3A_2707 = arith.index_cast %get3A_2706 : i32 to index
          %get3A_2708 = arith.constant 160 : index
          %get3A_2709 = tpu.vector_load %arg6[%get3A_2707, %get3A_2708] {strides = array<i32>} : memref<16x256xf32, #tpu.memory_space<vmem>>, vector<1x16xf32>,
          %get3A_2710 = vector.shape_cast %get3A_2709 : vector<1x16xf32> to vector<16xf32>
          %get3A_2711 = arith.constant 10 : i32
          %get3A_2712 = arith.index_cast %get3A_2711 : i32 to index
          %get3A_2713 = arith.constant 160 : index
          %get3A_2714 = tpu.vector_load %arg6[%get3A_2712, %get3A_2713] {strides = array<i32>} : memref<16x256xf32, #tpu.memory_space<vmem>>, vector<1x16xf32>,
          %get3A_2715 = vector.shape_cast %get3A_2714 : vector<1x16xf32> to vector<16xf32>
          %get3A_2716 = arith.constant 11 : i32
          %get3A_2717 = arith.index_cast %get3A_2716 : i32 to index
          %get3A_2718 = arith.constant 160 : index
          %get3A_2719 = tpu.vector_load %arg6[%get3A_2717, %get3A_2718] {strides = array<i32>} : memref<16x256xf32, #tpu.memory_space<vmem>>, vector<1x16xf32>,
          %get3A_2720 = vector.shape_cast %get3A_2719 : vector<1x16xf32> to vector<16xf32>
          %get3A_2721 = arith.constant 12 : i32
          %get3A_2722 = arith.index_cast %get3A_2721 : i32 to index
          %get3A_2723 = arith.constant 160 : index
          %get3A_2724 = tpu.vector_load %arg6[%get3A_2722, %get3A_2723] {strides = array<i32>} : memref<16x256xf32, #tpu.memory_space<vmem>>, vector<1x16xf32>,
          %get3A_2725 = vector.shape_cast %get3A_2724 : vector<1x16xf32> to vector<16xf32>
          %get3A_2726 = arith.constant 13 : i32
          %get3A_2727 = arith.index_cast %get3A_2726 : i32 to index
          %get3A_2728 = arith.constant 160 : index
          %get3A_2729 = tpu.vector_load %arg6[%get3A_2727, %get3A_2728] {strides = array<i32>} : memref<16x256xf32, #tpu.memory_space<vmem>>, vector<1x16xf32>,
          %get3A_2730 = vector.shape_cast %get3A_2729 : vector<1x16xf32> to vector<16xf32>
          %get3A_2731 = arith.constant 14 : i32
          %get3A_2732 = arith.index_cast %get3A_2731 : i32 to index
          %get3A_2733 = arith.constant 160 : index
          %get3A_2734 = tpu.vector_load %arg6[%get3A_2732, %get3A_2733] {strides = array<i32>} : memref<16x256xf32, #tpu.memory_space<vmem>>, vector<1x16xf32>,
          %get3A_2735 = vector.shape_cast %get3A_2734 : vector<1x16xf32> to vector<16xf32>
          %get3A_2736 = arith.constant 15 : i32
          %get3A_2737 = arith.index_cast %get3A_2736 : i32 to index
          %get3A_2738 = arith.constant 160 : index
          %get3A_2739 = tpu.vector_load %arg6[%get3A_2737, %get3A_2738] {strides = array<i32>} : memref<16x256xf32, #tpu.memory_space<vmem>>, vector<1x16xf32>,
          %get3A_2740 = vector.shape_cast %get3A_2739 : vector<1x16xf32> to vector<16xf32>
          %max3A_2741 = arith.maximumf %get3A_2665, %get3A_2670 : vector<16xf32>
          %max3A_2742 = arith.maximumf %get3A_2675, %get3A_2680 : vector<16xf32>
          %max3A_2743 = arith.maximumf %get3A_2685, %get3A_2690 : vector<16xf32>
          %max3A_2744 = arith.maximumf %get3A_2695, %get3A_2700 : vector<16xf32>
          %max3A_2745 = arith.maximumf %get3A_2705, %get3A_2710 : vector<16xf32>
          %max3A_2746 = arith.maximumf %get3A_2715, %get3A_2720 : vector<16xf32>
          %max3A_2747 = arith.maximumf %get3A_2725, %get3A_2730 : vector<16xf32>
          %max3A_2748 = arith.maximumf %get3A_2735, %get3A_2740 : vector<16xf32>
          %max3A_2749 = arith.maximumf %max3A_2741, %max3A_2742 : vector<16xf32>
          %max3A_2750 = arith.maximumf %max3A_2743, %max3A_2744 : vector<16xf32>
          %max3A_2751 = arith.maximumf %max3A_2745, %max3A_2746 : vector<16xf32>
          %max3A_2752 = arith.maximumf %max3A_2747, %max3A_2748 : vector<16xf32>
          %max3A_2753 = arith.maximumf %max3A_2749, %max3A_2750 : vector<16xf32>
          %max3A_2754 = arith.maximumf %max3A_2751, %max3A_2752 : vector<16xf32>
          %max3A_2755 = arith.maximumf %max3A_2753, %max3A_2754 : vector<16xf32>
          %swap3A_2756 = arith.index_cast %mul3A_1645 : i32 to index
          %swap3A_2757 = arith.constant 160 : index
          %swap3A_2758 = tpu.vector_load %arg8[%swap3A_2756, %swap3A_2757] {strides = array<i32>} : memref<49x256xf32, #tpu.memory_space<vmem>>, vector<1x16xf32>,
          %swap3A_2759 = vector.shape_cast %swap3A_2758 : vector<1x16xf32> to vector<16xf32>
          %swap3A_2760 = vector.shape_cast %max3A_2755 : vector<16xf32> to vector<1x16xf32>
          tpu.vector_store %arg8[%swap3A_2756, %swap3A_2757], %swap3A_2760 {strides = array<i32>} : memref<49x256xf32, #tpu.memory_space<vmem>>, vector<1x16xf32>,
          %get3A_2761 = arith.constant 0 : i32
          %get3A_2762 = arith.index_cast %get3A_2761 : i32 to index
          %get3A_2763 = arith.constant 176 : index
          %get3A_2764 = tpu.vector_load %arg6[%get3A_2762, %get3A_2763] {strides = array<i32>} : memref<16x256xf32, #tpu.memory_space<vmem>>, vector<1x16xf32>,
          %get3A_2765 = vector.shape_cast %get3A_2764 : vector<1x16xf32> to vector<16xf32>
          %get3A_2766 = arith.constant 1 : i32
          %get3A_2767 = arith.index_cast %get3A_2766 : i32 to index
          %get3A_2768 = arith.constant 176 : index
          %get3A_2769 = tpu.vector_load %arg6[%get3A_2767, %get3A_2768] {strides = array<i32>} : memref<16x256xf32, #tpu.memory_space<vmem>>, vector<1x16xf32>,
          %get3A_2770 = vector.shape_cast %get3A_2769 : vector<1x16xf32> to vector<16xf32>
          %get3A_2771 = arith.constant 2 : i32
          %get3A_2772 = arith.index_cast %get3A_2771 : i32 to index
          %get3A_2773 = arith.constant 176 : index
          %get3A_2774 = tpu.vector_load %arg6[%get3A_2772, %get3A_2773] {strides = array<i32>} : memref<16x256xf32, #tpu.memory_space<vmem>>, vector<1x16xf32>,
          %get3A_2775 = vector.shape_cast %get3A_2774 : vector<1x16xf32> to vector<16xf32>
          %get3A_2776 = arith.constant 3 : i32
          %get3A_2777 = arith.index_cast %get3A_2776 : i32 to index
          %get3A_2778 = arith.constant 176 : index
          %get3A_2779 = tpu.vector_load %arg6[%get3A_2777, %get3A_2778] {strides = array<i32>} : memref<16x256xf32, #tpu.memory_space<vmem>>, vector<1x16xf32>,
          %get3A_2780 = vector.shape_cast %get3A_2779 : vector<1x16xf32> to vector<16xf32>
          %get3A_2781 = arith.constant 4 : i32
          %get3A_2782 = arith.index_cast %get3A_2781 : i32 to index
          %get3A_2783 = arith.constant 176 : index
          %get3A_2784 = tpu.vector_load %arg6[%get3A_2782, %get3A_2783] {strides = array<i32>} : memref<16x256xf32, #tpu.memory_space<vmem>>, vector<1x16xf32>,
          %get3A_2785 = vector.shape_cast %get3A_2784 : vector<1x16xf32> to vector<16xf32>
          %get3A_2786 = arith.constant 5 : i32
          %get3A_2787 = arith.index_cast %get3A_2786 : i32 to index
          %get3A_2788 = arith.constant 176 : index
          %get3A_2789 = tpu.vector_load %arg6[%get3A_2787, %get3A_2788] {strides = array<i32>} : memref<16x256xf32, #tpu.memory_space<vmem>>, vector<1x16xf32>,
          %get3A_2790 = vector.shape_cast %get3A_2789 : vector<1x16xf32> to vector<16xf32>
          %get3A_2791 = arith.constant 6 : i32
          %get3A_2792 = arith.index_cast %get3A_2791 : i32 to index
          %get3A_2793 = arith.constant 176 : index
          %get3A_2794 = tpu.vector_load %arg6[%get3A_2792, %get3A_2793] {strides = array<i32>} : memref<16x256xf32, #tpu.memory_space<vmem>>, vector<1x16xf32>,
          %get3A_2795 = vector.shape_cast %get3A_2794 : vector<1x16xf32> to vector<16xf32>
          %get3A_2796 = arith.constant 7 : i32
          %get3A_2797 = arith.index_cast %get3A_2796 : i32 to index
          %get3A_2798 = arith.constant 176 : index
          %get3A_2799 = tpu.vector_load %arg6[%get3A_2797, %get3A_2798] {strides = array<i32>} : memref<16x256xf32, #tpu.memory_space<vmem>>, vector<1x16xf32>,
          %get3A_2800 = vector.shape_cast %get3A_2799 : vector<1x16xf32> to vector<16xf32>
          %get3A_2801 = arith.constant 8 : i32
          %get3A_2802 = arith.index_cast %get3A_2801 : i32 to index
          %get3A_2803 = arith.constant 176 : index
          %get3A_2804 = tpu.vector_load %arg6[%get3A_2802, %get3A_2803] {strides = array<i32>} : memref<16x256xf32, #tpu.memory_space<vmem>>, vector<1x16xf32>,
          %get3A_2805 = vector.shape_cast %get3A_2804 : vector<1x16xf32> to vector<16xf32>
          %get3A_2806 = arith.constant 9 : i32
          %get3A_2807 = arith.index_cast %get3A_2806 : i32 to index
          %get3A_2808 = arith.constant 176 : index
          %get3A_2809 = tpu.vector_load %arg6[%get3A_2807, %get3A_2808] {strides = array<i32>} : memref<16x256xf32, #tpu.memory_space<vmem>>, vector<1x16xf32>,
          %get3A_2810 = vector.shape_cast %get3A_2809 : vector<1x16xf32> to vector<16xf32>
          %get3A_2811 = arith.constant 10 : i32
          %get3A_2812 = arith.index_cast %get3A_2811 : i32 to index
          %get3A_2813 = arith.constant 176 : index
          %get3A_2814 = tpu.vector_load %arg6[%get3A_2812, %get3A_2813] {strides = array<i32>} : memref<16x256xf32, #tpu.memory_space<vmem>>, vector<1x16xf32>,
          %get3A_2815 = vector.shape_cast %get3A_2814 : vector<1x16xf32> to vector<16xf32>
          %get3A_2816 = arith.constant 11 : i32
          %get3A_2817 = arith.index_cast %get3A_2816 : i32 to index
          %get3A_2818 = arith.constant 176 : index
          %get3A_2819 = tpu.vector_load %arg6[%get3A_2817, %get3A_2818] {strides = array<i32>} : memref<16x256xf32, #tpu.memory_space<vmem>>, vector<1x16xf32>,
          %get3A_2820 = vector.shape_cast %get3A_2819 : vector<1x16xf32> to vector<16xf32>
          %get3A_2821 = arith.constant 12 : i32
          %get3A_2822 = arith.index_cast %get3A_2821 : i32 to index
          %get3A_2823 = arith.constant 176 : index
          %get3A_2824 = tpu.vector_load %arg6[%get3A_2822, %get3A_2823] {strides = array<i32>} : memref<16x256xf32, #tpu.memory_space<vmem>>, vector<1x16xf32>,
          %get3A_2825 = vector.shape_cast %get3A_2824 : vector<1x16xf32> to vector<16xf32>
          %get3A_2826 = arith.constant 13 : i32
          %get3A_2827 = arith.index_cast %get3A_2826 : i32 to index
          %get3A_2828 = arith.constant 176 : index
          %get3A_2829 = tpu.vector_load %arg6[%get3A_2827, %get3A_2828] {strides = array<i32>} : memref<16x256xf32, #tpu.memory_space<vmem>>, vector<1x16xf32>,
          %get3A_2830 = vector.shape_cast %get3A_2829 : vector<1x16xf32> to vector<16xf32>
          %get3A_2831 = arith.constant 14 : i32
          %get3A_2832 = arith.index_cast %get3A_2831 : i32 to index
          %get3A_2833 = arith.constant 176 : index
          %get3A_2834 = tpu.vector_load %arg6[%get3A_2832, %get3A_2833] {strides = array<i32>} : memref<16x256xf32, #tpu.memory_space<vmem>>, vector<1x16xf32>,
          %get3A_2835 = vector.shape_cast %get3A_2834 : vector<1x16xf32> to vector<16xf32>
          %get3A_2836 = arith.constant 15 : i32
          %get3A_2837 = arith.index_cast %get3A_2836 : i32 to index
          %get3A_2838 = arith.constant 176 : index
          %get3A_2839 = tpu.vector_load %arg6[%get3A_2837, %get3A_2838] {strides = array<i32>} : memref<16x256xf32, #tpu.memory_space<vmem>>, vector<1x16xf32>,
          %get3A_2840 = vector.shape_cast %get3A_2839 : vector<1x16xf32> to vector<16xf32>
          %max3A_2841 = arith.maximumf %get3A_2765, %get3A_2770 : vector<16xf32>
          %max3A_2842 = arith.maximumf %get3A_2775, %get3A_2780 : vector<16xf32>
          %max3A_2843 = arith.maximumf %get3A_2785, %get3A_2790 : vector<16xf32>
          %max3A_2844 = arith.maximumf %get3A_2795, %get3A_2800 : vector<16xf32>
          %max3A_2845 = arith.maximumf %get3A_2805, %get3A_2810 : vector<16xf32>
          %max3A_2846 = arith.maximumf %get3A_2815, %get3A_2820 : vector<16xf32>
          %max3A_2847 = arith.maximumf %get3A_2825, %get3A_2830 : vector<16xf32>
          %max3A_2848 = arith.maximumf %get3A_2835, %get3A_2840 : vector<16xf32>
          %max3A_2849 = arith.maximumf %max3A_2841, %max3A_2842 : vector<16xf32>
          %max3A_2850 = arith.maximumf %max3A_2843, %max3A_2844 : vector<16xf32>
          %max3A_2851 = arith.maximumf %max3A_2845, %max3A_2846 : vector<16xf32>
          %max3A_2852 = arith.maximumf %max3A_2847, %max3A_2848 : vector<16xf32>
          %max3A_2853 = arith.maximumf %max3A_2849, %max3A_2850 : vector<16xf32>
          %max3A_2854 = arith.maximumf %max3A_2851, %max3A_2852 : vector<16xf32>
          %max3A_2855 = arith.maximumf %max3A_2853, %max3A_2854 : vector<16xf32>
          %swap3A_2856 = arith.index_cast %mul3A_1645 : i32 to index
          %swap3A_2857 = arith.constant 176 : index
          %swap3A_2858 = tpu.vector_load %arg8[%swap3A_2856, %swap3A_2857] {strides = array<i32>} : memref<49x256xf32, #tpu.memory_space<vmem>>, vector<1x16xf32>,
          %swap3A_2859 = vector.shape_cast %swap3A_2858 : vector<1x16xf32> to vector<16xf32>
          %swap3A_2860 = vector.shape_cast %max3A_2855 : vector<16xf32> to vector<1x16xf32>
          tpu.vector_store %arg8[%swap3A_2856, %swap3A_2857], %swap3A_2860 {strides = array<i32>} : memref<49x256xf32, #tpu.memory_space<vmem>>, vector<1x16xf32>,
          %get3A_2861 = arith.constant 0 : i32
          %get3A_2862 = arith.index_cast %get3A_2861 : i32 to index
          %get3A_2863 = arith.constant 192 : index
          %get3A_2864 = tpu.vector_load %arg6[%get3A_2862, %get3A_2863] {strides = array<i32>} : memref<16x256xf32, #tpu.memory_space<vmem>>, vector<1x16xf32>,
          %get3A_2865 = vector.shape_cast %get3A_2864 : vector<1x16xf32> to vector<16xf32>
          %get3A_2866 = arith.constant 1 : i32
          %get3A_2867 = arith.index_cast %get3A_2866 : i32 to index
          %get3A_2868 = arith.constant 192 : index
          %get3A_2869 = tpu.vector_load %arg6[%get3A_2867, %get3A_2868] {strides = array<i32>} : memref<16x256xf32, #tpu.memory_space<vmem>>, vector<1x16xf32>,
          %get3A_2870 = vector.shape_cast %get3A_2869 : vector<1x16xf32> to vector<16xf32>
          %get3A_2871 = arith.constant 2 : i32
          %get3A_2872 = arith.index_cast %get3A_2871 : i32 to index
          %get3A_2873 = arith.constant 192 : index
          %get3A_2874 = tpu.vector_load %arg6[%get3A_2872, %get3A_2873] {strides = array<i32>} : memref<16x256xf32, #tpu.memory_space<vmem>>, vector<1x16xf32>,
          %get3A_2875 = vector.shape_cast %get3A_2874 : vector<1x16xf32> to vector<16xf32>
          %get3A_2876 = arith.constant 3 : i32
          %get3A_2877 = arith.index_cast %get3A_2876 : i32 to index
          %get3A_2878 = arith.constant 192 : index
          %get3A_2879 = tpu.vector_load %arg6[%get3A_2877, %get3A_2878] {strides = array<i32>} : memref<16x256xf32, #tpu.memory_space<vmem>>, vector<1x16xf32>,
          %get3A_2880 = vector.shape_cast %get3A_2879 : vector<1x16xf32> to vector<16xf32>
          %get3A_2881 = arith.constant 4 : i32
          %get3A_2882 = arith.index_cast %get3A_2881 : i32 to index
          %get3A_2883 = arith.constant 192 : index
          %get3A_2884 = tpu.vector_load %arg6[%get3A_2882, %get3A_2883] {strides = array<i32>} : memref<16x256xf32, #tpu.memory_space<vmem>>, vector<1x16xf32>,
          %get3A_2885 = vector.shape_cast %get3A_2884 : vector<1x16xf32> to vector<16xf32>
          %get3A_2886 = arith.constant 5 : i32
          %get3A_2887 = arith.index_cast %get3A_2886 : i32 to index
          %get3A_2888 = arith.constant 192 : index
          %get3A_2889 = tpu.vector_load %arg6[%get3A_2887, %get3A_2888] {strides = array<i32>} : memref<16x256xf32, #tpu.memory_space<vmem>>, vector<1x16xf32>,
          %get3A_2890 = vector.shape_cast %get3A_2889 : vector<1x16xf32> to vector<16xf32>
          %get3A_2891 = arith.constant 6 : i32
          %get3A_2892 = arith.index_cast %get3A_2891 : i32 to index
          %get3A_2893 = arith.constant 192 : index
          %get3A_2894 = tpu.vector_load %arg6[%get3A_2892, %get3A_2893] {strides = array<i32>} : memref<16x256xf32, #tpu.memory_space<vmem>>, vector<1x16xf32>,
          %get3A_2895 = vector.shape_cast %get3A_2894 : vector<1x16xf32> to vector<16xf32>
          %get3A_2896 = arith.constant 7 : i32
          %get3A_2897 = arith.index_cast %get3A_2896 : i32 to index
          %get3A_2898 = arith.constant 192 : index
          %get3A_2899 = tpu.vector_load %arg6[%get3A_2897, %get3A_2898] {strides = array<i32>} : memref<16x256xf32, #tpu.memory_space<vmem>>, vector<1x16xf32>,
          %get3A_2900 = vector.shape_cast %get3A_2899 : vector<1x16xf32> to vector<16xf32>
          %get3A_2901 = arith.constant 8 : i32
          %get3A_2902 = arith.index_cast %get3A_2901 : i32 to index
          %get3A_2903 = arith.constant 192 : index
          %get3A_2904 = tpu.vector_load %arg6[%get3A_2902, %get3A_2903] {strides = array<i32>} : memref<16x256xf32, #tpu.memory_space<vmem>>, vector<1x16xf32>,
          %get3A_2905 = vector.shape_cast %get3A_2904 : vector<1x16xf32> to vector<16xf32>
          %get3A_2906 = arith.constant 9 : i32
          %get3A_2907 = arith.index_cast %get3A_2906 : i32 to index
          %get3A_2908 = arith.constant 192 : index
          %get3A_2909 = tpu.vector_load %arg6[%get3A_2907, %get3A_2908] {strides = array<i32>} : memref<16x256xf32, #tpu.memory_space<vmem>>, vector<1x16xf32>,
          %get3A_2910 = vector.shape_cast %get3A_2909 : vector<1x16xf32> to vector<16xf32>
          %get3A_2911 = arith.constant 10 : i32
          %get3A_2912 = arith.index_cast %get3A_2911 : i32 to index
          %get3A_2913 = arith.constant 192 : index
          %get3A_2914 = tpu.vector_load %arg6[%get3A_2912, %get3A_2913] {strides = array<i32>} : memref<16x256xf32, #tpu.memory_space<vmem>>, vector<1x16xf32>,
          %get3A_2915 = vector.shape_cast %get3A_2914 : vector<1x16xf32> to vector<16xf32>
          %get3A_2916 = arith.constant 11 : i32
          %get3A_2917 = arith.index_cast %get3A_2916 : i32 to index
          %get3A_2918 = arith.constant 192 : index
          %get3A_2919 = tpu.vector_load %arg6[%get3A_2917, %get3A_2918] {strides = array<i32>} : memref<16x256xf32, #tpu.memory_space<vmem>>, vector<1x16xf32>,
          %get3A_2920 = vector.shape_cast %get3A_2919 : vector<1x16xf32> to vector<16xf32>
          %get3A_2921 = arith.constant 12 : i32
          %get3A_2922 = arith.index_cast %get3A_2921 : i32 to index
          %get3A_2923 = arith.constant 192 : index
          %get3A_2924 = tpu.vector_load %arg6[%get3A_2922, %get3A_2923] {strides = array<i32>} : memref<16x256xf32, #tpu.memory_space<vmem>>, vector<1x16xf32>,
          %get3A_2925 = vector.shape_cast %get3A_2924 : vector<1x16xf32> to vector<16xf32>
          %get3A_2926 = arith.constant 13 : i32
          %get3A_2927 = arith.index_cast %get3A_2926 : i32 to index
          %get3A_2928 = arith.constant 192 : index
          %get3A_2929 = tpu.vector_load %arg6[%get3A_2927, %get3A_2928] {strides = array<i32>} : memref<16x256xf32, #tpu.memory_space<vmem>>, vector<1x16xf32>,
          %get3A_2930 = vector.shape_cast %get3A_2929 : vector<1x16xf32> to vector<16xf32>
          %get3A_2931 = arith.constant 14 : i32
          %get3A_2932 = arith.index_cast %get3A_2931 : i32 to index
          %get3A_2933 = arith.constant 192 : index
          %get3A_2934 = tpu.vector_load %arg6[%get3A_2932, %get3A_2933] {strides = array<i32>} : memref<16x256xf32, #tpu.memory_space<vmem>>, vector<1x16xf32>,
          %get3A_2935 = vector.shape_cast %get3A_2934 : vector<1x16xf32> to vector<16xf32>
          %get3A_2936 = arith.constant 15 : i32
          %get3A_2937 = arith.index_cast %get3A_2936 : i32 to index
          %get3A_2938 = arith.constant 192 : index
          %get3A_2939 = tpu.vector_load %arg6[%get3A_2937, %get3A_2938] {strides = array<i32>} : memref<16x256xf32, #tpu.memory_space<vmem>>, vector<1x16xf32>,
          %get3A_2940 = vector.shape_cast %get3A_2939 : vector<1x16xf32> to vector<16xf32>
          %max3A_2941 = arith.maximumf %get3A_2865, %get3A_2870 : vector<16xf32>
          %max3A_2942 = arith.maximumf %get3A_2875, %get3A_2880 : vector<16xf32>
          %max3A_2943 = arith.maximumf %get3A_2885, %get3A_2890 : vector<16xf32>
          %max3A_2944 = arith.maximumf %get3A_2895, %get3A_2900 : vector<16xf32>
          %max3A_2945 = arith.maximumf %get3A_2905, %get3A_2910 : vector<16xf32>
          %max3A_2946 = arith.maximumf %get3A_2915, %get3A_2920 : vector<16xf32>
          %max3A_2947 = arith.maximumf %get3A_2925, %get3A_2930 : vector<16xf32>
          %max3A_2948 = arith.maximumf %get3A_2935, %get3A_2940 : vector<16xf32>
          %max3A_2949 = arith.maximumf %max3A_2941, %max3A_2942 : vector<16xf32>
          %max3A_2950 = arith.maximumf %max3A_2943, %max3A_2944 : vector<16xf32>
          %max3A_2951 = arith.maximumf %max3A_2945, %max3A_2946 : vector<16xf32>
          %max3A_2952 = arith.maximumf %max3A_2947, %max3A_2948 : vector<16xf32>
          %max3A_2953 = arith.maximumf %max3A_2949, %max3A_2950 : vector<16xf32>
          %max3A_2954 = arith.maximumf %max3A_2951, %max3A_2952 : vector<16xf32>
          %max3A_2955 = arith.maximumf %max3A_2953, %max3A_2954 : vector<16xf32>
          %swap3A_2956 = arith.index_cast %mul3A_1645 : i32 to index
          %swap3A_2957 = arith.constant 192 : index
          %swap3A_2958 = tpu.vector_load %arg8[%swap3A_2956, %swap3A_2957] {strides = array<i32>} : memref<49x256xf32, #tpu.memory_space<vmem>>, vector<1x16xf32>,
          %swap3A_2959 = vector.shape_cast %swap3A_2958 : vector<1x16xf32> to vector<16xf32>
          %swap3A_2960 = vector.shape_cast %max3A_2955 : vector<16xf32> to vector<1x16xf32>
          tpu.vector_store %arg8[%swap3A_2956, %swap3A_2957], %swap3A_2960 {strides = array<i32>} : memref<49x256xf32, #tpu.memory_space<vmem>>, vector<1x16xf32>,
          %get3A_2961 = arith.constant 0 : i32
          %get3A_2962 = arith.index_cast %get3A_2961 : i32 to index
          %get3A_2963 = arith.constant 208 : index
          %get3A_2964 = tpu.vector_load %arg6[%get3A_2962, %get3A_2963] {strides = array<i32>} : memref<16x256xf32, #tpu.memory_space<vmem>>, vector<1x16xf32>,
          %get3A_2965 = vector.shape_cast %get3A_2964 : vector<1x16xf32> to vector<16xf32>
          %get3A_2966 = arith.constant 1 : i32
          %get3A_2967 = arith.index_cast %get3A_2966 : i32 to index
          %get3A_2968 = arith.constant 208 : index
          %get3A_2969 = tpu.vector_load %arg6[%get3A_2967, %get3A_2968] {strides = array<i32>} : memref<16x256xf32, #tpu.memory_space<vmem>>, vector<1x16xf32>,
          %get3A_2970 = vector.shape_cast %get3A_2969 : vector<1x16xf32> to vector<16xf32>
          %get3A_2971 = arith.constant 2 : i32
          %get3A_2972 = arith.index_cast %get3A_2971 : i32 to index
          %get3A_2973 = arith.constant 208 : index
          %get3A_2974 = tpu.vector_load %arg6[%get3A_2972, %get3A_2973] {strides = array<i32>} : memref<16x256xf32, #tpu.memory_space<vmem>>, vector<1x16xf32>,
          %get3A_2975 = vector.shape_cast %get3A_2974 : vector<1x16xf32> to vector<16xf32>
          %get3A_2976 = arith.constant 3 : i32
          %get3A_2977 = arith.index_cast %get3A_2976 : i32 to index
          %get3A_2978 = arith.constant 208 : index
          %get3A_2979 = tpu.vector_load %arg6[%get3A_2977, %get3A_2978] {strides = array<i32>} : memref<16x256xf32, #tpu.memory_space<vmem>>, vector<1x16xf32>,
          %get3A_2980 = vector.shape_cast %get3A_2979 : vector<1x16xf32> to vector<16xf32>
          %get3A_2981 = arith.constant 4 : i32
          %get3A_2982 = arith.index_cast %get3A_2981 : i32 to index
          %get3A_2983 = arith.constant 208 : index
          %get3A_2984 = tpu.vector_load %arg6[%get3A_2982, %get3A_2983] {strides = array<i32>} : memref<16x256xf32, #tpu.memory_space<vmem>>, vector<1x16xf32>,
          %get3A_2985 = vector.shape_cast %get3A_2984 : vector<1x16xf32> to vector<16xf32>
          %get3A_2986 = arith.constant 5 : i32
          %get3A_2987 = arith.index_cast %get3A_2986 : i32 to index
          %get3A_2988 = arith.constant 208 : index
          %get3A_2989 = tpu.vector_load %arg6[%get3A_2987, %get3A_2988] {strides = array<i32>} : memref<16x256xf32, #tpu.memory_space<vmem>>, vector<1x16xf32>,
          %get3A_2990 = vector.shape_cast %get3A_2989 : vector<1x16xf32> to vector<16xf32>
          %get3A_2991 = arith.constant 6 : i32
          %get3A_2992 = arith.index_cast %get3A_2991 : i32 to index
          %get3A_2993 = arith.constant 208 : index
          %get3A_2994 = tpu.vector_load %arg6[%get3A_2992, %get3A_2993] {strides = array<i32>} : memref<16x256xf32, #tpu.memory_space<vmem>>, vector<1x16xf32>,
          %get3A_2995 = vector.shape_cast %get3A_2994 : vector<1x16xf32> to vector<16xf32>
          %get3A_2996 = arith.constant 7 : i32
          %get3A_2997 = arith.index_cast %get3A_2996 : i32 to index
          %get3A_2998 = arith.constant 208 : index
          %get3A_2999 = tpu.vector_load %arg6[%get3A_2997, %get3A_2998] {strides = array<i32>} : memref<16x256xf32, #tpu.memory_space<vmem>>, vector<1x16xf32>,
          %get3A_3000 = vector.shape_cast %get3A_2999 : vector<1x16xf32> to vector<16xf32>
          %get3A_3001 = arith.constant 8 : i32
          %get3A_3002 = arith.index_cast %get3A_3001 : i32 to index
          %get3A_3003 = arith.constant 208 : index
          %get3A_3004 = tpu.vector_load %arg6[%get3A_3002, %get3A_3003] {strides = array<i32>} : memref<16x256xf32, #tpu.memory_space<vmem>>, vector<1x16xf32>,
          %get3A_3005 = vector.shape_cast %get3A_3004 : vector<1x16xf32> to vector<16xf32>
          %get3A_3006 = arith.constant 9 : i32
          %get3A_3007 = arith.index_cast %get3A_3006 : i32 to index
          %get3A_3008 = arith.constant 208 : index
          %get3A_3009 = tpu.vector_load %arg6[%get3A_3007, %get3A_3008] {strides = array<i32>} : memref<16x256xf32, #tpu.memory_space<vmem>>, vector<1x16xf32>,
          %get3A_3010 = vector.shape_cast %get3A_3009 : vector<1x16xf32> to vector<16xf32>
          %get3A_3011 = arith.constant 10 : i32
          %get3A_3012 = arith.index_cast %get3A_3011 : i32 to index
          %get3A_3013 = arith.constant 208 : index
          %get3A_3014 = tpu.vector_load %arg6[%get3A_3012, %get3A_3013] {strides = array<i32>} : memref<16x256xf32, #tpu.memory_space<vmem>>, vector<1x16xf32>,
          %get3A_3015 = vector.shape_cast %get3A_3014 : vector<1x16xf32> to vector<16xf32>
          %get3A_3016 = arith.constant 11 : i32
          %get3A_3017 = arith.index_cast %get3A_3016 : i32 to index
          %get3A_3018 = arith.constant 208 : index
          %get3A_3019 = tpu.vector_load %arg6[%get3A_3017, %get3A_3018] {strides = array<i32>} : memref<16x256xf32, #tpu.memory_space<vmem>>, vector<1x16xf32>,
          %get3A_3020 = vector.shape_cast %get3A_3019 : vector<1x16xf32> to vector<16xf32>
          %get3A_3021 = arith.constant 12 : i32
          %get3A_3022 = arith.index_cast %get3A_3021 : i32 to index
          %get3A_3023 = arith.constant 208 : index
          %get3A_3024 = tpu.vector_load %arg6[%get3A_3022, %get3A_3023] {strides = array<i32>} : memref<16x256xf32, #tpu.memory_space<vmem>>, vector<1x16xf32>,
          %get3A_3025 = vector.shape_cast %get3A_3024 : vector<1x16xf32> to vector<16xf32>
          %get3A_3026 = arith.constant 13 : i32
          %get3A_3027 = arith.index_cast %get3A_3026 : i32 to index
          %get3A_3028 = arith.constant 208 : index
          %get3A_3029 = tpu.vector_load %arg6[%get3A_3027, %get3A_3028] {strides = array<i32>} : memref<16x256xf32, #tpu.memory_space<vmem>>, vector<1x16xf32>,
          %get3A_3030 = vector.shape_cast %get3A_3029 : vector<1x16xf32> to vector<16xf32>
          %get3A_3031 = arith.constant 14 : i32
          %get3A_3032 = arith.index_cast %get3A_3031 : i32 to index
          %get3A_3033 = arith.constant 208 : index
          %get3A_3034 = tpu.vector_load %arg6[%get3A_3032, %get3A_3033] {strides = array<i32>} : memref<16x256xf32, #tpu.memory_space<vmem>>, vector<1x16xf32>,
          %get3A_3035 = vector.shape_cast %get3A_3034 : vector<1x16xf32> to vector<16xf32>
          %get3A_3036 = arith.constant 15 : i32
          %get3A_3037 = arith.index_cast %get3A_3036 : i32 to index
          %get3A_3038 = arith.constant 208 : index
          %get3A_3039 = tpu.vector_load %arg6[%get3A_3037, %get3A_3038] {strides = array<i32>} : memref<16x256xf32, #tpu.memory_space<vmem>>, vector<1x16xf32>,
          %get3A_3040 = vector.shape_cast %get3A_3039 : vector<1x16xf32> to vector<16xf32>
          %max3A_3041 = arith.maximumf %get3A_2965, %get3A_2970 : vector<16xf32>
          %max3A_3042 = arith.maximumf %get3A_2975, %get3A_2980 : vector<16xf32>
          %max3A_3043 = arith.maximumf %get3A_2985, %get3A_2990 : vector<16xf32>
          %max3A_3044 = arith.maximumf %get3A_2995, %get3A_3000 : vector<16xf32>
          %max3A_3045 = arith.maximumf %get3A_3005, %get3A_3010 : vector<16xf32>
          %max3A_3046 = arith.maximumf %get3A_3015, %get3A_3020 : vector<16xf32>
          %max3A_3047 = arith.maximumf %get3A_3025, %get3A_3030 : vector<16xf32>
          %max3A_3048 = arith.maximumf %get3A_3035, %get3A_3040 : vector<16xf32>
          %max3A_3049 = arith.maximumf %max3A_3041, %max3A_3042 : vector<16xf32>
          %max3A_3050 = arith.maximumf %max3A_3043, %max3A_3044 : vector<16xf32>
          %max3A_3051 = arith.maximumf %max3A_3045, %max3A_3046 : vector<16xf32>
          %max3A_3052 = arith.maximumf %max3A_3047, %max3A_3048 : vector<16xf32>
          %max3A_3053 = arith.maximumf %max3A_3049, %max3A_3050 : vector<16xf32>
          %max3A_3054 = arith.maximumf %max3A_3051, %max3A_3052 : vector<16xf32>
          %max3A_3055 = arith.maximumf %max3A_3053, %max3A_3054 : vector<16xf32>
          %swap3A_3056 = arith.index_cast %mul3A_1645 : i32 to index
          %swap3A_3057 = arith.constant 208 : index
          %swap3A_3058 = tpu.vector_load %arg8[%swap3A_3056, %swap3A_3057] {strides = array<i32>} : memref<49x256xf32, #tpu.memory_space<vmem>>, vector<1x16xf32>,
          %swap3A_3059 = vector.shape_cast %swap3A_3058 : vector<1x16xf32> to vector<16xf32>
          %swap3A_3060 = vector.shape_cast %max3A_3055 : vector<16xf32> to vector<1x16xf32>
          tpu.vector_store %arg8[%swap3A_3056, %swap3A_3057], %swap3A_3060 {strides = array<i32>} : memref<49x256xf32, #tpu.memory_space<vmem>>, vector<1x16xf32>,
          %get3A_3061 = arith.constant 0 : i32
          %get3A_3062 = arith.index_cast %get3A_3061 : i32 to index
          %get3A_3063 = arith.constant 224 : index
          %get3A_3064 = tpu.vector_load %arg6[%get3A_3062, %get3A_3063] {strides = array<i32>} : memref<16x256xf32, #tpu.memory_space<vmem>>, vector<1x16xf32>,
          %get3A_3065 = vector.shape_cast %get3A_3064 : vector<1x16xf32> to vector<16xf32>
          %get3A_3066 = arith.constant 1 : i32
          %get3A_3067 = arith.index_cast %get3A_3066 : i32 to index
          %get3A_3068 = arith.constant 224 : index
          %get3A_3069 = tpu.vector_load %arg6[%get3A_3067, %get3A_3068] {strides = array<i32>} : memref<16x256xf32, #tpu.memory_space<vmem>>, vector<1x16xf32>,
          %get3A_3070 = vector.shape_cast %get3A_3069 : vector<1x16xf32> to vector<16xf32>
          %get3A_3071 = arith.constant 2 : i32
          %get3A_3072 = arith.index_cast %get3A_3071 : i32 to index
          %get3A_3073 = arith.constant 224 : index
          %get3A_3074 = tpu.vector_load %arg6[%get3A_3072, %get3A_3073] {strides = array<i32>} : memref<16x256xf32, #tpu.memory_space<vmem>>, vector<1x16xf32>,
          %get3A_3075 = vector.shape_cast %get3A_3074 : vector<1x16xf32> to vector<16xf32>
          %get3A_3076 = arith.constant 3 : i32
          %get3A_3077 = arith.index_cast %get3A_3076 : i32 to index
          %get3A_3078 = arith.constant 224 : index
          %get3A_3079 = tpu.vector_load %arg6[%get3A_3077, %get3A_3078] {strides = array<i32>} : memref<16x256xf32, #tpu.memory_space<vmem>>, vector<1x16xf32>,
          %get3A_3080 = vector.shape_cast %get3A_3079 : vector<1x16xf32> to vector<16xf32>
          %get3A_3081 = arith.constant 4 : i32
          %get3A_3082 = arith.index_cast %get3A_3081 : i32 to index
          %get3A_3083 = arith.constant 224 : index
          %get3A_3084 = tpu.vector_load %arg6[%get3A_3082, %get3A_3083] {strides = array<i32>} : memref<16x256xf32, #tpu.memory_space<vmem>>, vector<1x16xf32>,
          %get3A_3085 = vector.shape_cast %get3A_3084 : vector<1x16xf32> to vector<16xf32>
          %get3A_3086 = arith.constant 5 : i32
          %get3A_3087 = arith.index_cast %get3A_3086 : i32 to index
          %get3A_3088 = arith.constant 224 : index
          %get3A_3089 = tpu.vector_load %arg6[%get3A_3087, %get3A_3088] {strides = array<i32>} : memref<16x256xf32, #tpu.memory_space<vmem>>, vector<1x16xf32>,
          %get3A_3090 = vector.shape_cast %get3A_3089 : vector<1x16xf32> to vector<16xf32>
          %get3A_3091 = arith.constant 6 : i32
          %get3A_3092 = arith.index_cast %get3A_3091 : i32 to index
          %get3A_3093 = arith.constant 224 : index
          %get3A_3094 = tpu.vector_load %arg6[%get3A_3092, %get3A_3093] {strides = array<i32>} : memref<16x256xf32, #tpu.memory_space<vmem>>, vector<1x16xf32>,
          %get3A_3095 = vector.shape_cast %get3A_3094 : vector<1x16xf32> to vector<16xf32>
          %get3A_3096 = arith.constant 7 : i32
          %get3A_3097 = arith.index_cast %get3A_3096 : i32 to index
          %get3A_3098 = arith.constant 224 : index
          %get3A_3099 = tpu.vector_load %arg6[%get3A_3097, %get3A_3098] {strides = array<i32>} : memref<16x256xf32, #tpu.memory_space<vmem>>, vector<1x16xf32>,
          %get3A_3100 = vector.shape_cast %get3A_3099 : vector<1x16xf32> to vector<16xf32>
          %get3A_3101 = arith.constant 8 : i32
          %get3A_3102 = arith.index_cast %get3A_3101 : i32 to index
          %get3A_3103 = arith.constant 224 : index
          %get3A_3104 = tpu.vector_load %arg6[%get3A_3102, %get3A_3103] {strides = array<i32>} : memref<16x256xf32, #tpu.memory_space<vmem>>, vector<1x16xf32>,
          %get3A_3105 = vector.shape_cast %get3A_3104 : vector<1x16xf32> to vector<16xf32>
          %get3A_3106 = arith.constant 9 : i32
          %get3A_3107 = arith.index_cast %get3A_3106 : i32 to index
          %get3A_3108 = arith.constant 224 : index
          %get3A_3109 = tpu.vector_load %arg6[%get3A_3107, %get3A_3108] {strides = array<i32>} : memref<16x256xf32, #tpu.memory_space<vmem>>, vector<1x16xf32>,
          %get3A_3110 = vector.shape_cast %get3A_3109 : vector<1x16xf32> to vector<16xf32>
          %get3A_3111 = arith.constant 10 : i32
          %get3A_3112 = arith.index_cast %get3A_3111 : i32 to index
          %get3A_3113 = arith.constant 224 : index
          %get3A_3114 = tpu.vector_load %arg6[%get3A_3112, %get3A_3113] {strides = array<i32>} : memref<16x256xf32, #tpu.memory_space<vmem>>, vector<1x16xf32>,
          %get3A_3115 = vector.shape_cast %get3A_3114 : vector<1x16xf32> to vector<16xf32>
          %get3A_3116 = arith.constant 11 : i32
          %get3A_3117 = arith.index_cast %get3A_3116 : i32 to index
          %get3A_3118 = arith.constant 224 : index
          %get3A_3119 = tpu.vector_load %arg6[%get3A_3117, %get3A_3118] {strides = array<i32>} : memref<16x256xf32, #tpu.memory_space<vmem>>, vector<1x16xf32>,
          %get3A_3120 = vector.shape_cast %get3A_3119 : vector<1x16xf32> to vector<16xf32>
          %get3A_3121 = arith.constant 12 : i32
          %get3A_3122 = arith.index_cast %get3A_3121 : i32 to index
          %get3A_3123 = arith.constant 224 : index
          %get3A_3124 = tpu.vector_load %arg6[%get3A_3122, %get3A_3123] {strides = array<i32>} : memref<16x256xf32, #tpu.memory_space<vmem>>, vector<1x16xf32>,
          %get3A_3125 = vector.shape_cast %get3A_3124 : vector<1x16xf32> to vector<16xf32>
          %get3A_3126 = arith.constant 13 : i32
          %get3A_3127 = arith.index_cast %get3A_3126 : i32 to index
          %get3A_3128 = arith.constant 224 : index
          %get3A_3129 = tpu.vector_load %arg6[%get3A_3127, %get3A_3128] {strides = array<i32>} : memref<16x256xf32, #tpu.memory_space<vmem>>, vector<1x16xf32>,
          %get3A_3130 = vector.shape_cast %get3A_3129 : vector<1x16xf32> to vector<16xf32>
          %get3A_3131 = arith.constant 14 : i32
          %get3A_3132 = arith.index_cast %get3A_3131 : i32 to index
          %get3A_3133 = arith.constant 224 : index
          %get3A_3134 = tpu.vector_load %arg6[%get3A_3132, %get3A_3133] {strides = array<i32>} : memref<16x256xf32, #tpu.memory_space<vmem>>, vector<1x16xf32>,
          %get3A_3135 = vector.shape_cast %get3A_3134 : vector<1x16xf32> to vector<16xf32>
          %get3A_3136 = arith.constant 15 : i32
          %get3A_3137 = arith.index_cast %get3A_3136 : i32 to index
          %get3A_3138 = arith.constant 224 : index
          %get3A_3139 = tpu.vector_load %arg6[%get3A_3137, %get3A_3138] {strides = array<i32>} : memref<16x256xf32, #tpu.memory_space<vmem>>, vector<1x16xf32>,
          %get3A_3140 = vector.shape_cast %get3A_3139 : vector<1x16xf32> to vector<16xf32>
          %max3A_3141 = arith.maximumf %get3A_3065, %get3A_3070 : vector<16xf32>
          %max3A_3142 = arith.maximumf %get3A_3075, %get3A_3080 : vector<16xf32>
          %max3A_3143 = arith.maximumf %get3A_3085, %get3A_3090 : vector<16xf32>
          %max3A_3144 = arith.maximumf %get3A_3095, %get3A_3100 : vector<16xf32>
          %max3A_3145 = arith.maximumf %get3A_3105, %get3A_3110 : vector<16xf32>
          %max3A_3146 = arith.maximumf %get3A_3115, %get3A_3120 : vector<16xf32>
          %max3A_3147 = arith.maximumf %get3A_3125, %get3A_3130 : vector<16xf32>
          %max3A_3148 = arith.maximumf %get3A_3135, %get3A_3140 : vector<16xf32>
          %max3A_3149 = arith.maximumf %max3A_3141, %max3A_3142 : vector<16xf32>
          %max3A_3150 = arith.maximumf %max3A_3143, %max3A_3144 : vector<16xf32>
          %max3A_3151 = arith.maximumf %max3A_3145, %max3A_3146 : vector<16xf32>
          %max3A_3152 = arith.maximumf %max3A_3147, %max3A_3148 : vector<16xf32>
          %max3A_3153 = arith.maximumf %max3A_3149, %max3A_3150 : vector<16xf32>
          %max3A_3154 = arith.maximumf %max3A_3151, %max3A_3152 : vector<16xf32>
          %max3A_3155 = arith.maximumf %max3A_3153, %max3A_3154 : vector<16xf32>
          %swap3A_3156 = arith.index_cast %mul3A_1645 : i32 to index
          %swap3A_3157 = arith.constant 224 : index
          %swap3A_3158 = tpu.vector_load %arg8[%swap3A_3156, %swap3A_3157] {strides = array<i32>} : memref<49x256xf32, #tpu.memory_space<vmem>>, vector<1x16xf32>,
          %swap3A_3159 = vector.shape_cast %swap3A_3158 : vector<1x16xf32> to vector<16xf32>
          %swap3A_3160 = vector.shape_cast %max3A_3155 : vector<16xf32> to vector<1x16xf32>
          tpu.vector_store %arg8[%swap3A_3156, %swap3A_3157], %swap3A_3160 {strides = array<i32>} : memref<49x256xf32, #tpu.memory_space<vmem>>, vector<1x16xf32>,
          %get3A_3161 = arith.constant 0 : i32
          %get3A_3162 = arith.index_cast %get3A_3161 : i32 to index
          %get3A_3163 = arith.constant 240 : index
          %get3A_3164 = tpu.vector_load %arg6[%get3A_3162, %get3A_3163] {strides = array<i32>} : memref<16x256xf32, #tpu.memory_space<vmem>>, vector<1x16xf32>,
          %get3A_3165 = vector.shape_cast %get3A_3164 : vector<1x16xf32> to vector<16xf32>
          %get3A_3166 = arith.constant 1 : i32
          %get3A_3167 = arith.index_cast %get3A_3166 : i32 to index
          %get3A_3168 = arith.constant 240 : index
          %get3A_3169 = tpu.vector_load %arg6[%get3A_3167, %get3A_3168] {strides = array<i32>} : memref<16x256xf32, #tpu.memory_space<vmem>>, vector<1x16xf32>,
          %get3A_3170 = vector.shape_cast %get3A_3169 : vector<1x16xf32> to vector<16xf32>
          %get3A_3171 = arith.constant 2 : i32
          %get3A_3172 = arith.index_cast %get3A_3171 : i32 to index
          %get3A_3173 = arith.constant 240 : index
          %get3A_3174 = tpu.vector_load %arg6[%get3A_3172, %get3A_3173] {strides = array<i32>} : memref<16x256xf32, #tpu.memory_space<vmem>>, vector<1x16xf32>,
          %get3A_3175 = vector.shape_cast %get3A_3174 : vector<1x16xf32> to vector<16xf32>
          %get3A_3176 = arith.constant 3 : i32
          %get3A_3177 = arith.index_cast %get3A_3176 : i32 to index
          %get3A_3178 = arith.constant 240 : index
          %get3A_3179 = tpu.vector_load %arg6[%get3A_3177, %get3A_3178] {strides = array<i32>} : memref<16x256xf32, #tpu.memory_space<vmem>>, vector<1x16xf32>,
          %get3A_3180 = vector.shape_cast %get3A_3179 : vector<1x16xf32> to vector<16xf32>
          %get3A_3181 = arith.constant 4 : i32
          %get3A_3182 = arith.index_cast %get3A_3181 : i32 to index
          %get3A_3183 = arith.constant 240 : index
          %get3A_3184 = tpu.vector_load %arg6[%get3A_3182, %get3A_3183] {strides = array<i32>} : memref<16x256xf32, #tpu.memory_space<vmem>>, vector<1x16xf32>,
          %get3A_3185 = vector.shape_cast %get3A_3184 : vector<1x16xf32> to vector<16xf32>
          %get3A_3186 = arith.constant 5 : i32
          %get3A_3187 = arith.index_cast %get3A_3186 : i32 to index
          %get3A_3188 = arith.constant 240 : index
          %get3A_3189 = tpu.vector_load %arg6[%get3A_3187, %get3A_3188] {strides = array<i32>} : memref<16x256xf32, #tpu.memory_space<vmem>>, vector<1x16xf32>,
          %get3A_3190 = vector.shape_cast %get3A_3189 : vector<1x16xf32> to vector<16xf32>
          %get3A_3191 = arith.constant 6 : i32
          %get3A_3192 = arith.index_cast %get3A_3191 : i32 to index
          %get3A_3193 = arith.constant 240 : index
          %get3A_3194 = tpu.vector_load %arg6[%get3A_3192, %get3A_3193] {strides = array<i32>} : memref<16x256xf32, #tpu.memory_space<vmem>>, vector<1x16xf32>,
          %get3A_3195 = vector.shape_cast %get3A_3194 : vector<1x16xf32> to vector<16xf32>
          %get3A_3196 = arith.constant 7 : i32
          %get3A_3197 = arith.index_cast %get3A_3196 : i32 to index
          %get3A_3198 = arith.constant 240 : index
          %get3A_3199 = tpu.vector_load %arg6[%get3A_3197, %get3A_3198] {strides = array<i32>} : memref<16x256xf32, #tpu.memory_space<vmem>>, vector<1x16xf32>,
          %get3A_3200 = vector.shape_cast %get3A_3199 : vector<1x16xf32> to vector<16xf32>
          %get3A_3201 = arith.constant 8 : i32
          %get3A_3202 = arith.index_cast %get3A_3201 : i32 to index
          %get3A_3203 = arith.constant 240 : index
          %get3A_3204 = tpu.vector_load %arg6[%get3A_3202, %get3A_3203] {strides = array<i32>} : memref<16x256xf32, #tpu.memory_space<vmem>>, vector<1x16xf32>,
          %get3A_3205 = vector.shape_cast %get3A_3204 : vector<1x16xf32> to vector<16xf32>
          %get3A_3206 = arith.constant 9 : i32
          %get3A_3207 = arith.index_cast %get3A_3206 : i32 to index
          %get3A_3208 = arith.constant 240 : index
          %get3A_3209 = tpu.vector_load %arg6[%get3A_3207, %get3A_3208] {strides = array<i32>} : memref<16x256xf32, #tpu.memory_space<vmem>>, vector<1x16xf32>,
          %get3A_3210 = vector.shape_cast %get3A_3209 : vector<1x16xf32> to vector<16xf32>
          %get3A_3211 = arith.constant 10 : i32
          %get3A_3212 = arith.index_cast %get3A_3211 : i32 to index
          %get3A_3213 = arith.constant 240 : index
          %get3A_3214 = tpu.vector_load %arg6[%get3A_3212, %get3A_3213] {strides = array<i32>} : memref<16x256xf32, #tpu.memory_space<vmem>>, vector<1x16xf32>,
          %get3A_3215 = vector.shape_cast %get3A_3214 : vector<1x16xf32> to vector<16xf32>
          %get3A_3216 = arith.constant 11 : i32
          %get3A_3217 = arith.index_cast %get3A_3216 : i32 to index
          %get3A_3218 = arith.constant 240 : index
          %get3A_3219 = tpu.vector_load %arg6[%get3A_3217, %get3A_3218] {strides = array<i32>} : memref<16x256xf32, #tpu.memory_space<vmem>>, vector<1x16xf32>,
          %get3A_3220 = vector.shape_cast %get3A_3219 : vector<1x16xf32> to vector<16xf32>
          %get3A_3221 = arith.constant 12 : i32
          %get3A_3222 = arith.index_cast %get3A_3221 : i32 to index
          %get3A_3223 = arith.constant 240 : index
          %get3A_3224 = tpu.vector_load %arg6[%get3A_3222, %get3A_3223] {strides = array<i32>} : memref<16x256xf32, #tpu.memory_space<vmem>>, vector<1x16xf32>,
          %get3A_3225 = vector.shape_cast %get3A_3224 : vector<1x16xf32> to vector<16xf32>
          %get3A_3226 = arith.constant 13 : i32
          %get3A_3227 = arith.index_cast %get3A_3226 : i32 to index
          %get3A_3228 = arith.constant 240 : index
          %get3A_3229 = tpu.vector_load %arg6[%get3A_3227, %get3A_3228] {strides = array<i32>} : memref<16x256xf32, #tpu.memory_space<vmem>>, vector<1x16xf32>,
          %get3A_3230 = vector.shape_cast %get3A_3229 : vector<1x16xf32> to vector<16xf32>
          %get3A_3231 = arith.constant 14 : i32
          %get3A_3232 = arith.index_cast %get3A_3231 : i32 to index
          %get3A_3233 = arith.constant 240 : index
          %get3A_3234 = tpu.vector_load %arg6[%get3A_3232, %get3A_3233] {strides = array<i32>} : memref<16x256xf32, #tpu.memory_space<vmem>>, vector<1x16xf32>,
          %get3A_3235 = vector.shape_cast %get3A_3234 : vector<1x16xf32> to vector<16xf32>
          %get3A_3236 = arith.constant 15 : i32
          %get3A_3237 = arith.index_cast %get3A_3236 : i32 to index
          %get3A_3238 = arith.constant 240 : index
          %get3A_3239 = tpu.vector_load %arg6[%get3A_3237, %get3A_3238] {strides = array<i32>} : memref<16x256xf32, #tpu.memory_space<vmem>>, vector<1x16xf32>,
          %get3A_3240 = vector.shape_cast %get3A_3239 : vector<1x16xf32> to vector<16xf32>
          %max3A_3241 = arith.maximumf %get3A_3165, %get3A_3170 : vector<16xf32>
          %max3A_3242 = arith.maximumf %get3A_3175, %get3A_3180 : vector<16xf32>
          %max3A_3243 = arith.maximumf %get3A_3185, %get3A_3190 : vector<16xf32>
          %max3A_3244 = arith.maximumf %get3A_3195, %get3A_3200 : vector<16xf32>
          %max3A_3245 = arith.maximumf %get3A_3205, %get3A_3210 : vector<16xf32>
          %max3A_3246 = arith.maximumf %get3A_3215, %get3A_3220 : vector<16xf32>
          %max3A_3247 = arith.maximumf %get3A_3225, %get3A_3230 : vector<16xf32>
          %max3A_3248 = arith.maximumf %get3A_3235, %get3A_3240 : vector<16xf32>
          %max3A_3249 = arith.maximumf %max3A_3241, %max3A_3242 : vector<16xf32>
          %max3A_3250 = arith.maximumf %max3A_3243, %max3A_3244 : vector<16xf32>
          %max3A_3251 = arith.maximumf %max3A_3245, %max3A_3246 : vector<16xf32>
          %max3A_3252 = arith.maximumf %max3A_3247, %max3A_3248 : vector<16xf32>
          %max3A_3253 = arith.maximumf %max3A_3249, %max3A_3250 : vector<16xf32>
          %max3A_3254 = arith.maximumf %max3A_3251, %max3A_3252 : vector<16xf32>
          %max3A_3255 = arith.maximumf %max3A_3253, %max3A_3254 : vector<16xf32>
          %swap3A_3256 = arith.index_cast %mul3A_1645 : i32 to index
          %swap3A_3257 = arith.constant 240 : index
          %swap3A_3258 = tpu.vector_load %arg8[%swap3A_3256, %swap3A_3257] {strides = array<i32>} : memref<49x256xf32, #tpu.memory_space<vmem>>, vector<1x16xf32>,
          %swap3A_3259 = vector.shape_cast %swap3A_3258 : vector<1x16xf32> to vector<16xf32>
          %swap3A_3260 = vector.shape_cast %max3A_3255 : vector<16xf32> to vector<1x16xf32>
          tpu.vector_store %arg8[%swap3A_3256, %swap3A_3257], %swap3A_3260 {strides = array<i32>} : memref<49x256xf32, #tpu.memory_space<vmem>>, vector<1x16xf32>,
          %add3A_3261 = arith.constant 2 : i32
          %add3A_3262 = arith.addi %mul3A_1645, %add3A_3261 : i32
          %dma_start3A_3263 = arith.constant 0 : i32
          %dma_start3A_3264 = tpu.memref_slice %arg5[%add3A_3262, %dma_start3A_3263] : memref<49x16xi32, #tpu.memory_space<vmem>> -> memref<1x16xi32, #tpu.memory_space<vmem>>
          %dma_start3A_3265 = tpu.memref_squeeze %dma_start3A_3264 : memref<1x16xi32, #tpu.memory_space<vmem>> -> memref<16xi32, #tpu.memory_space<vmem>>
          %dma_start3A_3266 = arith.constant 0 : i32
          %dma_start3A_3267 = arith.constant 0 : i32
          %dma_start3A_3268 = tpu.memref_slice %arg2[%dma_start3A_3266, %dma_start3A_3267] : memref<5008x256xf32, #tpu.memory_space<hbm>> -> memref<5008x256xf32, #tpu.memory_space<hbm>>
          tpu.enqueue_indirect_dma source(%dma_start3A_3268 : memref<5008x256xf32, #tpu.memory_space<hbm>>) target(%arg6 : memref<16x256xf32, #tpu.memory_space<vmem>>) offsets(%dma_start3A_3265 : memref<16xi32, #tpu.memory_space<vmem>>) semaphore(%arg9 : memref<!tpu.dma_semaphore, #tpu.memory_space<semaphore_mem>>)
          %dma_wait3A_3269 = arith.constant 0 : i32
          %dma_wait3A_3270 = arith.constant 0 : i32
          %dma_wait3A_3271 = tpu.memref_slice %arg5[%dma_wait3A_3269, %dma_wait3A_3270] : memref<49x16xi32, #tpu.memory_space<vmem>> -> memref<1x16xi32, #tpu.memory_space<vmem>>
          %dma_wait3A_3272 = tpu.memref_squeeze %dma_wait3A_3271 : memref<1x16xi32, #tpu.memory_space<vmem>> -> memref<16xi32, #tpu.memory_space<vmem>>
          %dma_wait3A_3273 = arith.constant 0 : i32
          %dma_wait3A_3274 = arith.constant 0 : i32
          %dma_wait3A_3275 = tpu.memref_slice %arg2[%dma_wait3A_3273, %dma_wait3A_3274] : memref<5008x256xf32, #tpu.memory_space<hbm>> -> memref<5008x256xf32, #tpu.memory_space<hbm>>
          tpu.wait_indirect_dma semaphore(%arg10 : memref<!tpu.dma_semaphore, #tpu.memory_space<semaphore_mem>>) src(%dma_wait3A_3275 : memref<5008x256xf32, #tpu.memory_space<hbm>>) dst(%arg7 : memref<16x256xf32, #tpu.memory_space<vmem>>)
          %add3A_3276 = arith.constant 1 : i32
          %add3A_3277 = arith.addi %mul3A_1645, %add3A_3276 : i32
          %get3A_3278 = arith.constant 0 : i32
          %get3A_3279 = arith.index_cast %get3A_3278 : i32 to index
          %get3A_3280 = arith.constant 0 : index
          %get3A_3281 = tpu.vector_load %arg7[%get3A_3279, %get3A_3280] {strides = array<i32>} : memref<16x256xf32, #tpu.memory_space<vmem>>, vector<1x16xf32>,
          %get3A_3282 = vector.shape_cast %get3A_3281 : vector<1x16xf32> to vector<16xf32>
          %get3A_3283 = arith.constant 1 : i32
          %get3A_3284 = arith.index_cast %get3A_3283 : i32 to index
          %get3A_3285 = arith.constant 0 : index
          %get3A_3286 = tpu.vector_load %arg7[%get3A_3284, %get3A_3285] {strides = array<i32>} : memref<16x256xf32, #tpu.memory_space<vmem>>, vector<1x16xf32>,
          %get3A_3287 = vector.shape_cast %get3A_3286 : vector<1x16xf32> to vector<16xf32>
          %get3A_3288 = arith.constant 2 : i32
          %get3A_3289 = arith.index_cast %get3A_3288 : i32 to index
          %get3A_3290 = arith.constant 0 : index
          %get3A_3291 = tpu.vector_load %arg7[%get3A_3289, %get3A_3290] {strides = array<i32>} : memref<16x256xf32, #tpu.memory_space<vmem>>, vector<1x16xf32>,
          %get3A_3292 = vector.shape_cast %get3A_3291 : vector<1x16xf32> to vector<16xf32>
          %get3A_3293 = arith.constant 3 : i32
          %get3A_3294 = arith.index_cast %get3A_3293 : i32 to index
          %get3A_3295 = arith.constant 0 : index
          %get3A_3296 = tpu.vector_load %arg7[%get3A_3294, %get3A_3295] {strides = array<i32>} : memref<16x256xf32, #tpu.memory_space<vmem>>, vector<1x16xf32>,
          %get3A_3297 = vector.shape_cast %get3A_3296 : vector<1x16xf32> to vector<16xf32>
          %get3A_3298 = arith.constant 4 : i32
          %get3A_3299 = arith.index_cast %get3A_3298 : i32 to index
          %get3A_3300 = arith.constant 0 : index
          %get3A_3301 = tpu.vector_load %arg7[%get3A_3299, %get3A_3300] {strides = array<i32>} : memref<16x256xf32, #tpu.memory_space<vmem>>, vector<1x16xf32>,
          %get3A_3302 = vector.shape_cast %get3A_3301 : vector<1x16xf32> to vector<16xf32>
          %get3A_3303 = arith.constant 5 : i32
          %get3A_3304 = arith.index_cast %get3A_3303 : i32 to index
          %get3A_3305 = arith.constant 0 : index
          %get3A_3306 = tpu.vector_load %arg7[%get3A_3304, %get3A_3305] {strides = array<i32>} : memref<16x256xf32, #tpu.memory_space<vmem>>, vector<1x16xf32>,
          %get3A_3307 = vector.shape_cast %get3A_3306 : vector<1x16xf32> to vector<16xf32>
          %get3A_3308 = arith.constant 6 : i32
          %get3A_3309 = arith.index_cast %get3A_3308 : i32 to index
          %get3A_3310 = arith.constant 0 : index
          %get3A_3311 = tpu.vector_load %arg7[%get3A_3309, %get3A_3310] {strides = array<i32>} : memref<16x256xf32, #tpu.memory_space<vmem>>, vector<1x16xf32>,
          %get3A_3312 = vector.shape_cast %get3A_3311 : vector<1x16xf32> to vector<16xf32>
          %get3A_3313 = arith.constant 7 : i32
          %get3A_3314 = arith.index_cast %get3A_3313 : i32 to index
          %get3A_3315 = arith.constant 0 : index
          %get3A_3316 = tpu.vector_load %arg7[%get3A_3314, %get3A_3315] {strides = array<i32>} : memref<16x256xf32, #tpu.memory_space<vmem>>, vector<1x16xf32>,
          %get3A_3317 = vector.shape_cast %get3A_3316 : vector<1x16xf32> to vector<16xf32>
          %get3A_3318 = arith.constant 8 : i32
          %get3A_3319 = arith.index_cast %get3A_3318 : i32 to index
          %get3A_3320 = arith.constant 0 : index
          %get3A_3321 = tpu.vector_load %arg7[%get3A_3319, %get3A_3320] {strides = array<i32>} : memref<16x256xf32, #tpu.memory_space<vmem>>, vector<1x16xf32>,
          %get3A_3322 = vector.shape_cast %get3A_3321 : vector<1x16xf32> to vector<16xf32>
          %get3A_3323 = arith.constant 9 : i32
          %get3A_3324 = arith.index_cast %get3A_3323 : i32 to index
          %get3A_3325 = arith.constant 0 : index
          %get3A_3326 = tpu.vector_load %arg7[%get3A_3324, %get3A_3325] {strides = array<i32>} : memref<16x256xf32, #tpu.memory_space<vmem>>, vector<1x16xf32>,
          %get3A_3327 = vector.shape_cast %get3A_3326 : vector<1x16xf32> to vector<16xf32>
          %get3A_3328 = arith.constant 10 : i32
          %get3A_3329 = arith.index_cast %get3A_3328 : i32 to index
          %get3A_3330 = arith.constant 0 : index
          %get3A_3331 = tpu.vector_load %arg7[%get3A_3329, %get3A_3330] {strides = array<i32>} : memref<16x256xf32, #tpu.memory_space<vmem>>, vector<1x16xf32>,
          %get3A_3332 = vector.shape_cast %get3A_3331 : vector<1x16xf32> to vector<16xf32>
          %get3A_3333 = arith.constant 11 : i32
          %get3A_3334 = arith.index_cast %get3A_3333 : i32 to index
          %get3A_3335 = arith.constant 0 : index
          %get3A_3336 = tpu.vector_load %arg7[%get3A_3334, %get3A_3335] {strides = array<i32>} : memref<16x256xf32, #tpu.memory_space<vmem>>, vector<1x16xf32>,
          %get3A_3337 = vector.shape_cast %get3A_3336 : vector<1x16xf32> to vector<16xf32>
          %get3A_3338 = arith.constant 12 : i32
          %get3A_3339 = arith.index_cast %get3A_3338 : i32 to index
          %get3A_3340 = arith.constant 0 : index
          %get3A_3341 = tpu.vector_load %arg7[%get3A_3339, %get3A_3340] {strides = array<i32>} : memref<16x256xf32, #tpu.memory_space<vmem>>, vector<1x16xf32>,
          %get3A_3342 = vector.shape_cast %get3A_3341 : vector<1x16xf32> to vector<16xf32>
          %get3A_3343 = arith.constant 13 : i32
          %get3A_3344 = arith.index_cast %get3A_3343 : i32 to index
          %get3A_3345 = arith.constant 0 : index
          %get3A_3346 = tpu.vector_load %arg7[%get3A_3344, %get3A_3345] {strides = array<i32>} : memref<16x256xf32, #tpu.memory_space<vmem>>, vector<1x16xf32>,
          %get3A_3347 = vector.shape_cast %get3A_3346 : vector<1x16xf32> to vector<16xf32>
          %get3A_3348 = arith.constant 14 : i32
          %get3A_3349 = arith.index_cast %get3A_3348 : i32 to index
          %get3A_3350 = arith.constant 0 : index
          %get3A_3351 = tpu.vector_load %arg7[%get3A_3349, %get3A_3350] {strides = array<i32>} : memref<16x256xf32, #tpu.memory_space<vmem>>, vector<1x16xf32>,
          %get3A_3352 = vector.shape_cast %get3A_3351 : vector<1x16xf32> to vector<16xf32>
          %get3A_3353 = arith.constant 15 : i32
          %get3A_3354 = arith.index_cast %get3A_3353 : i32 to index
          %get3A_3355 = arith.constant 0 : index
          %get3A_3356 = tpu.vector_load %arg7[%get3A_3354, %get3A_3355] {strides = array<i32>} : memref<16x256xf32, #tpu.memory_space<vmem>>, vector<1x16xf32>,
          %get3A_3357 = vector.shape_cast %get3A_3356 : vector<1x16xf32> to vector<16xf32>
          %max3A_3358 = arith.maximumf %get3A_3282, %get3A_3287 : vector<16xf32>
          %max3A_3359 = arith.maximumf %get3A_3292, %get3A_3297 : vector<16xf32>
          %max3A_3360 = arith.maximumf %get3A_3302, %get3A_3307 : vector<16xf32>
          %max3A_3361 = arith.maximumf %get3A_3312, %get3A_3317 : vector<16xf32>
          %max3A_3362 = arith.maximumf %get3A_3322, %get3A_3327 : vector<16xf32>
          %max3A_3363 = arith.maximumf %get3A_3332, %get3A_3337 : vector<16xf32>
          %max3A_3364 = arith.maximumf %get3A_3342, %get3A_3347 : vector<16xf32>
          %max3A_3365 = arith.maximumf %get3A_3352, %get3A_3357 : vector<16xf32>
          %max3A_3366 = arith.maximumf %max3A_3358, %max3A_3359 : vector<16xf32>
          %max3A_3367 = arith.maximumf %max3A_3360, %max3A_3361 : vector<16xf32>
          %max3A_3368 = arith.maximumf %max3A_3362, %max3A_3363 : vector<16xf32>
          %max3A_3369 = arith.maximumf %max3A_3364, %max3A_3365 : vector<16xf32>
          %max3A_3370 = arith.maximumf %max3A_3366, %max3A_3367 : vector<16xf32>
          %max3A_3371 = arith.maximumf %max3A_3368, %max3A_3369 : vector<16xf32>
          %max3A_3372 = arith.maximumf %max3A_3370, %max3A_3371 : vector<16xf32>
          %swap3A_3373 = arith.index_cast %add3A_3277 : i32 to index
          %swap3A_3374 = arith.constant 0 : index
          %swap3A_3375 = tpu.vector_load %arg8[%swap3A_3373, %swap3A_3374] {strides = array<i32>} : memref<49x256xf32, #tpu.memory_space<vmem>>, vector<1x16xf32>,
          %swap3A_3376 = vector.shape_cast %swap3A_3375 : vector<1x16xf32> to vector<16xf32>
          %swap3A_3377 = vector.shape_cast %max3A_3372 : vector<16xf32> to vector<1x16xf32>
          tpu.vector_store %arg8[%swap3A_3373, %swap3A_3374], %swap3A_3377 {strides = array<i32>} : memref<49x256xf32, #tpu.memory_space<vmem>>, vector<1x16xf32>,
          %get3A_3378 = arith.constant 0 : i32
          %get3A_3379 = arith.index_cast %get3A_3378 : i32 to index
          %get3A_3380 = arith.constant 16 : index
          %get3A_3381 = tpu.vector_load %arg7[%get3A_3379, %get3A_3380] {strides = array<i32>} : memref<16x256xf32, #tpu.memory_space<vmem>>, vector<1x16xf32>,
          %get3A_3382 = vector.shape_cast %get3A_3381 : vector<1x16xf32> to vector<16xf32>
          %get3A_3383 = arith.constant 1 : i32
          %get3A_3384 = arith.index_cast %get3A_3383 : i32 to index
          %get3A_3385 = arith.constant 16 : index
          %get3A_3386 = tpu.vector_load %arg7[%get3A_3384, %get3A_3385] {strides = array<i32>} : memref<16x256xf32, #tpu.memory_space<vmem>>, vector<1x16xf32>,
          %get3A_3387 = vector.shape_cast %get3A_3386 : vector<1x16xf32> to vector<16xf32>
          %get3A_3388 = arith.constant 2 : i32
          %get3A_3389 = arith.index_cast %get3A_3388 : i32 to index
          %get3A_3390 = arith.constant 16 : index
          %get3A_3391 = tpu.vector_load %arg7[%get3A_3389, %get3A_3390] {strides = array<i32>} : memref<16x256xf32, #tpu.memory_space<vmem>>, vector<1x16xf32>,
          %get3A_3392 = vector.shape_cast %get3A_3391 : vector<1x16xf32> to vector<16xf32>
          %get3A_3393 = arith.constant 3 : i32
          %get3A_3394 = arith.index_cast %get3A_3393 : i32 to index
          %get3A_3395 = arith.constant 16 : index
          %get3A_3396 = tpu.vector_load %arg7[%get3A_3394, %get3A_3395] {strides = array<i32>} : memref<16x256xf32, #tpu.memory_space<vmem>>, vector<1x16xf32>,
          %get3A_3397 = vector.shape_cast %get3A_3396 : vector<1x16xf32> to vector<16xf32>
          %get3A_3398 = arith.constant 4 : i32
          %get3A_3399 = arith.index_cast %get3A_3398 : i32 to index
          %get3A_3400 = arith.constant 16 : index
          %get3A_3401 = tpu.vector_load %arg7[%get3A_3399, %get3A_3400] {strides = array<i32>} : memref<16x256xf32, #tpu.memory_space<vmem>>, vector<1x16xf32>,
          %get3A_3402 = vector.shape_cast %get3A_3401 : vector<1x16xf32> to vector<16xf32>
          %get3A_3403 = arith.constant 5 : i32
          %get3A_3404 = arith.index_cast %get3A_3403 : i32 to index
          %get3A_3405 = arith.constant 16 : index
          %get3A_3406 = tpu.vector_load %arg7[%get3A_3404, %get3A_3405] {strides = array<i32>} : memref<16x256xf32, #tpu.memory_space<vmem>>, vector<1x16xf32>,
          %get3A_3407 = vector.shape_cast %get3A_3406 : vector<1x16xf32> to vector<16xf32>
          %get3A_3408 = arith.constant 6 : i32
          %get3A_3409 = arith.index_cast %get3A_3408 : i32 to index
          %get3A_3410 = arith.constant 16 : index
          %get3A_3411 = tpu.vector_load %arg7[%get3A_3409, %get3A_3410] {strides = array<i32>} : memref<16x256xf32, #tpu.memory_space<vmem>>, vector<1x16xf32>,
          %get3A_3412 = vector.shape_cast %get3A_3411 : vector<1x16xf32> to vector<16xf32>
          %get3A_3413 = arith.constant 7 : i32
          %get3A_3414 = arith.index_cast %get3A_3413 : i32 to index
          %get3A_3415 = arith.constant 16 : index
          %get3A_3416 = tpu.vector_load %arg7[%get3A_3414, %get3A_3415] {strides = array<i32>} : memref<16x256xf32, #tpu.memory_space<vmem>>, vector<1x16xf32>,
          %get3A_3417 = vector.shape_cast %get3A_3416 : vector<1x16xf32> to vector<16xf32>
          %get3A_3418 = arith.constant 8 : i32
          %get3A_3419 = arith.index_cast %get3A_3418 : i32 to index
          %get3A_3420 = arith.constant 16 : index
          %get3A_3421 = tpu.vector_load %arg7[%get3A_3419, %get3A_3420] {strides = array<i32>} : memref<16x256xf32, #tpu.memory_space<vmem>>, vector<1x16xf32>,
          %get3A_3422 = vector.shape_cast %get3A_3421 : vector<1x16xf32> to vector<16xf32>
          %get3A_3423 = arith.constant 9 : i32
          %get3A_3424 = arith.index_cast %get3A_3423 : i32 to index
          %get3A_3425 = arith.constant 16 : index
          %get3A_3426 = tpu.vector_load %arg7[%get3A_3424, %get3A_3425] {strides = array<i32>} : memref<16x256xf32, #tpu.memory_space<vmem>>, vector<1x16xf32>,
          %get3A_3427 = vector.shape_cast %get3A_3426 : vector<1x16xf32> to vector<16xf32>
          %get3A_3428 = arith.constant 10 : i32
          %get3A_3429 = arith.index_cast %get3A_3428 : i32 to index
          %get3A_3430 = arith.constant 16 : index
          %get3A_3431 = tpu.vector_load %arg7[%get3A_3429, %get3A_3430] {strides = array<i32>} : memref<16x256xf32, #tpu.memory_space<vmem>>, vector<1x16xf32>,
          %get3A_3432 = vector.shape_cast %get3A_3431 : vector<1x16xf32> to vector<16xf32>
          %get3A_3433 = arith.constant 11 : i32
          %get3A_3434 = arith.index_cast %get3A_3433 : i32 to index
          %get3A_3435 = arith.constant 16 : index
          %get3A_3436 = tpu.vector_load %arg7[%get3A_3434, %get3A_3435] {strides = array<i32>} : memref<16x256xf32, #tpu.memory_space<vmem>>, vector<1x16xf32>,
          %get3A_3437 = vector.shape_cast %get3A_3436 : vector<1x16xf32> to vector<16xf32>
          %get3A_3438 = arith.constant 12 : i32
          %get3A_3439 = arith.index_cast %get3A_3438 : i32 to index
          %get3A_3440 = arith.constant 16 : index
          %get3A_3441 = tpu.vector_load %arg7[%get3A_3439, %get3A_3440] {strides = array<i32>} : memref<16x256xf32, #tpu.memory_space<vmem>>, vector<1x16xf32>,
          %get3A_3442 = vector.shape_cast %get3A_3441 : vector<1x16xf32> to vector<16xf32>
          %get3A_3443 = arith.constant 13 : i32
          %get3A_3444 = arith.index_cast %get3A_3443 : i32 to index
          %get3A_3445 = arith.constant 16 : index
          %get3A_3446 = tpu.vector_load %arg7[%get3A_3444, %get3A_3445] {strides = array<i32>} : memref<16x256xf32, #tpu.memory_space<vmem>>, vector<1x16xf32>,
          %get3A_3447 = vector.shape_cast %get3A_3446 : vector<1x16xf32> to vector<16xf32>
          %get3A_3448 = arith.constant 14 : i32
          %get3A_3449 = arith.index_cast %get3A_3448 : i32 to index
          %get3A_3450 = arith.constant 16 : index
          %get3A_3451 = tpu.vector_load %arg7[%get3A_3449, %get3A_3450] {strides = array<i32>} : memref<16x256xf32, #tpu.memory_space<vmem>>, vector<1x16xf32>,
          %get3A_3452 = vector.shape_cast %get3A_3451 : vector<1x16xf32> to vector<16xf32>
          %get3A_3453 = arith.constant 15 : i32
          %get3A_3454 = arith.index_cast %get3A_3453 : i32 to index
          %get3A_3455 = arith.constant 16 : index
          %get3A_3456 = tpu.vector_load %arg7[%get3A_3454, %get3A_3455] {strides = array<i32>} : memref<16x256xf32, #tpu.memory_space<vmem>>, vector<1x16xf32>,
          %get3A_3457 = vector.shape_cast %get3A_3456 : vector<1x16xf32> to vector<16xf32>
          %max3A_3458 = arith.maximumf %get3A_3382, %get3A_3387 : vector<16xf32>
          %max3A_3459 = arith.maximumf %get3A_3392, %get3A_3397 : vector<16xf32>
          %max3A_3460 = arith.maximumf %get3A_3402, %get3A_3407 : vector<16xf32>
          %max3A_3461 = arith.maximumf %get3A_3412, %get3A_3417 : vector<16xf32>
          %max3A_3462 = arith.maximumf %get3A_3422, %get3A_3427 : vector<16xf32>
          %max3A_3463 = arith.maximumf %get3A_3432, %get3A_3437 : vector<16xf32>
          %max3A_3464 = arith.maximumf %get3A_3442, %get3A_3447 : vector<16xf32>
          %max3A_3465 = arith.maximumf %get3A_3452, %get3A_3457 : vector<16xf32>
          %max3A_3466 = arith.maximumf %max3A_3458, %max3A_3459 : vector<16xf32>
          %max3A_3467 = arith.maximumf %max3A_3460, %max3A_3461 : vector<16xf32>
          %max3A_3468 = arith.maximumf %max3A_3462, %max3A_3463 : vector<16xf32>
          %max3A_3469 = arith.maximumf %max3A_3464, %max3A_3465 : vector<16xf32>
          %max3A_3470 = arith.maximumf %max3A_3466, %max3A_3467 : vector<16xf32>
          %max3A_3471 = arith.maximumf %max3A_3468, %max3A_3469 : vector<16xf32>
          %max3A_3472 = arith.maximumf %max3A_3470, %max3A_3471 : vector<16xf32>
          %swap3A_3473 = arith.index_cast %add3A_3277 : i32 to index
          %swap3A_3474 = arith.constant 16 : index
          %swap3A_3475 = tpu.vector_load %arg8[%swap3A_3473, %swap3A_3474] {strides = array<i32>} : memref<49x256xf32, #tpu.memory_space<vmem>>, vector<1x16xf32>,
          %swap3A_3476 = vector.shape_cast %swap3A_3475 : vector<1x16xf32> to vector<16xf32>
          %swap3A_3477 = vector.shape_cast %max3A_3472 : vector<16xf32> to vector<1x16xf32>
          tpu.vector_store %arg8[%swap3A_3473, %swap3A_3474], %swap3A_3477 {strides = array<i32>} : memref<49x256xf32, #tpu.memory_space<vmem>>, vector<1x16xf32>,
          %get3A_3478 = arith.constant 0 : i32
          %get3A_3479 = arith.index_cast %get3A_3478 : i32 to index
          %get3A_3480 = arith.constant 32 : index
          %get3A_3481 = tpu.vector_load %arg7[%get3A_3479, %get3A_3480] {strides = array<i32>} : memref<16x256xf32, #tpu.memory_space<vmem>>, vector<1x16xf32>,
          %get3A_3482 = vector.shape_cast %get3A_3481 : vector<1x16xf32> to vector<16xf32>
          %get3A_3483 = arith.constant 1 : i32
          %get3A_3484 = arith.index_cast %get3A_3483 : i32 to index
          %get3A_3485 = arith.constant 32 : index
          %get3A_3486 = tpu.vector_load %arg7[%get3A_3484, %get3A_3485] {strides = array<i32>} : memref<16x256xf32, #tpu.memory_space<vmem>>, vector<1x16xf32>,
          %get3A_3487 = vector.shape_cast %get3A_3486 : vector<1x16xf32> to vector<16xf32>
          %get3A_3488 = arith.constant 2 : i32
          %get3A_3489 = arith.index_cast %get3A_3488 : i32 to index
          %get3A_3490 = arith.constant 32 : index
          %get3A_3491 = tpu.vector_load %arg7[%get3A_3489, %get3A_3490] {strides = array<i32>} : memref<16x256xf32, #tpu.memory_space<vmem>>, vector<1x16xf32>,
          %get3A_3492 = vector.shape_cast %get3A_3491 : vector<1x16xf32> to vector<16xf32>
          %get3A_3493 = arith.constant 3 : i32
          %get3A_3494 = arith.index_cast %get3A_3493 : i32 to index
          %get3A_3495 = arith.constant 32 : index
          %get3A_3496 = tpu.vector_load %arg7[%get3A_3494, %get3A_3495] {strides = array<i32>} : memref<16x256xf32, #tpu.memory_space<vmem>>, vector<1x16xf32>,
          %get3A_3497 = vector.shape_cast %get3A_3496 : vector<1x16xf32> to vector<16xf32>
          %get3A_3498 = arith.constant 4 : i32
          %get3A_3499 = arith.index_cast %get3A_3498 : i32 to index
          %get3A_3500 = arith.constant 32 : index
          %get3A_3501 = tpu.vector_load %arg7[%get3A_3499, %get3A_3500] {strides = array<i32>} : memref<16x256xf32, #tpu.memory_space<vmem>>, vector<1x16xf32>,
          %get3A_3502 = vector.shape_cast %get3A_3501 : vector<1x16xf32> to vector<16xf32>
          %get3A_3503 = arith.constant 5 : i32
          %get3A_3504 = arith.index_cast %get3A_3503 : i32 to index
          %get3A_3505 = arith.constant 32 : index
          %get3A_3506 = tpu.vector_load %arg7[%get3A_3504, %get3A_3505] {strides = array<i32>} : memref<16x256xf32, #tpu.memory_space<vmem>>, vector<1x16xf32>,
          %get3A_3507 = vector.shape_cast %get3A_3506 : vector<1x16xf32> to vector<16xf32>
          %get3A_3508 = arith.constant 6 : i32
          %get3A_3509 = arith.index_cast %get3A_3508 : i32 to index
          %get3A_3510 = arith.constant 32 : index
          %get3A_3511 = tpu.vector_load %arg7[%get3A_3509, %get3A_3510] {strides = array<i32>} : memref<16x256xf32, #tpu.memory_space<vmem>>, vector<1x16xf32>,
          %get3A_3512 = vector.shape_cast %get3A_3511 : vector<1x16xf32> to vector<16xf32>
          %get3A_3513 = arith.constant 7 : i32
          %get3A_3514 = arith.index_cast %get3A_3513 : i32 to index
          %get3A_3515 = arith.constant 32 : index
          %get3A_3516 = tpu.vector_load %arg7[%get3A_3514, %get3A_3515] {strides = array<i32>} : memref<16x256xf32, #tpu.memory_space<vmem>>, vector<1x16xf32>,
          %get3A_3517 = vector.shape_cast %get3A_3516 : vector<1x16xf32> to vector<16xf32>
          %get3A_3518 = arith.constant 8 : i32
          %get3A_3519 = arith.index_cast %get3A_3518 : i32 to index
          %get3A_3520 = arith.constant 32 : index
          %get3A_3521 = tpu.vector_load %arg7[%get3A_3519, %get3A_3520] {strides = array<i32>} : memref<16x256xf32, #tpu.memory_space<vmem>>, vector<1x16xf32>,
          %get3A_3522 = vector.shape_cast %get3A_3521 : vector<1x16xf32> to vector<16xf32>
          %get3A_3523 = arith.constant 9 : i32
          %get3A_3524 = arith.index_cast %get3A_3523 : i32 to index
          %get3A_3525 = arith.constant 32 : index
          %get3A_3526 = tpu.vector_load %arg7[%get3A_3524, %get3A_3525] {strides = array<i32>} : memref<16x256xf32, #tpu.memory_space<vmem>>, vector<1x16xf32>,
          %get3A_3527 = vector.shape_cast %get3A_3526 : vector<1x16xf32> to vector<16xf32>
          %get3A_3528 = arith.constant 10 : i32
          %get3A_3529 = arith.index_cast %get3A_3528 : i32 to index
          %get3A_3530 = arith.constant 32 : index
          %get3A_3531 = tpu.vector_load %arg7[%get3A_3529, %get3A_3530] {strides = array<i32>} : memref<16x256xf32, #tpu.memory_space<vmem>>, vector<1x16xf32>,
          %get3A_3532 = vector.shape_cast %get3A_3531 : vector<1x16xf32> to vector<16xf32>
          %get3A_3533 = arith.constant 11 : i32
          %get3A_3534 = arith.index_cast %get3A_3533 : i32 to index
          %get3A_3535 = arith.constant 32 : index
          %get3A_3536 = tpu.vector_load %arg7[%get3A_3534, %get3A_3535] {strides = array<i32>} : memref<16x256xf32, #tpu.memory_space<vmem>>, vector<1x16xf32>,
          %get3A_3537 = vector.shape_cast %get3A_3536 : vector<1x16xf32> to vector<16xf32>
          %get3A_3538 = arith.constant 12 : i32
          %get3A_3539 = arith.index_cast %get3A_3538 : i32 to index
          %get3A_3540 = arith.constant 32 : index
          %get3A_3541 = tpu.vector_load %arg7[%get3A_3539, %get3A_3540] {strides = array<i32>} : memref<16x256xf32, #tpu.memory_space<vmem>>, vector<1x16xf32>,
          %get3A_3542 = vector.shape_cast %get3A_3541 : vector<1x16xf32> to vector<16xf32>
          %get3A_3543 = arith.constant 13 : i32
          %get3A_3544 = arith.index_cast %get3A_3543 : i32 to index
          %get3A_3545 = arith.constant 32 : index
          %get3A_3546 = tpu.vector_load %arg7[%get3A_3544, %get3A_3545] {strides = array<i32>} : memref<16x256xf32, #tpu.memory_space<vmem>>, vector<1x16xf32>,
          %get3A_3547 = vector.shape_cast %get3A_3546 : vector<1x16xf32> to vector<16xf32>
          %get3A_3548 = arith.constant 14 : i32
          %get3A_3549 = arith.index_cast %get3A_3548 : i32 to index
          %get3A_3550 = arith.constant 32 : index
          %get3A_3551 = tpu.vector_load %arg7[%get3A_3549, %get3A_3550] {strides = array<i32>} : memref<16x256xf32, #tpu.memory_space<vmem>>, vector<1x16xf32>,
          %get3A_3552 = vector.shape_cast %get3A_3551 : vector<1x16xf32> to vector<16xf32>
          %get3A_3553 = arith.constant 15 : i32
          %get3A_3554 = arith.index_cast %get3A_3553 : i32 to index
          %get3A_3555 = arith.constant 32 : index
          %get3A_3556 = tpu.vector_load %arg7[%get3A_3554, %get3A_3555] {strides = array<i32>} : memref<16x256xf32, #tpu.memory_space<vmem>>, vector<1x16xf32>,
          %get3A_3557 = vector.shape_cast %get3A_3556 : vector<1x16xf32> to vector<16xf32>
          %max3A_3558 = arith.maximumf %get3A_3482, %get3A_3487 : vector<16xf32>
          %max3A_3559 = arith.maximumf %get3A_3492, %get3A_3497 : vector<16xf32>
          %max3A_3560 = arith.maximumf %get3A_3502, %get3A_3507 : vector<16xf32>
          %max3A_3561 = arith.maximumf %get3A_3512, %get3A_3517 : vector<16xf32>
          %max3A_3562 = arith.maximumf %get3A_3522, %get3A_3527 : vector<16xf32>
          %max3A_3563 = arith.maximumf %get3A_3532, %get3A_3537 : vector<16xf32>
          %max3A_3564 = arith.maximumf %get3A_3542, %get3A_3547 : vector<16xf32>
          %max3A_3565 = arith.maximumf %get3A_3552, %get3A_3557 : vector<16xf32>
          %max3A_3566 = arith.maximumf %max3A_3558, %max3A_3559 : vector<16xf32>
          %max3A_3567 = arith.maximumf %max3A_3560, %max3A_3561 : vector<16xf32>
          %max3A_3568 = arith.maximumf %max3A_3562, %max3A_3563 : vector<16xf32>
          %max3A_3569 = arith.maximumf %max3A_3564, %max3A_3565 : vector<16xf32>
          %max3A_3570 = arith.maximumf %max3A_3566, %max3A_3567 : vector<16xf32>
          %max3A_3571 = arith.maximumf %max3A_3568, %max3A_3569 : vector<16xf32>
          %max3A_3572 = arith.maximumf %max3A_3570, %max3A_3571 : vector<16xf32>
          %swap3A_3573 = arith.index_cast %add3A_3277 : i32 to index
          %swap3A_3574 = arith.constant 32 : index
          %swap3A_3575 = tpu.vector_load %arg8[%swap3A_3573, %swap3A_3574] {strides = array<i32>} : memref<49x256xf32, #tpu.memory_space<vmem>>, vector<1x16xf32>,
          %swap3A_3576 = vector.shape_cast %swap3A_3575 : vector<1x16xf32> to vector<16xf32>
          %swap3A_3577 = vector.shape_cast %max3A_3572 : vector<16xf32> to vector<1x16xf32>
          tpu.vector_store %arg8[%swap3A_3573, %swap3A_3574], %swap3A_3577 {strides = array<i32>} : memref<49x256xf32, #tpu.memory_space<vmem>>, vector<1x16xf32>,
          %get3A_3578 = arith.constant 0 : i32
          %get3A_3579 = arith.index_cast %get3A_3578 : i32 to index
          %get3A_3580 = arith.constant 48 : index
          %get3A_3581 = tpu.vector_load %arg7[%get3A_3579, %get3A_3580] {strides = array<i32>} : memref<16x256xf32, #tpu.memory_space<vmem>>, vector<1x16xf32>,
          %get3A_3582 = vector.shape_cast %get3A_3581 : vector<1x16xf32> to vector<16xf32>
          %get3A_3583 = arith.constant 1 : i32
          %get3A_3584 = arith.index_cast %get3A_3583 : i32 to index
          %get3A_3585 = arith.constant 48 : index
          %get3A_3586 = tpu.vector_load %arg7[%get3A_3584, %get3A_3585] {strides = array<i32>} : memref<16x256xf32, #tpu.memory_space<vmem>>, vector<1x16xf32>,
          %get3A_3587 = vector.shape_cast %get3A_3586 : vector<1x16xf32> to vector<16xf32>
          %get3A_3588 = arith.constant 2 : i32
          %get3A_3589 = arith.index_cast %get3A_3588 : i32 to index
          %get3A_3590 = arith.constant 48 : index
          %get3A_3591 = tpu.vector_load %arg7[%get3A_3589, %get3A_3590] {strides = array<i32>} : memref<16x256xf32, #tpu.memory_space<vmem>>, vector<1x16xf32>,
          %get3A_3592 = vector.shape_cast %get3A_3591 : vector<1x16xf32> to vector<16xf32>
          %get3A_3593 = arith.constant 3 : i32
          %get3A_3594 = arith.index_cast %get3A_3593 : i32 to index
          %get3A_3595 = arith.constant 48 : index
          %get3A_3596 = tpu.vector_load %arg7[%get3A_3594, %get3A_3595] {strides = array<i32>} : memref<16x256xf32, #tpu.memory_space<vmem>>, vector<1x16xf32>,
          %get3A_3597 = vector.shape_cast %get3A_3596 : vector<1x16xf32> to vector<16xf32>
          %get3A_3598 = arith.constant 4 : i32
          %get3A_3599 = arith.index_cast %get3A_3598 : i32 to index
          %get3A_3600 = arith.constant 48 : index
          %get3A_3601 = tpu.vector_load %arg7[%get3A_3599, %get3A_3600] {strides = array<i32>} : memref<16x256xf32, #tpu.memory_space<vmem>>, vector<1x16xf32>,
          %get3A_3602 = vector.shape_cast %get3A_3601 : vector<1x16xf32> to vector<16xf32>
          %get3A_3603 = arith.constant 5 : i32
          %get3A_3604 = arith.index_cast %get3A_3603 : i32 to index
          %get3A_3605 = arith.constant 48 : index
          %get3A_3606 = tpu.vector_load %arg7[%get3A_3604, %get3A_3605] {strides = array<i32>} : memref<16x256xf32, #tpu.memory_space<vmem>>, vector<1x16xf32>,
          %get3A_3607 = vector.shape_cast %get3A_3606 : vector<1x16xf32> to vector<16xf32>
          %get3A_3608 = arith.constant 6 : i32
          %get3A_3609 = arith.index_cast %get3A_3608 : i32 to index
          %get3A_3610 = arith.constant 48 : index
          %get3A_3611 = tpu.vector_load %arg7[%get3A_3609, %get3A_3610] {strides = array<i32>} : memref<16x256xf32, #tpu.memory_space<vmem>>, vector<1x16xf32>,
          %get3A_3612 = vector.shape_cast %get3A_3611 : vector<1x16xf32> to vector<16xf32>
          %get3A_3613 = arith.constant 7 : i32
          %get3A_3614 = arith.index_cast %get3A_3613 : i32 to index
          %get3A_3615 = arith.constant 48 : index
          %get3A_3616 = tpu.vector_load %arg7[%get3A_3614, %get3A_3615] {strides = array<i32>} : memref<16x256xf32, #tpu.memory_space<vmem>>, vector<1x16xf32>,
          %get3A_3617 = vector.shape_cast %get3A_3616 : vector<1x16xf32> to vector<16xf32>
          %get3A_3618 = arith.constant 8 : i32
          %get3A_3619 = arith.index_cast %get3A_3618 : i32 to index
          %get3A_3620 = arith.constant 48 : index
          %get3A_3621 = tpu.vector_load %arg7[%get3A_3619, %get3A_3620] {strides = array<i32>} : memref<16x256xf32, #tpu.memory_space<vmem>>, vector<1x16xf32>,
          %get3A_3622 = vector.shape_cast %get3A_3621 : vector<1x16xf32> to vector<16xf32>
          %get3A_3623 = arith.constant 9 : i32
          %get3A_3624 = arith.index_cast %get3A_3623 : i32 to index
          %get3A_3625 = arith.constant 48 : index
          %get3A_3626 = tpu.vector_load %arg7[%get3A_3624, %get3A_3625] {strides = array<i32>} : memref<16x256xf32, #tpu.memory_space<vmem>>, vector<1x16xf32>,
          %get3A_3627 = vector.shape_cast %get3A_3626 : vector<1x16xf32> to vector<16xf32>
          %get3A_3628 = arith.constant 10 : i32
          %get3A_3629 = arith.index_cast %get3A_3628 : i32 to index
          %get3A_3630 = arith.constant 48 : index
          %get3A_3631 = tpu.vector_load %arg7[%get3A_3629, %get3A_3630] {strides = array<i32>} : memref<16x256xf32, #tpu.memory_space<vmem>>, vector<1x16xf32>,
          %get3A_3632 = vector.shape_cast %get3A_3631 : vector<1x16xf32> to vector<16xf32>
          %get3A_3633 = arith.constant 11 : i32
          %get3A_3634 = arith.index_cast %get3A_3633 : i32 to index
          %get3A_3635 = arith.constant 48 : index
          %get3A_3636 = tpu.vector_load %arg7[%get3A_3634, %get3A_3635] {strides = array<i32>} : memref<16x256xf32, #tpu.memory_space<vmem>>, vector<1x16xf32>,
          %get3A_3637 = vector.shape_cast %get3A_3636 : vector<1x16xf32> to vector<16xf32>
          %get3A_3638 = arith.constant 12 : i32
          %get3A_3639 = arith.index_cast %get3A_3638 : i32 to index
          %get3A_3640 = arith.constant 48 : index
          %get3A_3641 = tpu.vector_load %arg7[%get3A_3639, %get3A_3640] {strides = array<i32>} : memref<16x256xf32, #tpu.memory_space<vmem>>, vector<1x16xf32>,
          %get3A_3642 = vector.shape_cast %get3A_3641 : vector<1x16xf32> to vector<16xf32>
          %get3A_3643 = arith.constant 13 : i32
          %get3A_3644 = arith.index_cast %get3A_3643 : i32 to index
          %get3A_3645 = arith.constant 48 : index
          %get3A_3646 = tpu.vector_load %arg7[%get3A_3644, %get3A_3645] {strides = array<i32>} : memref<16x256xf32, #tpu.memory_space<vmem>>, vector<1x16xf32>,
          %get3A_3647 = vector.shape_cast %get3A_3646 : vector<1x16xf32> to vector<16xf32>
          %get3A_3648 = arith.constant 14 : i32
          %get3A_3649 = arith.index_cast %get3A_3648 : i32 to index
          %get3A_3650 = arith.constant 48 : index
          %get3A_3651 = tpu.vector_load %arg7[%get3A_3649, %get3A_3650] {strides = array<i32>} : memref<16x256xf32, #tpu.memory_space<vmem>>, vector<1x16xf32>,
          %get3A_3652 = vector.shape_cast %get3A_3651 : vector<1x16xf32> to vector<16xf32>
          %get3A_3653 = arith.constant 15 : i32
          %get3A_3654 = arith.index_cast %get3A_3653 : i32 to index
          %get3A_3655 = arith.constant 48 : index
          %get3A_3656 = tpu.vector_load %arg7[%get3A_3654, %get3A_3655] {strides = array<i32>} : memref<16x256xf32, #tpu.memory_space<vmem>>, vector<1x16xf32>,
          %get3A_3657 = vector.shape_cast %get3A_3656 : vector<1x16xf32> to vector<16xf32>
          %max3A_3658 = arith.maximumf %get3A_3582, %get3A_3587 : vector<16xf32>
          %max3A_3659 = arith.maximumf %get3A_3592, %get3A_3597 : vector<16xf32>
          %max3A_3660 = arith.maximumf %get3A_3602, %get3A_3607 : vector<16xf32>
          %max3A_3661 = arith.maximumf %get3A_3612, %get3A_3617 : vector<16xf32>
          %max3A_3662 = arith.maximumf %get3A_3622, %get3A_3627 : vector<16xf32>
          %max3A_3663 = arith.maximumf %get3A_3632, %get3A_3637 : vector<16xf32>
          %max3A_3664 = arith.maximumf %get3A_3642, %get3A_3647 : vector<16xf32>
          %max3A_3665 = arith.maximumf %get3A_3652, %get3A_3657 : vector<16xf32>
          %max3A_3666 = arith.maximumf %max3A_3658, %max3A_3659 : vector<16xf32>
          %max3A_3667 = arith.maximumf %max3A_3660, %max3A_3661 : vector<16xf32>
          %max3A_3668 = arith.maximumf %max3A_3662, %max3A_3663 : vector<16xf32>
          %max3A_3669 = arith.maximumf %max3A_3664, %max3A_3665 : vector<16xf32>
          %max3A_3670 = arith.maximumf %max3A_3666, %max3A_3667 : vector<16xf32>
          %max3A_3671 = arith.maximumf %max3A_3668, %max3A_3669 : vector<16xf32>
          %max3A_3672 = arith.maximumf %max3A_3670, %max3A_3671 : vector<16xf32>
          %swap3A_3673 = arith.index_cast %add3A_3277 : i32 to index
          %swap3A_3674 = arith.constant 48 : index
          %swap3A_3675 = tpu.vector_load %arg8[%swap3A_3673, %swap3A_3674] {strides = array<i32>} : memref<49x256xf32, #tpu.memory_space<vmem>>, vector<1x16xf32>,
          %swap3A_3676 = vector.shape_cast %swap3A_3675 : vector<1x16xf32> to vector<16xf32>
          %swap3A_3677 = vector.shape_cast %max3A_3672 : vector<16xf32> to vector<1x16xf32>
          tpu.vector_store %arg8[%swap3A_3673, %swap3A_3674], %swap3A_3677 {strides = array<i32>} : memref<49x256xf32, #tpu.memory_space<vmem>>, vector<1x16xf32>,
          %get3A_3678 = arith.constant 0 : i32
          %get3A_3679 = arith.index_cast %get3A_3678 : i32 to index
          %get3A_3680 = arith.constant 64 : index
          %get3A_3681 = tpu.vector_load %arg7[%get3A_3679, %get3A_3680] {strides = array<i32>} : memref<16x256xf32, #tpu.memory_space<vmem>>, vector<1x16xf32>,
          %get3A_3682 = vector.shape_cast %get3A_3681 : vector<1x16xf32> to vector<16xf32>
          %get3A_3683 = arith.constant 1 : i32
          %get3A_3684 = arith.index_cast %get3A_3683 : i32 to index
          %get3A_3685 = arith.constant 64 : index
          %get3A_3686 = tpu.vector_load %arg7[%get3A_3684, %get3A_3685] {strides = array<i32>} : memref<16x256xf32, #tpu.memory_space<vmem>>, vector<1x16xf32>,
          %get3A_3687 = vector.shape_cast %get3A_3686 : vector<1x16xf32> to vector<16xf32>
          %get3A_3688 = arith.constant 2 : i32
          %get3A_3689 = arith.index_cast %get3A_3688 : i32 to index
          %get3A_3690 = arith.constant 64 : index
          %get3A_3691 = tpu.vector_load %arg7[%get3A_3689, %get3A_3690] {strides = array<i32>} : memref<16x256xf32, #tpu.memory_space<vmem>>, vector<1x16xf32>,
          %get3A_3692 = vector.shape_cast %get3A_3691 : vector<1x16xf32> to vector<16xf32>
          %get3A_3693 = arith.constant 3 : i32
          %get3A_3694 = arith.index_cast %get3A_3693 : i32 to index
          %get3A_3695 = arith.constant 64 : index
          %get3A_3696 = tpu.vector_load %arg7[%get3A_3694, %get3A_3695] {strides = array<i32>} : memref<16x256xf32, #tpu.memory_space<vmem>>, vector<1x16xf32>,
          %get3A_3697 = vector.shape_cast %get3A_3696 : vector<1x16xf32> to vector<16xf32>
          %get3A_3698 = arith.constant 4 : i32
          %get3A_3699 = arith.index_cast %get3A_3698 : i32 to index
          %get3A_3700 = arith.constant 64 : index
          %get3A_3701 = tpu.vector_load %arg7[%get3A_3699, %get3A_3700] {strides = array<i32>} : memref<16x256xf32, #tpu.memory_space<vmem>>, vector<1x16xf32>,
          %get3A_3702 = vector.shape_cast %get3A_3701 : vector<1x16xf32> to vector<16xf32>
          %get3A_3703 = arith.constant 5 : i32
          %get3A_3704 = arith.index_cast %get3A_3703 : i32 to index
          %get3A_3705 = arith.constant 64 : index
          %get3A_3706 = tpu.vector_load %arg7[%get3A_3704, %get3A_3705] {strides = array<i32>} : memref<16x256xf32, #tpu.memory_space<vmem>>, vector<1x16xf32>,
          %get3A_3707 = vector.shape_cast %get3A_3706 : vector<1x16xf32> to vector<16xf32>
          %get3A_3708 = arith.constant 6 : i32
          %get3A_3709 = arith.index_cast %get3A_3708 : i32 to index
          %get3A_3710 = arith.constant 64 : index
          %get3A_3711 = tpu.vector_load %arg7[%get3A_3709, %get3A_3710] {strides = array<i32>} : memref<16x256xf32, #tpu.memory_space<vmem>>, vector<1x16xf32>,
          %get3A_3712 = vector.shape_cast %get3A_3711 : vector<1x16xf32> to vector<16xf32>
          %get3A_3713 = arith.constant 7 : i32
          %get3A_3714 = arith.index_cast %get3A_3713 : i32 to index
          %get3A_3715 = arith.constant 64 : index
          %get3A_3716 = tpu.vector_load %arg7[%get3A_3714, %get3A_3715] {strides = array<i32>} : memref<16x256xf32, #tpu.memory_space<vmem>>, vector<1x16xf32>,
          %get3A_3717 = vector.shape_cast %get3A_3716 : vector<1x16xf32> to vector<16xf32>
          %get3A_3718 = arith.constant 8 : i32
          %get3A_3719 = arith.index_cast %get3A_3718 : i32 to index
          %get3A_3720 = arith.constant 64 : index
          %get3A_3721 = tpu.vector_load %arg7[%get3A_3719, %get3A_3720] {strides = array<i32>} : memref<16x256xf32, #tpu.memory_space<vmem>>, vector<1x16xf32>,
          %get3A_3722 = vector.shape_cast %get3A_3721 : vector<1x16xf32> to vector<16xf32>
          %get3A_3723 = arith.constant 9 : i32
          %get3A_3724 = arith.index_cast %get3A_3723 : i32 to index
          %get3A_3725 = arith.constant 64 : index
          %get3A_3726 = tpu.vector_load %arg7[%get3A_3724, %get3A_3725] {strides = array<i32>} : memref<16x256xf32, #tpu.memory_space<vmem>>, vector<1x16xf32>,
          %get3A_3727 = vector.shape_cast %get3A_3726 : vector<1x16xf32> to vector<16xf32>
          %get3A_3728 = arith.constant 10 : i32
          %get3A_3729 = arith.index_cast %get3A_3728 : i32 to index
          %get3A_3730 = arith.constant 64 : index
          %get3A_3731 = tpu.vector_load %arg7[%get3A_3729, %get3A_3730] {strides = array<i32>} : memref<16x256xf32, #tpu.memory_space<vmem>>, vector<1x16xf32>,
          %get3A_3732 = vector.shape_cast %get3A_3731 : vector<1x16xf32> to vector<16xf32>
          %get3A_3733 = arith.constant 11 : i32
          %get3A_3734 = arith.index_cast %get3A_3733 : i32 to index
          %get3A_3735 = arith.constant 64 : index
          %get3A_3736 = tpu.vector_load %arg7[%get3A_3734, %get3A_3735] {strides = array<i32>} : memref<16x256xf32, #tpu.memory_space<vmem>>, vector<1x16xf32>,
          %get3A_3737 = vector.shape_cast %get3A_3736 : vector<1x16xf32> to vector<16xf32>
          %get3A_3738 = arith.constant 12 : i32
          %get3A_3739 = arith.index_cast %get3A_3738 : i32 to index
          %get3A_3740 = arith.constant 64 : index
          %get3A_3741 = tpu.vector_load %arg7[%get3A_3739, %get3A_3740] {strides = array<i32>} : memref<16x256xf32, #tpu.memory_space<vmem>>, vector<1x16xf32>,
          %get3A_3742 = vector.shape_cast %get3A_3741 : vector<1x16xf32> to vector<16xf32>
          %get3A_3743 = arith.constant 13 : i32
          %get3A_3744 = arith.index_cast %get3A_3743 : i32 to index
          %get3A_3745 = arith.constant 64 : index
          %get3A_3746 = tpu.vector_load %arg7[%get3A_3744, %get3A_3745] {strides = array<i32>} : memref<16x256xf32, #tpu.memory_space<vmem>>, vector<1x16xf32>,
          %get3A_3747 = vector.shape_cast %get3A_3746 : vector<1x16xf32> to vector<16xf32>
          %get3A_3748 = arith.constant 14 : i32
          %get3A_3749 = arith.index_cast %get3A_3748 : i32 to index
          %get3A_3750 = arith.constant 64 : index
          %get3A_3751 = tpu.vector_load %arg7[%get3A_3749, %get3A_3750] {strides = array<i32>} : memref<16x256xf32, #tpu.memory_space<vmem>>, vector<1x16xf32>,
          %get3A_3752 = vector.shape_cast %get3A_3751 : vector<1x16xf32> to vector<16xf32>
          %get3A_3753 = arith.constant 15 : i32
          %get3A_3754 = arith.index_cast %get3A_3753 : i32 to index
          %get3A_3755 = arith.constant 64 : index
          %get3A_3756 = tpu.vector_load %arg7[%get3A_3754, %get3A_3755] {strides = array<i32>} : memref<16x256xf32, #tpu.memory_space<vmem>>, vector<1x16xf32>,
          %get3A_3757 = vector.shape_cast %get3A_3756 : vector<1x16xf32> to vector<16xf32>
          %max3A_3758 = arith.maximumf %get3A_3682, %get3A_3687 : vector<16xf32>
          %max3A_3759 = arith.maximumf %get3A_3692, %get3A_3697 : vector<16xf32>
          %max3A_3760 = arith.maximumf %get3A_3702, %get3A_3707 : vector<16xf32>
          %max3A_3761 = arith.maximumf %get3A_3712, %get3A_3717 : vector<16xf32>
          %max3A_3762 = arith.maximumf %get3A_3722, %get3A_3727 : vector<16xf32>
          %max3A_3763 = arith.maximumf %get3A_3732, %get3A_3737 : vector<16xf32>
          %max3A_3764 = arith.maximumf %get3A_3742, %get3A_3747 : vector<16xf32>
          %max3A_3765 = arith.maximumf %get3A_3752, %get3A_3757 : vector<16xf32>
          %max3A_3766 = arith.maximumf %max3A_3758, %max3A_3759 : vector<16xf32>
          %max3A_3767 = arith.maximumf %max3A_3760, %max3A_3761 : vector<16xf32>
          %max3A_3768 = arith.maximumf %max3A_3762, %max3A_3763 : vector<16xf32>
          %max3A_3769 = arith.maximumf %max3A_3764, %max3A_3765 : vector<16xf32>
          %max3A_3770 = arith.maximumf %max3A_3766, %max3A_3767 : vector<16xf32>
          %max3A_3771 = arith.maximumf %max3A_3768, %max3A_3769 : vector<16xf32>
          %max3A_3772 = arith.maximumf %max3A_3770, %max3A_3771 : vector<16xf32>
          %swap3A_3773 = arith.index_cast %add3A_3277 : i32 to index
          %swap3A_3774 = arith.constant 64 : index
          %swap3A_3775 = tpu.vector_load %arg8[%swap3A_3773, %swap3A_3774] {strides = array<i32>} : memref<49x256xf32, #tpu.memory_space<vmem>>, vector<1x16xf32>,
          %swap3A_3776 = vector.shape_cast %swap3A_3775 : vector<1x16xf32> to vector<16xf32>
          %swap3A_3777 = vector.shape_cast %max3A_3772 : vector<16xf32> to vector<1x16xf32>
          tpu.vector_store %arg8[%swap3A_3773, %swap3A_3774], %swap3A_3777 {strides = array<i32>} : memref<49x256xf32, #tpu.memory_space<vmem>>, vector<1x16xf32>,
          %get3A_3778 = arith.constant 0 : i32
          %get3A_3779 = arith.index_cast %get3A_3778 : i32 to index
          %get3A_3780 = arith.constant 80 : index
          %get3A_3781 = tpu.vector_load %arg7[%get3A_3779, %get3A_3780] {strides = array<i32>} : memref<16x256xf32, #tpu.memory_space<vmem>>, vector<1x16xf32>,
          %get3A_3782 = vector.shape_cast %get3A_3781 : vector<1x16xf32> to vector<16xf32>
          %get3A_3783 = arith.constant 1 : i32
          %get3A_3784 = arith.index_cast %get3A_3783 : i32 to index
          %get3A_3785 = arith.constant 80 : index
          %get3A_3786 = tpu.vector_load %arg7[%get3A_3784, %get3A_3785] {strides = array<i32>} : memref<16x256xf32, #tpu.memory_space<vmem>>, vector<1x16xf32>,
          %get3A_3787 = vector.shape_cast %get3A_3786 : vector<1x16xf32> to vector<16xf32>
          %get3A_3788 = arith.constant 2 : i32
          %get3A_3789 = arith.index_cast %get3A_3788 : i32 to index
          %get3A_3790 = arith.constant 80 : index
          %get3A_3791 = tpu.vector_load %arg7[%get3A_3789, %get3A_3790] {strides = array<i32>} : memref<16x256xf32, #tpu.memory_space<vmem>>, vector<1x16xf32>,
          %get3A_3792 = vector.shape_cast %get3A_3791 : vector<1x16xf32> to vector<16xf32>
          %get3A_3793 = arith.constant 3 : i32
          %get3A_3794 = arith.index_cast %get3A_3793 : i32 to index
          %get3A_3795 = arith.constant 80 : index
          %get3A_3796 = tpu.vector_load %arg7[%get3A_3794, %get3A_3795] {strides = array<i32>} : memref<16x256xf32, #tpu.memory_space<vmem>>, vector<1x16xf32>,
          %get3A_3797 = vector.shape_cast %get3A_3796 : vector<1x16xf32> to vector<16xf32>
          %get3A_3798 = arith.constant 4 : i32
          %get3A_3799 = arith.index_cast %get3A_3798 : i32 to index
          %get3A_3800 = arith.constant 80 : index
          %get3A_3801 = tpu.vector_load %arg7[%get3A_3799, %get3A_3800] {strides = array<i32>} : memref<16x256xf32, #tpu.memory_space<vmem>>, vector<1x16xf32>,
          %get3A_3802 = vector.shape_cast %get3A_3801 : vector<1x16xf32> to vector<16xf32>
          %get3A_3803 = arith.constant 5 : i32
          %get3A_3804 = arith.index_cast %get3A_3803 : i32 to index
          %get3A_3805 = arith.constant 80 : index
          %get3A_3806 = tpu.vector_load %arg7[%get3A_3804, %get3A_3805] {strides = array<i32>} : memref<16x256xf32, #tpu.memory_space<vmem>>, vector<1x16xf32>,
          %get3A_3807 = vector.shape_cast %get3A_3806 : vector<1x16xf32> to vector<16xf32>
          %get3A_3808 = arith.constant 6 : i32
          %get3A_3809 = arith.index_cast %get3A_3808 : i32 to index
          %get3A_3810 = arith.constant 80 : index
          %get3A_3811 = tpu.vector_load %arg7[%get3A_3809, %get3A_3810] {strides = array<i32>} : memref<16x256xf32, #tpu.memory_space<vmem>>, vector<1x16xf32>,
          %get3A_3812 = vector.shape_cast %get3A_3811 : vector<1x16xf32> to vector<16xf32>
          %get3A_3813 = arith.constant 7 : i32
          %get3A_3814 = arith.index_cast %get3A_3813 : i32 to index
          %get3A_3815 = arith.constant 80 : index
          %get3A_3816 = tpu.vector_load %arg7[%get3A_3814, %get3A_3815] {strides = array<i32>} : memref<16x256xf32, #tpu.memory_space<vmem>>, vector<1x16xf32>,
          %get3A_3817 = vector.shape_cast %get3A_3816 : vector<1x16xf32> to vector<16xf32>
          %get3A_3818 = arith.constant 8 : i32
          %get3A_3819 = arith.index_cast %get3A_3818 : i32 to index
          %get3A_3820 = arith.constant 80 : index
          %get3A_3821 = tpu.vector_load %arg7[%get3A_3819, %get3A_3820] {strides = array<i32>} : memref<16x256xf32, #tpu.memory_space<vmem>>, vector<1x16xf32>,
          %get3A_3822 = vector.shape_cast %get3A_3821 : vector<1x16xf32> to vector<16xf32>
          %get3A_3823 = arith.constant 9 : i32
          %get3A_3824 = arith.index_cast %get3A_3823 : i32 to index
          %get3A_3825 = arith.constant 80 : index
          %get3A_3826 = tpu.vector_load %arg7[%get3A_3824, %get3A_3825] {strides = array<i32>} : memref<16x256xf32, #tpu.memory_space<vmem>>, vector<1x16xf32>,
          %get3A_3827 = vector.shape_cast %get3A_3826 : vector<1x16xf32> to vector<16xf32>
          %get3A_3828 = arith.constant 10 : i32
          %get3A_3829 = arith.index_cast %get3A_3828 : i32 to index
          %get3A_3830 = arith.constant 80 : index
          %get3A_3831 = tpu.vector_load %arg7[%get3A_3829, %get3A_3830] {strides = array<i32>} : memref<16x256xf32, #tpu.memory_space<vmem>>, vector<1x16xf32>,
          %get3A_3832 = vector.shape_cast %get3A_3831 : vector<1x16xf32> to vector<16xf32>
          %get3A_3833 = arith.constant 11 : i32
          %get3A_3834 = arith.index_cast %get3A_3833 : i32 to index
          %get3A_3835 = arith.constant 80 : index
          %get3A_3836 = tpu.vector_load %arg7[%get3A_3834, %get3A_3835] {strides = array<i32>} : memref<16x256xf32, #tpu.memory_space<vmem>>, vector<1x16xf32>,
          %get3A_3837 = vector.shape_cast %get3A_3836 : vector<1x16xf32> to vector<16xf32>
          %get3A_3838 = arith.constant 12 : i32
          %get3A_3839 = arith.index_cast %get3A_3838 : i32 to index
          %get3A_3840 = arith.constant 80 : index
          %get3A_3841 = tpu.vector_load %arg7[%get3A_3839, %get3A_3840] {strides = array<i32>} : memref<16x256xf32, #tpu.memory_space<vmem>>, vector<1x16xf32>,
          %get3A_3842 = vector.shape_cast %get3A_3841 : vector<1x16xf32> to vector<16xf32>
          %get3A_3843 = arith.constant 13 : i32
          %get3A_3844 = arith.index_cast %get3A_3843 : i32 to index
          %get3A_3845 = arith.constant 80 : index
          %get3A_3846 = tpu.vector_load %arg7[%get3A_3844, %get3A_3845] {strides = array<i32>} : memref<16x256xf32, #tpu.memory_space<vmem>>, vector<1x16xf32>,
          %get3A_3847 = vector.shape_cast %get3A_3846 : vector<1x16xf32> to vector<16xf32>
          %get3A_3848 = arith.constant 14 : i32
          %get3A_3849 = arith.index_cast %get3A_3848 : i32 to index
          %get3A_3850 = arith.constant 80 : index
          %get3A_3851 = tpu.vector_load %arg7[%get3A_3849, %get3A_3850] {strides = array<i32>} : memref<16x256xf32, #tpu.memory_space<vmem>>, vector<1x16xf32>,
          %get3A_3852 = vector.shape_cast %get3A_3851 : vector<1x16xf32> to vector<16xf32>
          %get3A_3853 = arith.constant 15 : i32
          %get3A_3854 = arith.index_cast %get3A_3853 : i32 to index
          %get3A_3855 = arith.constant 80 : index
          %get3A_3856 = tpu.vector_load %arg7[%get3A_3854, %get3A_3855] {strides = array<i32>} : memref<16x256xf32, #tpu.memory_space<vmem>>, vector<1x16xf32>,
          %get3A_3857 = vector.shape_cast %get3A_3856 : vector<1x16xf32> to vector<16xf32>
          %max3A_3858 = arith.maximumf %get3A_3782, %get3A_3787 : vector<16xf32>
          %max3A_3859 = arith.maximumf %get3A_3792, %get3A_3797 : vector<16xf32>
          %max3A_3860 = arith.maximumf %get3A_3802, %get3A_3807 : vector<16xf32>
          %max3A_3861 = arith.maximumf %get3A_3812, %get3A_3817 : vector<16xf32>
          %max3A_3862 = arith.maximumf %get3A_3822, %get3A_3827 : vector<16xf32>
          %max3A_3863 = arith.maximumf %get3A_3832, %get3A_3837 : vector<16xf32>
          %max3A_3864 = arith.maximumf %get3A_3842, %get3A_3847 : vector<16xf32>
          %max3A_3865 = arith.maximumf %get3A_3852, %get3A_3857 : vector<16xf32>
          %max3A_3866 = arith.maximumf %max3A_3858, %max3A_3859 : vector<16xf32>
          %max3A_3867 = arith.maximumf %max3A_3860, %max3A_3861 : vector<16xf32>
          %max3A_3868 = arith.maximumf %max3A_3862, %max3A_3863 : vector<16xf32>
          %max3A_3869 = arith.maximumf %max3A_3864, %max3A_3865 : vector<16xf32>
          %max3A_3870 = arith.maximumf %max3A_3866, %max3A_3867 : vector<16xf32>
          %max3A_3871 = arith.maximumf %max3A_3868, %max3A_3869 : vector<16xf32>
          %max3A_3872 = arith.maximumf %max3A_3870, %max3A_3871 : vector<16xf32>
          %swap3A_3873 = arith.index_cast %add3A_3277 : i32 to index
          %swap3A_3874 = arith.constant 80 : index
          %swap3A_3875 = tpu.vector_load %arg8[%swap3A_3873, %swap3A_3874] {strides = array<i32>} : memref<49x256xf32, #tpu.memory_space<vmem>>, vector<1x16xf32>,
          %swap3A_3876 = vector.shape_cast %swap3A_3875 : vector<1x16xf32> to vector<16xf32>
          %swap3A_3877 = vector.shape_cast %max3A_3872 : vector<16xf32> to vector<1x16xf32>
          tpu.vector_store %arg8[%swap3A_3873, %swap3A_3874], %swap3A_3877 {strides = array<i32>} : memref<49x256xf32, #tpu.memory_space<vmem>>, vector<1x16xf32>,
          %get3A_3878 = arith.constant 0 : i32
          %get3A_3879 = arith.index_cast %get3A_3878 : i32 to index
          %get3A_3880 = arith.constant 96 : index
          %get3A_3881 = tpu.vector_load %arg7[%get3A_3879, %get3A_3880] {strides = array<i32>} : memref<16x256xf32, #tpu.memory_space<vmem>>, vector<1x16xf32>,
          %get3A_3882 = vector.shape_cast %get3A_3881 : vector<1x16xf32> to vector<16xf32>
          %get3A_3883 = arith.constant 1 : i32
          %get3A_3884 = arith.index_cast %get3A_3883 : i32 to index
          %get3A_3885 = arith.constant 96 : index
          %get3A_3886 = tpu.vector_load %arg7[%get3A_3884, %get3A_3885] {strides = array<i32>} : memref<16x256xf32, #tpu.memory_space<vmem>>, vector<1x16xf32>,
          %get3A_3887 = vector.shape_cast %get3A_3886 : vector<1x16xf32> to vector<16xf32>
          %get3A_3888 = arith.constant 2 : i32
          %get3A_3889 = arith.index_cast %get3A_3888 : i32 to index
          %get3A_3890 = arith.constant 96 : index
          %get3A_3891 = tpu.vector_load %arg7[%get3A_3889, %get3A_3890] {strides = array<i32>} : memref<16x256xf32, #tpu.memory_space<vmem>>, vector<1x16xf32>,
          %get3A_3892 = vector.shape_cast %get3A_3891 : vector<1x16xf32> to vector<16xf32>
          %get3A_3893 = arith.constant 3 : i32
          %get3A_3894 = arith.index_cast %get3A_3893 : i32 to index
          %get3A_3895 = arith.constant 96 : index
          %get3A_3896 = tpu.vector_load %arg7[%get3A_3894, %get3A_3895] {strides = array<i32>} : memref<16x256xf32, #tpu.memory_space<vmem>>, vector<1x16xf32>,
          %get3A_3897 = vector.shape_cast %get3A_3896 : vector<1x16xf32> to vector<16xf32>
          %get3A_3898 = arith.constant 4 : i32
          %get3A_3899 = arith.index_cast %get3A_3898 : i32 to index
          %get3A_3900 = arith.constant 96 : index
          %get3A_3901 = tpu.vector_load %arg7[%get3A_3899, %get3A_3900] {strides = array<i32>} : memref<16x256xf32, #tpu.memory_space<vmem>>, vector<1x16xf32>,
          %get3A_3902 = vector.shape_cast %get3A_3901 : vector<1x16xf32> to vector<16xf32>
          %get3A_3903 = arith.constant 5 : i32
          %get3A_3904 = arith.index_cast %get3A_3903 : i32 to index
          %get3A_3905 = arith.constant 96 : index
          %get3A_3906 = tpu.vector_load %arg7[%get3A_3904, %get3A_3905] {strides = array<i32>} : memref<16x256xf32, #tpu.memory_space<vmem>>, vector<1x16xf32>,
          %get3A_3907 = vector.shape_cast %get3A_3906 : vector<1x16xf32> to vector<16xf32>
          %get3A_3908 = arith.constant 6 : i32
          %get3A_3909 = arith.index_cast %get3A_3908 : i32 to index
          %get3A_3910 = arith.constant 96 : index
          %get3A_3911 = tpu.vector_load %arg7[%get3A_3909, %get3A_3910] {strides = array<i32>} : memref<16x256xf32, #tpu.memory_space<vmem>>, vector<1x16xf32>,
          %get3A_3912 = vector.shape_cast %get3A_3911 : vector<1x16xf32> to vector<16xf32>
          %get3A_3913 = arith.constant 7 : i32
          %get3A_3914 = arith.index_cast %get3A_3913 : i32 to index
          %get3A_3915 = arith.constant 96 : index
          %get3A_3916 = tpu.vector_load %arg7[%get3A_3914, %get3A_3915] {strides = array<i32>} : memref<16x256xf32, #tpu.memory_space<vmem>>, vector<1x16xf32>,
          %get3A_3917 = vector.shape_cast %get3A_3916 : vector<1x16xf32> to vector<16xf32>
          %get3A_3918 = arith.constant 8 : i32
          %get3A_3919 = arith.index_cast %get3A_3918 : i32 to index
          %get3A_3920 = arith.constant 96 : index
          %get3A_3921 = tpu.vector_load %arg7[%get3A_3919, %get3A_3920] {strides = array<i32>} : memref<16x256xf32, #tpu.memory_space<vmem>>, vector<1x16xf32>,
          %get3A_3922 = vector.shape_cast %get3A_3921 : vector<1x16xf32> to vector<16xf32>
          %get3A_3923 = arith.constant 9 : i32
          %get3A_3924 = arith.index_cast %get3A_3923 : i32 to index
          %get3A_3925 = arith.constant 96 : index
          %get3A_3926 = tpu.vector_load %arg7[%get3A_3924, %get3A_3925] {strides = array<i32>} : memref<16x256xf32, #tpu.memory_space<vmem>>, vector<1x16xf32>,
          %get3A_3927 = vector.shape_cast %get3A_3926 : vector<1x16xf32> to vector<16xf32>
          %get3A_3928 = arith.constant 10 : i32
          %get3A_3929 = arith.index_cast %get3A_3928 : i32 to index
          %get3A_3930 = arith.constant 96 : index
          %get3A_3931 = tpu.vector_load %arg7[%get3A_3929, %get3A_3930] {strides = array<i32>} : memref<16x256xf32, #tpu.memory_space<vmem>>, vector<1x16xf32>,
          %get3A_3932 = vector.shape_cast %get3A_3931 : vector<1x16xf32> to vector<16xf32>
          %get3A_3933 = arith.constant 11 : i32
          %get3A_3934 = arith.index_cast %get3A_3933 : i32 to index
          %get3A_3935 = arith.constant 96 : index
          %get3A_3936 = tpu.vector_load %arg7[%get3A_3934, %get3A_3935] {strides = array<i32>} : memref<16x256xf32, #tpu.memory_space<vmem>>, vector<1x16xf32>,
          %get3A_3937 = vector.shape_cast %get3A_3936 : vector<1x16xf32> to vector<16xf32>
          %get3A_3938 = arith.constant 12 : i32
          %get3A_3939 = arith.index_cast %get3A_3938 : i32 to index
          %get3A_3940 = arith.constant 96 : index
          %get3A_3941 = tpu.vector_load %arg7[%get3A_3939, %get3A_3940] {strides = array<i32>} : memref<16x256xf32, #tpu.memory_space<vmem>>, vector<1x16xf32>,
          %get3A_3942 = vector.shape_cast %get3A_3941 : vector<1x16xf32> to vector<16xf32>
          %get3A_3943 = arith.constant 13 : i32
          %get3A_3944 = arith.index_cast %get3A_3943 : i32 to index
          %get3A_3945 = arith.constant 96 : index
          %get3A_3946 = tpu.vector_load %arg7[%get3A_3944, %get3A_3945] {strides = array<i32>} : memref<16x256xf32, #tpu.memory_space<vmem>>, vector<1x16xf32>,
          %get3A_3947 = vector.shape_cast %get3A_3946 : vector<1x16xf32> to vector<16xf32>
          %get3A_3948 = arith.constant 14 : i32
          %get3A_3949 = arith.index_cast %get3A_3948 : i32 to index
          %get3A_3950 = arith.constant 96 : index
          %get3A_3951 = tpu.vector_load %arg7[%get3A_3949, %get3A_3950] {strides = array<i32>} : memref<16x256xf32, #tpu.memory_space<vmem>>, vector<1x16xf32>,
          %get3A_3952 = vector.shape_cast %get3A_3951 : vector<1x16xf32> to vector<16xf32>
          %get3A_3953 = arith.constant 15 : i32
          %get3A_3954 = arith.index_cast %get3A_3953 : i32 to index
          %get3A_3955 = arith.constant 96 : index
          %get3A_3956 = tpu.vector_load %arg7[%get3A_3954, %get3A_3955] {strides = array<i32>} : memref<16x256xf32, #tpu.memory_space<vmem>>, vector<1x16xf32>,
          %get3A_3957 = vector.shape_cast %get3A_3956 : vector<1x16xf32> to vector<16xf32>
          %max3A_3958 = arith.maximumf %get3A_3882, %get3A_3887 : vector<16xf32>
          %max3A_3959 = arith.maximumf %get3A_3892, %get3A_3897 : vector<16xf32>
          %max3A_3960 = arith.maximumf %get3A_3902, %get3A_3907 : vector<16xf32>
          %max3A_3961 = arith.maximumf %get3A_3912, %get3A_3917 : vector<16xf32>
          %max3A_3962 = arith.maximumf %get3A_3922, %get3A_3927 : vector<16xf32>
          %max3A_3963 = arith.maximumf %get3A_3932, %get3A_3937 : vector<16xf32>
          %max3A_3964 = arith.maximumf %get3A_3942, %get3A_3947 : vector<16xf32>
          %max3A_3965 = arith.maximumf %get3A_3952, %get3A_3957 : vector<16xf32>
          %max3A_3966 = arith.maximumf %max3A_3958, %max3A_3959 : vector<16xf32>
          %max3A_3967 = arith.maximumf %max3A_3960, %max3A_3961 : vector<16xf32>
          %max3A_3968 = arith.maximumf %max3A_3962, %max3A_3963 : vector<16xf32>
          %max3A_3969 = arith.maximumf %max3A_3964, %max3A_3965 : vector<16xf32>
          %max3A_3970 = arith.maximumf %max3A_3966, %max3A_3967 : vector<16xf32>
          %max3A_3971 = arith.maximumf %max3A_3968, %max3A_3969 : vector<16xf32>
          %max3A_3972 = arith.maximumf %max3A_3970, %max3A_3971 : vector<16xf32>
          %swap3A_3973 = arith.index_cast %add3A_3277 : i32 to index
          %swap3A_3974 = arith.constant 96 : index
          %swap3A_3975 = tpu.vector_load %arg8[%swap3A_3973, %swap3A_3974] {strides = array<i32>} : memref<49x256xf32, #tpu.memory_space<vmem>>, vector<1x16xf32>,
          %swap3A_3976 = vector.shape_cast %swap3A_3975 : vector<1x16xf32> to vector<16xf32>
          %swap3A_3977 = vector.shape_cast %max3A_3972 : vector<16xf32> to vector<1x16xf32>
          tpu.vector_store %arg8[%swap3A_3973, %swap3A_3974], %swap3A_3977 {strides = array<i32>} : memref<49x256xf32, #tpu.memory_space<vmem>>, vector<1x16xf32>,
          %get3A_3978 = arith.constant 0 : i32
          %get3A_3979 = arith.index_cast %get3A_3978 : i32 to index
          %get3A_3980 = arith.constant 112 : index
          %get3A_3981 = tpu.vector_load %arg7[%get3A_3979, %get3A_3980] {strides = array<i32>} : memref<16x256xf32, #tpu.memory_space<vmem>>, vector<1x16xf32>,
          %get3A_3982 = vector.shape_cast %get3A_3981 : vector<1x16xf32> to vector<16xf32>
          %get3A_3983 = arith.constant 1 : i32
          %get3A_3984 = arith.index_cast %get3A_3983 : i32 to index
          %get3A_3985 = arith.constant 112 : index
          %get3A_3986 = tpu.vector_load %arg7[%get3A_3984, %get3A_3985] {strides = array<i32>} : memref<16x256xf32, #tpu.memory_space<vmem>>, vector<1x16xf32>,
          %get3A_3987 = vector.shape_cast %get3A_3986 : vector<1x16xf32> to vector<16xf32>
          %get3A_3988 = arith.constant 2 : i32
          %get3A_3989 = arith.index_cast %get3A_3988 : i32 to index
          %get3A_3990 = arith.constant 112 : index
          %get3A_3991 = tpu.vector_load %arg7[%get3A_3989, %get3A_3990] {strides = array<i32>} : memref<16x256xf32, #tpu.memory_space<vmem>>, vector<1x16xf32>,
          %get3A_3992 = vector.shape_cast %get3A_3991 : vector<1x16xf32> to vector<16xf32>
          %get3A_3993 = arith.constant 3 : i32
          %get3A_3994 = arith.index_cast %get3A_3993 : i32 to index
          %get3A_3995 = arith.constant 112 : index
          %get3A_3996 = tpu.vector_load %arg7[%get3A_3994, %get3A_3995] {strides = array<i32>} : memref<16x256xf32, #tpu.memory_space<vmem>>, vector<1x16xf32>,
          %get3A_3997 = vector.shape_cast %get3A_3996 : vector<1x16xf32> to vector<16xf32>
          %get3A_3998 = arith.constant 4 : i32
          %get3A_3999 = arith.index_cast %get3A_3998 : i32 to index
          %get3A_4000 = arith.constant 112 : index
          %get3A_4001 = tpu.vector_load %arg7[%get3A_3999, %get3A_4000] {strides = array<i32>} : memref<16x256xf32, #tpu.memory_space<vmem>>, vector<1x16xf32>,
          %get3A_4002 = vector.shape_cast %get3A_4001 : vector<1x16xf32> to vector<16xf32>
          %get3A_4003 = arith.constant 5 : i32
          %get3A_4004 = arith.index_cast %get3A_4003 : i32 to index
          %get3A_4005 = arith.constant 112 : index
          %get3A_4006 = tpu.vector_load %arg7[%get3A_4004, %get3A_4005] {strides = array<i32>} : memref<16x256xf32, #tpu.memory_space<vmem>>, vector<1x16xf32>,
          %get3A_4007 = vector.shape_cast %get3A_4006 : vector<1x16xf32> to vector<16xf32>
          %get3A_4008 = arith.constant 6 : i32
          %get3A_4009 = arith.index_cast %get3A_4008 : i32 to index
          %get3A_4010 = arith.constant 112 : index
          %get3A_4011 = tpu.vector_load %arg7[%get3A_4009, %get3A_4010] {strides = array<i32>} : memref<16x256xf32, #tpu.memory_space<vmem>>, vector<1x16xf32>,
          %get3A_4012 = vector.shape_cast %get3A_4011 : vector<1x16xf32> to vector<16xf32>
          %get3A_4013 = arith.constant 7 : i32
          %get3A_4014 = arith.index_cast %get3A_4013 : i32 to index
          %get3A_4015 = arith.constant 112 : index
          %get3A_4016 = tpu.vector_load %arg7[%get3A_4014, %get3A_4015] {strides = array<i32>} : memref<16x256xf32, #tpu.memory_space<vmem>>, vector<1x16xf32>,
          %get3A_4017 = vector.shape_cast %get3A_4016 : vector<1x16xf32> to vector<16xf32>
          %get3A_4018 = arith.constant 8 : i32
          %get3A_4019 = arith.index_cast %get3A_4018 : i32 to index
          %get3A_4020 = arith.constant 112 : index
          %get3A_4021 = tpu.vector_load %arg7[%get3A_4019, %get3A_4020] {strides = array<i32>} : memref<16x256xf32, #tpu.memory_space<vmem>>, vector<1x16xf32>,
          %get3A_4022 = vector.shape_cast %get3A_4021 : vector<1x16xf32> to vector<16xf32>
          %get3A_4023 = arith.constant 9 : i32
          %get3A_4024 = arith.index_cast %get3A_4023 : i32 to index
          %get3A_4025 = arith.constant 112 : index
          %get3A_4026 = tpu.vector_load %arg7[%get3A_4024, %get3A_4025] {strides = array<i32>} : memref<16x256xf32, #tpu.memory_space<vmem>>, vector<1x16xf32>,
          %get3A_4027 = vector.shape_cast %get3A_4026 : vector<1x16xf32> to vector<16xf32>
          %get3A_4028 = arith.constant 10 : i32
          %get3A_4029 = arith.index_cast %get3A_4028 : i32 to index
          %get3A_4030 = arith.constant 112 : index
          %get3A_4031 = tpu.vector_load %arg7[%get3A_4029, %get3A_4030] {strides = array<i32>} : memref<16x256xf32, #tpu.memory_space<vmem>>, vector<1x16xf32>,
          %get3A_4032 = vector.shape_cast %get3A_4031 : vector<1x16xf32> to vector<16xf32>
          %get3A_4033 = arith.constant 11 : i32
          %get3A_4034 = arith.index_cast %get3A_4033 : i32 to index
          %get3A_4035 = arith.constant 112 : index
          %get3A_4036 = tpu.vector_load %arg7[%get3A_4034, %get3A_4035] {strides = array<i32>} : memref<16x256xf32, #tpu.memory_space<vmem>>, vector<1x16xf32>,
          %get3A_4037 = vector.shape_cast %get3A_4036 : vector<1x16xf32> to vector<16xf32>
          %get3A_4038 = arith.constant 12 : i32
          %get3A_4039 = arith.index_cast %get3A_4038 : i32 to index
          %get3A_4040 = arith.constant 112 : index
          %get3A_4041 = tpu.vector_load %arg7[%get3A_4039, %get3A_4040] {strides = array<i32>} : memref<16x256xf32, #tpu.memory_space<vmem>>, vector<1x16xf32>,
          %get3A_4042 = vector.shape_cast %get3A_4041 : vector<1x16xf32> to vector<16xf32>
          %get3A_4043 = arith.constant 13 : i32
          %get3A_4044 = arith.index_cast %get3A_4043 : i32 to index
          %get3A_4045 = arith.constant 112 : index
          %get3A_4046 = tpu.vector_load %arg7[%get3A_4044, %get3A_4045] {strides = array<i32>} : memref<16x256xf32, #tpu.memory_space<vmem>>, vector<1x16xf32>,
          %get3A_4047 = vector.shape_cast %get3A_4046 : vector<1x16xf32> to vector<16xf32>
          %get3A_4048 = arith.constant 14 : i32
          %get3A_4049 = arith.index_cast %get3A_4048 : i32 to index
          %get3A_4050 = arith.constant 112 : index
          %get3A_4051 = tpu.vector_load %arg7[%get3A_4049, %get3A_4050] {strides = array<i32>} : memref<16x256xf32, #tpu.memory_space<vmem>>, vector<1x16xf32>,
          %get3A_4052 = vector.shape_cast %get3A_4051 : vector<1x16xf32> to vector<16xf32>
          %get3A_4053 = arith.constant 15 : i32
          %get3A_4054 = arith.index_cast %get3A_4053 : i32 to index
          %get3A_4055 = arith.constant 112 : index
          %get3A_4056 = tpu.vector_load %arg7[%get3A_4054, %get3A_4055] {strides = array<i32>} : memref<16x256xf32, #tpu.memory_space<vmem>>, vector<1x16xf32>,
          %get3A_4057 = vector.shape_cast %get3A_4056 : vector<1x16xf32> to vector<16xf32>
          %max3A_4058 = arith.maximumf %get3A_3982, %get3A_3987 : vector<16xf32>
          %max3A_4059 = arith.maximumf %get3A_3992, %get3A_3997 : vector<16xf32>
          %max3A_4060 = arith.maximumf %get3A_4002, %get3A_4007 : vector<16xf32>
          %max3A_4061 = arith.maximumf %get3A_4012, %get3A_4017 : vector<16xf32>
          %max3A_4062 = arith.maximumf %get3A_4022, %get3A_4027 : vector<16xf32>
          %max3A_4063 = arith.maximumf %get3A_4032, %get3A_4037 : vector<16xf32>
          %max3A_4064 = arith.maximumf %get3A_4042, %get3A_4047 : vector<16xf32>
          %max3A_4065 = arith.maximumf %get3A_4052, %get3A_4057 : vector<16xf32>
          %max3A_4066 = arith.maximumf %max3A_4058, %max3A_4059 : vector<16xf32>
          %max3A_4067 = arith.maximumf %max3A_4060, %max3A_4061 : vector<16xf32>
          %max3A_4068 = arith.maximumf %max3A_4062, %max3A_4063 : vector<16xf32>
          %max3A_4069 = arith.maximumf %max3A_4064, %max3A_4065 : vector<16xf32>
          %max3A_4070 = arith.maximumf %max3A_4066, %max3A_4067 : vector<16xf32>
          %max3A_4071 = arith.maximumf %max3A_4068, %max3A_4069 : vector<16xf32>
          %max3A_4072 = arith.maximumf %max3A_4070, %max3A_4071 : vector<16xf32>
          %swap3A_4073 = arith.index_cast %add3A_3277 : i32 to index
          %swap3A_4074 = arith.constant 112 : index
          %swap3A_4075 = tpu.vector_load %arg8[%swap3A_4073, %swap3A_4074] {strides = array<i32>} : memref<49x256xf32, #tpu.memory_space<vmem>>, vector<1x16xf32>,
          %swap3A_4076 = vector.shape_cast %swap3A_4075 : vector<1x16xf32> to vector<16xf32>
          %swap3A_4077 = vector.shape_cast %max3A_4072 : vector<16xf32> to vector<1x16xf32>
          tpu.vector_store %arg8[%swap3A_4073, %swap3A_4074], %swap3A_4077 {strides = array<i32>} : memref<49x256xf32, #tpu.memory_space<vmem>>, vector<1x16xf32>,
          %get3A_4078 = arith.constant 0 : i32
          %get3A_4079 = arith.index_cast %get3A_4078 : i32 to index
          %get3A_4080 = arith.constant 128 : index
          %get3A_4081 = tpu.vector_load %arg7[%get3A_4079, %get3A_4080] {strides = array<i32>} : memref<16x256xf32, #tpu.memory_space<vmem>>, vector<1x16xf32>,
          %get3A_4082 = vector.shape_cast %get3A_4081 : vector<1x16xf32> to vector<16xf32>
          %get3A_4083 = arith.constant 1 : i32
          %get3A_4084 = arith.index_cast %get3A_4083 : i32 to index
          %get3A_4085 = arith.constant 128 : index
          %get3A_4086 = tpu.vector_load %arg7[%get3A_4084, %get3A_4085] {strides = array<i32>} : memref<16x256xf32, #tpu.memory_space<vmem>>, vector<1x16xf32>,
          %get3A_4087 = vector.shape_cast %get3A_4086 : vector<1x16xf32> to vector<16xf32>
          %get3A_4088 = arith.constant 2 : i32
          %get3A_4089 = arith.index_cast %get3A_4088 : i32 to index
          %get3A_4090 = arith.constant 128 : index
          %get3A_4091 = tpu.vector_load %arg7[%get3A_4089, %get3A_4090] {strides = array<i32>} : memref<16x256xf32, #tpu.memory_space<vmem>>, vector<1x16xf32>,
          %get3A_4092 = vector.shape_cast %get3A_4091 : vector<1x16xf32> to vector<16xf32>
          %get3A_4093 = arith.constant 3 : i32
          %get3A_4094 = arith.index_cast %get3A_4093 : i32 to index
          %get3A_4095 = arith.constant 128 : index
          %get3A_4096 = tpu.vector_load %arg7[%get3A_4094, %get3A_4095] {strides = array<i32>} : memref<16x256xf32, #tpu.memory_space<vmem>>, vector<1x16xf32>,
          %get3A_4097 = vector.shape_cast %get3A_4096 : vector<1x16xf32> to vector<16xf32>
          %get3A_4098 = arith.constant 4 : i32
          %get3A_4099 = arith.index_cast %get3A_4098 : i32 to index
          %get3A_4100 = arith.constant 128 : index
          %get3A_4101 = tpu.vector_load %arg7[%get3A_4099, %get3A_4100] {strides = array<i32>} : memref<16x256xf32, #tpu.memory_space<vmem>>, vector<1x16xf32>,
          %get3A_4102 = vector.shape_cast %get3A_4101 : vector<1x16xf32> to vector<16xf32>
          %get3A_4103 = arith.constant 5 : i32
          %get3A_4104 = arith.index_cast %get3A_4103 : i32 to index
          %get3A_4105 = arith.constant 128 : index
          %get3A_4106 = tpu.vector_load %arg7[%get3A_4104, %get3A_4105] {strides = array<i32>} : memref<16x256xf32, #tpu.memory_space<vmem>>, vector<1x16xf32>,
          %get3A_4107 = vector.shape_cast %get3A_4106 : vector<1x16xf32> to vector<16xf32>
          %get3A_4108 = arith.constant 6 : i32
          %get3A_4109 = arith.index_cast %get3A_4108 : i32 to index
          %get3A_4110 = arith.constant 128 : index
          %get3A_4111 = tpu.vector_load %arg7[%get3A_4109, %get3A_4110] {strides = array<i32>} : memref<16x256xf32, #tpu.memory_space<vmem>>, vector<1x16xf32>,
          %get3A_4112 = vector.shape_cast %get3A_4111 : vector<1x16xf32> to vector<16xf32>
          %get3A_4113 = arith.constant 7 : i32
          %get3A_4114 = arith.index_cast %get3A_4113 : i32 to index
          %get3A_4115 = arith.constant 128 : index
          %get3A_4116 = tpu.vector_load %arg7[%get3A_4114, %get3A_4115] {strides = array<i32>} : memref<16x256xf32, #tpu.memory_space<vmem>>, vector<1x16xf32>,
          %get3A_4117 = vector.shape_cast %get3A_4116 : vector<1x16xf32> to vector<16xf32>
          %get3A_4118 = arith.constant 8 : i32
          %get3A_4119 = arith.index_cast %get3A_4118 : i32 to index
          %get3A_4120 = arith.constant 128 : index
          %get3A_4121 = tpu.vector_load %arg7[%get3A_4119, %get3A_4120] {strides = array<i32>} : memref<16x256xf32, #tpu.memory_space<vmem>>, vector<1x16xf32>,
          %get3A_4122 = vector.shape_cast %get3A_4121 : vector<1x16xf32> to vector<16xf32>
          %get3A_4123 = arith.constant 9 : i32
          %get3A_4124 = arith.index_cast %get3A_4123 : i32 to index
          %get3A_4125 = arith.constant 128 : index
          %get3A_4126 = tpu.vector_load %arg7[%get3A_4124, %get3A_4125] {strides = array<i32>} : memref<16x256xf32, #tpu.memory_space<vmem>>, vector<1x16xf32>,
          %get3A_4127 = vector.shape_cast %get3A_4126 : vector<1x16xf32> to vector<16xf32>
          %get3A_4128 = arith.constant 10 : i32
          %get3A_4129 = arith.index_cast %get3A_4128 : i32 to index
          %get3A_4130 = arith.constant 128 : index
          %get3A_4131 = tpu.vector_load %arg7[%get3A_4129, %get3A_4130] {strides = array<i32>} : memref<16x256xf32, #tpu.memory_space<vmem>>, vector<1x16xf32>,
          %get3A_4132 = vector.shape_cast %get3A_4131 : vector<1x16xf32> to vector<16xf32>
          %get3A_4133 = arith.constant 11 : i32
          %get3A_4134 = arith.index_cast %get3A_4133 : i32 to index
          %get3A_4135 = arith.constant 128 : index
          %get3A_4136 = tpu.vector_load %arg7[%get3A_4134, %get3A_4135] {strides = array<i32>} : memref<16x256xf32, #tpu.memory_space<vmem>>, vector<1x16xf32>,
          %get3A_4137 = vector.shape_cast %get3A_4136 : vector<1x16xf32> to vector<16xf32>
          %get3A_4138 = arith.constant 12 : i32
          %get3A_4139 = arith.index_cast %get3A_4138 : i32 to index
          %get3A_4140 = arith.constant 128 : index
          %get3A_4141 = tpu.vector_load %arg7[%get3A_4139, %get3A_4140] {strides = array<i32>} : memref<16x256xf32, #tpu.memory_space<vmem>>, vector<1x16xf32>,
          %get3A_4142 = vector.shape_cast %get3A_4141 : vector<1x16xf32> to vector<16xf32>
          %get3A_4143 = arith.constant 13 : i32
          %get3A_4144 = arith.index_cast %get3A_4143 : i32 to index
          %get3A_4145 = arith.constant 128 : index
          %get3A_4146 = tpu.vector_load %arg7[%get3A_4144, %get3A_4145] {strides = array<i32>} : memref<16x256xf32, #tpu.memory_space<vmem>>, vector<1x16xf32>,
          %get3A_4147 = vector.shape_cast %get3A_4146 : vector<1x16xf32> to vector<16xf32>
          %get3A_4148 = arith.constant 14 : i32
          %get3A_4149 = arith.index_cast %get3A_4148 : i32 to index
          %get3A_4150 = arith.constant 128 : index
          %get3A_4151 = tpu.vector_load %arg7[%get3A_4149, %get3A_4150] {strides = array<i32>} : memref<16x256xf32, #tpu.memory_space<vmem>>, vector<1x16xf32>,
          %get3A_4152 = vector.shape_cast %get3A_4151 : vector<1x16xf32> to vector<16xf32>
          %get3A_4153 = arith.constant 15 : i32
          %get3A_4154 = arith.index_cast %get3A_4153 : i32 to index
          %get3A_4155 = arith.constant 128 : index
          %get3A_4156 = tpu.vector_load %arg7[%get3A_4154, %get3A_4155] {strides = array<i32>} : memref<16x256xf32, #tpu.memory_space<vmem>>, vector<1x16xf32>,
          %get3A_4157 = vector.shape_cast %get3A_4156 : vector<1x16xf32> to vector<16xf32>
          %max3A_4158 = arith.maximumf %get3A_4082, %get3A_4087 : vector<16xf32>
          %max3A_4159 = arith.maximumf %get3A_4092, %get3A_4097 : vector<16xf32>
          %max3A_4160 = arith.maximumf %get3A_4102, %get3A_4107 : vector<16xf32>
          %max3A_4161 = arith.maximumf %get3A_4112, %get3A_4117 : vector<16xf32>
          %max3A_4162 = arith.maximumf %get3A_4122, %get3A_4127 : vector<16xf32>
          %max3A_4163 = arith.maximumf %get3A_4132, %get3A_4137 : vector<16xf32>
          %max3A_4164 = arith.maximumf %get3A_4142, %get3A_4147 : vector<16xf32>
          %max3A_4165 = arith.maximumf %get3A_4152, %get3A_4157 : vector<16xf32>
          %max3A_4166 = arith.maximumf %max3A_4158, %max3A_4159 : vector<16xf32>
          %max3A_4167 = arith.maximumf %max3A_4160, %max3A_4161 : vector<16xf32>
          %max3A_4168 = arith.maximumf %max3A_4162, %max3A_4163 : vector<16xf32>
          %max3A_4169 = arith.maximumf %max3A_4164, %max3A_4165 : vector<16xf32>
          %max3A_4170 = arith.maximumf %max3A_4166, %max3A_4167 : vector<16xf32>
          %max3A_4171 = arith.maximumf %max3A_4168, %max3A_4169 : vector<16xf32>
          %max3A_4172 = arith.maximumf %max3A_4170, %max3A_4171 : vector<16xf32>
          %swap3A_4173 = arith.index_cast %add3A_3277 : i32 to index
          %swap3A_4174 = arith.constant 128 : index
          %swap3A_4175 = tpu.vector_load %arg8[%swap3A_4173, %swap3A_4174] {strides = array<i32>} : memref<49x256xf32, #tpu.memory_space<vmem>>, vector<1x16xf32>,
          %swap3A_4176 = vector.shape_cast %swap3A_4175 : vector<1x16xf32> to vector<16xf32>
          %swap3A_4177 = vector.shape_cast %max3A_4172 : vector<16xf32> to vector<1x16xf32>
          tpu.vector_store %arg8[%swap3A_4173, %swap3A_4174], %swap3A_4177 {strides = array<i32>} : memref<49x256xf32, #tpu.memory_space<vmem>>, vector<1x16xf32>,
          %get3A_4178 = arith.constant 0 : i32
          %get3A_4179 = arith.index_cast %get3A_4178 : i32 to index
          %get3A_4180 = arith.constant 144 : index
          %get3A_4181 = tpu.vector_load %arg7[%get3A_4179, %get3A_4180] {strides = array<i32>} : memref<16x256xf32, #tpu.memory_space<vmem>>, vector<1x16xf32>,
          %get3A_4182 = vector.shape_cast %get3A_4181 : vector<1x16xf32> to vector<16xf32>
          %get3A_4183 = arith.constant 1 : i32
          %get3A_4184 = arith.index_cast %get3A_4183 : i32 to index
          %get3A_4185 = arith.constant 144 : index
          %get3A_4186 = tpu.vector_load %arg7[%get3A_4184, %get3A_4185] {strides = array<i32>} : memref<16x256xf32, #tpu.memory_space<vmem>>, vector<1x16xf32>,
          %get3A_4187 = vector.shape_cast %get3A_4186 : vector<1x16xf32> to vector<16xf32>
          %get3A_4188 = arith.constant 2 : i32
          %get3A_4189 = arith.index_cast %get3A_4188 : i32 to index
          %get3A_4190 = arith.constant 144 : index
          %get3A_4191 = tpu.vector_load %arg7[%get3A_4189, %get3A_4190] {strides = array<i32>} : memref<16x256xf32, #tpu.memory_space<vmem>>, vector<1x16xf32>,
          %get3A_4192 = vector.shape_cast %get3A_4191 : vector<1x16xf32> to vector<16xf32>
          %get3A_4193 = arith.constant 3 : i32
          %get3A_4194 = arith.index_cast %get3A_4193 : i32 to index
          %get3A_4195 = arith.constant 144 : index
          %get3A_4196 = tpu.vector_load %arg7[%get3A_4194, %get3A_4195] {strides = array<i32>} : memref<16x256xf32, #tpu.memory_space<vmem>>, vector<1x16xf32>,
          %get3A_4197 = vector.shape_cast %get3A_4196 : vector<1x16xf32> to vector<16xf32>
          %get3A_4198 = arith.constant 4 : i32
          %get3A_4199 = arith.index_cast %get3A_4198 : i32 to index
          %get3A_4200 = arith.constant 144 : index
          %get3A_4201 = tpu.vector_load %arg7[%get3A_4199, %get3A_4200] {strides = array<i32>} : memref<16x256xf32, #tpu.memory_space<vmem>>, vector<1x16xf32>,
          %get3A_4202 = vector.shape_cast %get3A_4201 : vector<1x16xf32> to vector<16xf32>
          %get3A_4203 = arith.constant 5 : i32
          %get3A_4204 = arith.index_cast %get3A_4203 : i32 to index
          %get3A_4205 = arith.constant 144 : index
          %get3A_4206 = tpu.vector_load %arg7[%get3A_4204, %get3A_4205] {strides = array<i32>} : memref<16x256xf32, #tpu.memory_space<vmem>>, vector<1x16xf32>,
          %get3A_4207 = vector.shape_cast %get3A_4206 : vector<1x16xf32> to vector<16xf32>
          %get3A_4208 = arith.constant 6 : i32
          %get3A_4209 = arith.index_cast %get3A_4208 : i32 to index
          %get3A_4210 = arith.constant 144 : index
          %get3A_4211 = tpu.vector_load %arg7[%get3A_4209, %get3A_4210] {strides = array<i32>} : memref<16x256xf32, #tpu.memory_space<vmem>>, vector<1x16xf32>,
          %get3A_4212 = vector.shape_cast %get3A_4211 : vector<1x16xf32> to vector<16xf32>
          %get3A_4213 = arith.constant 7 : i32
          %get3A_4214 = arith.index_cast %get3A_4213 : i32 to index
          %get3A_4215 = arith.constant 144 : index
          %get3A_4216 = tpu.vector_load %arg7[%get3A_4214, %get3A_4215] {strides = array<i32>} : memref<16x256xf32, #tpu.memory_space<vmem>>, vector<1x16xf32>,
          %get3A_4217 = vector.shape_cast %get3A_4216 : vector<1x16xf32> to vector<16xf32>
          %get3A_4218 = arith.constant 8 : i32
          %get3A_4219 = arith.index_cast %get3A_4218 : i32 to index
          %get3A_4220 = arith.constant 144 : index
          %get3A_4221 = tpu.vector_load %arg7[%get3A_4219, %get3A_4220] {strides = array<i32>} : memref<16x256xf32, #tpu.memory_space<vmem>>, vector<1x16xf32>,
          %get3A_4222 = vector.shape_cast %get3A_4221 : vector<1x16xf32> to vector<16xf32>
          %get3A_4223 = arith.constant 9 : i32
          %get3A_4224 = arith.index_cast %get3A_4223 : i32 to index
          %get3A_4225 = arith.constant 144 : index
          %get3A_4226 = tpu.vector_load %arg7[%get3A_4224, %get3A_4225] {strides = array<i32>} : memref<16x256xf32, #tpu.memory_space<vmem>>, vector<1x16xf32>,
          %get3A_4227 = vector.shape_cast %get3A_4226 : vector<1x16xf32> to vector<16xf32>
          %get3A_4228 = arith.constant 10 : i32
          %get3A_4229 = arith.index_cast %get3A_4228 : i32 to index
          %get3A_4230 = arith.constant 144 : index
          %get3A_4231 = tpu.vector_load %arg7[%get3A_4229, %get3A_4230] {strides = array<i32>} : memref<16x256xf32, #tpu.memory_space<vmem>>, vector<1x16xf32>,
          %get3A_4232 = vector.shape_cast %get3A_4231 : vector<1x16xf32> to vector<16xf32>
          %get3A_4233 = arith.constant 11 : i32
          %get3A_4234 = arith.index_cast %get3A_4233 : i32 to index
          %get3A_4235 = arith.constant 144 : index
          %get3A_4236 = tpu.vector_load %arg7[%get3A_4234, %get3A_4235] {strides = array<i32>} : memref<16x256xf32, #tpu.memory_space<vmem>>, vector<1x16xf32>,
          %get3A_4237 = vector.shape_cast %get3A_4236 : vector<1x16xf32> to vector<16xf32>
          %get3A_4238 = arith.constant 12 : i32
          %get3A_4239 = arith.index_cast %get3A_4238 : i32 to index
          %get3A_4240 = arith.constant 144 : index
          %get3A_4241 = tpu.vector_load %arg7[%get3A_4239, %get3A_4240] {strides = array<i32>} : memref<16x256xf32, #tpu.memory_space<vmem>>, vector<1x16xf32>,
          %get3A_4242 = vector.shape_cast %get3A_4241 : vector<1x16xf32> to vector<16xf32>
          %get3A_4243 = arith.constant 13 : i32
          %get3A_4244 = arith.index_cast %get3A_4243 : i32 to index
          %get3A_4245 = arith.constant 144 : index
          %get3A_4246 = tpu.vector_load %arg7[%get3A_4244, %get3A_4245] {strides = array<i32>} : memref<16x256xf32, #tpu.memory_space<vmem>>, vector<1x16xf32>,
          %get3A_4247 = vector.shape_cast %get3A_4246 : vector<1x16xf32> to vector<16xf32>
          %get3A_4248 = arith.constant 14 : i32
          %get3A_4249 = arith.index_cast %get3A_4248 : i32 to index
          %get3A_4250 = arith.constant 144 : index
          %get3A_4251 = tpu.vector_load %arg7[%get3A_4249, %get3A_4250] {strides = array<i32>} : memref<16x256xf32, #tpu.memory_space<vmem>>, vector<1x16xf32>,
          %get3A_4252 = vector.shape_cast %get3A_4251 : vector<1x16xf32> to vector<16xf32>
          %get3A_4253 = arith.constant 15 : i32
          %get3A_4254 = arith.index_cast %get3A_4253 : i32 to index
          %get3A_4255 = arith.constant 144 : index
          %get3A_4256 = tpu.vector_load %arg7[%get3A_4254, %get3A_4255] {strides = array<i32>} : memref<16x256xf32, #tpu.memory_space<vmem>>, vector<1x16xf32>,
          %get3A_4257 = vector.shape_cast %get3A_4256 : vector<1x16xf32> to vector<16xf32>
          %max3A_4258 = arith.maximumf %get3A_4182, %get3A_4187 : vector<16xf32>
          %max3A_4259 = arith.maximumf %get3A_4192, %get3A_4197 : vector<16xf32>
          %max3A_4260 = arith.maximumf %get3A_4202, %get3A_4207 : vector<16xf32>
          %max3A_4261 = arith.maximumf %get3A_4212, %get3A_4217 : vector<16xf32>
          %max3A_4262 = arith.maximumf %get3A_4222, %get3A_4227 : vector<16xf32>
          %max3A_4263 = arith.maximumf %get3A_4232, %get3A_4237 : vector<16xf32>
          %max3A_4264 = arith.maximumf %get3A_4242, %get3A_4247 : vector<16xf32>
          %max3A_4265 = arith.maximumf %get3A_4252, %get3A_4257 : vector<16xf32>
          %max3A_4266 = arith.maximumf %max3A_4258, %max3A_4259 : vector<16xf32>
          %max3A_4267 = arith.maximumf %max3A_4260, %max3A_4261 : vector<16xf32>
          %max3A_4268 = arith.maximumf %max3A_4262, %max3A_4263 : vector<16xf32>
          %max3A_4269 = arith.maximumf %max3A_4264, %max3A_4265 : vector<16xf32>
          %max3A_4270 = arith.maximumf %max3A_4266, %max3A_4267 : vector<16xf32>
          %max3A_4271 = arith.maximumf %max3A_4268, %max3A_4269 : vector<16xf32>
          %max3A_4272 = arith.maximumf %max3A_4270, %max3A_4271 : vector<16xf32>
          %swap3A_4273 = arith.index_cast %add3A_3277 : i32 to index
          %swap3A_4274 = arith.constant 144 : index
          %swap3A_4275 = tpu.vector_load %arg8[%swap3A_4273, %swap3A_4274] {strides = array<i32>} : memref<49x256xf32, #tpu.memory_space<vmem>>, vector<1x16xf32>,
          %swap3A_4276 = vector.shape_cast %swap3A_4275 : vector<1x16xf32> to vector<16xf32>
          %swap3A_4277 = vector.shape_cast %max3A_4272 : vector<16xf32> to vector<1x16xf32>
          tpu.vector_store %arg8[%swap3A_4273, %swap3A_4274], %swap3A_4277 {strides = array<i32>} : memref<49x256xf32, #tpu.memory_space<vmem>>, vector<1x16xf32>,
          %get3A_4278 = arith.constant 0 : i32
          %get3A_4279 = arith.index_cast %get3A_4278 : i32 to index
          %get3A_4280 = arith.constant 160 : index
          %get3A_4281 = tpu.vector_load %arg7[%get3A_4279, %get3A_4280] {strides = array<i32>} : memref<16x256xf32, #tpu.memory_space<vmem>>, vector<1x16xf32>,
          %get3A_4282 = vector.shape_cast %get3A_4281 : vector<1x16xf32> to vector<16xf32>
          %get3A_4283 = arith.constant 1 : i32
          %get3A_4284 = arith.index_cast %get3A_4283 : i32 to index
          %get3A_4285 = arith.constant 160 : index
          %get3A_4286 = tpu.vector_load %arg7[%get3A_4284, %get3A_4285] {strides = array<i32>} : memref<16x256xf32, #tpu.memory_space<vmem>>, vector<1x16xf32>,
          %get3A_4287 = vector.shape_cast %get3A_4286 : vector<1x16xf32> to vector<16xf32>
          %get3A_4288 = arith.constant 2 : i32
          %get3A_4289 = arith.index_cast %get3A_4288 : i32 to index
          %get3A_4290 = arith.constant 160 : index
          %get3A_4291 = tpu.vector_load %arg7[%get3A_4289, %get3A_4290] {strides = array<i32>} : memref<16x256xf32, #tpu.memory_space<vmem>>, vector<1x16xf32>,
          %get3A_4292 = vector.shape_cast %get3A_4291 : vector<1x16xf32> to vector<16xf32>
          %get3A_4293 = arith.constant 3 : i32
          %get3A_4294 = arith.index_cast %get3A_4293 : i32 to index
          %get3A_4295 = arith.constant 160 : index
          %get3A_4296 = tpu.vector_load %arg7[%get3A_4294, %get3A_4295] {strides = array<i32>} : memref<16x256xf32, #tpu.memory_space<vmem>>, vector<1x16xf32>,
          %get3A_4297 = vector.shape_cast %get3A_4296 : vector<1x16xf32> to vector<16xf32>
          %get3A_4298 = arith.constant 4 : i32
          %get3A_4299 = arith.index_cast %get3A_4298 : i32 to index
          %get3A_4300 = arith.constant 160 : index
          %get3A_4301 = tpu.vector_load %arg7[%get3A_4299, %get3A_4300] {strides = array<i32>} : memref<16x256xf32, #tpu.memory_space<vmem>>, vector<1x16xf32>,
          %get3A_4302 = vector.shape_cast %get3A_4301 : vector<1x16xf32> to vector<16xf32>
          %get3A_4303 = arith.constant 5 : i32
          %get3A_4304 = arith.index_cast %get3A_4303 : i32 to index
          %get3A_4305 = arith.constant 160 : index
          %get3A_4306 = tpu.vector_load %arg7[%get3A_4304, %get3A_4305] {strides = array<i32>} : memref<16x256xf32, #tpu.memory_space<vmem>>, vector<1x16xf32>,
          %get3A_4307 = vector.shape_cast %get3A_4306 : vector<1x16xf32> to vector<16xf32>
          %get3A_4308 = arith.constant 6 : i32
          %get3A_4309 = arith.index_cast %get3A_4308 : i32 to index
          %get3A_4310 = arith.constant 160 : index
          %get3A_4311 = tpu.vector_load %arg7[%get3A_4309, %get3A_4310] {strides = array<i32>} : memref<16x256xf32, #tpu.memory_space<vmem>>, vector<1x16xf32>,
          %get3A_4312 = vector.shape_cast %get3A_4311 : vector<1x16xf32> to vector<16xf32>
          %get3A_4313 = arith.constant 7 : i32
          %get3A_4314 = arith.index_cast %get3A_4313 : i32 to index
          %get3A_4315 = arith.constant 160 : index
          %get3A_4316 = tpu.vector_load %arg7[%get3A_4314, %get3A_4315] {strides = array<i32>} : memref<16x256xf32, #tpu.memory_space<vmem>>, vector<1x16xf32>,
          %get3A_4317 = vector.shape_cast %get3A_4316 : vector<1x16xf32> to vector<16xf32>
          %get3A_4318 = arith.constant 8 : i32
          %get3A_4319 = arith.index_cast %get3A_4318 : i32 to index
          %get3A_4320 = arith.constant 160 : index
          %get3A_4321 = tpu.vector_load %arg7[%get3A_4319, %get3A_4320] {strides = array<i32>} : memref<16x256xf32, #tpu.memory_space<vmem>>, vector<1x16xf32>,
          %get3A_4322 = vector.shape_cast %get3A_4321 : vector<1x16xf32> to vector<16xf32>
          %get3A_4323 = arith.constant 9 : i32
          %get3A_4324 = arith.index_cast %get3A_4323 : i32 to index
          %get3A_4325 = arith.constant 160 : index
          %get3A_4326 = tpu.vector_load %arg7[%get3A_4324, %get3A_4325] {strides = array<i32>} : memref<16x256xf32, #tpu.memory_space<vmem>>, vector<1x16xf32>,
          %get3A_4327 = vector.shape_cast %get3A_4326 : vector<1x16xf32> to vector<16xf32>
          %get3A_4328 = arith.constant 10 : i32
          %get3A_4329 = arith.index_cast %get3A_4328 : i32 to index
          %get3A_4330 = arith.constant 160 : index
          %get3A_4331 = tpu.vector_load %arg7[%get3A_4329, %get3A_4330] {strides = array<i32>} : memref<16x256xf32, #tpu.memory_space<vmem>>, vector<1x16xf32>,
          %get3A_4332 = vector.shape_cast %get3A_4331 : vector<1x16xf32> to vector<16xf32>
          %get3A_4333 = arith.constant 11 : i32
          %get3A_4334 = arith.index_cast %get3A_4333 : i32 to index
          %get3A_4335 = arith.constant 160 : index
          %get3A_4336 = tpu.vector_load %arg7[%get3A_4334, %get3A_4335] {strides = array<i32>} : memref<16x256xf32, #tpu.memory_space<vmem>>, vector<1x16xf32>,
          %get3A_4337 = vector.shape_cast %get3A_4336 : vector<1x16xf32> to vector<16xf32>
          %get3A_4338 = arith.constant 12 : i32
          %get3A_4339 = arith.index_cast %get3A_4338 : i32 to index
          %get3A_4340 = arith.constant 160 : index
          %get3A_4341 = tpu.vector_load %arg7[%get3A_4339, %get3A_4340] {strides = array<i32>} : memref<16x256xf32, #tpu.memory_space<vmem>>, vector<1x16xf32>,
          %get3A_4342 = vector.shape_cast %get3A_4341 : vector<1x16xf32> to vector<16xf32>
          %get3A_4343 = arith.constant 13 : i32
          %get3A_4344 = arith.index_cast %get3A_4343 : i32 to index
          %get3A_4345 = arith.constant 160 : index
          %get3A_4346 = tpu.vector_load %arg7[%get3A_4344, %get3A_4345] {strides = array<i32>} : memref<16x256xf32, #tpu.memory_space<vmem>>, vector<1x16xf32>,
          %get3A_4347 = vector.shape_cast %get3A_4346 : vector<1x16xf32> to vector<16xf32>
          %get3A_4348 = arith.constant 14 : i32
          %get3A_4349 = arith.index_cast %get3A_4348 : i32 to index
          %get3A_4350 = arith.constant 160 : index
          %get3A_4351 = tpu.vector_load %arg7[%get3A_4349, %get3A_4350] {strides = array<i32>} : memref<16x256xf32, #tpu.memory_space<vmem>>, vector<1x16xf32>,
          %get3A_4352 = vector.shape_cast %get3A_4351 : vector<1x16xf32> to vector<16xf32>
          %get3A_4353 = arith.constant 15 : i32
          %get3A_4354 = arith.index_cast %get3A_4353 : i32 to index
          %get3A_4355 = arith.constant 160 : index
          %get3A_4356 = tpu.vector_load %arg7[%get3A_4354, %get3A_4355] {strides = array<i32>} : memref<16x256xf32, #tpu.memory_space<vmem>>, vector<1x16xf32>,
          %get3A_4357 = vector.shape_cast %get3A_4356 : vector<1x16xf32> to vector<16xf32>
          %max3A_4358 = arith.maximumf %get3A_4282, %get3A_4287 : vector<16xf32>
          %max3A_4359 = arith.maximumf %get3A_4292, %get3A_4297 : vector<16xf32>
          %max3A_4360 = arith.maximumf %get3A_4302, %get3A_4307 : vector<16xf32>
          %max3A_4361 = arith.maximumf %get3A_4312, %get3A_4317 : vector<16xf32>
          %max3A_4362 = arith.maximumf %get3A_4322, %get3A_4327 : vector<16xf32>
          %max3A_4363 = arith.maximumf %get3A_4332, %get3A_4337 : vector<16xf32>
          %max3A_4364 = arith.maximumf %get3A_4342, %get3A_4347 : vector<16xf32>
          %max3A_4365 = arith.maximumf %get3A_4352, %get3A_4357 : vector<16xf32>
          %max3A_4366 = arith.maximumf %max3A_4358, %max3A_4359 : vector<16xf32>
          %max3A_4367 = arith.maximumf %max3A_4360, %max3A_4361 : vector<16xf32>
          %max3A_4368 = arith.maximumf %max3A_4362, %max3A_4363 : vector<16xf32>
          %max3A_4369 = arith.maximumf %max3A_4364, %max3A_4365 : vector<16xf32>
          %max3A_4370 = arith.maximumf %max3A_4366, %max3A_4367 : vector<16xf32>
          %max3A_4371 = arith.maximumf %max3A_4368, %max3A_4369 : vector<16xf32>
          %max3A_4372 = arith.maximumf %max3A_4370, %max3A_4371 : vector<16xf32>
          %swap3A_4373 = arith.index_cast %add3A_3277 : i32 to index
          %swap3A_4374 = arith.constant 160 : index
          %swap3A_4375 = tpu.vector_load %arg8[%swap3A_4373, %swap3A_4374] {strides = array<i32>} : memref<49x256xf32, #tpu.memory_space<vmem>>, vector<1x16xf32>,
          %swap3A_4376 = vector.shape_cast %swap3A_4375 : vector<1x16xf32> to vector<16xf32>
          %swap3A_4377 = vector.shape_cast %max3A_4372 : vector<16xf32> to vector<1x16xf32>
          tpu.vector_store %arg8[%swap3A_4373, %swap3A_4374], %swap3A_4377 {strides = array<i32>} : memref<49x256xf32, #tpu.memory_space<vmem>>, vector<1x16xf32>,
          %get3A_4378 = arith.constant 0 : i32
          %get3A_4379 = arith.index_cast %get3A_4378 : i32 to index
          %get3A_4380 = arith.constant 176 : index
          %get3A_4381 = tpu.vector_load %arg7[%get3A_4379, %get3A_4380] {strides = array<i32>} : memref<16x256xf32, #tpu.memory_space<vmem>>, vector<1x16xf32>,
          %get3A_4382 = vector.shape_cast %get3A_4381 : vector<1x16xf32> to vector<16xf32>
          %get3A_4383 = arith.constant 1 : i32
          %get3A_4384 = arith.index_cast %get3A_4383 : i32 to index
          %get3A_4385 = arith.constant 176 : index
          %get3A_4386 = tpu.vector_load %arg7[%get3A_4384, %get3A_4385] {strides = array<i32>} : memref<16x256xf32, #tpu.memory_space<vmem>>, vector<1x16xf32>,
          %get3A_4387 = vector.shape_cast %get3A_4386 : vector<1x16xf32> to vector<16xf32>
          %get3A_4388 = arith.constant 2 : i32
          %get3A_4389 = arith.index_cast %get3A_4388 : i32 to index
          %get3A_4390 = arith.constant 176 : index
          %get3A_4391 = tpu.vector_load %arg7[%get3A_4389, %get3A_4390] {strides = array<i32>} : memref<16x256xf32, #tpu.memory_space<vmem>>, vector<1x16xf32>,
          %get3A_4392 = vector.shape_cast %get3A_4391 : vector<1x16xf32> to vector<16xf32>
          %get3A_4393 = arith.constant 3 : i32
          %get3A_4394 = arith.index_cast %get3A_4393 : i32 to index
          %get3A_4395 = arith.constant 176 : index
          %get3A_4396 = tpu.vector_load %arg7[%get3A_4394, %get3A_4395] {strides = array<i32>} : memref<16x256xf32, #tpu.memory_space<vmem>>, vector<1x16xf32>,
          %get3A_4397 = vector.shape_cast %get3A_4396 : vector<1x16xf32> to vector<16xf32>
          %get3A_4398 = arith.constant 4 : i32
          %get3A_4399 = arith.index_cast %get3A_4398 : i32 to index
          %get3A_4400 = arith.constant 176 : index
          %get3A_4401 = tpu.vector_load %arg7[%get3A_4399, %get3A_4400] {strides = array<i32>} : memref<16x256xf32, #tpu.memory_space<vmem>>, vector<1x16xf32>,
          %get3A_4402 = vector.shape_cast %get3A_4401 : vector<1x16xf32> to vector<16xf32>
          %get3A_4403 = arith.constant 5 : i32
          %get3A_4404 = arith.index_cast %get3A_4403 : i32 to index
          %get3A_4405 = arith.constant 176 : index
          %get3A_4406 = tpu.vector_load %arg7[%get3A_4404, %get3A_4405] {strides = array<i32>} : memref<16x256xf32, #tpu.memory_space<vmem>>, vector<1x16xf32>,
          %get3A_4407 = vector.shape_cast %get3A_4406 : vector<1x16xf32> to vector<16xf32>
          %get3A_4408 = arith.constant 6 : i32
          %get3A_4409 = arith.index_cast %get3A_4408 : i32 to index
          %get3A_4410 = arith.constant 176 : index
          %get3A_4411 = tpu.vector_load %arg7[%get3A_4409, %get3A_4410] {strides = array<i32>} : memref<16x256xf32, #tpu.memory_space<vmem>>, vector<1x16xf32>,
          %get3A_4412 = vector.shape_cast %get3A_4411 : vector<1x16xf32> to vector<16xf32>
          %get3A_4413 = arith.constant 7 : i32
          %get3A_4414 = arith.index_cast %get3A_4413 : i32 to index
          %get3A_4415 = arith.constant 176 : index
          %get3A_4416 = tpu.vector_load %arg7[%get3A_4414, %get3A_4415] {strides = array<i32>} : memref<16x256xf32, #tpu.memory_space<vmem>>, vector<1x16xf32>,
          %get3A_4417 = vector.shape_cast %get3A_4416 : vector<1x16xf32> to vector<16xf32>
          %get3A_4418 = arith.constant 8 : i32
          %get3A_4419 = arith.index_cast %get3A_4418 : i32 to index
          %get3A_4420 = arith.constant 176 : index
          %get3A_4421 = tpu.vector_load %arg7[%get3A_4419, %get3A_4420] {strides = array<i32>} : memref<16x256xf32, #tpu.memory_space<vmem>>, vector<1x16xf32>,
          %get3A_4422 = vector.shape_cast %get3A_4421 : vector<1x16xf32> to vector<16xf32>
          %get3A_4423 = arith.constant 9 : i32
          %get3A_4424 = arith.index_cast %get3A_4423 : i32 to index
          %get3A_4425 = arith.constant 176 : index
          %get3A_4426 = tpu.vector_load %arg7[%get3A_4424, %get3A_4425] {strides = array<i32>} : memref<16x256xf32, #tpu.memory_space<vmem>>, vector<1x16xf32>,
          %get3A_4427 = vector.shape_cast %get3A_4426 : vector<1x16xf32> to vector<16xf32>
          %get3A_4428 = arith.constant 10 : i32
          %get3A_4429 = arith.index_cast %get3A_4428 : i32 to index
          %get3A_4430 = arith.constant 176 : index
          %get3A_4431 = tpu.vector_load %arg7[%get3A_4429, %get3A_4430] {strides = array<i32>} : memref<16x256xf32, #tpu.memory_space<vmem>>, vector<1x16xf32>,
          %get3A_4432 = vector.shape_cast %get3A_4431 : vector<1x16xf32> to vector<16xf32>
          %get3A_4433 = arith.constant 11 : i32
          %get3A_4434 = arith.index_cast %get3A_4433 : i32 to index
          %get3A_4435 = arith.constant 176 : index
          %get3A_4436 = tpu.vector_load %arg7[%get3A_4434, %get3A_4435] {strides = array<i32>} : memref<16x256xf32, #tpu.memory_space<vmem>>, vector<1x16xf32>,
          %get3A_4437 = vector.shape_cast %get3A_4436 : vector<1x16xf32> to vector<16xf32>
          %get3A_4438 = arith.constant 12 : i32
          %get3A_4439 = arith.index_cast %get3A_4438 : i32 to index
          %get3A_4440 = arith.constant 176 : index
          %get3A_4441 = tpu.vector_load %arg7[%get3A_4439, %get3A_4440] {strides = array<i32>} : memref<16x256xf32, #tpu.memory_space<vmem>>, vector<1x16xf32>,
          %get3A_4442 = vector.shape_cast %get3A_4441 : vector<1x16xf32> to vector<16xf32>
          %get3A_4443 = arith.constant 13 : i32
          %get3A_4444 = arith.index_cast %get3A_4443 : i32 to index
          %get3A_4445 = arith.constant 176 : index
          %get3A_4446 = tpu.vector_load %arg7[%get3A_4444, %get3A_4445] {strides = array<i32>} : memref<16x256xf32, #tpu.memory_space<vmem>>, vector<1x16xf32>,
          %get3A_4447 = vector.shape_cast %get3A_4446 : vector<1x16xf32> to vector<16xf32>
          %get3A_4448 = arith.constant 14 : i32
          %get3A_4449 = arith.index_cast %get3A_4448 : i32 to index
          %get3A_4450 = arith.constant 176 : index
          %get3A_4451 = tpu.vector_load %arg7[%get3A_4449, %get3A_4450] {strides = array<i32>} : memref<16x256xf32, #tpu.memory_space<vmem>>, vector<1x16xf32>,
          %get3A_4452 = vector.shape_cast %get3A_4451 : vector<1x16xf32> to vector<16xf32>
          %get3A_4453 = arith.constant 15 : i32
          %get3A_4454 = arith.index_cast %get3A_4453 : i32 to index
          %get3A_4455 = arith.constant 176 : index
          %get3A_4456 = tpu.vector_load %arg7[%get3A_4454, %get3A_4455] {strides = array<i32>} : memref<16x256xf32, #tpu.memory_space<vmem>>, vector<1x16xf32>,
          %get3A_4457 = vector.shape_cast %get3A_4456 : vector<1x16xf32> to vector<16xf32>
          %max3A_4458 = arith.maximumf %get3A_4382, %get3A_4387 : vector<16xf32>
          %max3A_4459 = arith.maximumf %get3A_4392, %get3A_4397 : vector<16xf32>
          %max3A_4460 = arith.maximumf %get3A_4402, %get3A_4407 : vector<16xf32>
          %max3A_4461 = arith.maximumf %get3A_4412, %get3A_4417 : vector<16xf32>
          %max3A_4462 = arith.maximumf %get3A_4422, %get3A_4427 : vector<16xf32>
          %max3A_4463 = arith.maximumf %get3A_4432, %get3A_4437 : vector<16xf32>
          %max3A_4464 = arith.maximumf %get3A_4442, %get3A_4447 : vector<16xf32>
          %max3A_4465 = arith.maximumf %get3A_4452, %get3A_4457 : vector<16xf32>
          %max3A_4466 = arith.maximumf %max3A_4458, %max3A_4459 : vector<16xf32>
          %max3A_4467 = arith.maximumf %max3A_4460, %max3A_4461 : vector<16xf32>
          %max3A_4468 = arith.maximumf %max3A_4462, %max3A_4463 : vector<16xf32>
          %max3A_4469 = arith.maximumf %max3A_4464, %max3A_4465 : vector<16xf32>
          %max3A_4470 = arith.maximumf %max3A_4466, %max3A_4467 : vector<16xf32>
          %max3A_4471 = arith.maximumf %max3A_4468, %max3A_4469 : vector<16xf32>
          %max3A_4472 = arith.maximumf %max3A_4470, %max3A_4471 : vector<16xf32>
          %swap3A_4473 = arith.index_cast %add3A_3277 : i32 to index
          %swap3A_4474 = arith.constant 176 : index
          %swap3A_4475 = tpu.vector_load %arg8[%swap3A_4473, %swap3A_4474] {strides = array<i32>} : memref<49x256xf32, #tpu.memory_space<vmem>>, vector<1x16xf32>,
          %swap3A_4476 = vector.shape_cast %swap3A_4475 : vector<1x16xf32> to vector<16xf32>
          %swap3A_4477 = vector.shape_cast %max3A_4472 : vector<16xf32> to vector<1x16xf32>
          tpu.vector_store %arg8[%swap3A_4473, %swap3A_4474], %swap3A_4477 {strides = array<i32>} : memref<49x256xf32, #tpu.memory_space<vmem>>, vector<1x16xf32>,
          %get3A_4478 = arith.constant 0 : i32
          %get3A_4479 = arith.index_cast %get3A_4478 : i32 to index
          %get3A_4480 = arith.constant 192 : index
          %get3A_4481 = tpu.vector_load %arg7[%get3A_4479, %get3A_4480] {strides = array<i32>} : memref<16x256xf32, #tpu.memory_space<vmem>>, vector<1x16xf32>,
          %get3A_4482 = vector.shape_cast %get3A_4481 : vector<1x16xf32> to vector<16xf32>
          %get3A_4483 = arith.constant 1 : i32
          %get3A_4484 = arith.index_cast %get3A_4483 : i32 to index
          %get3A_4485 = arith.constant 192 : index
          %get3A_4486 = tpu.vector_load %arg7[%get3A_4484, %get3A_4485] {strides = array<i32>} : memref<16x256xf32, #tpu.memory_space<vmem>>, vector<1x16xf32>,
          %get3A_4487 = vector.shape_cast %get3A_4486 : vector<1x16xf32> to vector<16xf32>
          %get3A_4488 = arith.constant 2 : i32
          %get3A_4489 = arith.index_cast %get3A_4488 : i32 to index
          %get3A_4490 = arith.constant 192 : index
          %get3A_4491 = tpu.vector_load %arg7[%get3A_4489, %get3A_4490] {strides = array<i32>} : memref<16x256xf32, #tpu.memory_space<vmem>>, vector<1x16xf32>,
          %get3A_4492 = vector.shape_cast %get3A_4491 : vector<1x16xf32> to vector<16xf32>
          %get3A_4493 = arith.constant 3 : i32
          %get3A_4494 = arith.index_cast %get3A_4493 : i32 to index
          %get3A_4495 = arith.constant 192 : index
          %get3A_4496 = tpu.vector_load %arg7[%get3A_4494, %get3A_4495] {strides = array<i32>} : memref<16x256xf32, #tpu.memory_space<vmem>>, vector<1x16xf32>,
          %get3A_4497 = vector.shape_cast %get3A_4496 : vector<1x16xf32> to vector<16xf32>
          %get3A_4498 = arith.constant 4 : i32
          %get3A_4499 = arith.index_cast %get3A_4498 : i32 to index
          %get3A_4500 = arith.constant 192 : index
          %get3A_4501 = tpu.vector_load %arg7[%get3A_4499, %get3A_4500] {strides = array<i32>} : memref<16x256xf32, #tpu.memory_space<vmem>>, vector<1x16xf32>,
          %get3A_4502 = vector.shape_cast %get3A_4501 : vector<1x16xf32> to vector<16xf32>
          %get3A_4503 = arith.constant 5 : i32
          %get3A_4504 = arith.index_cast %get3A_4503 : i32 to index
          %get3A_4505 = arith.constant 192 : index
          %get3A_4506 = tpu.vector_load %arg7[%get3A_4504, %get3A_4505] {strides = array<i32>} : memref<16x256xf32, #tpu.memory_space<vmem>>, vector<1x16xf32>,
          %get3A_4507 = vector.shape_cast %get3A_4506 : vector<1x16xf32> to vector<16xf32>
          %get3A_4508 = arith.constant 6 : i32
          %get3A_4509 = arith.index_cast %get3A_4508 : i32 to index
          %get3A_4510 = arith.constant 192 : index
          %get3A_4511 = tpu.vector_load %arg7[%get3A_4509, %get3A_4510] {strides = array<i32>} : memref<16x256xf32, #tpu.memory_space<vmem>>, vector<1x16xf32>,
          %get3A_4512 = vector.shape_cast %get3A_4511 : vector<1x16xf32> to vector<16xf32>
          %get3A_4513 = arith.constant 7 : i32
          %get3A_4514 = arith.index_cast %get3A_4513 : i32 to index
          %get3A_4515 = arith.constant 192 : index
          %get3A_4516 = tpu.vector_load %arg7[%get3A_4514, %get3A_4515] {strides = array<i32>} : memref<16x256xf32, #tpu.memory_space<vmem>>, vector<1x16xf32>,
          %get3A_4517 = vector.shape_cast %get3A_4516 : vector<1x16xf32> to vector<16xf32>
          %get3A_4518 = arith.constant 8 : i32
          %get3A_4519 = arith.index_cast %get3A_4518 : i32 to index
          %get3A_4520 = arith.constant 192 : index
          %get3A_4521 = tpu.vector_load %arg7[%get3A_4519, %get3A_4520] {strides = array<i32>} : memref<16x256xf32, #tpu.memory_space<vmem>>, vector<1x16xf32>,
          %get3A_4522 = vector.shape_cast %get3A_4521 : vector<1x16xf32> to vector<16xf32>
          %get3A_4523 = arith.constant 9 : i32
          %get3A_4524 = arith.index_cast %get3A_4523 : i32 to index
          %get3A_4525 = arith.constant 192 : index
          %get3A_4526 = tpu.vector_load %arg7[%get3A_4524, %get3A_4525] {strides = array<i32>} : memref<16x256xf32, #tpu.memory_space<vmem>>, vector<1x16xf32>,
          %get3A_4527 = vector.shape_cast %get3A_4526 : vector<1x16xf32> to vector<16xf32>
          %get3A_4528 = arith.constant 10 : i32
          %get3A_4529 = arith.index_cast %get3A_4528 : i32 to index
          %get3A_4530 = arith.constant 192 : index
          %get3A_4531 = tpu.vector_load %arg7[%get3A_4529, %get3A_4530] {strides = array<i32>} : memref<16x256xf32, #tpu.memory_space<vmem>>, vector<1x16xf32>,
          %get3A_4532 = vector.shape_cast %get3A_4531 : vector<1x16xf32> to vector<16xf32>
          %get3A_4533 = arith.constant 11 : i32
          %get3A_4534 = arith.index_cast %get3A_4533 : i32 to index
          %get3A_4535 = arith.constant 192 : index
          %get3A_4536 = tpu.vector_load %arg7[%get3A_4534, %get3A_4535] {strides = array<i32>} : memref<16x256xf32, #tpu.memory_space<vmem>>, vector<1x16xf32>,
          %get3A_4537 = vector.shape_cast %get3A_4536 : vector<1x16xf32> to vector<16xf32>
          %get3A_4538 = arith.constant 12 : i32
          %get3A_4539 = arith.index_cast %get3A_4538 : i32 to index
          %get3A_4540 = arith.constant 192 : index
          %get3A_4541 = tpu.vector_load %arg7[%get3A_4539, %get3A_4540] {strides = array<i32>} : memref<16x256xf32, #tpu.memory_space<vmem>>, vector<1x16xf32>,
          %get3A_4542 = vector.shape_cast %get3A_4541 : vector<1x16xf32> to vector<16xf32>
          %get3A_4543 = arith.constant 13 : i32
          %get3A_4544 = arith.index_cast %get3A_4543 : i32 to index
          %get3A_4545 = arith.constant 192 : index
          %get3A_4546 = tpu.vector_load %arg7[%get3A_4544, %get3A_4545] {strides = array<i32>} : memref<16x256xf32, #tpu.memory_space<vmem>>, vector<1x16xf32>,
          %get3A_4547 = vector.shape_cast %get3A_4546 : vector<1x16xf32> to vector<16xf32>
          %get3A_4548 = arith.constant 14 : i32
          %get3A_4549 = arith.index_cast %get3A_4548 : i32 to index
          %get3A_4550 = arith.constant 192 : index
          %get3A_4551 = tpu.vector_load %arg7[%get3A_4549, %get3A_4550] {strides = array<i32>} : memref<16x256xf32, #tpu.memory_space<vmem>>, vector<1x16xf32>,
          %get3A_4552 = vector.shape_cast %get3A_4551 : vector<1x16xf32> to vector<16xf32>
          %get3A_4553 = arith.constant 15 : i32
          %get3A_4554 = arith.index_cast %get3A_4553 : i32 to index
          %get3A_4555 = arith.constant 192 : index
          %get3A_4556 = tpu.vector_load %arg7[%get3A_4554, %get3A_4555] {strides = array<i32>} : memref<16x256xf32, #tpu.memory_space<vmem>>, vector<1x16xf32>,
          %get3A_4557 = vector.shape_cast %get3A_4556 : vector<1x16xf32> to vector<16xf32>
          %max3A_4558 = arith.maximumf %get3A_4482, %get3A_4487 : vector<16xf32>
          %max3A_4559 = arith.maximumf %get3A_4492, %get3A_4497 : vector<16xf32>
          %max3A_4560 = arith.maximumf %get3A_4502, %get3A_4507 : vector<16xf32>
          %max3A_4561 = arith.maximumf %get3A_4512, %get3A_4517 : vector<16xf32>
          %max3A_4562 = arith.maximumf %get3A_4522, %get3A_4527 : vector<16xf32>
          %max3A_4563 = arith.maximumf %get3A_4532, %get3A_4537 : vector<16xf32>
          %max3A_4564 = arith.maximumf %get3A_4542, %get3A_4547 : vector<16xf32>
          %max3A_4565 = arith.maximumf %get3A_4552, %get3A_4557 : vector<16xf32>
          %max3A_4566 = arith.maximumf %max3A_4558, %max3A_4559 : vector<16xf32>
          %max3A_4567 = arith.maximumf %max3A_4560, %max3A_4561 : vector<16xf32>
          %max3A_4568 = arith.maximumf %max3A_4562, %max3A_4563 : vector<16xf32>
          %max3A_4569 = arith.maximumf %max3A_4564, %max3A_4565 : vector<16xf32>
          %max3A_4570 = arith.maximumf %max3A_4566, %max3A_4567 : vector<16xf32>
          %max3A_4571 = arith.maximumf %max3A_4568, %max3A_4569 : vector<16xf32>
          %max3A_4572 = arith.maximumf %max3A_4570, %max3A_4571 : vector<16xf32>
          %swap3A_4573 = arith.index_cast %add3A_3277 : i32 to index
          %swap3A_4574 = arith.constant 192 : index
          %swap3A_4575 = tpu.vector_load %arg8[%swap3A_4573, %swap3A_4574] {strides = array<i32>} : memref<49x256xf32, #tpu.memory_space<vmem>>, vector<1x16xf32>,
          %swap3A_4576 = vector.shape_cast %swap3A_4575 : vector<1x16xf32> to vector<16xf32>
          %swap3A_4577 = vector.shape_cast %max3A_4572 : vector<16xf32> to vector<1x16xf32>
          tpu.vector_store %arg8[%swap3A_4573, %swap3A_4574], %swap3A_4577 {strides = array<i32>} : memref<49x256xf32, #tpu.memory_space<vmem>>, vector<1x16xf32>,
          %get3A_4578 = arith.constant 0 : i32
          %get3A_4579 = arith.index_cast %get3A_4578 : i32 to index
          %get3A_4580 = arith.constant 208 : index
          %get3A_4581 = tpu.vector_load %arg7[%get3A_4579, %get3A_4580] {strides = array<i32>} : memref<16x256xf32, #tpu.memory_space<vmem>>, vector<1x16xf32>,
          %get3A_4582 = vector.shape_cast %get3A_4581 : vector<1x16xf32> to vector<16xf32>
          %get3A_4583 = arith.constant 1 : i32
          %get3A_4584 = arith.index_cast %get3A_4583 : i32 to index
          %get3A_4585 = arith.constant 208 : index
          %get3A_4586 = tpu.vector_load %arg7[%get3A_4584, %get3A_4585] {strides = array<i32>} : memref<16x256xf32, #tpu.memory_space<vmem>>, vector<1x16xf32>,
          %get3A_4587 = vector.shape_cast %get3A_4586 : vector<1x16xf32> to vector<16xf32>
          %get3A_4588 = arith.constant 2 : i32
          %get3A_4589 = arith.index_cast %get3A_4588 : i32 to index
          %get3A_4590 = arith.constant 208 : index
          %get3A_4591 = tpu.vector_load %arg7[%get3A_4589, %get3A_4590] {strides = array<i32>} : memref<16x256xf32, #tpu.memory_space<vmem>>, vector<1x16xf32>,
          %get3A_4592 = vector.shape_cast %get3A_4591 : vector<1x16xf32> to vector<16xf32>
          %get3A_4593 = arith.constant 3 : i32
          %get3A_4594 = arith.index_cast %get3A_4593 : i32 to index
          %get3A_4595 = arith.constant 208 : index
          %get3A_4596 = tpu.vector_load %arg7[%get3A_4594, %get3A_4595] {strides = array<i32>} : memref<16x256xf32, #tpu.memory_space<vmem>>, vector<1x16xf32>,
          %get3A_4597 = vector.shape_cast %get3A_4596 : vector<1x16xf32> to vector<16xf32>
          %get3A_4598 = arith.constant 4 : i32
          %get3A_4599 = arith.index_cast %get3A_4598 : i32 to index
          %get3A_4600 = arith.constant 208 : index
          %get3A_4601 = tpu.vector_load %arg7[%get3A_4599, %get3A_4600] {strides = array<i32>} : memref<16x256xf32, #tpu.memory_space<vmem>>, vector<1x16xf32>,
          %get3A_4602 = vector.shape_cast %get3A_4601 : vector<1x16xf32> to vector<16xf32>
          %get3A_4603 = arith.constant 5 : i32
          %get3A_4604 = arith.index_cast %get3A_4603 : i32 to index
          %get3A_4605 = arith.constant 208 : index
          %get3A_4606 = tpu.vector_load %arg7[%get3A_4604, %get3A_4605] {strides = array<i32>} : memref<16x256xf32, #tpu.memory_space<vmem>>, vector<1x16xf32>,
          %get3A_4607 = vector.shape_cast %get3A_4606 : vector<1x16xf32> to vector<16xf32>
          %get3A_4608 = arith.constant 6 : i32
          %get3A_4609 = arith.index_cast %get3A_4608 : i32 to index
          %get3A_4610 = arith.constant 208 : index
          %get3A_4611 = tpu.vector_load %arg7[%get3A_4609, %get3A_4610] {strides = array<i32>} : memref<16x256xf32, #tpu.memory_space<vmem>>, vector<1x16xf32>,
          %get3A_4612 = vector.shape_cast %get3A_4611 : vector<1x16xf32> to vector<16xf32>
          %get3A_4613 = arith.constant 7 : i32
          %get3A_4614 = arith.index_cast %get3A_4613 : i32 to index
          %get3A_4615 = arith.constant 208 : index
          %get3A_4616 = tpu.vector_load %arg7[%get3A_4614, %get3A_4615] {strides = array<i32>} : memref<16x256xf32, #tpu.memory_space<vmem>>, vector<1x16xf32>,
          %get3A_4617 = vector.shape_cast %get3A_4616 : vector<1x16xf32> to vector<16xf32>
          %get3A_4618 = arith.constant 8 : i32
          %get3A_4619 = arith.index_cast %get3A_4618 : i32 to index
          %get3A_4620 = arith.constant 208 : index
          %get3A_4621 = tpu.vector_load %arg7[%get3A_4619, %get3A_4620] {strides = array<i32>} : memref<16x256xf32, #tpu.memory_space<vmem>>, vector<1x16xf32>,
          %get3A_4622 = vector.shape_cast %get3A_4621 : vector<1x16xf32> to vector<16xf32>
          %get3A_4623 = arith.constant 9 : i32
          %get3A_4624 = arith.index_cast %get3A_4623 : i32 to index
          %get3A_4625 = arith.constant 208 : index
          %get3A_4626 = tpu.vector_load %arg7[%get3A_4624, %get3A_4625] {strides = array<i32>} : memref<16x256xf32, #tpu.memory_space<vmem>>, vector<1x16xf32>,
          %get3A_4627 = vector.shape_cast %get3A_4626 : vector<1x16xf32> to vector<16xf32>
          %get3A_4628 = arith.constant 10 : i32
          %get3A_4629 = arith.index_cast %get3A_4628 : i32 to index
          %get3A_4630 = arith.constant 208 : index
          %get3A_4631 = tpu.vector_load %arg7[%get3A_4629, %get3A_4630] {strides = array<i32>} : memref<16x256xf32, #tpu.memory_space<vmem>>, vector<1x16xf32>,
          %get3A_4632 = vector.shape_cast %get3A_4631 : vector<1x16xf32> to vector<16xf32>
          %get3A_4633 = arith.constant 11 : i32
          %get3A_4634 = arith.index_cast %get3A_4633 : i32 to index
          %get3A_4635 = arith.constant 208 : index
          %get3A_4636 = tpu.vector_load %arg7[%get3A_4634, %get3A_4635] {strides = array<i32>} : memref<16x256xf32, #tpu.memory_space<vmem>>, vector<1x16xf32>,
          %get3A_4637 = vector.shape_cast %get3A_4636 : vector<1x16xf32> to vector<16xf32>
          %get3A_4638 = arith.constant 12 : i32
          %get3A_4639 = arith.index_cast %get3A_4638 : i32 to index
          %get3A_4640 = arith.constant 208 : index
          %get3A_4641 = tpu.vector_load %arg7[%get3A_4639, %get3A_4640] {strides = array<i32>} : memref<16x256xf32, #tpu.memory_space<vmem>>, vector<1x16xf32>,
          %get3A_4642 = vector.shape_cast %get3A_4641 : vector<1x16xf32> to vector<16xf32>
          %get3A_4643 = arith.constant 13 : i32
          %get3A_4644 = arith.index_cast %get3A_4643 : i32 to index
          %get3A_4645 = arith.constant 208 : index
          %get3A_4646 = tpu.vector_load %arg7[%get3A_4644, %get3A_4645] {strides = array<i32>} : memref<16x256xf32, #tpu.memory_space<vmem>>, vector<1x16xf32>,
          %get3A_4647 = vector.shape_cast %get3A_4646 : vector<1x16xf32> to vector<16xf32>
          %get3A_4648 = arith.constant 14 : i32
          %get3A_4649 = arith.index_cast %get3A_4648 : i32 to index
          %get3A_4650 = arith.constant 208 : index
          %get3A_4651 = tpu.vector_load %arg7[%get3A_4649, %get3A_4650] {strides = array<i32>} : memref<16x256xf32, #tpu.memory_space<vmem>>, vector<1x16xf32>,
          %get3A_4652 = vector.shape_cast %get3A_4651 : vector<1x16xf32> to vector<16xf32>
          %get3A_4653 = arith.constant 15 : i32
          %get3A_4654 = arith.index_cast %get3A_4653 : i32 to index
          %get3A_4655 = arith.constant 208 : index
          %get3A_4656 = tpu.vector_load %arg7[%get3A_4654, %get3A_4655] {strides = array<i32>} : memref<16x256xf32, #tpu.memory_space<vmem>>, vector<1x16xf32>,
          %get3A_4657 = vector.shape_cast %get3A_4656 : vector<1x16xf32> to vector<16xf32>
          %max3A_4658 = arith.maximumf %get3A_4582, %get3A_4587 : vector<16xf32>
          %max3A_4659 = arith.maximumf %get3A_4592, %get3A_4597 : vector<16xf32>
          %max3A_4660 = arith.maximumf %get3A_4602, %get3A_4607 : vector<16xf32>
          %max3A_4661 = arith.maximumf %get3A_4612, %get3A_4617 : vector<16xf32>
          %max3A_4662 = arith.maximumf %get3A_4622, %get3A_4627 : vector<16xf32>
          %max3A_4663 = arith.maximumf %get3A_4632, %get3A_4637 : vector<16xf32>
          %max3A_4664 = arith.maximumf %get3A_4642, %get3A_4647 : vector<16xf32>
          %max3A_4665 = arith.maximumf %get3A_4652, %get3A_4657 : vector<16xf32>
          %max3A_4666 = arith.maximumf %max3A_4658, %max3A_4659 : vector<16xf32>
          %max3A_4667 = arith.maximumf %max3A_4660, %max3A_4661 : vector<16xf32>
          %max3A_4668 = arith.maximumf %max3A_4662, %max3A_4663 : vector<16xf32>
          %max3A_4669 = arith.maximumf %max3A_4664, %max3A_4665 : vector<16xf32>
          %max3A_4670 = arith.maximumf %max3A_4666, %max3A_4667 : vector<16xf32>
          %max3A_4671 = arith.maximumf %max3A_4668, %max3A_4669 : vector<16xf32>
          %max3A_4672 = arith.maximumf %max3A_4670, %max3A_4671 : vector<16xf32>
          %swap3A_4673 = arith.index_cast %add3A_3277 : i32 to index
          %swap3A_4674 = arith.constant 208 : index
          %swap3A_4675 = tpu.vector_load %arg8[%swap3A_4673, %swap3A_4674] {strides = array<i32>} : memref<49x256xf32, #tpu.memory_space<vmem>>, vector<1x16xf32>,
          %swap3A_4676 = vector.shape_cast %swap3A_4675 : vector<1x16xf32> to vector<16xf32>
          %swap3A_4677 = vector.shape_cast %max3A_4672 : vector<16xf32> to vector<1x16xf32>
          tpu.vector_store %arg8[%swap3A_4673, %swap3A_4674], %swap3A_4677 {strides = array<i32>} : memref<49x256xf32, #tpu.memory_space<vmem>>, vector<1x16xf32>,
          %get3A_4678 = arith.constant 0 : i32
          %get3A_4679 = arith.index_cast %get3A_4678 : i32 to index
          %get3A_4680 = arith.constant 224 : index
          %get3A_4681 = tpu.vector_load %arg7[%get3A_4679, %get3A_4680] {strides = array<i32>} : memref<16x256xf32, #tpu.memory_space<vmem>>, vector<1x16xf32>,
          %get3A_4682 = vector.shape_cast %get3A_4681 : vector<1x16xf32> to vector<16xf32>
          %get3A_4683 = arith.constant 1 : i32
          %get3A_4684 = arith.index_cast %get3A_4683 : i32 to index
          %get3A_4685 = arith.constant 224 : index
          %get3A_4686 = tpu.vector_load %arg7[%get3A_4684, %get3A_4685] {strides = array<i32>} : memref<16x256xf32, #tpu.memory_space<vmem>>, vector<1x16xf32>,
          %get3A_4687 = vector.shape_cast %get3A_4686 : vector<1x16xf32> to vector<16xf32>
          %get3A_4688 = arith.constant 2 : i32
          %get3A_4689 = arith.index_cast %get3A_4688 : i32 to index
          %get3A_4690 = arith.constant 224 : index
          %get3A_4691 = tpu.vector_load %arg7[%get3A_4689, %get3A_4690] {strides = array<i32>} : memref<16x256xf32, #tpu.memory_space<vmem>>, vector<1x16xf32>,
          %get3A_4692 = vector.shape_cast %get3A_4691 : vector<1x16xf32> to vector<16xf32>
          %get3A_4693 = arith.constant 3 : i32
          %get3A_4694 = arith.index_cast %get3A_4693 : i32 to index
          %get3A_4695 = arith.constant 224 : index
          %get3A_4696 = tpu.vector_load %arg7[%get3A_4694, %get3A_4695] {strides = array<i32>} : memref<16x256xf32, #tpu.memory_space<vmem>>, vector<1x16xf32>,
          %get3A_4697 = vector.shape_cast %get3A_4696 : vector<1x16xf32> to vector<16xf32>
          %get3A_4698 = arith.constant 4 : i32
          %get3A_4699 = arith.index_cast %get3A_4698 : i32 to index
          %get3A_4700 = arith.constant 224 : index
          %get3A_4701 = tpu.vector_load %arg7[%get3A_4699, %get3A_4700] {strides = array<i32>} : memref<16x256xf32, #tpu.memory_space<vmem>>, vector<1x16xf32>,
          %get3A_4702 = vector.shape_cast %get3A_4701 : vector<1x16xf32> to vector<16xf32>
          %get3A_4703 = arith.constant 5 : i32
          %get3A_4704 = arith.index_cast %get3A_4703 : i32 to index
          %get3A_4705 = arith.constant 224 : index
          %get3A_4706 = tpu.vector_load %arg7[%get3A_4704, %get3A_4705] {strides = array<i32>} : memref<16x256xf32, #tpu.memory_space<vmem>>, vector<1x16xf32>,
          %get3A_4707 = vector.shape_cast %get3A_4706 : vector<1x16xf32> to vector<16xf32>
          %get3A_4708 = arith.constant 6 : i32
          %get3A_4709 = arith.index_cast %get3A_4708 : i32 to index
          %get3A_4710 = arith.constant 224 : index
          %get3A_4711 = tpu.vector_load %arg7[%get3A_4709, %get3A_4710] {strides = array<i32>} : memref<16x256xf32, #tpu.memory_space<vmem>>, vector<1x16xf32>,
          %get3A_4712 = vector.shape_cast %get3A_4711 : vector<1x16xf32> to vector<16xf32>
          %get3A_4713 = arith.constant 7 : i32
          %get3A_4714 = arith.index_cast %get3A_4713 : i32 to index
          %get3A_4715 = arith.constant 224 : index
          %get3A_4716 = tpu.vector_load %arg7[%get3A_4714, %get3A_4715] {strides = array<i32>} : memref<16x256xf32, #tpu.memory_space<vmem>>, vector<1x16xf32>,
          %get3A_4717 = vector.shape_cast %get3A_4716 : vector<1x16xf32> to vector<16xf32>
          %get3A_4718 = arith.constant 8 : i32
          %get3A_4719 = arith.index_cast %get3A_4718 : i32 to index
          %get3A_4720 = arith.constant 224 : index
          %get3A_4721 = tpu.vector_load %arg7[%get3A_4719, %get3A_4720] {strides = array<i32>} : memref<16x256xf32, #tpu.memory_space<vmem>>, vector<1x16xf32>,
          %get3A_4722 = vector.shape_cast %get3A_4721 : vector<1x16xf32> to vector<16xf32>
          %get3A_4723 = arith.constant 9 : i32
          %get3A_4724 = arith.index_cast %get3A_4723 : i32 to index
          %get3A_4725 = arith.constant 224 : index
          %get3A_4726 = tpu.vector_load %arg7[%get3A_4724, %get3A_4725] {strides = array<i32>} : memref<16x256xf32, #tpu.memory_space<vmem>>, vector<1x16xf32>,
          %get3A_4727 = vector.shape_cast %get3A_4726 : vector<1x16xf32> to vector<16xf32>
          %get3A_4728 = arith.constant 10 : i32
          %get3A_4729 = arith.index_cast %get3A_4728 : i32 to index
          %get3A_4730 = arith.constant 224 : index
          %get3A_4731 = tpu.vector_load %arg7[%get3A_4729, %get3A_4730] {strides = array<i32>} : memref<16x256xf32, #tpu.memory_space<vmem>>, vector<1x16xf32>,
          %get3A_4732 = vector.shape_cast %get3A_4731 : vector<1x16xf32> to vector<16xf32>
          %get3A_4733 = arith.constant 11 : i32
          %get3A_4734 = arith.index_cast %get3A_4733 : i32 to index
          %get3A_4735 = arith.constant 224 : index
          %get3A_4736 = tpu.vector_load %arg7[%get3A_4734, %get3A_4735] {strides = array<i32>} : memref<16x256xf32, #tpu.memory_space<vmem>>, vector<1x16xf32>,
          %get3A_4737 = vector.shape_cast %get3A_4736 : vector<1x16xf32> to vector<16xf32>
          %get3A_4738 = arith.constant 12 : i32
          %get3A_4739 = arith.index_cast %get3A_4738 : i32 to index
          %get3A_4740 = arith.constant 224 : index
          %get3A_4741 = tpu.vector_load %arg7[%get3A_4739, %get3A_4740] {strides = array<i32>} : memref<16x256xf32, #tpu.memory_space<vmem>>, vector<1x16xf32>,
          %get3A_4742 = vector.shape_cast %get3A_4741 : vector<1x16xf32> to vector<16xf32>
          %get3A_4743 = arith.constant 13 : i32
          %get3A_4744 = arith.index_cast %get3A_4743 : i32 to index
          %get3A_4745 = arith.constant 224 : index
          %get3A_4746 = tpu.vector_load %arg7[%get3A_4744, %get3A_4745] {strides = array<i32>} : memref<16x256xf32, #tpu.memory_space<vmem>>, vector<1x16xf32>,
          %get3A_4747 = vector.shape_cast %get3A_4746 : vector<1x16xf32> to vector<16xf32>
          %get3A_4748 = arith.constant 14 : i32
          %get3A_4749 = arith.index_cast %get3A_4748 : i32 to index
          %get3A_4750 = arith.constant 224 : index
          %get3A_4751 = tpu.vector_load %arg7[%get3A_4749, %get3A_4750] {strides = array<i32>} : memref<16x256xf32, #tpu.memory_space<vmem>>, vector<1x16xf32>,
          %get3A_4752 = vector.shape_cast %get3A_4751 : vector<1x16xf32> to vector<16xf32>
          %get3A_4753 = arith.constant 15 : i32
          %get3A_4754 = arith.index_cast %get3A_4753 : i32 to index
          %get3A_4755 = arith.constant 224 : index
          %get3A_4756 = tpu.vector_load %arg7[%get3A_4754, %get3A_4755] {strides = array<i32>} : memref<16x256xf32, #tpu.memory_space<vmem>>, vector<1x16xf32>,
          %get3A_4757 = vector.shape_cast %get3A_4756 : vector<1x16xf32> to vector<16xf32>
          %max3A_4758 = arith.maximumf %get3A_4682, %get3A_4687 : vector<16xf32>
          %max3A_4759 = arith.maximumf %get3A_4692, %get3A_4697 : vector<16xf32>
          %max3A_4760 = arith.maximumf %get3A_4702, %get3A_4707 : vector<16xf32>
          %max3A_4761 = arith.maximumf %get3A_4712, %get3A_4717 : vector<16xf32>
          %max3A_4762 = arith.maximumf %get3A_4722, %get3A_4727 : vector<16xf32>
          %max3A_4763 = arith.maximumf %get3A_4732, %get3A_4737 : vector<16xf32>
          %max3A_4764 = arith.maximumf %get3A_4742, %get3A_4747 : vector<16xf32>
          %max3A_4765 = arith.maximumf %get3A_4752, %get3A_4757 : vector<16xf32>
          %max3A_4766 = arith.maximumf %max3A_4758, %max3A_4759 : vector<16xf32>
          %max3A_4767 = arith.maximumf %max3A_4760, %max3A_4761 : vector<16xf32>
          %max3A_4768 = arith.maximumf %max3A_4762, %max3A_4763 : vector<16xf32>
          %max3A_4769 = arith.maximumf %max3A_4764, %max3A_4765 : vector<16xf32>
          %max3A_4770 = arith.maximumf %max3A_4766, %max3A_4767 : vector<16xf32>
          %max3A_4771 = arith.maximumf %max3A_4768, %max3A_4769 : vector<16xf32>
          %max3A_4772 = arith.maximumf %max3A_4770, %max3A_4771 : vector<16xf32>
          %swap3A_4773 = arith.index_cast %add3A_3277 : i32 to index
          %swap3A_4774 = arith.constant 224 : index
          %swap3A_4775 = tpu.vector_load %arg8[%swap3A_4773, %swap3A_4774] {strides = array<i32>} : memref<49x256xf32, #tpu.memory_space<vmem>>, vector<1x16xf32>,
          %swap3A_4776 = vector.shape_cast %swap3A_4775 : vector<1x16xf32> to vector<16xf32>
          %swap3A_4777 = vector.shape_cast %max3A_4772 : vector<16xf32> to vector<1x16xf32>
          tpu.vector_store %arg8[%swap3A_4773, %swap3A_4774], %swap3A_4777 {strides = array<i32>} : memref<49x256xf32, #tpu.memory_space<vmem>>, vector<1x16xf32>,
          %get3A_4778 = arith.constant 0 : i32
          %get3A_4779 = arith.index_cast %get3A_4778 : i32 to index
          %get3A_4780 = arith.constant 240 : index
          %get3A_4781 = tpu.vector_load %arg7[%get3A_4779, %get3A_4780] {strides = array<i32>} : memref<16x256xf32, #tpu.memory_space<vmem>>, vector<1x16xf32>,
          %get3A_4782 = vector.shape_cast %get3A_4781 : vector<1x16xf32> to vector<16xf32>
          %get3A_4783 = arith.constant 1 : i32
          %get3A_4784 = arith.index_cast %get3A_4783 : i32 to index
          %get3A_4785 = arith.constant 240 : index
          %get3A_4786 = tpu.vector_load %arg7[%get3A_4784, %get3A_4785] {strides = array<i32>} : memref<16x256xf32, #tpu.memory_space<vmem>>, vector<1x16xf32>,
          %get3A_4787 = vector.shape_cast %get3A_4786 : vector<1x16xf32> to vector<16xf32>
          %get3A_4788 = arith.constant 2 : i32
          %get3A_4789 = arith.index_cast %get3A_4788 : i32 to index
          %get3A_4790 = arith.constant 240 : index
          %get3A_4791 = tpu.vector_load %arg7[%get3A_4789, %get3A_4790] {strides = array<i32>} : memref<16x256xf32, #tpu.memory_space<vmem>>, vector<1x16xf32>,
          %get3A_4792 = vector.shape_cast %get3A_4791 : vector<1x16xf32> to vector<16xf32>
          %get3A_4793 = arith.constant 3 : i32
          %get3A_4794 = arith.index_cast %get3A_4793 : i32 to index
          %get3A_4795 = arith.constant 240 : index
          %get3A_4796 = tpu.vector_load %arg7[%get3A_4794, %get3A_4795] {strides = array<i32>} : memref<16x256xf32, #tpu.memory_space<vmem>>, vector<1x16xf32>,
          %get3A_4797 = vector.shape_cast %get3A_4796 : vector<1x16xf32> to vector<16xf32>
          %get3A_4798 = arith.constant 4 : i32
          %get3A_4799 = arith.index_cast %get3A_4798 : i32 to index
          %get3A_4800 = arith.constant 240 : index
          %get3A_4801 = tpu.vector_load %arg7[%get3A_4799, %get3A_4800] {strides = array<i32>} : memref<16x256xf32, #tpu.memory_space<vmem>>, vector<1x16xf32>,
          %get3A_4802 = vector.shape_cast %get3A_4801 : vector<1x16xf32> to vector<16xf32>
          %get3A_4803 = arith.constant 5 : i32
          %get3A_4804 = arith.index_cast %get3A_4803 : i32 to index
          %get3A_4805 = arith.constant 240 : index
          %get3A_4806 = tpu.vector_load %arg7[%get3A_4804, %get3A_4805] {strides = array<i32>} : memref<16x256xf32, #tpu.memory_space<vmem>>, vector<1x16xf32>,
          %get3A_4807 = vector.shape_cast %get3A_4806 : vector<1x16xf32> to vector<16xf32>
          %get3A_4808 = arith.constant 6 : i32
          %get3A_4809 = arith.index_cast %get3A_4808 : i32 to index
          %get3A_4810 = arith.constant 240 : index
          %get3A_4811 = tpu.vector_load %arg7[%get3A_4809, %get3A_4810] {strides = array<i32>} : memref<16x256xf32, #tpu.memory_space<vmem>>, vector<1x16xf32>,
          %get3A_4812 = vector.shape_cast %get3A_4811 : vector<1x16xf32> to vector<16xf32>
          %get3A_4813 = arith.constant 7 : i32
          %get3A_4814 = arith.index_cast %get3A_4813 : i32 to index
          %get3A_4815 = arith.constant 240 : index
          %get3A_4816 = tpu.vector_load %arg7[%get3A_4814, %get3A_4815] {strides = array<i32>} : memref<16x256xf32, #tpu.memory_space<vmem>>, vector<1x16xf32>,
          %get3A_4817 = vector.shape_cast %get3A_4816 : vector<1x16xf32> to vector<16xf32>
          %get3A_4818 = arith.constant 8 : i32
          %get3A_4819 = arith.index_cast %get3A_4818 : i32 to index
          %get3A_4820 = arith.constant 240 : index
          %get3A_4821 = tpu.vector_load %arg7[%get3A_4819, %get3A_4820] {strides = array<i32>} : memref<16x256xf32, #tpu.memory_space<vmem>>, vector<1x16xf32>,
          %get3A_4822 = vector.shape_cast %get3A_4821 : vector<1x16xf32> to vector<16xf32>
          %get3A_4823 = arith.constant 9 : i32
          %get3A_4824 = arith.index_cast %get3A_4823 : i32 to index
          %get3A_4825 = arith.constant 240 : index
          %get3A_4826 = tpu.vector_load %arg7[%get3A_4824, %get3A_4825] {strides = array<i32>} : memref<16x256xf32, #tpu.memory_space<vmem>>, vector<1x16xf32>,
          %get3A_4827 = vector.shape_cast %get3A_4826 : vector<1x16xf32> to vector<16xf32>
          %get3A_4828 = arith.constant 10 : i32
          %get3A_4829 = arith.index_cast %get3A_4828 : i32 to index
          %get3A_4830 = arith.constant 240 : index
          %get3A_4831 = tpu.vector_load %arg7[%get3A_4829, %get3A_4830] {strides = array<i32>} : memref<16x256xf32, #tpu.memory_space<vmem>>, vector<1x16xf32>,
          %get3A_4832 = vector.shape_cast %get3A_4831 : vector<1x16xf32> to vector<16xf32>
          %get3A_4833 = arith.constant 11 : i32
          %get3A_4834 = arith.index_cast %get3A_4833 : i32 to index
          %get3A_4835 = arith.constant 240 : index
          %get3A_4836 = tpu.vector_load %arg7[%get3A_4834, %get3A_4835] {strides = array<i32>} : memref<16x256xf32, #tpu.memory_space<vmem>>, vector<1x16xf32>,
          %get3A_4837 = vector.shape_cast %get3A_4836 : vector<1x16xf32> to vector<16xf32>
          %get3A_4838 = arith.constant 12 : i32
          %get3A_4839 = arith.index_cast %get3A_4838 : i32 to index
          %get3A_4840 = arith.constant 240 : index
          %get3A_4841 = tpu.vector_load %arg7[%get3A_4839, %get3A_4840] {strides = array<i32>} : memref<16x256xf32, #tpu.memory_space<vmem>>, vector<1x16xf32>,
          %get3A_4842 = vector.shape_cast %get3A_4841 : vector<1x16xf32> to vector<16xf32>
          %get3A_4843 = arith.constant 13 : i32
          %get3A_4844 = arith.index_cast %get3A_4843 : i32 to index
          %get3A_4845 = arith.constant 240 : index
          %get3A_4846 = tpu.vector_load %arg7[%get3A_4844, %get3A_4845] {strides = array<i32>} : memref<16x256xf32, #tpu.memory_space<vmem>>, vector<1x16xf32>,
          %get3A_4847 = vector.shape_cast %get3A_4846 : vector<1x16xf32> to vector<16xf32>
          %get3A_4848 = arith.constant 14 : i32
          %get3A_4849 = arith.index_cast %get3A_4848 : i32 to index
          %get3A_4850 = arith.constant 240 : index
          %get3A_4851 = tpu.vector_load %arg7[%get3A_4849, %get3A_4850] {strides = array<i32>} : memref<16x256xf32, #tpu.memory_space<vmem>>, vector<1x16xf32>,
          %get3A_4852 = vector.shape_cast %get3A_4851 : vector<1x16xf32> to vector<16xf32>
          %get3A_4853 = arith.constant 15 : i32
          %get3A_4854 = arith.index_cast %get3A_4853 : i32 to index
          %get3A_4855 = arith.constant 240 : index
          %get3A_4856 = tpu.vector_load %arg7[%get3A_4854, %get3A_4855] {strides = array<i32>} : memref<16x256xf32, #tpu.memory_space<vmem>>, vector<1x16xf32>,
          %get3A_4857 = vector.shape_cast %get3A_4856 : vector<1x16xf32> to vector<16xf32>
          %max3A_4858 = arith.maximumf %get3A_4782, %get3A_4787 : vector<16xf32>
          %max3A_4859 = arith.maximumf %get3A_4792, %get3A_4797 : vector<16xf32>
          %max3A_4860 = arith.maximumf %get3A_4802, %get3A_4807 : vector<16xf32>
          %max3A_4861 = arith.maximumf %get3A_4812, %get3A_4817 : vector<16xf32>
          %max3A_4862 = arith.maximumf %get3A_4822, %get3A_4827 : vector<16xf32>
          %max3A_4863 = arith.maximumf %get3A_4832, %get3A_4837 : vector<16xf32>
          %max3A_4864 = arith.maximumf %get3A_4842, %get3A_4847 : vector<16xf32>
          %max3A_4865 = arith.maximumf %get3A_4852, %get3A_4857 : vector<16xf32>
          %max3A_4866 = arith.maximumf %max3A_4858, %max3A_4859 : vector<16xf32>
          %max3A_4867 = arith.maximumf %max3A_4860, %max3A_4861 : vector<16xf32>
          %max3A_4868 = arith.maximumf %max3A_4862, %max3A_4863 : vector<16xf32>
          %max3A_4869 = arith.maximumf %max3A_4864, %max3A_4865 : vector<16xf32>
          %max3A_4870 = arith.maximumf %max3A_4866, %max3A_4867 : vector<16xf32>
          %max3A_4871 = arith.maximumf %max3A_4868, %max3A_4869 : vector<16xf32>
          %max3A_4872 = arith.maximumf %max3A_4870, %max3A_4871 : vector<16xf32>
          %swap3A_4873 = arith.index_cast %add3A_3277 : i32 to index
          %swap3A_4874 = arith.constant 240 : index
          %swap3A_4875 = tpu.vector_load %arg8[%swap3A_4873, %swap3A_4874] {strides = array<i32>} : memref<49x256xf32, #tpu.memory_space<vmem>>, vector<1x16xf32>,
          %swap3A_4876 = vector.shape_cast %swap3A_4875 : vector<1x16xf32> to vector<16xf32>
          %swap3A_4877 = vector.shape_cast %max3A_4872 : vector<16xf32> to vector<1x16xf32>
          tpu.vector_store %arg8[%swap3A_4873, %swap3A_4874], %swap3A_4877 {strides = array<i32>} : memref<49x256xf32, #tpu.memory_space<vmem>>, vector<1x16xf32>,
        }
        %scan3A_23 = arith.constant 24 : i32
        %dma_wait3A = arith.constant 0 : i32
        %dma_wait3A_24 = arith.constant 0 : i32
        %dma_wait3A_25 = tpu.memref_slice %arg5[%dma_wait3A, %dma_wait3A_24] : memref<49x16xi32, #tpu.memory_space<vmem>> -> memref<1x16xi32, #tpu.memory_space<vmem>>
        %dma_wait3A_26 = tpu.memref_squeeze %dma_wait3A_25 : memref<1x16xi32, #tpu.memory_space<vmem>> -> memref<16xi32, #tpu.memory_space<vmem>>
        %dma_wait3A_27 = arith.constant 0 : i32
        %dma_wait3A_28 = arith.constant 0 : i32
        %dma_wait3A_29 = tpu.memref_slice %arg2[%dma_wait3A_27, %dma_wait3A_28] : memref<5008x256xf32, #tpu.memory_space<hbm>> -> memref<5008x256xf32, #tpu.memory_space<hbm>>
        tpu.wait_indirect_dma semaphore(%arg9 : memref<!tpu.dma_semaphore, #tpu.memory_space<semaphore_mem>>) src(%dma_wait3A_29 : memref<5008x256xf32, #tpu.memory_space<hbm>>) dst(%arg6 : memref<16x256xf32, #tpu.memory_space<vmem>>)
        %get3A = arith.constant 0 : i32
        %get3A_30 = arith.index_cast %get3A : i32 to index
        %get3A_31 = arith.constant 0 : index
        %get3A_32 = tpu.vector_load %arg6[%get3A_30, %get3A_31] {strides = array<i32>} : memref<16x256xf32, #tpu.memory_space<vmem>>, vector<1x16xf32>,
        %get3A_33 = vector.shape_cast %get3A_32 : vector<1x16xf32> to vector<16xf32>
        %get3A_34 = arith.constant 1 : i32
        %get3A_35 = arith.index_cast %get3A_34 : i32 to index
        %get3A_36 = arith.constant 0 : index
        %get3A_37 = tpu.vector_load %arg6[%get3A_35, %get3A_36] {strides = array<i32>} : memref<16x256xf32, #tpu.memory_space<vmem>>, vector<1x16xf32>,
        %get3A_38 = vector.shape_cast %get3A_37 : vector<1x16xf32> to vector<16xf32>
        %get3A_39 = arith.constant 2 : i32
        %get3A_40 = arith.index_cast %get3A_39 : i32 to index
        %get3A_41 = arith.constant 0 : index
        %get3A_42 = tpu.vector_load %arg6[%get3A_40, %get3A_41] {strides = array<i32>} : memref<16x256xf32, #tpu.memory_space<vmem>>, vector<1x16xf32>,
        %get3A_43 = vector.shape_cast %get3A_42 : vector<1x16xf32> to vector<16xf32>
        %get3A_44 = arith.constant 3 : i32
        %get3A_45 = arith.index_cast %get3A_44 : i32 to index
        %get3A_46 = arith.constant 0 : index
        %get3A_47 = tpu.vector_load %arg6[%get3A_45, %get3A_46] {strides = array<i32>} : memref<16x256xf32, #tpu.memory_space<vmem>>, vector<1x16xf32>,
        %get3A_48 = vector.shape_cast %get3A_47 : vector<1x16xf32> to vector<16xf32>
        %get3A_49 = arith.constant 4 : i32
        %get3A_50 = arith.index_cast %get3A_49 : i32 to index
        %get3A_51 = arith.constant 0 : index
        %get3A_52 = tpu.vector_load %arg6[%get3A_50, %get3A_51] {strides = array<i32>} : memref<16x256xf32, #tpu.memory_space<vmem>>, vector<1x16xf32>,
        %get3A_53 = vector.shape_cast %get3A_52 : vector<1x16xf32> to vector<16xf32>
        %get3A_54 = arith.constant 5 : i32
        %get3A_55 = arith.index_cast %get3A_54 : i32 to index
        %get3A_56 = arith.constant 0 : index
        %get3A_57 = tpu.vector_load %arg6[%get3A_55, %get3A_56] {strides = array<i32>} : memref<16x256xf32, #tpu.memory_space<vmem>>, vector<1x16xf32>,
        %get3A_58 = vector.shape_cast %get3A_57 : vector<1x16xf32> to vector<16xf32>
        %get3A_59 = arith.constant 6 : i32
        %get3A_60 = arith.index_cast %get3A_59 : i32 to index
        %get3A_61 = arith.constant 0 : index
        %get3A_62 = tpu.vector_load %arg6[%get3A_60, %get3A_61] {strides = array<i32>} : memref<16x256xf32, #tpu.memory_space<vmem>>, vector<1x16xf32>,
        %get3A_63 = vector.shape_cast %get3A_62 : vector<1x16xf32> to vector<16xf32>
        %get3A_64 = arith.constant 7 : i32
        %get3A_65 = arith.index_cast %get3A_64 : i32 to index
        %get3A_66 = arith.constant 0 : index
        %get3A_67 = tpu.vector_load %arg6[%get3A_65, %get3A_66] {strides = array<i32>} : memref<16x256xf32, #tpu.memory_space<vmem>>, vector<1x16xf32>,
        %get3A_68 = vector.shape_cast %get3A_67 : vector<1x16xf32> to vector<16xf32>
        %get3A_69 = arith.constant 8 : i32
        %get3A_70 = arith.index_cast %get3A_69 : i32 to index
        %get3A_71 = arith.constant 0 : index
        %get3A_72 = tpu.vector_load %arg6[%get3A_70, %get3A_71] {strides = array<i32>} : memref<16x256xf32, #tpu.memory_space<vmem>>, vector<1x16xf32>,
        %get3A_73 = vector.shape_cast %get3A_72 : vector<1x16xf32> to vector<16xf32>
        %get3A_74 = arith.constant 9 : i32
        %get3A_75 = arith.index_cast %get3A_74 : i32 to index
        %get3A_76 = arith.constant 0 : index
        %get3A_77 = tpu.vector_load %arg6[%get3A_75, %get3A_76] {strides = array<i32>} : memref<16x256xf32, #tpu.memory_space<vmem>>, vector<1x16xf32>,
        %get3A_78 = vector.shape_cast %get3A_77 : vector<1x16xf32> to vector<16xf32>
        %get3A_79 = arith.constant 10 : i32
        %get3A_80 = arith.index_cast %get3A_79 : i32 to index
        %get3A_81 = arith.constant 0 : index
        %get3A_82 = tpu.vector_load %arg6[%get3A_80, %get3A_81] {strides = array<i32>} : memref<16x256xf32, #tpu.memory_space<vmem>>, vector<1x16xf32>,
        %get3A_83 = vector.shape_cast %get3A_82 : vector<1x16xf32> to vector<16xf32>
        %get3A_84 = arith.constant 11 : i32
        %get3A_85 = arith.index_cast %get3A_84 : i32 to index
        %get3A_86 = arith.constant 0 : index
        %get3A_87 = tpu.vector_load %arg6[%get3A_85, %get3A_86] {strides = array<i32>} : memref<16x256xf32, #tpu.memory_space<vmem>>, vector<1x16xf32>,
        %get3A_88 = vector.shape_cast %get3A_87 : vector<1x16xf32> to vector<16xf32>
        %get3A_89 = arith.constant 12 : i32
        %get3A_90 = arith.index_cast %get3A_89 : i32 to index
        %get3A_91 = arith.constant 0 : index
        %get3A_92 = tpu.vector_load %arg6[%get3A_90, %get3A_91] {strides = array<i32>} : memref<16x256xf32, #tpu.memory_space<vmem>>, vector<1x16xf32>,
        %get3A_93 = vector.shape_cast %get3A_92 : vector<1x16xf32> to vector<16xf32>
        %get3A_94 = arith.constant 13 : i32
        %get3A_95 = arith.index_cast %get3A_94 : i32 to index
        %get3A_96 = arith.constant 0 : index
        %get3A_97 = tpu.vector_load %arg6[%get3A_95, %get3A_96] {strides = array<i32>} : memref<16x256xf32, #tpu.memory_space<vmem>>, vector<1x16xf32>,
        %get3A_98 = vector.shape_cast %get3A_97 : vector<1x16xf32> to vector<16xf32>
        %get3A_99 = arith.constant 14 : i32
        %get3A_100 = arith.index_cast %get3A_99 : i32 to index
        %get3A_101 = arith.constant 0 : index
        %get3A_102 = tpu.vector_load %arg6[%get3A_100, %get3A_101] {strides = array<i32>} : memref<16x256xf32, #tpu.memory_space<vmem>>, vector<1x16xf32>,
        %get3A_103 = vector.shape_cast %get3A_102 : vector<1x16xf32> to vector<16xf32>
        %get3A_104 = arith.constant 15 : i32
        %get3A_105 = arith.index_cast %get3A_104 : i32 to index
        %get3A_106 = arith.constant 0 : index
        %get3A_107 = tpu.vector_load %arg6[%get3A_105, %get3A_106] {strides = array<i32>} : memref<16x256xf32, #tpu.memory_space<vmem>>, vector<1x16xf32>,
        %get3A_108 = vector.shape_cast %get3A_107 : vector<1x16xf32> to vector<16xf32>
        %max3A = arith.maximumf %get3A_33, %get3A_38 : vector<16xf32>
        %max3A_109 = arith.maximumf %get3A_43, %get3A_48 : vector<16xf32>
        %max3A_110 = arith.maximumf %get3A_53, %get3A_58 : vector<16xf32>
        %max3A_111 = arith.maximumf %get3A_63, %get3A_68 : vector<16xf32>
        %max3A_112 = arith.maximumf %get3A_73, %get3A_78 : vector<16xf32>
        %max3A_113 = arith.maximumf %get3A_83, %get3A_88 : vector<16xf32>
        %max3A_114 = arith.maximumf %get3A_93, %get3A_98 : vector<16xf32>
        %max3A_115 = arith.maximumf %get3A_103, %get3A_108 : vector<16xf32>
        %max3A_116 = arith.maximumf %max3A, %max3A_109 : vector<16xf32>
        %max3A_117 = arith.maximumf %max3A_110, %max3A_111 : vector<16xf32>
        %max3A_118 = arith.maximumf %max3A_112, %max3A_113 : vector<16xf32>
        %max3A_119 = arith.maximumf %max3A_114, %max3A_115 : vector<16xf32>
        %max3A_120 = arith.maximumf %max3A_116, %max3A_117 : vector<16xf32>
        %max3A_121 = arith.maximumf %max3A_118, %max3A_119 : vector<16xf32>
        %max3A_122 = arith.maximumf %max3A_120, %max3A_121 : vector<16xf32>
        %swap3A = arith.constant 48 : i32
        %swap3A_123 = arith.index_cast %swap3A : i32 to index
        %swap3A_124 = arith.constant 0 : index
        %swap3A_125 = tpu.vector_load %arg8[%swap3A_123, %swap3A_124] {strides = array<i32>} : memref<49x256xf32, #tpu.memory_space<vmem>>, vector<1x16xf32>,
        %swap3A_126 = vector.shape_cast %swap3A_125 : vector<1x16xf32> to vector<16xf32>
        %swap3A_127 = vector.shape_cast %max3A_122 : vector<16xf32> to vector<1x16xf32>
        tpu.vector_store %arg8[%swap3A_123, %swap3A_124], %swap3A_127 {strides = array<i32>} : memref<49x256xf32, #tpu.memory_space<vmem>>, vector<1x16xf32>,
        %get3A_128 = arith.constant 0 : i32
        %get3A_129 = arith.index_cast %get3A_128 : i32 to index
        %get3A_130 = arith.constant 16 : index
        %get3A_131 = tpu.vector_load %arg6[%get3A_129, %get3A_130] {strides = array<i32>} : memref<16x256xf32, #tpu.memory_space<vmem>>, vector<1x16xf32>,
        %get3A_132 = vector.shape_cast %get3A_131 : vector<1x16xf32> to vector<16xf32>
        %get3A_133 = arith.constant 1 : i32
        %get3A_134 = arith.index_cast %get3A_133 : i32 to index
        %get3A_135 = arith.constant 16 : index
        %get3A_136 = tpu.vector_load %arg6[%get3A_134, %get3A_135] {strides = array<i32>} : memref<16x256xf32, #tpu.memory_space<vmem>>, vector<1x16xf32>,
        %get3A_137 = vector.shape_cast %get3A_136 : vector<1x16xf32> to vector<16xf32>
        %get3A_138 = arith.constant 2 : i32
        %get3A_139 = arith.index_cast %get3A_138 : i32 to index
        %get3A_140 = arith.constant 16 : index
        %get3A_141 = tpu.vector_load %arg6[%get3A_139, %get3A_140] {strides = array<i32>} : memref<16x256xf32, #tpu.memory_space<vmem>>, vector<1x16xf32>,
        %get3A_142 = vector.shape_cast %get3A_141 : vector<1x16xf32> to vector<16xf32>
        %get3A_143 = arith.constant 3 : i32
        %get3A_144 = arith.index_cast %get3A_143 : i32 to index
        %get3A_145 = arith.constant 16 : index
        %get3A_146 = tpu.vector_load %arg6[%get3A_144, %get3A_145] {strides = array<i32>} : memref<16x256xf32, #tpu.memory_space<vmem>>, vector<1x16xf32>,
        %get3A_147 = vector.shape_cast %get3A_146 : vector<1x16xf32> to vector<16xf32>
        %get3A_148 = arith.constant 4 : i32
        %get3A_149 = arith.index_cast %get3A_148 : i32 to index
        %get3A_150 = arith.constant 16 : index
        %get3A_151 = tpu.vector_load %arg6[%get3A_149, %get3A_150] {strides = array<i32>} : memref<16x256xf32, #tpu.memory_space<vmem>>, vector<1x16xf32>,
        %get3A_152 = vector.shape_cast %get3A_151 : vector<1x16xf32> to vector<16xf32>
        %get3A_153 = arith.constant 5 : i32
        %get3A_154 = arith.index_cast %get3A_153 : i32 to index
        %get3A_155 = arith.constant 16 : index
        %get3A_156 = tpu.vector_load %arg6[%get3A_154, %get3A_155] {strides = array<i32>} : memref<16x256xf32, #tpu.memory_space<vmem>>, vector<1x16xf32>,
        %get3A_157 = vector.shape_cast %get3A_156 : vector<1x16xf32> to vector<16xf32>
        %get3A_158 = arith.constant 6 : i32
        %get3A_159 = arith.index_cast %get3A_158 : i32 to index
        %get3A_160 = arith.constant 16 : index
        %get3A_161 = tpu.vector_load %arg6[%get3A_159, %get3A_160] {strides = array<i32>} : memref<16x256xf32, #tpu.memory_space<vmem>>, vector<1x16xf32>,
        %get3A_162 = vector.shape_cast %get3A_161 : vector<1x16xf32> to vector<16xf32>
        %get3A_163 = arith.constant 7 : i32
        %get3A_164 = arith.index_cast %get3A_163 : i32 to index
        %get3A_165 = arith.constant 16 : index
        %get3A_166 = tpu.vector_load %arg6[%get3A_164, %get3A_165] {strides = array<i32>} : memref<16x256xf32, #tpu.memory_space<vmem>>, vector<1x16xf32>,
        %get3A_167 = vector.shape_cast %get3A_166 : vector<1x16xf32> to vector<16xf32>
        %get3A_168 = arith.constant 8 : i32
        %get3A_169 = arith.index_cast %get3A_168 : i32 to index
        %get3A_170 = arith.constant 16 : index
        %get3A_171 = tpu.vector_load %arg6[%get3A_169, %get3A_170] {strides = array<i32>} : memref<16x256xf32, #tpu.memory_space<vmem>>, vector<1x16xf32>,
        %get3A_172 = vector.shape_cast %get3A_171 : vector<1x16xf32> to vector<16xf32>
        %get3A_173 = arith.constant 9 : i32
        %get3A_174 = arith.index_cast %get3A_173 : i32 to index
        %get3A_175 = arith.constant 16 : index
        %get3A_176 = tpu.vector_load %arg6[%get3A_174, %get3A_175] {strides = array<i32>} : memref<16x256xf32, #tpu.memory_space<vmem>>, vector<1x16xf32>,
        %get3A_177 = vector.shape_cast %get3A_176 : vector<1x16xf32> to vector<16xf32>
        %get3A_178 = arith.constant 10 : i32
        %get3A_179 = arith.index_cast %get3A_178 : i32 to index
        %get3A_180 = arith.constant 16 : index
        %get3A_181 = tpu.vector_load %arg6[%get3A_179, %get3A_180] {strides = array<i32>} : memref<16x256xf32, #tpu.memory_space<vmem>>, vector<1x16xf32>,
        %get3A_182 = vector.shape_cast %get3A_181 : vector<1x16xf32> to vector<16xf32>
        %get3A_183 = arith.constant 11 : i32
        %get3A_184 = arith.index_cast %get3A_183 : i32 to index
        %get3A_185 = arith.constant 16 : index
        %get3A_186 = tpu.vector_load %arg6[%get3A_184, %get3A_185] {strides = array<i32>} : memref<16x256xf32, #tpu.memory_space<vmem>>, vector<1x16xf32>,
        %get3A_187 = vector.shape_cast %get3A_186 : vector<1x16xf32> to vector<16xf32>
        %get3A_188 = arith.constant 12 : i32
        %get3A_189 = arith.index_cast %get3A_188 : i32 to index
        %get3A_190 = arith.constant 16 : index
        %get3A_191 = tpu.vector_load %arg6[%get3A_189, %get3A_190] {strides = array<i32>} : memref<16x256xf32, #tpu.memory_space<vmem>>, vector<1x16xf32>,
        %get3A_192 = vector.shape_cast %get3A_191 : vector<1x16xf32> to vector<16xf32>
        %get3A_193 = arith.constant 13 : i32
        %get3A_194 = arith.index_cast %get3A_193 : i32 to index
        %get3A_195 = arith.constant 16 : index
        %get3A_196 = tpu.vector_load %arg6[%get3A_194, %get3A_195] {strides = array<i32>} : memref<16x256xf32, #tpu.memory_space<vmem>>, vector<1x16xf32>,
        %get3A_197 = vector.shape_cast %get3A_196 : vector<1x16xf32> to vector<16xf32>
        %get3A_198 = arith.constant 14 : i32
        %get3A_199 = arith.index_cast %get3A_198 : i32 to index
        %get3A_200 = arith.constant 16 : index
        %get3A_201 = tpu.vector_load %arg6[%get3A_199, %get3A_200] {strides = array<i32>} : memref<16x256xf32, #tpu.memory_space<vmem>>, vector<1x16xf32>,
        %get3A_202 = vector.shape_cast %get3A_201 : vector<1x16xf32> to vector<16xf32>
        %get3A_203 = arith.constant 15 : i32
        %get3A_204 = arith.index_cast %get3A_203 : i32 to index
        %get3A_205 = arith.constant 16 : index
        %get3A_206 = tpu.vector_load %arg6[%get3A_204, %get3A_205] {strides = array<i32>} : memref<16x256xf32, #tpu.memory_space<vmem>>, vector<1x16xf32>,
        %get3A_207 = vector.shape_cast %get3A_206 : vector<1x16xf32> to vector<16xf32>
        %max3A_208 = arith.maximumf %get3A_132, %get3A_137 : vector<16xf32>
        %max3A_209 = arith.maximumf %get3A_142, %get3A_147 : vector<16xf32>
        %max3A_210 = arith.maximumf %get3A_152, %get3A_157 : vector<16xf32>
        %max3A_211 = arith.maximumf %get3A_162, %get3A_167 : vector<16xf32>
        %max3A_212 = arith.maximumf %get3A_172, %get3A_177 : vector<16xf32>
        %max3A_213 = arith.maximumf %get3A_182, %get3A_187 : vector<16xf32>
        %max3A_214 = arith.maximumf %get3A_192, %get3A_197 : vector<16xf32>
        %max3A_215 = arith.maximumf %get3A_202, %get3A_207 : vector<16xf32>
        %max3A_216 = arith.maximumf %max3A_208, %max3A_209 : vector<16xf32>
        %max3A_217 = arith.maximumf %max3A_210, %max3A_211 : vector<16xf32>
        %max3A_218 = arith.maximumf %max3A_212, %max3A_213 : vector<16xf32>
        %max3A_219 = arith.maximumf %max3A_214, %max3A_215 : vector<16xf32>
        %max3A_220 = arith.maximumf %max3A_216, %max3A_217 : vector<16xf32>
        %max3A_221 = arith.maximumf %max3A_218, %max3A_219 : vector<16xf32>
        %max3A_222 = arith.maximumf %max3A_220, %max3A_221 : vector<16xf32>
        %swap3A_223 = arith.constant 48 : i32
        %swap3A_224 = arith.index_cast %swap3A_223 : i32 to index
        %swap3A_225 = arith.constant 16 : index
        %swap3A_226 = tpu.vector_load %arg8[%swap3A_224, %swap3A_225] {strides = array<i32>} : memref<49x256xf32, #tpu.memory_space<vmem>>, vector<1x16xf32>,
        %swap3A_227 = vector.shape_cast %swap3A_226 : vector<1x16xf32> to vector<16xf32>
        %swap3A_228 = vector.shape_cast %max3A_222 : vector<16xf32> to vector<1x16xf32>
        tpu.vector_store %arg8[%swap3A_224, %swap3A_225], %swap3A_228 {strides = array<i32>} : memref<49x256xf32, #tpu.memory_space<vmem>>, vector<1x16xf32>,
        %get3A_229 = arith.constant 0 : i32
        %get3A_230 = arith.index_cast %get3A_229 : i32 to index
        %get3A_231 = arith.constant 32 : index
        %get3A_232 = tpu.vector_load %arg6[%get3A_230, %get3A_231] {strides = array<i32>} : memref<16x256xf32, #tpu.memory_space<vmem>>, vector<1x16xf32>,
        %get3A_233 = vector.shape_cast %get3A_232 : vector<1x16xf32> to vector<16xf32>
        %get3A_234 = arith.constant 1 : i32
        %get3A_235 = arith.index_cast %get3A_234 : i32 to index
        %get3A_236 = arith.constant 32 : index
        %get3A_237 = tpu.vector_load %arg6[%get3A_235, %get3A_236] {strides = array<i32>} : memref<16x256xf32, #tpu.memory_space<vmem>>, vector<1x16xf32>,
        %get3A_238 = vector.shape_cast %get3A_237 : vector<1x16xf32> to vector<16xf32>
        %get3A_239 = arith.constant 2 : i32
        %get3A_240 = arith.index_cast %get3A_239 : i32 to index
        %get3A_241 = arith.constant 32 : index
        %get3A_242 = tpu.vector_load %arg6[%get3A_240, %get3A_241] {strides = array<i32>} : memref<16x256xf32, #tpu.memory_space<vmem>>, vector<1x16xf32>,
        %get3A_243 = vector.shape_cast %get3A_242 : vector<1x16xf32> to vector<16xf32>
        %get3A_244 = arith.constant 3 : i32
        %get3A_245 = arith.index_cast %get3A_244 : i32 to index
        %get3A_246 = arith.constant 32 : index
        %get3A_247 = tpu.vector_load %arg6[%get3A_245, %get3A_246] {strides = array<i32>} : memref<16x256xf32, #tpu.memory_space<vmem>>, vector<1x16xf32>,
        %get3A_248 = vector.shape_cast %get3A_247 : vector<1x16xf32> to vector<16xf32>
        %get3A_249 = arith.constant 4 : i32
        %get3A_250 = arith.index_cast %get3A_249 : i32 to index
        %get3A_251 = arith.constant 32 : index
        %get3A_252 = tpu.vector_load %arg6[%get3A_250, %get3A_251] {strides = array<i32>} : memref<16x256xf32, #tpu.memory_space<vmem>>, vector<1x16xf32>,
        %get3A_253 = vector.shape_cast %get3A_252 : vector<1x16xf32> to vector<16xf32>
        %get3A_254 = arith.constant 5 : i32
        %get3A_255 = arith.index_cast %get3A_254 : i32 to index
        %get3A_256 = arith.constant 32 : index
        %get3A_257 = tpu.vector_load %arg6[%get3A_255, %get3A_256] {strides = array<i32>} : memref<16x256xf32, #tpu.memory_space<vmem>>, vector<1x16xf32>,
        %get3A_258 = vector.shape_cast %get3A_257 : vector<1x16xf32> to vector<16xf32>
        %get3A_259 = arith.constant 6 : i32
        %get3A_260 = arith.index_cast %get3A_259 : i32 to index
        %get3A_261 = arith.constant 32 : index
        %get3A_262 = tpu.vector_load %arg6[%get3A_260, %get3A_261] {strides = array<i32>} : memref<16x256xf32, #tpu.memory_space<vmem>>, vector<1x16xf32>,
        %get3A_263 = vector.shape_cast %get3A_262 : vector<1x16xf32> to vector<16xf32>
        %get3A_264 = arith.constant 7 : i32
        %get3A_265 = arith.index_cast %get3A_264 : i32 to index
        %get3A_266 = arith.constant 32 : index
        %get3A_267 = tpu.vector_load %arg6[%get3A_265, %get3A_266] {strides = array<i32>} : memref<16x256xf32, #tpu.memory_space<vmem>>, vector<1x16xf32>,
        %get3A_268 = vector.shape_cast %get3A_267 : vector<1x16xf32> to vector<16xf32>
        %get3A_269 = arith.constant 8 : i32
        %get3A_270 = arith.index_cast %get3A_269 : i32 to index
        %get3A_271 = arith.constant 32 : index
        %get3A_272 = tpu.vector_load %arg6[%get3A_270, %get3A_271] {strides = array<i32>} : memref<16x256xf32, #tpu.memory_space<vmem>>, vector<1x16xf32>,
        %get3A_273 = vector.shape_cast %get3A_272 : vector<1x16xf32> to vector<16xf32>
        %get3A_274 = arith.constant 9 : i32
        %get3A_275 = arith.index_cast %get3A_274 : i32 to index
        %get3A_276 = arith.constant 32 : index
        %get3A_277 = tpu.vector_load %arg6[%get3A_275, %get3A_276] {strides = array<i32>} : memref<16x256xf32, #tpu.memory_space<vmem>>, vector<1x16xf32>,
        %get3A_278 = vector.shape_cast %get3A_277 : vector<1x16xf32> to vector<16xf32>
        %get3A_279 = arith.constant 10 : i32
        %get3A_280 = arith.index_cast %get3A_279 : i32 to index
        %get3A_281 = arith.constant 32 : index
        %get3A_282 = tpu.vector_load %arg6[%get3A_280, %get3A_281] {strides = array<i32>} : memref<16x256xf32, #tpu.memory_space<vmem>>, vector<1x16xf32>,
        %get3A_283 = vector.shape_cast %get3A_282 : vector<1x16xf32> to vector<16xf32>
        %get3A_284 = arith.constant 11 : i32
        %get3A_285 = arith.index_cast %get3A_284 : i32 to index
        %get3A_286 = arith.constant 32 : index
        %get3A_287 = tpu.vector_load %arg6[%get3A_285, %get3A_286] {strides = array<i32>} : memref<16x256xf32, #tpu.memory_space<vmem>>, vector<1x16xf32>,
        %get3A_288 = vector.shape_cast %get3A_287 : vector<1x16xf32> to vector<16xf32>
        %get3A_289 = arith.constant 12 : i32
        %get3A_290 = arith.index_cast %get3A_289 : i32 to index
        %get3A_291 = arith.constant 32 : index
        %get3A_292 = tpu.vector_load %arg6[%get3A_290, %get3A_291] {strides = array<i32>} : memref<16x256xf32, #tpu.memory_space<vmem>>, vector<1x16xf32>,
        %get3A_293 = vector.shape_cast %get3A_292 : vector<1x16xf32> to vector<16xf32>
        %get3A_294 = arith.constant 13 : i32
        %get3A_295 = arith.index_cast %get3A_294 : i32 to index
        %get3A_296 = arith.constant 32 : index
        %get3A_297 = tpu.vector_load %arg6[%get3A_295, %get3A_296] {strides = array<i32>} : memref<16x256xf32, #tpu.memory_space<vmem>>, vector<1x16xf32>,
        %get3A_298 = vector.shape_cast %get3A_297 : vector<1x16xf32> to vector<16xf32>
        %get3A_299 = arith.constant 14 : i32
        %get3A_300 = arith.index_cast %get3A_299 : i32 to index
        %get3A_301 = arith.constant 32 : index
        %get3A_302 = tpu.vector_load %arg6[%get3A_300, %get3A_301] {strides = array<i32>} : memref<16x256xf32, #tpu.memory_space<vmem>>, vector<1x16xf32>,
        %get3A_303 = vector.shape_cast %get3A_302 : vector<1x16xf32> to vector<16xf32>
        %get3A_304 = arith.constant 15 : i32
        %get3A_305 = arith.index_cast %get3A_304 : i32 to index
        %get3A_306 = arith.constant 32 : index
        %get3A_307 = tpu.vector_load %arg6[%get3A_305, %get3A_306] {strides = array<i32>} : memref<16x256xf32, #tpu.memory_space<vmem>>, vector<1x16xf32>,
        %get3A_308 = vector.shape_cast %get3A_307 : vector<1x16xf32> to vector<16xf32>
        %max3A_309 = arith.maximumf %get3A_233, %get3A_238 : vector<16xf32>
        %max3A_310 = arith.maximumf %get3A_243, %get3A_248 : vector<16xf32>
        %max3A_311 = arith.maximumf %get3A_253, %get3A_258 : vector<16xf32>
        %max3A_312 = arith.maximumf %get3A_263, %get3A_268 : vector<16xf32>
        %max3A_313 = arith.maximumf %get3A_273, %get3A_278 : vector<16xf32>
        %max3A_314 = arith.maximumf %get3A_283, %get3A_288 : vector<16xf32>
        %max3A_315 = arith.maximumf %get3A_293, %get3A_298 : vector<16xf32>
        %max3A_316 = arith.maximumf %get3A_303, %get3A_308 : vector<16xf32>
        %max3A_317 = arith.maximumf %max3A_309, %max3A_310 : vector<16xf32>
        %max3A_318 = arith.maximumf %max3A_311, %max3A_312 : vector<16xf32>
        %max3A_319 = arith.maximumf %max3A_313, %max3A_314 : vector<16xf32>
        %max3A_320 = arith.maximumf %max3A_315, %max3A_316 : vector<16xf32>
        %max3A_321 = arith.maximumf %max3A_317, %max3A_318 : vector<16xf32>
        %max3A_322 = arith.maximumf %max3A_319, %max3A_320 : vector<16xf32>
        %max3A_323 = arith.maximumf %max3A_321, %max3A_322 : vector<16xf32>
        %swap3A_324 = arith.constant 48 : i32
        %swap3A_325 = arith.index_cast %swap3A_324 : i32 to index
        %swap3A_326 = arith.constant 32 : index
        %swap3A_327 = tpu.vector_load %arg8[%swap3A_325, %swap3A_326] {strides = array<i32>} : memref<49x256xf32, #tpu.memory_space<vmem>>, vector<1x16xf32>,
        %swap3A_328 = vector.shape_cast %swap3A_327 : vector<1x16xf32> to vector<16xf32>
        %swap3A_329 = vector.shape_cast %max3A_323 : vector<16xf32> to vector<1x16xf32>
        tpu.vector_store %arg8[%swap3A_325, %swap3A_326], %swap3A_329 {strides = array<i32>} : memref<49x256xf32, #tpu.memory_space<vmem>>, vector<1x16xf32>,
        %get3A_330 = arith.constant 0 : i32
        %get3A_331 = arith.index_cast %get3A_330 : i32 to index
        %get3A_332 = arith.constant 48 : index
        %get3A_333 = tpu.vector_load %arg6[%get3A_331, %get3A_332] {strides = array<i32>} : memref<16x256xf32, #tpu.memory_space<vmem>>, vector<1x16xf32>,
        %get3A_334 = vector.shape_cast %get3A_333 : vector<1x16xf32> to vector<16xf32>
        %get3A_335 = arith.constant 1 : i32
        %get3A_336 = arith.index_cast %get3A_335 : i32 to index
        %get3A_337 = arith.constant 48 : index
        %get3A_338 = tpu.vector_load %arg6[%get3A_336, %get3A_337] {strides = array<i32>} : memref<16x256xf32, #tpu.memory_space<vmem>>, vector<1x16xf32>,
        %get3A_339 = vector.shape_cast %get3A_338 : vector<1x16xf32> to vector<16xf32>
        %get3A_340 = arith.constant 2 : i32
        %get3A_341 = arith.index_cast %get3A_340 : i32 to index
        %get3A_342 = arith.constant 48 : index
        %get3A_343 = tpu.vector_load %arg6[%get3A_341, %get3A_342] {strides = array<i32>} : memref<16x256xf32, #tpu.memory_space<vmem>>, vector<1x16xf32>,
        %get3A_344 = vector.shape_cast %get3A_343 : vector<1x16xf32> to vector<16xf32>
        %get3A_345 = arith.constant 3 : i32
        %get3A_346 = arith.index_cast %get3A_345 : i32 to index
        %get3A_347 = arith.constant 48 : index
        %get3A_348 = tpu.vector_load %arg6[%get3A_346, %get3A_347] {strides = array<i32>} : memref<16x256xf32, #tpu.memory_space<vmem>>, vector<1x16xf32>,
        %get3A_349 = vector.shape_cast %get3A_348 : vector<1x16xf32> to vector<16xf32>
        %get3A_350 = arith.constant 4 : i32
        %get3A_351 = arith.index_cast %get3A_350 : i32 to index
        %get3A_352 = arith.constant 48 : index
        %get3A_353 = tpu.vector_load %arg6[%get3A_351, %get3A_352] {strides = array<i32>} : memref<16x256xf32, #tpu.memory_space<vmem>>, vector<1x16xf32>,
        %get3A_354 = vector.shape_cast %get3A_353 : vector<1x16xf32> to vector<16xf32>
        %get3A_355 = arith.constant 5 : i32
        %get3A_356 = arith.index_cast %get3A_355 : i32 to index
        %get3A_357 = arith.constant 48 : index
        %get3A_358 = tpu.vector_load %arg6[%get3A_356, %get3A_357] {strides = array<i32>} : memref<16x256xf32, #tpu.memory_space<vmem>>, vector<1x16xf32>,
        %get3A_359 = vector.shape_cast %get3A_358 : vector<1x16xf32> to vector<16xf32>
        %get3A_360 = arith.constant 6 : i32
        %get3A_361 = arith.index_cast %get3A_360 : i32 to index
        %get3A_362 = arith.constant 48 : index
        %get3A_363 = tpu.vector_load %arg6[%get3A_361, %get3A_362] {strides = array<i32>} : memref<16x256xf32, #tpu.memory_space<vmem>>, vector<1x16xf32>,
        %get3A_364 = vector.shape_cast %get3A_363 : vector<1x16xf32> to vector<16xf32>
        %get3A_365 = arith.constant 7 : i32
        %get3A_366 = arith.index_cast %get3A_365 : i32 to index
        %get3A_367 = arith.constant 48 : index
        %get3A_368 = tpu.vector_load %arg6[%get3A_366, %get3A_367] {strides = array<i32>} : memref<16x256xf32, #tpu.memory_space<vmem>>, vector<1x16xf32>,
        %get3A_369 = vector.shape_cast %get3A_368 : vector<1x16xf32> to vector<16xf32>
        %get3A_370 = arith.constant 8 : i32
        %get3A_371 = arith.index_cast %get3A_370 : i32 to index
        %get3A_372 = arith.constant 48 : index
        %get3A_373 = tpu.vector_load %arg6[%get3A_371, %get3A_372] {strides = array<i32>} : memref<16x256xf32, #tpu.memory_space<vmem>>, vector<1x16xf32>,
        %get3A_374 = vector.shape_cast %get3A_373 : vector<1x16xf32> to vector<16xf32>
        %get3A_375 = arith.constant 9 : i32
        %get3A_376 = arith.index_cast %get3A_375 : i32 to index
        %get3A_377 = arith.constant 48 : index
        %get3A_378 = tpu.vector_load %arg6[%get3A_376, %get3A_377] {strides = array<i32>} : memref<16x256xf32, #tpu.memory_space<vmem>>, vector<1x16xf32>,
        %get3A_379 = vector.shape_cast %get3A_378 : vector<1x16xf32> to vector<16xf32>
        %get3A_380 = arith.constant 10 : i32
        %get3A_381 = arith.index_cast %get3A_380 : i32 to index
        %get3A_382 = arith.constant 48 : index
        %get3A_383 = tpu.vector_load %arg6[%get3A_381, %get3A_382] {strides = array<i32>} : memref<16x256xf32, #tpu.memory_space<vmem>>, vector<1x16xf32>,
        %get3A_384 = vector.shape_cast %get3A_383 : vector<1x16xf32> to vector<16xf32>
        %get3A_385 = arith.constant 11 : i32
        %get3A_386 = arith.index_cast %get3A_385 : i32 to index
        %get3A_387 = arith.constant 48 : index
        %get3A_388 = tpu.vector_load %arg6[%get3A_386, %get3A_387] {strides = array<i32>} : memref<16x256xf32, #tpu.memory_space<vmem>>, vector<1x16xf32>,
        %get3A_389 = vector.shape_cast %get3A_388 : vector<1x16xf32> to vector<16xf32>
        %get3A_390 = arith.constant 12 : i32
        %get3A_391 = arith.index_cast %get3A_390 : i32 to index
        %get3A_392 = arith.constant 48 : index
        %get3A_393 = tpu.vector_load %arg6[%get3A_391, %get3A_392] {strides = array<i32>} : memref<16x256xf32, #tpu.memory_space<vmem>>, vector<1x16xf32>,
        %get3A_394 = vector.shape_cast %get3A_393 : vector<1x16xf32> to vector<16xf32>
        %get3A_395 = arith.constant 13 : i32
        %get3A_396 = arith.index_cast %get3A_395 : i32 to index
        %get3A_397 = arith.constant 48 : index
        %get3A_398 = tpu.vector_load %arg6[%get3A_396, %get3A_397] {strides = array<i32>} : memref<16x256xf32, #tpu.memory_space<vmem>>, vector<1x16xf32>,
        %get3A_399 = vector.shape_cast %get3A_398 : vector<1x16xf32> to vector<16xf32>
        %get3A_400 = arith.constant 14 : i32
        %get3A_401 = arith.index_cast %get3A_400 : i32 to index
        %get3A_402 = arith.constant 48 : index
        %get3A_403 = tpu.vector_load %arg6[%get3A_401, %get3A_402] {strides = array<i32>} : memref<16x256xf32, #tpu.memory_space<vmem>>, vector<1x16xf32>,
        %get3A_404 = vector.shape_cast %get3A_403 : vector<1x16xf32> to vector<16xf32>
        %get3A_405 = arith.constant 15 : i32
        %get3A_406 = arith.index_cast %get3A_405 : i32 to index
        %get3A_407 = arith.constant 48 : index
        %get3A_408 = tpu.vector_load %arg6[%get3A_406, %get3A_407] {strides = array<i32>} : memref<16x256xf32, #tpu.memory_space<vmem>>, vector<1x16xf32>,
        %get3A_409 = vector.shape_cast %get3A_408 : vector<1x16xf32> to vector<16xf32>
        %max3A_410 = arith.maximumf %get3A_334, %get3A_339 : vector<16xf32>
        %max3A_411 = arith.maximumf %get3A_344, %get3A_349 : vector<16xf32>
        %max3A_412 = arith.maximumf %get3A_354, %get3A_359 : vector<16xf32>
        %max3A_413 = arith.maximumf %get3A_364, %get3A_369 : vector<16xf32>
        %max3A_414 = arith.maximumf %get3A_374, %get3A_379 : vector<16xf32>
        %max3A_415 = arith.maximumf %get3A_384, %get3A_389 : vector<16xf32>
        %max3A_416 = arith.maximumf %get3A_394, %get3A_399 : vector<16xf32>
        %max3A_417 = arith.maximumf %get3A_404, %get3A_409 : vector<16xf32>
        %max3A_418 = arith.maximumf %max3A_410, %max3A_411 : vector<16xf32>
        %max3A_419 = arith.maximumf %max3A_412, %max3A_413 : vector<16xf32>
        %max3A_420 = arith.maximumf %max3A_414, %max3A_415 : vector<16xf32>
        %max3A_421 = arith.maximumf %max3A_416, %max3A_417 : vector<16xf32>
        %max3A_422 = arith.maximumf %max3A_418, %max3A_419 : vector<16xf32>
        %max3A_423 = arith.maximumf %max3A_420, %max3A_421 : vector<16xf32>
        %max3A_424 = arith.maximumf %max3A_422, %max3A_423 : vector<16xf32>
        %swap3A_425 = arith.constant 48 : i32
        %swap3A_426 = arith.index_cast %swap3A_425 : i32 to index
        %swap3A_427 = arith.constant 48 : index
        %swap3A_428 = tpu.vector_load %arg8[%swap3A_426, %swap3A_427] {strides = array<i32>} : memref<49x256xf32, #tpu.memory_space<vmem>>, vector<1x16xf32>,
        %swap3A_429 = vector.shape_cast %swap3A_428 : vector<1x16xf32> to vector<16xf32>
        %swap3A_430 = vector.shape_cast %max3A_424 : vector<16xf32> to vector<1x16xf32>
        tpu.vector_store %arg8[%swap3A_426, %swap3A_427], %swap3A_430 {strides = array<i32>} : memref<49x256xf32, #tpu.memory_space<vmem>>, vector<1x16xf32>,
        %get3A_431 = arith.constant 0 : i32
        %get3A_432 = arith.index_cast %get3A_431 : i32 to index
        %get3A_433 = arith.constant 64 : index
        %get3A_434 = tpu.vector_load %arg6[%get3A_432, %get3A_433] {strides = array<i32>} : memref<16x256xf32, #tpu.memory_space<vmem>>, vector<1x16xf32>,
        %get3A_435 = vector.shape_cast %get3A_434 : vector<1x16xf32> to vector<16xf32>
        %get3A_436 = arith.constant 1 : i32
        %get3A_437 = arith.index_cast %get3A_436 : i32 to index
        %get3A_438 = arith.constant 64 : index
        %get3A_439 = tpu.vector_load %arg6[%get3A_437, %get3A_438] {strides = array<i32>} : memref<16x256xf32, #tpu.memory_space<vmem>>, vector<1x16xf32>,
        %get3A_440 = vector.shape_cast %get3A_439 : vector<1x16xf32> to vector<16xf32>
        %get3A_441 = arith.constant 2 : i32
        %get3A_442 = arith.index_cast %get3A_441 : i32 to index
        %get3A_443 = arith.constant 64 : index
        %get3A_444 = tpu.vector_load %arg6[%get3A_442, %get3A_443] {strides = array<i32>} : memref<16x256xf32, #tpu.memory_space<vmem>>, vector<1x16xf32>,
        %get3A_445 = vector.shape_cast %get3A_444 : vector<1x16xf32> to vector<16xf32>
        %get3A_446 = arith.constant 3 : i32
        %get3A_447 = arith.index_cast %get3A_446 : i32 to index
        %get3A_448 = arith.constant 64 : index
        %get3A_449 = tpu.vector_load %arg6[%get3A_447, %get3A_448] {strides = array<i32>} : memref<16x256xf32, #tpu.memory_space<vmem>>, vector<1x16xf32>,
        %get3A_450 = vector.shape_cast %get3A_449 : vector<1x16xf32> to vector<16xf32>
        %get3A_451 = arith.constant 4 : i32
        %get3A_452 = arith.index_cast %get3A_451 : i32 to index
        %get3A_453 = arith.constant 64 : index
        %get3A_454 = tpu.vector_load %arg6[%get3A_452, %get3A_453] {strides = array<i32>} : memref<16x256xf32, #tpu.memory_space<vmem>>, vector<1x16xf32>,
        %get3A_455 = vector.shape_cast %get3A_454 : vector<1x16xf32> to vector<16xf32>
        %get3A_456 = arith.constant 5 : i32
        %get3A_457 = arith.index_cast %get3A_456 : i32 to index
        %get3A_458 = arith.constant 64 : index
        %get3A_459 = tpu.vector_load %arg6[%get3A_457, %get3A_458] {strides = array<i32>} : memref<16x256xf32, #tpu.memory_space<vmem>>, vector<1x16xf32>,
        %get3A_460 = vector.shape_cast %get3A_459 : vector<1x16xf32> to vector<16xf32>
        %get3A_461 = arith.constant 6 : i32
        %get3A_462 = arith.index_cast %get3A_461 : i32 to index
        %get3A_463 = arith.constant 64 : index
        %get3A_464 = tpu.vector_load %arg6[%get3A_462, %get3A_463] {strides = array<i32>} : memref<16x256xf32, #tpu.memory_space<vmem>>, vector<1x16xf32>,
        %get3A_465 = vector.shape_cast %get3A_464 : vector<1x16xf32> to vector<16xf32>
        %get3A_466 = arith.constant 7 : i32
        %get3A_467 = arith.index_cast %get3A_466 : i32 to index
        %get3A_468 = arith.constant 64 : index
        %get3A_469 = tpu.vector_load %arg6[%get3A_467, %get3A_468] {strides = array<i32>} : memref<16x256xf32, #tpu.memory_space<vmem>>, vector<1x16xf32>,
        %get3A_470 = vector.shape_cast %get3A_469 : vector<1x16xf32> to vector<16xf32>
        %get3A_471 = arith.constant 8 : i32
        %get3A_472 = arith.index_cast %get3A_471 : i32 to index
        %get3A_473 = arith.constant 64 : index
        %get3A_474 = tpu.vector_load %arg6[%get3A_472, %get3A_473] {strides = array<i32>} : memref<16x256xf32, #tpu.memory_space<vmem>>, vector<1x16xf32>,
        %get3A_475 = vector.shape_cast %get3A_474 : vector<1x16xf32> to vector<16xf32>
        %get3A_476 = arith.constant 9 : i32
        %get3A_477 = arith.index_cast %get3A_476 : i32 to index
        %get3A_478 = arith.constant 64 : index
        %get3A_479 = tpu.vector_load %arg6[%get3A_477, %get3A_478] {strides = array<i32>} : memref<16x256xf32, #tpu.memory_space<vmem>>, vector<1x16xf32>,
        %get3A_480 = vector.shape_cast %get3A_479 : vector<1x16xf32> to vector<16xf32>
        %get3A_481 = arith.constant 10 : i32
        %get3A_482 = arith.index_cast %get3A_481 : i32 to index
        %get3A_483 = arith.constant 64 : index
        %get3A_484 = tpu.vector_load %arg6[%get3A_482, %get3A_483] {strides = array<i32>} : memref<16x256xf32, #tpu.memory_space<vmem>>, vector<1x16xf32>,
        %get3A_485 = vector.shape_cast %get3A_484 : vector<1x16xf32> to vector<16xf32>
        %get3A_486 = arith.constant 11 : i32
        %get3A_487 = arith.index_cast %get3A_486 : i32 to index
        %get3A_488 = arith.constant 64 : index
        %get3A_489 = tpu.vector_load %arg6[%get3A_487, %get3A_488] {strides = array<i32>} : memref<16x256xf32, #tpu.memory_space<vmem>>, vector<1x16xf32>,
        %get3A_490 = vector.shape_cast %get3A_489 : vector<1x16xf32> to vector<16xf32>
        %get3A_491 = arith.constant 12 : i32
        %get3A_492 = arith.index_cast %get3A_491 : i32 to index
        %get3A_493 = arith.constant 64 : index
        %get3A_494 = tpu.vector_load %arg6[%get3A_492, %get3A_493] {strides = array<i32>} : memref<16x256xf32, #tpu.memory_space<vmem>>, vector<1x16xf32>,
        %get3A_495 = vector.shape_cast %get3A_494 : vector<1x16xf32> to vector<16xf32>
        %get3A_496 = arith.constant 13 : i32
        %get3A_497 = arith.index_cast %get3A_496 : i32 to index
        %get3A_498 = arith.constant 64 : index
        %get3A_499 = tpu.vector_load %arg6[%get3A_497, %get3A_498] {strides = array<i32>} : memref<16x256xf32, #tpu.memory_space<vmem>>, vector<1x16xf32>,
        %get3A_500 = vector.shape_cast %get3A_499 : vector<1x16xf32> to vector<16xf32>
        %get3A_501 = arith.constant 14 : i32
        %get3A_502 = arith.index_cast %get3A_501 : i32 to index
        %get3A_503 = arith.constant 64 : index
        %get3A_504 = tpu.vector_load %arg6[%get3A_502, %get3A_503] {strides = array<i32>} : memref<16x256xf32, #tpu.memory_space<vmem>>, vector<1x16xf32>,
        %get3A_505 = vector.shape_cast %get3A_504 : vector<1x16xf32> to vector<16xf32>
        %get3A_506 = arith.constant 15 : i32
        %get3A_507 = arith.index_cast %get3A_506 : i32 to index
        %get3A_508 = arith.constant 64 : index
        %get3A_509 = tpu.vector_load %arg6[%get3A_507, %get3A_508] {strides = array<i32>} : memref<16x256xf32, #tpu.memory_space<vmem>>, vector<1x16xf32>,
        %get3A_510 = vector.shape_cast %get3A_509 : vector<1x16xf32> to vector<16xf32>
        %max3A_511 = arith.maximumf %get3A_435, %get3A_440 : vector<16xf32>
        %max3A_512 = arith.maximumf %get3A_445, %get3A_450 : vector<16xf32>
        %max3A_513 = arith.maximumf %get3A_455, %get3A_460 : vector<16xf32>
        %max3A_514 = arith.maximumf %get3A_465, %get3A_470 : vector<16xf32>
        %max3A_515 = arith.maximumf %get3A_475, %get3A_480 : vector<16xf32>
        %max3A_516 = arith.maximumf %get3A_485, %get3A_490 : vector<16xf32>
        %max3A_517 = arith.maximumf %get3A_495, %get3A_500 : vector<16xf32>
        %max3A_518 = arith.maximumf %get3A_505, %get3A_510 : vector<16xf32>
        %max3A_519 = arith.maximumf %max3A_511, %max3A_512 : vector<16xf32>
        %max3A_520 = arith.maximumf %max3A_513, %max3A_514 : vector<16xf32>
        %max3A_521 = arith.maximumf %max3A_515, %max3A_516 : vector<16xf32>
        %max3A_522 = arith.maximumf %max3A_517, %max3A_518 : vector<16xf32>
        %max3A_523 = arith.maximumf %max3A_519, %max3A_520 : vector<16xf32>
        %max3A_524 = arith.maximumf %max3A_521, %max3A_522 : vector<16xf32>
        %max3A_525 = arith.maximumf %max3A_523, %max3A_524 : vector<16xf32>
        %swap3A_526 = arith.constant 48 : i32
        %swap3A_527 = arith.index_cast %swap3A_526 : i32 to index
        %swap3A_528 = arith.constant 64 : index
        %swap3A_529 = tpu.vector_load %arg8[%swap3A_527, %swap3A_528] {strides = array<i32>} : memref<49x256xf32, #tpu.memory_space<vmem>>, vector<1x16xf32>,
        %swap3A_530 = vector.shape_cast %swap3A_529 : vector<1x16xf32> to vector<16xf32>
        %swap3A_531 = vector.shape_cast %max3A_525 : vector<16xf32> to vector<1x16xf32>
        tpu.vector_store %arg8[%swap3A_527, %swap3A_528], %swap3A_531 {strides = array<i32>} : memref<49x256xf32, #tpu.memory_space<vmem>>, vector<1x16xf32>,
        %get3A_532 = arith.constant 0 : i32
        %get3A_533 = arith.index_cast %get3A_532 : i32 to index
        %get3A_534 = arith.constant 80 : index
        %get3A_535 = tpu.vector_load %arg6[%get3A_533, %get3A_534] {strides = array<i32>} : memref<16x256xf32, #tpu.memory_space<vmem>>, vector<1x16xf32>,
        %get3A_536 = vector.shape_cast %get3A_535 : vector<1x16xf32> to vector<16xf32>
        %get3A_537 = arith.constant 1 : i32
        %get3A_538 = arith.index_cast %get3A_537 : i32 to index
        %get3A_539 = arith.constant 80 : index
        %get3A_540 = tpu.vector_load %arg6[%get3A_538, %get3A_539] {strides = array<i32>} : memref<16x256xf32, #tpu.memory_space<vmem>>, vector<1x16xf32>,
        %get3A_541 = vector.shape_cast %get3A_540 : vector<1x16xf32> to vector<16xf32>
        %get3A_542 = arith.constant 2 : i32
        %get3A_543 = arith.index_cast %get3A_542 : i32 to index
        %get3A_544 = arith.constant 80 : index
        %get3A_545 = tpu.vector_load %arg6[%get3A_543, %get3A_544] {strides = array<i32>} : memref<16x256xf32, #tpu.memory_space<vmem>>, vector<1x16xf32>,
        %get3A_546 = vector.shape_cast %get3A_545 : vector<1x16xf32> to vector<16xf32>
        %get3A_547 = arith.constant 3 : i32
        %get3A_548 = arith.index_cast %get3A_547 : i32 to index
        %get3A_549 = arith.constant 80 : index
        %get3A_550 = tpu.vector_load %arg6[%get3A_548, %get3A_549] {strides = array<i32>} : memref<16x256xf32, #tpu.memory_space<vmem>>, vector<1x16xf32>,
        %get3A_551 = vector.shape_cast %get3A_550 : vector<1x16xf32> to vector<16xf32>
        %get3A_552 = arith.constant 4 : i32
        %get3A_553 = arith.index_cast %get3A_552 : i32 to index
        %get3A_554 = arith.constant 80 : index
        %get3A_555 = tpu.vector_load %arg6[%get3A_553, %get3A_554] {strides = array<i32>} : memref<16x256xf32, #tpu.memory_space<vmem>>, vector<1x16xf32>,
        %get3A_556 = vector.shape_cast %get3A_555 : vector<1x16xf32> to vector<16xf32>
        %get3A_557 = arith.constant 5 : i32
        %get3A_558 = arith.index_cast %get3A_557 : i32 to index
        %get3A_559 = arith.constant 80 : index
        %get3A_560 = tpu.vector_load %arg6[%get3A_558, %get3A_559] {strides = array<i32>} : memref<16x256xf32, #tpu.memory_space<vmem>>, vector<1x16xf32>,
        %get3A_561 = vector.shape_cast %get3A_560 : vector<1x16xf32> to vector<16xf32>
        %get3A_562 = arith.constant 6 : i32
        %get3A_563 = arith.index_cast %get3A_562 : i32 to index
        %get3A_564 = arith.constant 80 : index
        %get3A_565 = tpu.vector_load %arg6[%get3A_563, %get3A_564] {strides = array<i32>} : memref<16x256xf32, #tpu.memory_space<vmem>>, vector<1x16xf32>,
        %get3A_566 = vector.shape_cast %get3A_565 : vector<1x16xf32> to vector<16xf32>
        %get3A_567 = arith.constant 7 : i32
        %get3A_568 = arith.index_cast %get3A_567 : i32 to index
        %get3A_569 = arith.constant 80 : index
        %get3A_570 = tpu.vector_load %arg6[%get3A_568, %get3A_569] {strides = array<i32>} : memref<16x256xf32, #tpu.memory_space<vmem>>, vector<1x16xf32>,
        %get3A_571 = vector.shape_cast %get3A_570 : vector<1x16xf32> to vector<16xf32>
        %get3A_572 = arith.constant 8 : i32
        %get3A_573 = arith.index_cast %get3A_572 : i32 to index
        %get3A_574 = arith.constant 80 : index
        %get3A_575 = tpu.vector_load %arg6[%get3A_573, %get3A_574] {strides = array<i32>} : memref<16x256xf32, #tpu.memory_space<vmem>>, vector<1x16xf32>,
        %get3A_576 = vector.shape_cast %get3A_575 : vector<1x16xf32> to vector<16xf32>
        %get3A_577 = arith.constant 9 : i32
        %get3A_578 = arith.index_cast %get3A_577 : i32 to index
        %get3A_579 = arith.constant 80 : index
        %get3A_580 = tpu.vector_load %arg6[%get3A_578, %get3A_579] {strides = array<i32>} : memref<16x256xf32, #tpu.memory_space<vmem>>, vector<1x16xf32>,
        %get3A_581 = vector.shape_cast %get3A_580 : vector<1x16xf32> to vector<16xf32>
        %get3A_582 = arith.constant 10 : i32
        %get3A_583 = arith.index_cast %get3A_582 : i32 to index
        %get3A_584 = arith.constant 80 : index
        %get3A_585 = tpu.vector_load %arg6[%get3A_583, %get3A_584] {strides = array<i32>} : memref<16x256xf32, #tpu.memory_space<vmem>>, vector<1x16xf32>,
        %get3A_586 = vector.shape_cast %get3A_585 : vector<1x16xf32> to vector<16xf32>
        %get3A_587 = arith.constant 11 : i32
        %get3A_588 = arith.index_cast %get3A_587 : i32 to index
        %get3A_589 = arith.constant 80 : index
        %get3A_590 = tpu.vector_load %arg6[%get3A_588, %get3A_589] {strides = array<i32>} : memref<16x256xf32, #tpu.memory_space<vmem>>, vector<1x16xf32>,
        %get3A_591 = vector.shape_cast %get3A_590 : vector<1x16xf32> to vector<16xf32>
        %get3A_592 = arith.constant 12 : i32
        %get3A_593 = arith.index_cast %get3A_592 : i32 to index
        %get3A_594 = arith.constant 80 : index
        %get3A_595 = tpu.vector_load %arg6[%get3A_593, %get3A_594] {strides = array<i32>} : memref<16x256xf32, #tpu.memory_space<vmem>>, vector<1x16xf32>,
        %get3A_596 = vector.shape_cast %get3A_595 : vector<1x16xf32> to vector<16xf32>
        %get3A_597 = arith.constant 13 : i32
        %get3A_598 = arith.index_cast %get3A_597 : i32 to index
        %get3A_599 = arith.constant 80 : index
        %get3A_600 = tpu.vector_load %arg6[%get3A_598, %get3A_599] {strides = array<i32>} : memref<16x256xf32, #tpu.memory_space<vmem>>, vector<1x16xf32>,
        %get3A_601 = vector.shape_cast %get3A_600 : vector<1x16xf32> to vector<16xf32>
        %get3A_602 = arith.constant 14 : i32
        %get3A_603 = arith.index_cast %get3A_602 : i32 to index
        %get3A_604 = arith.constant 80 : index
        %get3A_605 = tpu.vector_load %arg6[%get3A_603, %get3A_604] {strides = array<i32>} : memref<16x256xf32, #tpu.memory_space<vmem>>, vector<1x16xf32>,
        %get3A_606 = vector.shape_cast %get3A_605 : vector<1x16xf32> to vector<16xf32>
        %get3A_607 = arith.constant 15 : i32
        %get3A_608 = arith.index_cast %get3A_607 : i32 to index
        %get3A_609 = arith.constant 80 : index
        %get3A_610 = tpu.vector_load %arg6[%get3A_608, %get3A_609] {strides = array<i32>} : memref<16x256xf32, #tpu.memory_space<vmem>>, vector<1x16xf32>,
        %get3A_611 = vector.shape_cast %get3A_610 : vector<1x16xf32> to vector<16xf32>
        %max3A_612 = arith.maximumf %get3A_536, %get3A_541 : vector<16xf32>
        %max3A_613 = arith.maximumf %get3A_546, %get3A_551 : vector<16xf32>
        %max3A_614 = arith.maximumf %get3A_556, %get3A_561 : vector<16xf32>
        %max3A_615 = arith.maximumf %get3A_566, %get3A_571 : vector<16xf32>
        %max3A_616 = arith.maximumf %get3A_576, %get3A_581 : vector<16xf32>
        %max3A_617 = arith.maximumf %get3A_586, %get3A_591 : vector<16xf32>
        %max3A_618 = arith.maximumf %get3A_596, %get3A_601 : vector<16xf32>
        %max3A_619 = arith.maximumf %get3A_606, %get3A_611 : vector<16xf32>
        %max3A_620 = arith.maximumf %max3A_612, %max3A_613 : vector<16xf32>
        %max3A_621 = arith.maximumf %max3A_614, %max3A_615 : vector<16xf32>
        %max3A_622 = arith.maximumf %max3A_616, %max3A_617 : vector<16xf32>
        %max3A_623 = arith.maximumf %max3A_618, %max3A_619 : vector<16xf32>
        %max3A_624 = arith.maximumf %max3A_620, %max3A_621 : vector<16xf32>
        %max3A_625 = arith.maximumf %max3A_622, %max3A_623 : vector<16xf32>
        %max3A_626 = arith.maximumf %max3A_624, %max3A_625 : vector<16xf32>
        %swap3A_627 = arith.constant 48 : i32
        %swap3A_628 = arith.index_cast %swap3A_627 : i32 to index
        %swap3A_629 = arith.constant 80 : index
        %swap3A_630 = tpu.vector_load %arg8[%swap3A_628, %swap3A_629] {strides = array<i32>} : memref<49x256xf32, #tpu.memory_space<vmem>>, vector<1x16xf32>,
        %swap3A_631 = vector.shape_cast %swap3A_630 : vector<1x16xf32> to vector<16xf32>
        %swap3A_632 = vector.shape_cast %max3A_626 : vector<16xf32> to vector<1x16xf32>
        tpu.vector_store %arg8[%swap3A_628, %swap3A_629], %swap3A_632 {strides = array<i32>} : memref<49x256xf32, #tpu.memory_space<vmem>>, vector<1x16xf32>,
        %get3A_633 = arith.constant 0 : i32
        %get3A_634 = arith.index_cast %get3A_633 : i32 to index
        %get3A_635 = arith.constant 96 : index
        %get3A_636 = tpu.vector_load %arg6[%get3A_634, %get3A_635] {strides = array<i32>} : memref<16x256xf32, #tpu.memory_space<vmem>>, vector<1x16xf32>,
        %get3A_637 = vector.shape_cast %get3A_636 : vector<1x16xf32> to vector<16xf32>
        %get3A_638 = arith.constant 1 : i32
        %get3A_639 = arith.index_cast %get3A_638 : i32 to index
        %get3A_640 = arith.constant 96 : index
        %get3A_641 = tpu.vector_load %arg6[%get3A_639, %get3A_640] {strides = array<i32>} : memref<16x256xf32, #tpu.memory_space<vmem>>, vector<1x16xf32>,
        %get3A_642 = vector.shape_cast %get3A_641 : vector<1x16xf32> to vector<16xf32>
        %get3A_643 = arith.constant 2 : i32
        %get3A_644 = arith.index_cast %get3A_643 : i32 to index
        %get3A_645 = arith.constant 96 : index
        %get3A_646 = tpu.vector_load %arg6[%get3A_644, %get3A_645] {strides = array<i32>} : memref<16x256xf32, #tpu.memory_space<vmem>>, vector<1x16xf32>,
        %get3A_647 = vector.shape_cast %get3A_646 : vector<1x16xf32> to vector<16xf32>
        %get3A_648 = arith.constant 3 : i32
        %get3A_649 = arith.index_cast %get3A_648 : i32 to index
        %get3A_650 = arith.constant 96 : index
        %get3A_651 = tpu.vector_load %arg6[%get3A_649, %get3A_650] {strides = array<i32>} : memref<16x256xf32, #tpu.memory_space<vmem>>, vector<1x16xf32>,
        %get3A_652 = vector.shape_cast %get3A_651 : vector<1x16xf32> to vector<16xf32>
        %get3A_653 = arith.constant 4 : i32
        %get3A_654 = arith.index_cast %get3A_653 : i32 to index
        %get3A_655 = arith.constant 96 : index
        %get3A_656 = tpu.vector_load %arg6[%get3A_654, %get3A_655] {strides = array<i32>} : memref<16x256xf32, #tpu.memory_space<vmem>>, vector<1x16xf32>,
        %get3A_657 = vector.shape_cast %get3A_656 : vector<1x16xf32> to vector<16xf32>
        %get3A_658 = arith.constant 5 : i32
        %get3A_659 = arith.index_cast %get3A_658 : i32 to index
        %get3A_660 = arith.constant 96 : index
        %get3A_661 = tpu.vector_load %arg6[%get3A_659, %get3A_660] {strides = array<i32>} : memref<16x256xf32, #tpu.memory_space<vmem>>, vector<1x16xf32>,
        %get3A_662 = vector.shape_cast %get3A_661 : vector<1x16xf32> to vector<16xf32>
        %get3A_663 = arith.constant 6 : i32
        %get3A_664 = arith.index_cast %get3A_663 : i32 to index
        %get3A_665 = arith.constant 96 : index
        %get3A_666 = tpu.vector_load %arg6[%get3A_664, %get3A_665] {strides = array<i32>} : memref<16x256xf32, #tpu.memory_space<vmem>>, vector<1x16xf32>,
        %get3A_667 = vector.shape_cast %get3A_666 : vector<1x16xf32> to vector<16xf32>
        %get3A_668 = arith.constant 7 : i32
        %get3A_669 = arith.index_cast %get3A_668 : i32 to index
        %get3A_670 = arith.constant 96 : index
        %get3A_671 = tpu.vector_load %arg6[%get3A_669, %get3A_670] {strides = array<i32>} : memref<16x256xf32, #tpu.memory_space<vmem>>, vector<1x16xf32>,
        %get3A_672 = vector.shape_cast %get3A_671 : vector<1x16xf32> to vector<16xf32>
        %get3A_673 = arith.constant 8 : i32
        %get3A_674 = arith.index_cast %get3A_673 : i32 to index
        %get3A_675 = arith.constant 96 : index
        %get3A_676 = tpu.vector_load %arg6[%get3A_674, %get3A_675] {strides = array<i32>} : memref<16x256xf32, #tpu.memory_space<vmem>>, vector<1x16xf32>,
        %get3A_677 = vector.shape_cast %get3A_676 : vector<1x16xf32> to vector<16xf32>
        %get3A_678 = arith.constant 9 : i32
        %get3A_679 = arith.index_cast %get3A_678 : i32 to index
        %get3A_680 = arith.constant 96 : index
        %get3A_681 = tpu.vector_load %arg6[%get3A_679, %get3A_680] {strides = array<i32>} : memref<16x256xf32, #tpu.memory_space<vmem>>, vector<1x16xf32>,
        %get3A_682 = vector.shape_cast %get3A_681 : vector<1x16xf32> to vector<16xf32>
        %get3A_683 = arith.constant 10 : i32
        %get3A_684 = arith.index_cast %get3A_683 : i32 to index
        %get3A_685 = arith.constant 96 : index
        %get3A_686 = tpu.vector_load %arg6[%get3A_684, %get3A_685] {strides = array<i32>} : memref<16x256xf32, #tpu.memory_space<vmem>>, vector<1x16xf32>,
        %get3A_687 = vector.shape_cast %get3A_686 : vector<1x16xf32> to vector<16xf32>
        %get3A_688 = arith.constant 11 : i32
        %get3A_689 = arith.index_cast %get3A_688 : i32 to index
        %get3A_690 = arith.constant 96 : index
        %get3A_691 = tpu.vector_load %arg6[%get3A_689, %get3A_690] {strides = array<i32>} : memref<16x256xf32, #tpu.memory_space<vmem>>, vector<1x16xf32>,
        %get3A_692 = vector.shape_cast %get3A_691 : vector<1x16xf32> to vector<16xf32>
        %get3A_693 = arith.constant 12 : i32
        %get3A_694 = arith.index_cast %get3A_693 : i32 to index
        %get3A_695 = arith.constant 96 : index
        %get3A_696 = tpu.vector_load %arg6[%get3A_694, %get3A_695] {strides = array<i32>} : memref<16x256xf32, #tpu.memory_space<vmem>>, vector<1x16xf32>,
        %get3A_697 = vector.shape_cast %get3A_696 : vector<1x16xf32> to vector<16xf32>
        %get3A_698 = arith.constant 13 : i32
        %get3A_699 = arith.index_cast %get3A_698 : i32 to index
        %get3A_700 = arith.constant 96 : index
        %get3A_701 = tpu.vector_load %arg6[%get3A_699, %get3A_700] {strides = array<i32>} : memref<16x256xf32, #tpu.memory_space<vmem>>, vector<1x16xf32>,
        %get3A_702 = vector.shape_cast %get3A_701 : vector<1x16xf32> to vector<16xf32>
        %get3A_703 = arith.constant 14 : i32
        %get3A_704 = arith.index_cast %get3A_703 : i32 to index
        %get3A_705 = arith.constant 96 : index
        %get3A_706 = tpu.vector_load %arg6[%get3A_704, %get3A_705] {strides = array<i32>} : memref<16x256xf32, #tpu.memory_space<vmem>>, vector<1x16xf32>,
        %get3A_707 = vector.shape_cast %get3A_706 : vector<1x16xf32> to vector<16xf32>
        %get3A_708 = arith.constant 15 : i32
        %get3A_709 = arith.index_cast %get3A_708 : i32 to index
        %get3A_710 = arith.constant 96 : index
        %get3A_711 = tpu.vector_load %arg6[%get3A_709, %get3A_710] {strides = array<i32>} : memref<16x256xf32, #tpu.memory_space<vmem>>, vector<1x16xf32>,
        %get3A_712 = vector.shape_cast %get3A_711 : vector<1x16xf32> to vector<16xf32>
        %max3A_713 = arith.maximumf %get3A_637, %get3A_642 : vector<16xf32>
        %max3A_714 = arith.maximumf %get3A_647, %get3A_652 : vector<16xf32>
        %max3A_715 = arith.maximumf %get3A_657, %get3A_662 : vector<16xf32>
        %max3A_716 = arith.maximumf %get3A_667, %get3A_672 : vector<16xf32>
        %max3A_717 = arith.maximumf %get3A_677, %get3A_682 : vector<16xf32>
        %max3A_718 = arith.maximumf %get3A_687, %get3A_692 : vector<16xf32>
        %max3A_719 = arith.maximumf %get3A_697, %get3A_702 : vector<16xf32>
        %max3A_720 = arith.maximumf %get3A_707, %get3A_712 : vector<16xf32>
        %max3A_721 = arith.maximumf %max3A_713, %max3A_714 : vector<16xf32>
        %max3A_722 = arith.maximumf %max3A_715, %max3A_716 : vector<16xf32>
        %max3A_723 = arith.maximumf %max3A_717, %max3A_718 : vector<16xf32>
        %max3A_724 = arith.maximumf %max3A_719, %max3A_720 : vector<16xf32>
        %max3A_725 = arith.maximumf %max3A_721, %max3A_722 : vector<16xf32>
        %max3A_726 = arith.maximumf %max3A_723, %max3A_724 : vector<16xf32>
        %max3A_727 = arith.maximumf %max3A_725, %max3A_726 : vector<16xf32>
        %swap3A_728 = arith.constant 48 : i32
        %swap3A_729 = arith.index_cast %swap3A_728 : i32 to index
        %swap3A_730 = arith.constant 96 : index
        %swap3A_731 = tpu.vector_load %arg8[%swap3A_729, %swap3A_730] {strides = array<i32>} : memref<49x256xf32, #tpu.memory_space<vmem>>, vector<1x16xf32>,
        %swap3A_732 = vector.shape_cast %swap3A_731 : vector<1x16xf32> to vector<16xf32>
        %swap3A_733 = vector.shape_cast %max3A_727 : vector<16xf32> to vector<1x16xf32>
        tpu.vector_store %arg8[%swap3A_729, %swap3A_730], %swap3A_733 {strides = array<i32>} : memref<49x256xf32, #tpu.memory_space<vmem>>, vector<1x16xf32>,
        %get3A_734 = arith.constant 0 : i32
        %get3A_735 = arith.index_cast %get3A_734 : i32 to index
        %get3A_736 = arith.constant 112 : index
        %get3A_737 = tpu.vector_load %arg6[%get3A_735, %get3A_736] {strides = array<i32>} : memref<16x256xf32, #tpu.memory_space<vmem>>, vector<1x16xf32>,
        %get3A_738 = vector.shape_cast %get3A_737 : vector<1x16xf32> to vector<16xf32>
        %get3A_739 = arith.constant 1 : i32
        %get3A_740 = arith.index_cast %get3A_739 : i32 to index
        %get3A_741 = arith.constant 112 : index
        %get3A_742 = tpu.vector_load %arg6[%get3A_740, %get3A_741] {strides = array<i32>} : memref<16x256xf32, #tpu.memory_space<vmem>>, vector<1x16xf32>,
        %get3A_743 = vector.shape_cast %get3A_742 : vector<1x16xf32> to vector<16xf32>
        %get3A_744 = arith.constant 2 : i32
        %get3A_745 = arith.index_cast %get3A_744 : i32 to index
        %get3A_746 = arith.constant 112 : index
        %get3A_747 = tpu.vector_load %arg6[%get3A_745, %get3A_746] {strides = array<i32>} : memref<16x256xf32, #tpu.memory_space<vmem>>, vector<1x16xf32>,
        %get3A_748 = vector.shape_cast %get3A_747 : vector<1x16xf32> to vector<16xf32>
        %get3A_749 = arith.constant 3 : i32
        %get3A_750 = arith.index_cast %get3A_749 : i32 to index
        %get3A_751 = arith.constant 112 : index
        %get3A_752 = tpu.vector_load %arg6[%get3A_750, %get3A_751] {strides = array<i32>} : memref<16x256xf32, #tpu.memory_space<vmem>>, vector<1x16xf32>,
        %get3A_753 = vector.shape_cast %get3A_752 : vector<1x16xf32> to vector<16xf32>
        %get3A_754 = arith.constant 4 : i32
        %get3A_755 = arith.index_cast %get3A_754 : i32 to index
        %get3A_756 = arith.constant 112 : index
        %get3A_757 = tpu.vector_load %arg6[%get3A_755, %get3A_756] {strides = array<i32>} : memref<16x256xf32, #tpu.memory_space<vmem>>, vector<1x16xf32>,
        %get3A_758 = vector.shape_cast %get3A_757 : vector<1x16xf32> to vector<16xf32>
        %get3A_759 = arith.constant 5 : i32
        %get3A_760 = arith.index_cast %get3A_759 : i32 to index
        %get3A_761 = arith.constant 112 : index
        %get3A_762 = tpu.vector_load %arg6[%get3A_760, %get3A_761] {strides = array<i32>} : memref<16x256xf32, #tpu.memory_space<vmem>>, vector<1x16xf32>,
        %get3A_763 = vector.shape_cast %get3A_762 : vector<1x16xf32> to vector<16xf32>
        %get3A_764 = arith.constant 6 : i32
        %get3A_765 = arith.index_cast %get3A_764 : i32 to index
        %get3A_766 = arith.constant 112 : index
        %get3A_767 = tpu.vector_load %arg6[%get3A_765, %get3A_766] {strides = array<i32>} : memref<16x256xf32, #tpu.memory_space<vmem>>, vector<1x16xf32>,
        %get3A_768 = vector.shape_cast %get3A_767 : vector<1x16xf32> to vector<16xf32>
        %get3A_769 = arith.constant 7 : i32
        %get3A_770 = arith.index_cast %get3A_769 : i32 to index
        %get3A_771 = arith.constant 112 : index
        %get3A_772 = tpu.vector_load %arg6[%get3A_770, %get3A_771] {strides = array<i32>} : memref<16x256xf32, #tpu.memory_space<vmem>>, vector<1x16xf32>,
        %get3A_773 = vector.shape_cast %get3A_772 : vector<1x16xf32> to vector<16xf32>
        %get3A_774 = arith.constant 8 : i32
        %get3A_775 = arith.index_cast %get3A_774 : i32 to index
        %get3A_776 = arith.constant 112 : index
        %get3A_777 = tpu.vector_load %arg6[%get3A_775, %get3A_776] {strides = array<i32>} : memref<16x256xf32, #tpu.memory_space<vmem>>, vector<1x16xf32>,
        %get3A_778 = vector.shape_cast %get3A_777 : vector<1x16xf32> to vector<16xf32>
        %get3A_779 = arith.constant 9 : i32
        %get3A_780 = arith.index_cast %get3A_779 : i32 to index
        %get3A_781 = arith.constant 112 : index
        %get3A_782 = tpu.vector_load %arg6[%get3A_780, %get3A_781] {strides = array<i32>} : memref<16x256xf32, #tpu.memory_space<vmem>>, vector<1x16xf32>,
        %get3A_783 = vector.shape_cast %get3A_782 : vector<1x16xf32> to vector<16xf32>
        %get3A_784 = arith.constant 10 : i32
        %get3A_785 = arith.index_cast %get3A_784 : i32 to index
        %get3A_786 = arith.constant 112 : index
        %get3A_787 = tpu.vector_load %arg6[%get3A_785, %get3A_786] {strides = array<i32>} : memref<16x256xf32, #tpu.memory_space<vmem>>, vector<1x16xf32>,
        %get3A_788 = vector.shape_cast %get3A_787 : vector<1x16xf32> to vector<16xf32>
        %get3A_789 = arith.constant 11 : i32
        %get3A_790 = arith.index_cast %get3A_789 : i32 to index
        %get3A_791 = arith.constant 112 : index
        %get3A_792 = tpu.vector_load %arg6[%get3A_790, %get3A_791] {strides = array<i32>} : memref<16x256xf32, #tpu.memory_space<vmem>>, vector<1x16xf32>,
        %get3A_793 = vector.shape_cast %get3A_792 : vector<1x16xf32> to vector<16xf32>
        %get3A_794 = arith.constant 12 : i32
        %get3A_795 = arith.index_cast %get3A_794 : i32 to index
        %get3A_796 = arith.constant 112 : index
        %get3A_797 = tpu.vector_load %arg6[%get3A_795, %get3A_796] {strides = array<i32>} : memref<16x256xf32, #tpu.memory_space<vmem>>, vector<1x16xf32>,
        %get3A_798 = vector.shape_cast %get3A_797 : vector<1x16xf32> to vector<16xf32>
        %get3A_799 = arith.constant 13 : i32
        %get3A_800 = arith.index_cast %get3A_799 : i32 to index
        %get3A_801 = arith.constant 112 : index
        %get3A_802 = tpu.vector_load %arg6[%get3A_800, %get3A_801] {strides = array<i32>} : memref<16x256xf32, #tpu.memory_space<vmem>>, vector<1x16xf32>,
        %get3A_803 = vector.shape_cast %get3A_802 : vector<1x16xf32> to vector<16xf32>
        %get3A_804 = arith.constant 14 : i32
        %get3A_805 = arith.index_cast %get3A_804 : i32 to index
        %get3A_806 = arith.constant 112 : index
        %get3A_807 = tpu.vector_load %arg6[%get3A_805, %get3A_806] {strides = array<i32>} : memref<16x256xf32, #tpu.memory_space<vmem>>, vector<1x16xf32>,
        %get3A_808 = vector.shape_cast %get3A_807 : vector<1x16xf32> to vector<16xf32>
        %get3A_809 = arith.constant 15 : i32
        %get3A_810 = arith.index_cast %get3A_809 : i32 to index
        %get3A_811 = arith.constant 112 : index
        %get3A_812 = tpu.vector_load %arg6[%get3A_810, %get3A_811] {strides = array<i32>} : memref<16x256xf32, #tpu.memory_space<vmem>>, vector<1x16xf32>,
        %get3A_813 = vector.shape_cast %get3A_812 : vector<1x16xf32> to vector<16xf32>
        %max3A_814 = arith.maximumf %get3A_738, %get3A_743 : vector<16xf32>
        %max3A_815 = arith.maximumf %get3A_748, %get3A_753 : vector<16xf32>
        %max3A_816 = arith.maximumf %get3A_758, %get3A_763 : vector<16xf32>
        %max3A_817 = arith.maximumf %get3A_768, %get3A_773 : vector<16xf32>
        %max3A_818 = arith.maximumf %get3A_778, %get3A_783 : vector<16xf32>
        %max3A_819 = arith.maximumf %get3A_788, %get3A_793 : vector<16xf32>
        %max3A_820 = arith.maximumf %get3A_798, %get3A_803 : vector<16xf32>
        %max3A_821 = arith.maximumf %get3A_808, %get3A_813 : vector<16xf32>
        %max3A_822 = arith.maximumf %max3A_814, %max3A_815 : vector<16xf32>
        %max3A_823 = arith.maximumf %max3A_816, %max3A_817 : vector<16xf32>
        %max3A_824 = arith.maximumf %max3A_818, %max3A_819 : vector<16xf32>
        %max3A_825 = arith.maximumf %max3A_820, %max3A_821 : vector<16xf32>
        %max3A_826 = arith.maximumf %max3A_822, %max3A_823 : vector<16xf32>
        %max3A_827 = arith.maximumf %max3A_824, %max3A_825 : vector<16xf32>
        %max3A_828 = arith.maximumf %max3A_826, %max3A_827 : vector<16xf32>
        %swap3A_829 = arith.constant 48 : i32
        %swap3A_830 = arith.index_cast %swap3A_829 : i32 to index
        %swap3A_831 = arith.constant 112 : index
        %swap3A_832 = tpu.vector_load %arg8[%swap3A_830, %swap3A_831] {strides = array<i32>} : memref<49x256xf32, #tpu.memory_space<vmem>>, vector<1x16xf32>,
        %swap3A_833 = vector.shape_cast %swap3A_832 : vector<1x16xf32> to vector<16xf32>
        %swap3A_834 = vector.shape_cast %max3A_828 : vector<16xf32> to vector<1x16xf32>
        tpu.vector_store %arg8[%swap3A_830, %swap3A_831], %swap3A_834 {strides = array<i32>} : memref<49x256xf32, #tpu.memory_space<vmem>>, vector<1x16xf32>,
        %get3A_835 = arith.constant 0 : i32
        %get3A_836 = arith.index_cast %get3A_835 : i32 to index
        %get3A_837 = arith.constant 128 : index
        %get3A_838 = tpu.vector_load %arg6[%get3A_836, %get3A_837] {strides = array<i32>} : memref<16x256xf32, #tpu.memory_space<vmem>>, vector<1x16xf32>,
        %get3A_839 = vector.shape_cast %get3A_838 : vector<1x16xf32> to vector<16xf32>
        %get3A_840 = arith.constant 1 : i32
        %get3A_841 = arith.index_cast %get3A_840 : i32 to index
        %get3A_842 = arith.constant 128 : index
        %get3A_843 = tpu.vector_load %arg6[%get3A_841, %get3A_842] {strides = array<i32>} : memref<16x256xf32, #tpu.memory_space<vmem>>, vector<1x16xf32>,
        %get3A_844 = vector.shape_cast %get3A_843 : vector<1x16xf32> to vector<16xf32>
        %get3A_845 = arith.constant 2 : i32
        %get3A_846 = arith.index_cast %get3A_845 : i32 to index
        %get3A_847 = arith.constant 128 : index
        %get3A_848 = tpu.vector_load %arg6[%get3A_846, %get3A_847] {strides = array<i32>} : memref<16x256xf32, #tpu.memory_space<vmem>>, vector<1x16xf32>,
        %get3A_849 = vector.shape_cast %get3A_848 : vector<1x16xf32> to vector<16xf32>
        %get3A_850 = arith.constant 3 : i32
        %get3A_851 = arith.index_cast %get3A_850 : i32 to index
        %get3A_852 = arith.constant 128 : index
        %get3A_853 = tpu.vector_load %arg6[%get3A_851, %get3A_852] {strides = array<i32>} : memref<16x256xf32, #tpu.memory_space<vmem>>, vector<1x16xf32>,
        %get3A_854 = vector.shape_cast %get3A_853 : vector<1x16xf32> to vector<16xf32>
        %get3A_855 = arith.constant 4 : i32
        %get3A_856 = arith.index_cast %get3A_855 : i32 to index
        %get3A_857 = arith.constant 128 : index
        %get3A_858 = tpu.vector_load %arg6[%get3A_856, %get3A_857] {strides = array<i32>} : memref<16x256xf32, #tpu.memory_space<vmem>>, vector<1x16xf32>,
        %get3A_859 = vector.shape_cast %get3A_858 : vector<1x16xf32> to vector<16xf32>
        %get3A_860 = arith.constant 5 : i32
        %get3A_861 = arith.index_cast %get3A_860 : i32 to index
        %get3A_862 = arith.constant 128 : index
        %get3A_863 = tpu.vector_load %arg6[%get3A_861, %get3A_862] {strides = array<i32>} : memref<16x256xf32, #tpu.memory_space<vmem>>, vector<1x16xf32>,
        %get3A_864 = vector.shape_cast %get3A_863 : vector<1x16xf32> to vector<16xf32>
        %get3A_865 = arith.constant 6 : i32
        %get3A_866 = arith.index_cast %get3A_865 : i32 to index
        %get3A_867 = arith.constant 128 : index
        %get3A_868 = tpu.vector_load %arg6[%get3A_866, %get3A_867] {strides = array<i32>} : memref<16x256xf32, #tpu.memory_space<vmem>>, vector<1x16xf32>,
        %get3A_869 = vector.shape_cast %get3A_868 : vector<1x16xf32> to vector<16xf32>
        %get3A_870 = arith.constant 7 : i32
        %get3A_871 = arith.index_cast %get3A_870 : i32 to index
        %get3A_872 = arith.constant 128 : index
        %get3A_873 = tpu.vector_load %arg6[%get3A_871, %get3A_872] {strides = array<i32>} : memref<16x256xf32, #tpu.memory_space<vmem>>, vector<1x16xf32>,
        %get3A_874 = vector.shape_cast %get3A_873 : vector<1x16xf32> to vector<16xf32>
        %get3A_875 = arith.constant 8 : i32
        %get3A_876 = arith.index_cast %get3A_875 : i32 to index
        %get3A_877 = arith.constant 128 : index
        %get3A_878 = tpu.vector_load %arg6[%get3A_876, %get3A_877] {strides = array<i32>} : memref<16x256xf32, #tpu.memory_space<vmem>>, vector<1x16xf32>,
        %get3A_879 = vector.shape_cast %get3A_878 : vector<1x16xf32> to vector<16xf32>
        %get3A_880 = arith.constant 9 : i32
        %get3A_881 = arith.index_cast %get3A_880 : i32 to index
        %get3A_882 = arith.constant 128 : index
        %get3A_883 = tpu.vector_load %arg6[%get3A_881, %get3A_882] {strides = array<i32>} : memref<16x256xf32, #tpu.memory_space<vmem>>, vector<1x16xf32>,
        %get3A_884 = vector.shape_cast %get3A_883 : vector<1x16xf32> to vector<16xf32>
        %get3A_885 = arith.constant 10 : i32
        %get3A_886 = arith.index_cast %get3A_885 : i32 to index
        %get3A_887 = arith.constant 128 : index
        %get3A_888 = tpu.vector_load %arg6[%get3A_886, %get3A_887] {strides = array<i32>} : memref<16x256xf32, #tpu.memory_space<vmem>>, vector<1x16xf32>,
        %get3A_889 = vector.shape_cast %get3A_888 : vector<1x16xf32> to vector<16xf32>
        %get3A_890 = arith.constant 11 : i32
        %get3A_891 = arith.index_cast %get3A_890 : i32 to index
        %get3A_892 = arith.constant 128 : index
        %get3A_893 = tpu.vector_load %arg6[%get3A_891, %get3A_892] {strides = array<i32>} : memref<16x256xf32, #tpu.memory_space<vmem>>, vector<1x16xf32>,
        %get3A_894 = vector.shape_cast %get3A_893 : vector<1x16xf32> to vector<16xf32>
        %get3A_895 = arith.constant 12 : i32
        %get3A_896 = arith.index_cast %get3A_895 : i32 to index
        %get3A_897 = arith.constant 128 : index
        %get3A_898 = tpu.vector_load %arg6[%get3A_896, %get3A_897] {strides = array<i32>} : memref<16x256xf32, #tpu.memory_space<vmem>>, vector<1x16xf32>,
        %get3A_899 = vector.shape_cast %get3A_898 : vector<1x16xf32> to vector<16xf32>
        %get3A_900 = arith.constant 13 : i32
        %get3A_901 = arith.index_cast %get3A_900 : i32 to index
        %get3A_902 = arith.constant 128 : index
        %get3A_903 = tpu.vector_load %arg6[%get3A_901, %get3A_902] {strides = array<i32>} : memref<16x256xf32, #tpu.memory_space<vmem>>, vector<1x16xf32>,
        %get3A_904 = vector.shape_cast %get3A_903 : vector<1x16xf32> to vector<16xf32>
        %get3A_905 = arith.constant 14 : i32
        %get3A_906 = arith.index_cast %get3A_905 : i32 to index
        %get3A_907 = arith.constant 128 : index
        %get3A_908 = tpu.vector_load %arg6[%get3A_906, %get3A_907] {strides = array<i32>} : memref<16x256xf32, #tpu.memory_space<vmem>>, vector<1x16xf32>,
        %get3A_909 = vector.shape_cast %get3A_908 : vector<1x16xf32> to vector<16xf32>
        %get3A_910 = arith.constant 15 : i32
        %get3A_911 = arith.index_cast %get3A_910 : i32 to index
        %get3A_912 = arith.constant 128 : index
        %get3A_913 = tpu.vector_load %arg6[%get3A_911, %get3A_912] {strides = array<i32>} : memref<16x256xf32, #tpu.memory_space<vmem>>, vector<1x16xf32>,
        %get3A_914 = vector.shape_cast %get3A_913 : vector<1x16xf32> to vector<16xf32>
        %max3A_915 = arith.maximumf %get3A_839, %get3A_844 : vector<16xf32>
        %max3A_916 = arith.maximumf %get3A_849, %get3A_854 : vector<16xf32>
        %max3A_917 = arith.maximumf %get3A_859, %get3A_864 : vector<16xf32>
        %max3A_918 = arith.maximumf %get3A_869, %get3A_874 : vector<16xf32>
        %max3A_919 = arith.maximumf %get3A_879, %get3A_884 : vector<16xf32>
        %max3A_920 = arith.maximumf %get3A_889, %get3A_894 : vector<16xf32>
        %max3A_921 = arith.maximumf %get3A_899, %get3A_904 : vector<16xf32>
        %max3A_922 = arith.maximumf %get3A_909, %get3A_914 : vector<16xf32>
        %max3A_923 = arith.maximumf %max3A_915, %max3A_916 : vector<16xf32>
        %max3A_924 = arith.maximumf %max3A_917, %max3A_918 : vector<16xf32>
        %max3A_925 = arith.maximumf %max3A_919, %max3A_920 : vector<16xf32>
        %max3A_926 = arith.maximumf %max3A_921, %max3A_922 : vector<16xf32>
        %max3A_927 = arith.maximumf %max3A_923, %max3A_924 : vector<16xf32>
        %max3A_928 = arith.maximumf %max3A_925, %max3A_926 : vector<16xf32>
        %max3A_929 = arith.maximumf %max3A_927, %max3A_928 : vector<16xf32>
        %swap3A_930 = arith.constant 48 : i32
        %swap3A_931 = arith.index_cast %swap3A_930 : i32 to index
        %swap3A_932 = arith.constant 128 : index
        %swap3A_933 = tpu.vector_load %arg8[%swap3A_931, %swap3A_932] {strides = array<i32>} : memref<49x256xf32, #tpu.memory_space<vmem>>, vector<1x16xf32>,
        %swap3A_934 = vector.shape_cast %swap3A_933 : vector<1x16xf32> to vector<16xf32>
        %swap3A_935 = vector.shape_cast %max3A_929 : vector<16xf32> to vector<1x16xf32>
        tpu.vector_store %arg8[%swap3A_931, %swap3A_932], %swap3A_935 {strides = array<i32>} : memref<49x256xf32, #tpu.memory_space<vmem>>, vector<1x16xf32>,
        %get3A_936 = arith.constant 0 : i32
        %get3A_937 = arith.index_cast %get3A_936 : i32 to index
        %get3A_938 = arith.constant 144 : index
        %get3A_939 = tpu.vector_load %arg6[%get3A_937, %get3A_938] {strides = array<i32>} : memref<16x256xf32, #tpu.memory_space<vmem>>, vector<1x16xf32>,
        %get3A_940 = vector.shape_cast %get3A_939 : vector<1x16xf32> to vector<16xf32>
        %get3A_941 = arith.constant 1 : i32
        %get3A_942 = arith.index_cast %get3A_941 : i32 to index
        %get3A_943 = arith.constant 144 : index
        %get3A_944 = tpu.vector_load %arg6[%get3A_942, %get3A_943] {strides = array<i32>} : memref<16x256xf32, #tpu.memory_space<vmem>>, vector<1x16xf32>,
        %get3A_945 = vector.shape_cast %get3A_944 : vector<1x16xf32> to vector<16xf32>
        %get3A_946 = arith.constant 2 : i32
        %get3A_947 = arith.index_cast %get3A_946 : i32 to index
        %get3A_948 = arith.constant 144 : index
        %get3A_949 = tpu.vector_load %arg6[%get3A_947, %get3A_948] {strides = array<i32>} : memref<16x256xf32, #tpu.memory_space<vmem>>, vector<1x16xf32>,
        %get3A_950 = vector.shape_cast %get3A_949 : vector<1x16xf32> to vector<16xf32>
        %get3A_951 = arith.constant 3 : i32
        %get3A_952 = arith.index_cast %get3A_951 : i32 to index
        %get3A_953 = arith.constant 144 : index
        %get3A_954 = tpu.vector_load %arg6[%get3A_952, %get3A_953] {strides = array<i32>} : memref<16x256xf32, #tpu.memory_space<vmem>>, vector<1x16xf32>,
        %get3A_955 = vector.shape_cast %get3A_954 : vector<1x16xf32> to vector<16xf32>
        %get3A_956 = arith.constant 4 : i32
        %get3A_957 = arith.index_cast %get3A_956 : i32 to index
        %get3A_958 = arith.constant 144 : index
        %get3A_959 = tpu.vector_load %arg6[%get3A_957, %get3A_958] {strides = array<i32>} : memref<16x256xf32, #tpu.memory_space<vmem>>, vector<1x16xf32>,
        %get3A_960 = vector.shape_cast %get3A_959 : vector<1x16xf32> to vector<16xf32>
        %get3A_961 = arith.constant 5 : i32
        %get3A_962 = arith.index_cast %get3A_961 : i32 to index
        %get3A_963 = arith.constant 144 : index
        %get3A_964 = tpu.vector_load %arg6[%get3A_962, %get3A_963] {strides = array<i32>} : memref<16x256xf32, #tpu.memory_space<vmem>>, vector<1x16xf32>,
        %get3A_965 = vector.shape_cast %get3A_964 : vector<1x16xf32> to vector<16xf32>
        %get3A_966 = arith.constant 6 : i32
        %get3A_967 = arith.index_cast %get3A_966 : i32 to index
        %get3A_968 = arith.constant 144 : index
        %get3A_969 = tpu.vector_load %arg6[%get3A_967, %get3A_968] {strides = array<i32>} : memref<16x256xf32, #tpu.memory_space<vmem>>, vector<1x16xf32>,
        %get3A_970 = vector.shape_cast %get3A_969 : vector<1x16xf32> to vector<16xf32>
        %get3A_971 = arith.constant 7 : i32
        %get3A_972 = arith.index_cast %get3A_971 : i32 to index
        %get3A_973 = arith.constant 144 : index
        %get3A_974 = tpu.vector_load %arg6[%get3A_972, %get3A_973] {strides = array<i32>} : memref<16x256xf32, #tpu.memory_space<vmem>>, vector<1x16xf32>,
        %get3A_975 = vector.shape_cast %get3A_974 : vector<1x16xf32> to vector<16xf32>
        %get3A_976 = arith.constant 8 : i32
        %get3A_977 = arith.index_cast %get3A_976 : i32 to index
        %get3A_978 = arith.constant 144 : index
        %get3A_979 = tpu.vector_load %arg6[%get3A_977, %get3A_978] {strides = array<i32>} : memref<16x256xf32, #tpu.memory_space<vmem>>, vector<1x16xf32>,
        %get3A_980 = vector.shape_cast %get3A_979 : vector<1x16xf32> to vector<16xf32>
        %get3A_981 = arith.constant 9 : i32
        %get3A_982 = arith.index_cast %get3A_981 : i32 to index
        %get3A_983 = arith.constant 144 : index
        %get3A_984 = tpu.vector_load %arg6[%get3A_982, %get3A_983] {strides = array<i32>} : memref<16x256xf32, #tpu.memory_space<vmem>>, vector<1x16xf32>,
        %get3A_985 = vector.shape_cast %get3A_984 : vector<1x16xf32> to vector<16xf32>
        %get3A_986 = arith.constant 10 : i32
        %get3A_987 = arith.index_cast %get3A_986 : i32 to index
        %get3A_988 = arith.constant 144 : index
        %get3A_989 = tpu.vector_load %arg6[%get3A_987, %get3A_988] {strides = array<i32>} : memref<16x256xf32, #tpu.memory_space<vmem>>, vector<1x16xf32>,
        %get3A_990 = vector.shape_cast %get3A_989 : vector<1x16xf32> to vector<16xf32>
        %get3A_991 = arith.constant 11 : i32
        %get3A_992 = arith.index_cast %get3A_991 : i32 to index
        %get3A_993 = arith.constant 144 : index
        %get3A_994 = tpu.vector_load %arg6[%get3A_992, %get3A_993] {strides = array<i32>} : memref<16x256xf32, #tpu.memory_space<vmem>>, vector<1x16xf32>,
        %get3A_995 = vector.shape_cast %get3A_994 : vector<1x16xf32> to vector<16xf32>
        %get3A_996 = arith.constant 12 : i32
        %get3A_997 = arith.index_cast %get3A_996 : i32 to index
        %get3A_998 = arith.constant 144 : index
        %get3A_999 = tpu.vector_load %arg6[%get3A_997, %get3A_998] {strides = array<i32>} : memref<16x256xf32, #tpu.memory_space<vmem>>, vector<1x16xf32>,
        %get3A_1000 = vector.shape_cast %get3A_999 : vector<1x16xf32> to vector<16xf32>
        %get3A_1001 = arith.constant 13 : i32
        %get3A_1002 = arith.index_cast %get3A_1001 : i32 to index
        %get3A_1003 = arith.constant 144 : index
        %get3A_1004 = tpu.vector_load %arg6[%get3A_1002, %get3A_1003] {strides = array<i32>} : memref<16x256xf32, #tpu.memory_space<vmem>>, vector<1x16xf32>,
        %get3A_1005 = vector.shape_cast %get3A_1004 : vector<1x16xf32> to vector<16xf32>
        %get3A_1006 = arith.constant 14 : i32
        %get3A_1007 = arith.index_cast %get3A_1006 : i32 to index
        %get3A_1008 = arith.constant 144 : index
        %get3A_1009 = tpu.vector_load %arg6[%get3A_1007, %get3A_1008] {strides = array<i32>} : memref<16x256xf32, #tpu.memory_space<vmem>>, vector<1x16xf32>,
        %get3A_1010 = vector.shape_cast %get3A_1009 : vector<1x16xf32> to vector<16xf32>
        %get3A_1011 = arith.constant 15 : i32
        %get3A_1012 = arith.index_cast %get3A_1011 : i32 to index
        %get3A_1013 = arith.constant 144 : index
        %get3A_1014 = tpu.vector_load %arg6[%get3A_1012, %get3A_1013] {strides = array<i32>} : memref<16x256xf32, #tpu.memory_space<vmem>>, vector<1x16xf32>,
        %get3A_1015 = vector.shape_cast %get3A_1014 : vector<1x16xf32> to vector<16xf32>
        %max3A_1016 = arith.maximumf %get3A_940, %get3A_945 : vector<16xf32>
        %max3A_1017 = arith.maximumf %get3A_950, %get3A_955 : vector<16xf32>
        %max3A_1018 = arith.maximumf %get3A_960, %get3A_965 : vector<16xf32>
        %max3A_1019 = arith.maximumf %get3A_970, %get3A_975 : vector<16xf32>
        %max3A_1020 = arith.maximumf %get3A_980, %get3A_985 : vector<16xf32>
        %max3A_1021 = arith.maximumf %get3A_990, %get3A_995 : vector<16xf32>
        %max3A_1022 = arith.maximumf %get3A_1000, %get3A_1005 : vector<16xf32>
        %max3A_1023 = arith.maximumf %get3A_1010, %get3A_1015 : vector<16xf32>
        %max3A_1024 = arith.maximumf %max3A_1016, %max3A_1017 : vector<16xf32>
        %max3A_1025 = arith.maximumf %max3A_1018, %max3A_1019 : vector<16xf32>
        %max3A_1026 = arith.maximumf %max3A_1020, %max3A_1021 : vector<16xf32>
        %max3A_1027 = arith.maximumf %max3A_1022, %max3A_1023 : vector<16xf32>
        %max3A_1028 = arith.maximumf %max3A_1024, %max3A_1025 : vector<16xf32>
        %max3A_1029 = arith.maximumf %max3A_1026, %max3A_1027 : vector<16xf32>
        %max3A_1030 = arith.maximumf %max3A_1028, %max3A_1029 : vector<16xf32>
        %swap3A_1031 = arith.constant 48 : i32
        %swap3A_1032 = arith.index_cast %swap3A_1031 : i32 to index
        %swap3A_1033 = arith.constant 144 : index
        %swap3A_1034 = tpu.vector_load %arg8[%swap3A_1032, %swap3A_1033] {strides = array<i32>} : memref<49x256xf32, #tpu.memory_space<vmem>>, vector<1x16xf32>,
        %swap3A_1035 = vector.shape_cast %swap3A_1034 : vector<1x16xf32> to vector<16xf32>
        %swap3A_1036 = vector.shape_cast %max3A_1030 : vector<16xf32> to vector<1x16xf32>
        tpu.vector_store %arg8[%swap3A_1032, %swap3A_1033], %swap3A_1036 {strides = array<i32>} : memref<49x256xf32, #tpu.memory_space<vmem>>, vector<1x16xf32>,
        %get3A_1037 = arith.constant 0 : i32
        %get3A_1038 = arith.index_cast %get3A_1037 : i32 to index
        %get3A_1039 = arith.constant 160 : index
        %get3A_1040 = tpu.vector_load %arg6[%get3A_1038, %get3A_1039] {strides = array<i32>} : memref<16x256xf32, #tpu.memory_space<vmem>>, vector<1x16xf32>,
        %get3A_1041 = vector.shape_cast %get3A_1040 : vector<1x16xf32> to vector<16xf32>
        %get3A_1042 = arith.constant 1 : i32
        %get3A_1043 = arith.index_cast %get3A_1042 : i32 to index
        %get3A_1044 = arith.constant 160 : index
        %get3A_1045 = tpu.vector_load %arg6[%get3A_1043, %get3A_1044] {strides = array<i32>} : memref<16x256xf32, #tpu.memory_space<vmem>>, vector<1x16xf32>,
        %get3A_1046 = vector.shape_cast %get3A_1045 : vector<1x16xf32> to vector<16xf32>
        %get3A_1047 = arith.constant 2 : i32
        %get3A_1048 = arith.index_cast %get3A_1047 : i32 to index
        %get3A_1049 = arith.constant 160 : index
        %get3A_1050 = tpu.vector_load %arg6[%get3A_1048, %get3A_1049] {strides = array<i32>} : memref<16x256xf32, #tpu.memory_space<vmem>>, vector<1x16xf32>,
        %get3A_1051 = vector.shape_cast %get3A_1050 : vector<1x16xf32> to vector<16xf32>
        %get3A_1052 = arith.constant 3 : i32
        %get3A_1053 = arith.index_cast %get3A_1052 : i32 to index
        %get3A_1054 = arith.constant 160 : index
        %get3A_1055 = tpu.vector_load %arg6[%get3A_1053, %get3A_1054] {strides = array<i32>} : memref<16x256xf32, #tpu.memory_space<vmem>>, vector<1x16xf32>,
        %get3A_1056 = vector.shape_cast %get3A_1055 : vector<1x16xf32> to vector<16xf32>
        %get3A_1057 = arith.constant 4 : i32
        %get3A_1058 = arith.index_cast %get3A_1057 : i32 to index
        %get3A_1059 = arith.constant 160 : index
        %get3A_1060 = tpu.vector_load %arg6[%get3A_1058, %get3A_1059] {strides = array<i32>} : memref<16x256xf32, #tpu.memory_space<vmem>>, vector<1x16xf32>,
        %get3A_1061 = vector.shape_cast %get3A_1060 : vector<1x16xf32> to vector<16xf32>
        %get3A_1062 = arith.constant 5 : i32
        %get3A_1063 = arith.index_cast %get3A_1062 : i32 to index
        %get3A_1064 = arith.constant 160 : index
        %get3A_1065 = tpu.vector_load %arg6[%get3A_1063, %get3A_1064] {strides = array<i32>} : memref<16x256xf32, #tpu.memory_space<vmem>>, vector<1x16xf32>,
        %get3A_1066 = vector.shape_cast %get3A_1065 : vector<1x16xf32> to vector<16xf32>
        %get3A_1067 = arith.constant 6 : i32
        %get3A_1068 = arith.index_cast %get3A_1067 : i32 to index
        %get3A_1069 = arith.constant 160 : index
        %get3A_1070 = tpu.vector_load %arg6[%get3A_1068, %get3A_1069] {strides = array<i32>} : memref<16x256xf32, #tpu.memory_space<vmem>>, vector<1x16xf32>,
        %get3A_1071 = vector.shape_cast %get3A_1070 : vector<1x16xf32> to vector<16xf32>
        %get3A_1072 = arith.constant 7 : i32
        %get3A_1073 = arith.index_cast %get3A_1072 : i32 to index
        %get3A_1074 = arith.constant 160 : index
        %get3A_1075 = tpu.vector_load %arg6[%get3A_1073, %get3A_1074] {strides = array<i32>} : memref<16x256xf32, #tpu.memory_space<vmem>>, vector<1x16xf32>,
        %get3A_1076 = vector.shape_cast %get3A_1075 : vector<1x16xf32> to vector<16xf32>
        %get3A_1077 = arith.constant 8 : i32
        %get3A_1078 = arith.index_cast %get3A_1077 : i32 to index
        %get3A_1079 = arith.constant 160 : index
        %get3A_1080 = tpu.vector_load %arg6[%get3A_1078, %get3A_1079] {strides = array<i32>} : memref<16x256xf32, #tpu.memory_space<vmem>>, vector<1x16xf32>,
        %get3A_1081 = vector.shape_cast %get3A_1080 : vector<1x16xf32> to vector<16xf32>
        %get3A_1082 = arith.constant 9 : i32
        %get3A_1083 = arith.index_cast %get3A_1082 : i32 to index
        %get3A_1084 = arith.constant 160 : index
        %get3A_1085 = tpu.vector_load %arg6[%get3A_1083, %get3A_1084] {strides = array<i32>} : memref<16x256xf32, #tpu.memory_space<vmem>>, vector<1x16xf32>,
        %get3A_1086 = vector.shape_cast %get3A_1085 : vector<1x16xf32> to vector<16xf32>
        %get3A_1087 = arith.constant 10 : i32
        %get3A_1088 = arith.index_cast %get3A_1087 : i32 to index
        %get3A_1089 = arith.constant 160 : index
        %get3A_1090 = tpu.vector_load %arg6[%get3A_1088, %get3A_1089] {strides = array<i32>} : memref<16x256xf32, #tpu.memory_space<vmem>>, vector<1x16xf32>,
        %get3A_1091 = vector.shape_cast %get3A_1090 : vector<1x16xf32> to vector<16xf32>
        %get3A_1092 = arith.constant 11 : i32
        %get3A_1093 = arith.index_cast %get3A_1092 : i32 to index
        %get3A_1094 = arith.constant 160 : index
        %get3A_1095 = tpu.vector_load %arg6[%get3A_1093, %get3A_1094] {strides = array<i32>} : memref<16x256xf32, #tpu.memory_space<vmem>>, vector<1x16xf32>,
        %get3A_1096 = vector.shape_cast %get3A_1095 : vector<1x16xf32> to vector<16xf32>
        %get3A_1097 = arith.constant 12 : i32
        %get3A_1098 = arith.index_cast %get3A_1097 : i32 to index
        %get3A_1099 = arith.constant 160 : index
        %get3A_1100 = tpu.vector_load %arg6[%get3A_1098, %get3A_1099] {strides = array<i32>} : memref<16x256xf32, #tpu.memory_space<vmem>>, vector<1x16xf32>,
        %get3A_1101 = vector.shape_cast %get3A_1100 : vector<1x16xf32> to vector<16xf32>
        %get3A_1102 = arith.constant 13 : i32
        %get3A_1103 = arith.index_cast %get3A_1102 : i32 to index
        %get3A_1104 = arith.constant 160 : index
        %get3A_1105 = tpu.vector_load %arg6[%get3A_1103, %get3A_1104] {strides = array<i32>} : memref<16x256xf32, #tpu.memory_space<vmem>>, vector<1x16xf32>,
        %get3A_1106 = vector.shape_cast %get3A_1105 : vector<1x16xf32> to vector<16xf32>
        %get3A_1107 = arith.constant 14 : i32
        %get3A_1108 = arith.index_cast %get3A_1107 : i32 to index
        %get3A_1109 = arith.constant 160 : index
        %get3A_1110 = tpu.vector_load %arg6[%get3A_1108, %get3A_1109] {strides = array<i32>} : memref<16x256xf32, #tpu.memory_space<vmem>>, vector<1x16xf32>,
        %get3A_1111 = vector.shape_cast %get3A_1110 : vector<1x16xf32> to vector<16xf32>
        %get3A_1112 = arith.constant 15 : i32
        %get3A_1113 = arith.index_cast %get3A_1112 : i32 to index
        %get3A_1114 = arith.constant 160 : index
        %get3A_1115 = tpu.vector_load %arg6[%get3A_1113, %get3A_1114] {strides = array<i32>} : memref<16x256xf32, #tpu.memory_space<vmem>>, vector<1x16xf32>,
        %get3A_1116 = vector.shape_cast %get3A_1115 : vector<1x16xf32> to vector<16xf32>
        %max3A_1117 = arith.maximumf %get3A_1041, %get3A_1046 : vector<16xf32>
        %max3A_1118 = arith.maximumf %get3A_1051, %get3A_1056 : vector<16xf32>
        %max3A_1119 = arith.maximumf %get3A_1061, %get3A_1066 : vector<16xf32>
        %max3A_1120 = arith.maximumf %get3A_1071, %get3A_1076 : vector<16xf32>
        %max3A_1121 = arith.maximumf %get3A_1081, %get3A_1086 : vector<16xf32>
        %max3A_1122 = arith.maximumf %get3A_1091, %get3A_1096 : vector<16xf32>
        %max3A_1123 = arith.maximumf %get3A_1101, %get3A_1106 : vector<16xf32>
        %max3A_1124 = arith.maximumf %get3A_1111, %get3A_1116 : vector<16xf32>
        %max3A_1125 = arith.maximumf %max3A_1117, %max3A_1118 : vector<16xf32>
        %max3A_1126 = arith.maximumf %max3A_1119, %max3A_1120 : vector<16xf32>
        %max3A_1127 = arith.maximumf %max3A_1121, %max3A_1122 : vector<16xf32>
        %max3A_1128 = arith.maximumf %max3A_1123, %max3A_1124 : vector<16xf32>
        %max3A_1129 = arith.maximumf %max3A_1125, %max3A_1126 : vector<16xf32>
        %max3A_1130 = arith.maximumf %max3A_1127, %max3A_1128 : vector<16xf32>
        %max3A_1131 = arith.maximumf %max3A_1129, %max3A_1130 : vector<16xf32>
        %swap3A_1132 = arith.constant 48 : i32
        %swap3A_1133 = arith.index_cast %swap3A_1132 : i32 to index
        %swap3A_1134 = arith.constant 160 : index
        %swap3A_1135 = tpu.vector_load %arg8[%swap3A_1133, %swap3A_1134] {strides = array<i32>} : memref<49x256xf32, #tpu.memory_space<vmem>>, vector<1x16xf32>,
        %swap3A_1136 = vector.shape_cast %swap3A_1135 : vector<1x16xf32> to vector<16xf32>
        %swap3A_1137 = vector.shape_cast %max3A_1131 : vector<16xf32> to vector<1x16xf32>
        tpu.vector_store %arg8[%swap3A_1133, %swap3A_1134], %swap3A_1137 {strides = array<i32>} : memref<49x256xf32, #tpu.memory_space<vmem>>, vector<1x16xf32>,
        %get3A_1138 = arith.constant 0 : i32
        %get3A_1139 = arith.index_cast %get3A_1138 : i32 to index
        %get3A_1140 = arith.constant 176 : index
        %get3A_1141 = tpu.vector_load %arg6[%get3A_1139, %get3A_1140] {strides = array<i32>} : memref<16x256xf32, #tpu.memory_space<vmem>>, vector<1x16xf32>,
        %get3A_1142 = vector.shape_cast %get3A_1141 : vector<1x16xf32> to vector<16xf32>
        %get3A_1143 = arith.constant 1 : i32
        %get3A_1144 = arith.index_cast %get3A_1143 : i32 to index
        %get3A_1145 = arith.constant 176 : index
        %get3A_1146 = tpu.vector_load %arg6[%get3A_1144, %get3A_1145] {strides = array<i32>} : memref<16x256xf32, #tpu.memory_space<vmem>>, vector<1x16xf32>,
        %get3A_1147 = vector.shape_cast %get3A_1146 : vector<1x16xf32> to vector<16xf32>
        %get3A_1148 = arith.constant 2 : i32
        %get3A_1149 = arith.index_cast %get3A_1148 : i32 to index
        %get3A_1150 = arith.constant 176 : index
        %get3A_1151 = tpu.vector_load %arg6[%get3A_1149, %get3A_1150] {strides = array<i32>} : memref<16x256xf32, #tpu.memory_space<vmem>>, vector<1x16xf32>,
        %get3A_1152 = vector.shape_cast %get3A_1151 : vector<1x16xf32> to vector<16xf32>
        %get3A_1153 = arith.constant 3 : i32
        %get3A_1154 = arith.index_cast %get3A_1153 : i32 to index
        %get3A_1155 = arith.constant 176 : index
        %get3A_1156 = tpu.vector_load %arg6[%get3A_1154, %get3A_1155] {strides = array<i32>} : memref<16x256xf32, #tpu.memory_space<vmem>>, vector<1x16xf32>,
        %get3A_1157 = vector.shape_cast %get3A_1156 : vector<1x16xf32> to vector<16xf32>
        %get3A_1158 = arith.constant 4 : i32
        %get3A_1159 = arith.index_cast %get3A_1158 : i32 to index
        %get3A_1160 = arith.constant 176 : index
        %get3A_1161 = tpu.vector_load %arg6[%get3A_1159, %get3A_1160] {strides = array<i32>} : memref<16x256xf32, #tpu.memory_space<vmem>>, vector<1x16xf32>,
        %get3A_1162 = vector.shape_cast %get3A_1161 : vector<1x16xf32> to vector<16xf32>
        %get3A_1163 = arith.constant 5 : i32
        %get3A_1164 = arith.index_cast %get3A_1163 : i32 to index
        %get3A_1165 = arith.constant 176 : index
        %get3A_1166 = tpu.vector_load %arg6[%get3A_1164, %get3A_1165] {strides = array<i32>} : memref<16x256xf32, #tpu.memory_space<vmem>>, vector<1x16xf32>,
        %get3A_1167 = vector.shape_cast %get3A_1166 : vector<1x16xf32> to vector<16xf32>
        %get3A_1168 = arith.constant 6 : i32
        %get3A_1169 = arith.index_cast %get3A_1168 : i32 to index
        %get3A_1170 = arith.constant 176 : index
        %get3A_1171 = tpu.vector_load %arg6[%get3A_1169, %get3A_1170] {strides = array<i32>} : memref<16x256xf32, #tpu.memory_space<vmem>>, vector<1x16xf32>,
        %get3A_1172 = vector.shape_cast %get3A_1171 : vector<1x16xf32> to vector<16xf32>
        %get3A_1173 = arith.constant 7 : i32
        %get3A_1174 = arith.index_cast %get3A_1173 : i32 to index
        %get3A_1175 = arith.constant 176 : index
        %get3A_1176 = tpu.vector_load %arg6[%get3A_1174, %get3A_1175] {strides = array<i32>} : memref<16x256xf32, #tpu.memory_space<vmem>>, vector<1x16xf32>,
        %get3A_1177 = vector.shape_cast %get3A_1176 : vector<1x16xf32> to vector<16xf32>
        %get3A_1178 = arith.constant 8 : i32
        %get3A_1179 = arith.index_cast %get3A_1178 : i32 to index
        %get3A_1180 = arith.constant 176 : index
        %get3A_1181 = tpu.vector_load %arg6[%get3A_1179, %get3A_1180] {strides = array<i32>} : memref<16x256xf32, #tpu.memory_space<vmem>>, vector<1x16xf32>,
        %get3A_1182 = vector.shape_cast %get3A_1181 : vector<1x16xf32> to vector<16xf32>
        %get3A_1183 = arith.constant 9 : i32
        %get3A_1184 = arith.index_cast %get3A_1183 : i32 to index
        %get3A_1185 = arith.constant 176 : index
        %get3A_1186 = tpu.vector_load %arg6[%get3A_1184, %get3A_1185] {strides = array<i32>} : memref<16x256xf32, #tpu.memory_space<vmem>>, vector<1x16xf32>,
        %get3A_1187 = vector.shape_cast %get3A_1186 : vector<1x16xf32> to vector<16xf32>
        %get3A_1188 = arith.constant 10 : i32
        %get3A_1189 = arith.index_cast %get3A_1188 : i32 to index
        %get3A_1190 = arith.constant 176 : index
        %get3A_1191 = tpu.vector_load %arg6[%get3A_1189, %get3A_1190] {strides = array<i32>} : memref<16x256xf32, #tpu.memory_space<vmem>>, vector<1x16xf32>,
        %get3A_1192 = vector.shape_cast %get3A_1191 : vector<1x16xf32> to vector<16xf32>
        %get3A_1193 = arith.constant 11 : i32
        %get3A_1194 = arith.index_cast %get3A_1193 : i32 to index
        %get3A_1195 = arith.constant 176 : index
        %get3A_1196 = tpu.vector_load %arg6[%get3A_1194, %get3A_1195] {strides = array<i32>} : memref<16x256xf32, #tpu.memory_space<vmem>>, vector<1x16xf32>,
        %get3A_1197 = vector.shape_cast %get3A_1196 : vector<1x16xf32> to vector<16xf32>
        %get3A_1198 = arith.constant 12 : i32
        %get3A_1199 = arith.index_cast %get3A_1198 : i32 to index
        %get3A_1200 = arith.constant 176 : index
        %get3A_1201 = tpu.vector_load %arg6[%get3A_1199, %get3A_1200] {strides = array<i32>} : memref<16x256xf32, #tpu.memory_space<vmem>>, vector<1x16xf32>,
        %get3A_1202 = vector.shape_cast %get3A_1201 : vector<1x16xf32> to vector<16xf32>
        %get3A_1203 = arith.constant 13 : i32
        %get3A_1204 = arith.index_cast %get3A_1203 : i32 to index
        %get3A_1205 = arith.constant 176 : index
        %get3A_1206 = tpu.vector_load %arg6[%get3A_1204, %get3A_1205] {strides = array<i32>} : memref<16x256xf32, #tpu.memory_space<vmem>>, vector<1x16xf32>,
        %get3A_1207 = vector.shape_cast %get3A_1206 : vector<1x16xf32> to vector<16xf32>
        %get3A_1208 = arith.constant 14 : i32
        %get3A_1209 = arith.index_cast %get3A_1208 : i32 to index
        %get3A_1210 = arith.constant 176 : index
        %get3A_1211 = tpu.vector_load %arg6[%get3A_1209, %get3A_1210] {strides = array<i32>} : memref<16x256xf32, #tpu.memory_space<vmem>>, vector<1x16xf32>,
        %get3A_1212 = vector.shape_cast %get3A_1211 : vector<1x16xf32> to vector<16xf32>
        %get3A_1213 = arith.constant 15 : i32
        %get3A_1214 = arith.index_cast %get3A_1213 : i32 to index
        %get3A_1215 = arith.constant 176 : index
        %get3A_1216 = tpu.vector_load %arg6[%get3A_1214, %get3A_1215] {strides = array<i32>} : memref<16x256xf32, #tpu.memory_space<vmem>>, vector<1x16xf32>,
        %get3A_1217 = vector.shape_cast %get3A_1216 : vector<1x16xf32> to vector<16xf32>
        %max3A_1218 = arith.maximumf %get3A_1142, %get3A_1147 : vector<16xf32>
        %max3A_1219 = arith.maximumf %get3A_1152, %get3A_1157 : vector<16xf32>
        %max3A_1220 = arith.maximumf %get3A_1162, %get3A_1167 : vector<16xf32>
        %max3A_1221 = arith.maximumf %get3A_1172, %get3A_1177 : vector<16xf32>
        %max3A_1222 = arith.maximumf %get3A_1182, %get3A_1187 : vector<16xf32>
        %max3A_1223 = arith.maximumf %get3A_1192, %get3A_1197 : vector<16xf32>
        %max3A_1224 = arith.maximumf %get3A_1202, %get3A_1207 : vector<16xf32>
        %max3A_1225 = arith.maximumf %get3A_1212, %get3A_1217 : vector<16xf32>
        %max3A_1226 = arith.maximumf %max3A_1218, %max3A_1219 : vector<16xf32>
        %max3A_1227 = arith.maximumf %max3A_1220, %max3A_1221 : vector<16xf32>
        %max3A_1228 = arith.maximumf %max3A_1222, %max3A_1223 : vector<16xf32>
        %max3A_1229 = arith.maximumf %max3A_1224, %max3A_1225 : vector<16xf32>
        %max3A_1230 = arith.maximumf %max3A_1226, %max3A_1227 : vector<16xf32>
        %max3A_1231 = arith.maximumf %max3A_1228, %max3A_1229 : vector<16xf32>
        %max3A_1232 = arith.maximumf %max3A_1230, %max3A_1231 : vector<16xf32>
        %swap3A_1233 = arith.constant 48 : i32
        %swap3A_1234 = arith.index_cast %swap3A_1233 : i32 to index
        %swap3A_1235 = arith.constant 176 : index
        %swap3A_1236 = tpu.vector_load %arg8[%swap3A_1234, %swap3A_1235] {strides = array<i32>} : memref<49x256xf32, #tpu.memory_space<vmem>>, vector<1x16xf32>,
        %swap3A_1237 = vector.shape_cast %swap3A_1236 : vector<1x16xf32> to vector<16xf32>
        %swap3A_1238 = vector.shape_cast %max3A_1232 : vector<16xf32> to vector<1x16xf32>
        tpu.vector_store %arg8[%swap3A_1234, %swap3A_1235], %swap3A_1238 {strides = array<i32>} : memref<49x256xf32, #tpu.memory_space<vmem>>, vector<1x16xf32>,
        %get3A_1239 = arith.constant 0 : i32
        %get3A_1240 = arith.index_cast %get3A_1239 : i32 to index
        %get3A_1241 = arith.constant 192 : index
        %get3A_1242 = tpu.vector_load %arg6[%get3A_1240, %get3A_1241] {strides = array<i32>} : memref<16x256xf32, #tpu.memory_space<vmem>>, vector<1x16xf32>,
        %get3A_1243 = vector.shape_cast %get3A_1242 : vector<1x16xf32> to vector<16xf32>
        %get3A_1244 = arith.constant 1 : i32
        %get3A_1245 = arith.index_cast %get3A_1244 : i32 to index
        %get3A_1246 = arith.constant 192 : index
        %get3A_1247 = tpu.vector_load %arg6[%get3A_1245, %get3A_1246] {strides = array<i32>} : memref<16x256xf32, #tpu.memory_space<vmem>>, vector<1x16xf32>,
        %get3A_1248 = vector.shape_cast %get3A_1247 : vector<1x16xf32> to vector<16xf32>
        %get3A_1249 = arith.constant 2 : i32
        %get3A_1250 = arith.index_cast %get3A_1249 : i32 to index
        %get3A_1251 = arith.constant 192 : index
        %get3A_1252 = tpu.vector_load %arg6[%get3A_1250, %get3A_1251] {strides = array<i32>} : memref<16x256xf32, #tpu.memory_space<vmem>>, vector<1x16xf32>,
        %get3A_1253 = vector.shape_cast %get3A_1252 : vector<1x16xf32> to vector<16xf32>
        %get3A_1254 = arith.constant 3 : i32
        %get3A_1255 = arith.index_cast %get3A_1254 : i32 to index
        %get3A_1256 = arith.constant 192 : index
        %get3A_1257 = tpu.vector_load %arg6[%get3A_1255, %get3A_1256] {strides = array<i32>} : memref<16x256xf32, #tpu.memory_space<vmem>>, vector<1x16xf32>,
        %get3A_1258 = vector.shape_cast %get3A_1257 : vector<1x16xf32> to vector<16xf32>
        %get3A_1259 = arith.constant 4 : i32
        %get3A_1260 = arith.index_cast %get3A_1259 : i32 to index
        %get3A_1261 = arith.constant 192 : index
        %get3A_1262 = tpu.vector_load %arg6[%get3A_1260, %get3A_1261] {strides = array<i32>} : memref<16x256xf32, #tpu.memory_space<vmem>>, vector<1x16xf32>,
        %get3A_1263 = vector.shape_cast %get3A_1262 : vector<1x16xf32> to vector<16xf32>
        %get3A_1264 = arith.constant 5 : i32
        %get3A_1265 = arith.index_cast %get3A_1264 : i32 to index
        %get3A_1266 = arith.constant 192 : index
        %get3A_1267 = tpu.vector_load %arg6[%get3A_1265, %get3A_1266] {strides = array<i32>} : memref<16x256xf32, #tpu.memory_space<vmem>>, vector<1x16xf32>,
        %get3A_1268 = vector.shape_cast %get3A_1267 : vector<1x16xf32> to vector<16xf32>
        %get3A_1269 = arith.constant 6 : i32
        %get3A_1270 = arith.index_cast %get3A_1269 : i32 to index
        %get3A_1271 = arith.constant 192 : index
        %get3A_1272 = tpu.vector_load %arg6[%get3A_1270, %get3A_1271] {strides = array<i32>} : memref<16x256xf32, #tpu.memory_space<vmem>>, vector<1x16xf32>,
        %get3A_1273 = vector.shape_cast %get3A_1272 : vector<1x16xf32> to vector<16xf32>
        %get3A_1274 = arith.constant 7 : i32
        %get3A_1275 = arith.index_cast %get3A_1274 : i32 to index
        %get3A_1276 = arith.constant 192 : index
        %get3A_1277 = tpu.vector_load %arg6[%get3A_1275, %get3A_1276] {strides = array<i32>} : memref<16x256xf32, #tpu.memory_space<vmem>>, vector<1x16xf32>,
        %get3A_1278 = vector.shape_cast %get3A_1277 : vector<1x16xf32> to vector<16xf32>
        %get3A_1279 = arith.constant 8 : i32
        %get3A_1280 = arith.index_cast %get3A_1279 : i32 to index
        %get3A_1281 = arith.constant 192 : index
        %get3A_1282 = tpu.vector_load %arg6[%get3A_1280, %get3A_1281] {strides = array<i32>} : memref<16x256xf32, #tpu.memory_space<vmem>>, vector<1x16xf32>,
        %get3A_1283 = vector.shape_cast %get3A_1282 : vector<1x16xf32> to vector<16xf32>
        %get3A_1284 = arith.constant 9 : i32
        %get3A_1285 = arith.index_cast %get3A_1284 : i32 to index
        %get3A_1286 = arith.constant 192 : index
        %get3A_1287 = tpu.vector_load %arg6[%get3A_1285, %get3A_1286] {strides = array<i32>} : memref<16x256xf32, #tpu.memory_space<vmem>>, vector<1x16xf32>,
        %get3A_1288 = vector.shape_cast %get3A_1287 : vector<1x16xf32> to vector<16xf32>
        %get3A_1289 = arith.constant 10 : i32
        %get3A_1290 = arith.index_cast %get3A_1289 : i32 to index
        %get3A_1291 = arith.constant 192 : index
        %get3A_1292 = tpu.vector_load %arg6[%get3A_1290, %get3A_1291] {strides = array<i32>} : memref<16x256xf32, #tpu.memory_space<vmem>>, vector<1x16xf32>,
        %get3A_1293 = vector.shape_cast %get3A_1292 : vector<1x16xf32> to vector<16xf32>
        %get3A_1294 = arith.constant 11 : i32
        %get3A_1295 = arith.index_cast %get3A_1294 : i32 to index
        %get3A_1296 = arith.constant 192 : index
        %get3A_1297 = tpu.vector_load %arg6[%get3A_1295, %get3A_1296] {strides = array<i32>} : memref<16x256xf32, #tpu.memory_space<vmem>>, vector<1x16xf32>,
        %get3A_1298 = vector.shape_cast %get3A_1297 : vector<1x16xf32> to vector<16xf32>
        %get3A_1299 = arith.constant 12 : i32
        %get3A_1300 = arith.index_cast %get3A_1299 : i32 to index
        %get3A_1301 = arith.constant 192 : index
        %get3A_1302 = tpu.vector_load %arg6[%get3A_1300, %get3A_1301] {strides = array<i32>} : memref<16x256xf32, #tpu.memory_space<vmem>>, vector<1x16xf32>,
        %get3A_1303 = vector.shape_cast %get3A_1302 : vector<1x16xf32> to vector<16xf32>
        %get3A_1304 = arith.constant 13 : i32
        %get3A_1305 = arith.index_cast %get3A_1304 : i32 to index
        %get3A_1306 = arith.constant 192 : index
        %get3A_1307 = tpu.vector_load %arg6[%get3A_1305, %get3A_1306] {strides = array<i32>} : memref<16x256xf32, #tpu.memory_space<vmem>>, vector<1x16xf32>,
        %get3A_1308 = vector.shape_cast %get3A_1307 : vector<1x16xf32> to vector<16xf32>
        %get3A_1309 = arith.constant 14 : i32
        %get3A_1310 = arith.index_cast %get3A_1309 : i32 to index
        %get3A_1311 = arith.constant 192 : index
        %get3A_1312 = tpu.vector_load %arg6[%get3A_1310, %get3A_1311] {strides = array<i32>} : memref<16x256xf32, #tpu.memory_space<vmem>>, vector<1x16xf32>,
        %get3A_1313 = vector.shape_cast %get3A_1312 : vector<1x16xf32> to vector<16xf32>
        %get3A_1314 = arith.constant 15 : i32
        %get3A_1315 = arith.index_cast %get3A_1314 : i32 to index
        %get3A_1316 = arith.constant 192 : index
        %get3A_1317 = tpu.vector_load %arg6[%get3A_1315, %get3A_1316] {strides = array<i32>} : memref<16x256xf32, #tpu.memory_space<vmem>>, vector<1x16xf32>,
        %get3A_1318 = vector.shape_cast %get3A_1317 : vector<1x16xf32> to vector<16xf32>
        %max3A_1319 = arith.maximumf %get3A_1243, %get3A_1248 : vector<16xf32>
        %max3A_1320 = arith.maximumf %get3A_1253, %get3A_1258 : vector<16xf32>
        %max3A_1321 = arith.maximumf %get3A_1263, %get3A_1268 : vector<16xf32>
        %max3A_1322 = arith.maximumf %get3A_1273, %get3A_1278 : vector<16xf32>
        %max3A_1323 = arith.maximumf %get3A_1283, %get3A_1288 : vector<16xf32>
        %max3A_1324 = arith.maximumf %get3A_1293, %get3A_1298 : vector<16xf32>
        %max3A_1325 = arith.maximumf %get3A_1303, %get3A_1308 : vector<16xf32>
        %max3A_1326 = arith.maximumf %get3A_1313, %get3A_1318 : vector<16xf32>
        %max3A_1327 = arith.maximumf %max3A_1319, %max3A_1320 : vector<16xf32>
        %max3A_1328 = arith.maximumf %max3A_1321, %max3A_1322 : vector<16xf32>
        %max3A_1329 = arith.maximumf %max3A_1323, %max3A_1324 : vector<16xf32>
        %max3A_1330 = arith.maximumf %max3A_1325, %max3A_1326 : vector<16xf32>
        %max3A_1331 = arith.maximumf %max3A_1327, %max3A_1328 : vector<16xf32>
        %max3A_1332 = arith.maximumf %max3A_1329, %max3A_1330 : vector<16xf32>
        %max3A_1333 = arith.maximumf %max3A_1331, %max3A_1332 : vector<16xf32>
        %swap3A_1334 = arith.constant 48 : i32
        %swap3A_1335 = arith.index_cast %swap3A_1334 : i32 to index
        %swap3A_1336 = arith.constant 192 : index
        %swap3A_1337 = tpu.vector_load %arg8[%swap3A_1335, %swap3A_1336] {strides = array<i32>} : memref<49x256xf32, #tpu.memory_space<vmem>>, vector<1x16xf32>,
        %swap3A_1338 = vector.shape_cast %swap3A_1337 : vector<1x16xf32> to vector<16xf32>
        %swap3A_1339 = vector.shape_cast %max3A_1333 : vector<16xf32> to vector<1x16xf32>
        tpu.vector_store %arg8[%swap3A_1335, %swap3A_1336], %swap3A_1339 {strides = array<i32>} : memref<49x256xf32, #tpu.memory_space<vmem>>, vector<1x16xf32>,
        %get3A_1340 = arith.constant 0 : i32
        %get3A_1341 = arith.index_cast %get3A_1340 : i32 to index
        %get3A_1342 = arith.constant 208 : index
        %get3A_1343 = tpu.vector_load %arg6[%get3A_1341, %get3A_1342] {strides = array<i32>} : memref<16x256xf32, #tpu.memory_space<vmem>>, vector<1x16xf32>,
        %get3A_1344 = vector.shape_cast %get3A_1343 : vector<1x16xf32> to vector<16xf32>
        %get3A_1345 = arith.constant 1 : i32
        %get3A_1346 = arith.index_cast %get3A_1345 : i32 to index
        %get3A_1347 = arith.constant 208 : index
        %get3A_1348 = tpu.vector_load %arg6[%get3A_1346, %get3A_1347] {strides = array<i32>} : memref<16x256xf32, #tpu.memory_space<vmem>>, vector<1x16xf32>,
        %get3A_1349 = vector.shape_cast %get3A_1348 : vector<1x16xf32> to vector<16xf32>
        %get3A_1350 = arith.constant 2 : i32
        %get3A_1351 = arith.index_cast %get3A_1350 : i32 to index
        %get3A_1352 = arith.constant 208 : index
        %get3A_1353 = tpu.vector_load %arg6[%get3A_1351, %get3A_1352] {strides = array<i32>} : memref<16x256xf32, #tpu.memory_space<vmem>>, vector<1x16xf32>,
        %get3A_1354 = vector.shape_cast %get3A_1353 : vector<1x16xf32> to vector<16xf32>
        %get3A_1355 = arith.constant 3 : i32
        %get3A_1356 = arith.index_cast %get3A_1355 : i32 to index
        %get3A_1357 = arith.constant 208 : index
        %get3A_1358 = tpu.vector_load %arg6[%get3A_1356, %get3A_1357] {strides = array<i32>} : memref<16x256xf32, #tpu.memory_space<vmem>>, vector<1x16xf32>,
        %get3A_1359 = vector.shape_cast %get3A_1358 : vector<1x16xf32> to vector<16xf32>
        %get3A_1360 = arith.constant 4 : i32
        %get3A_1361 = arith.index_cast %get3A_1360 : i32 to index
        %get3A_1362 = arith.constant 208 : index
        %get3A_1363 = tpu.vector_load %arg6[%get3A_1361, %get3A_1362] {strides = array<i32>} : memref<16x256xf32, #tpu.memory_space<vmem>>, vector<1x16xf32>,
        %get3A_1364 = vector.shape_cast %get3A_1363 : vector<1x16xf32> to vector<16xf32>
        %get3A_1365 = arith.constant 5 : i32
        %get3A_1366 = arith.index_cast %get3A_1365 : i32 to index
        %get3A_1367 = arith.constant 208 : index
        %get3A_1368 = tpu.vector_load %arg6[%get3A_1366, %get3A_1367] {strides = array<i32>} : memref<16x256xf32, #tpu.memory_space<vmem>>, vector<1x16xf32>,
        %get3A_1369 = vector.shape_cast %get3A_1368 : vector<1x16xf32> to vector<16xf32>
        %get3A_1370 = arith.constant 6 : i32
        %get3A_1371 = arith.index_cast %get3A_1370 : i32 to index
        %get3A_1372 = arith.constant 208 : index
        %get3A_1373 = tpu.vector_load %arg6[%get3A_1371, %get3A_1372] {strides = array<i32>} : memref<16x256xf32, #tpu.memory_space<vmem>>, vector<1x16xf32>,
        %get3A_1374 = vector.shape_cast %get3A_1373 : vector<1x16xf32> to vector<16xf32>
        %get3A_1375 = arith.constant 7 : i32
        %get3A_1376 = arith.index_cast %get3A_1375 : i32 to index
        %get3A_1377 = arith.constant 208 : index
        %get3A_1378 = tpu.vector_load %arg6[%get3A_1376, %get3A_1377] {strides = array<i32>} : memref<16x256xf32, #tpu.memory_space<vmem>>, vector<1x16xf32>,
        %get3A_1379 = vector.shape_cast %get3A_1378 : vector<1x16xf32> to vector<16xf32>
        %get3A_1380 = arith.constant 8 : i32
        %get3A_1381 = arith.index_cast %get3A_1380 : i32 to index
        %get3A_1382 = arith.constant 208 : index
        %get3A_1383 = tpu.vector_load %arg6[%get3A_1381, %get3A_1382] {strides = array<i32>} : memref<16x256xf32, #tpu.memory_space<vmem>>, vector<1x16xf32>,
        %get3A_1384 = vector.shape_cast %get3A_1383 : vector<1x16xf32> to vector<16xf32>
        %get3A_1385 = arith.constant 9 : i32
        %get3A_1386 = arith.index_cast %get3A_1385 : i32 to index
        %get3A_1387 = arith.constant 208 : index
        %get3A_1388 = tpu.vector_load %arg6[%get3A_1386, %get3A_1387] {strides = array<i32>} : memref<16x256xf32, #tpu.memory_space<vmem>>, vector<1x16xf32>,
        %get3A_1389 = vector.shape_cast %get3A_1388 : vector<1x16xf32> to vector<16xf32>
        %get3A_1390 = arith.constant 10 : i32
        %get3A_1391 = arith.index_cast %get3A_1390 : i32 to index
        %get3A_1392 = arith.constant 208 : index
        %get3A_1393 = tpu.vector_load %arg6[%get3A_1391, %get3A_1392] {strides = array<i32>} : memref<16x256xf32, #tpu.memory_space<vmem>>, vector<1x16xf32>,
        %get3A_1394 = vector.shape_cast %get3A_1393 : vector<1x16xf32> to vector<16xf32>
        %get3A_1395 = arith.constant 11 : i32
        %get3A_1396 = arith.index_cast %get3A_1395 : i32 to index
        %get3A_1397 = arith.constant 208 : index
        %get3A_1398 = tpu.vector_load %arg6[%get3A_1396, %get3A_1397] {strides = array<i32>} : memref<16x256xf32, #tpu.memory_space<vmem>>, vector<1x16xf32>,
        %get3A_1399 = vector.shape_cast %get3A_1398 : vector<1x16xf32> to vector<16xf32>
        %get3A_1400 = arith.constant 12 : i32
        %get3A_1401 = arith.index_cast %get3A_1400 : i32 to index
        %get3A_1402 = arith.constant 208 : index
        %get3A_1403 = tpu.vector_load %arg6[%get3A_1401, %get3A_1402] {strides = array<i32>} : memref<16x256xf32, #tpu.memory_space<vmem>>, vector<1x16xf32>,
        %get3A_1404 = vector.shape_cast %get3A_1403 : vector<1x16xf32> to vector<16xf32>
        %get3A_1405 = arith.constant 13 : i32
        %get3A_1406 = arith.index_cast %get3A_1405 : i32 to index
        %get3A_1407 = arith.constant 208 : index
        %get3A_1408 = tpu.vector_load %arg6[%get3A_1406, %get3A_1407] {strides = array<i32>} : memref<16x256xf32, #tpu.memory_space<vmem>>, vector<1x16xf32>,
        %get3A_1409 = vector.shape_cast %get3A_1408 : vector<1x16xf32> to vector<16xf32>
        %get3A_1410 = arith.constant 14 : i32
        %get3A_1411 = arith.index_cast %get3A_1410 : i32 to index
        %get3A_1412 = arith.constant 208 : index
        %get3A_1413 = tpu.vector_load %arg6[%get3A_1411, %get3A_1412] {strides = array<i32>} : memref<16x256xf32, #tpu.memory_space<vmem>>, vector<1x16xf32>,
        %get3A_1414 = vector.shape_cast %get3A_1413 : vector<1x16xf32> to vector<16xf32>
        %get3A_1415 = arith.constant 15 : i32
        %get3A_1416 = arith.index_cast %get3A_1415 : i32 to index
        %get3A_1417 = arith.constant 208 : index
        %get3A_1418 = tpu.vector_load %arg6[%get3A_1416, %get3A_1417] {strides = array<i32>} : memref<16x256xf32, #tpu.memory_space<vmem>>, vector<1x16xf32>,
        %get3A_1419 = vector.shape_cast %get3A_1418 : vector<1x16xf32> to vector<16xf32>
        %max3A_1420 = arith.maximumf %get3A_1344, %get3A_1349 : vector<16xf32>
        %max3A_1421 = arith.maximumf %get3A_1354, %get3A_1359 : vector<16xf32>
        %max3A_1422 = arith.maximumf %get3A_1364, %get3A_1369 : vector<16xf32>
        %max3A_1423 = arith.maximumf %get3A_1374, %get3A_1379 : vector<16xf32>
        %max3A_1424 = arith.maximumf %get3A_1384, %get3A_1389 : vector<16xf32>
        %max3A_1425 = arith.maximumf %get3A_1394, %get3A_1399 : vector<16xf32>
        %max3A_1426 = arith.maximumf %get3A_1404, %get3A_1409 : vector<16xf32>
        %max3A_1427 = arith.maximumf %get3A_1414, %get3A_1419 : vector<16xf32>
        %max3A_1428 = arith.maximumf %max3A_1420, %max3A_1421 : vector<16xf32>
        %max3A_1429 = arith.maximumf %max3A_1422, %max3A_1423 : vector<16xf32>
        %max3A_1430 = arith.maximumf %max3A_1424, %max3A_1425 : vector<16xf32>
        %max3A_1431 = arith.maximumf %max3A_1426, %max3A_1427 : vector<16xf32>
        %max3A_1432 = arith.maximumf %max3A_1428, %max3A_1429 : vector<16xf32>
        %max3A_1433 = arith.maximumf %max3A_1430, %max3A_1431 : vector<16xf32>
        %max3A_1434 = arith.maximumf %max3A_1432, %max3A_1433 : vector<16xf32>
        %swap3A_1435 = arith.constant 48 : i32
        %swap3A_1436 = arith.index_cast %swap3A_1435 : i32 to index
        %swap3A_1437 = arith.constant 208 : index
        %swap3A_1438 = tpu.vector_load %arg8[%swap3A_1436, %swap3A_1437] {strides = array<i32>} : memref<49x256xf32, #tpu.memory_space<vmem>>, vector<1x16xf32>,
        %swap3A_1439 = vector.shape_cast %swap3A_1438 : vector<1x16xf32> to vector<16xf32>
        %swap3A_1440 = vector.shape_cast %max3A_1434 : vector<16xf32> to vector<1x16xf32>
        tpu.vector_store %arg8[%swap3A_1436, %swap3A_1437], %swap3A_1440 {strides = array<i32>} : memref<49x256xf32, #tpu.memory_space<vmem>>, vector<1x16xf32>,
        %get3A_1441 = arith.constant 0 : i32
        %get3A_1442 = arith.index_cast %get3A_1441 : i32 to index
        %get3A_1443 = arith.constant 224 : index
        %get3A_1444 = tpu.vector_load %arg6[%get3A_1442, %get3A_1443] {strides = array<i32>} : memref<16x256xf32, #tpu.memory_space<vmem>>, vector<1x16xf32>,
        %get3A_1445 = vector.shape_cast %get3A_1444 : vector<1x16xf32> to vector<16xf32>
        %get3A_1446 = arith.constant 1 : i32
        %get3A_1447 = arith.index_cast %get3A_1446 : i32 to index
        %get3A_1448 = arith.constant 224 : index
        %get3A_1449 = tpu.vector_load %arg6[%get3A_1447, %get3A_1448] {strides = array<i32>} : memref<16x256xf32, #tpu.memory_space<vmem>>, vector<1x16xf32>,
        %get3A_1450 = vector.shape_cast %get3A_1449 : vector<1x16xf32> to vector<16xf32>
        %get3A_1451 = arith.constant 2 : i32
        %get3A_1452 = arith.index_cast %get3A_1451 : i32 to index
        %get3A_1453 = arith.constant 224 : index
        %get3A_1454 = tpu.vector_load %arg6[%get3A_1452, %get3A_1453] {strides = array<i32>} : memref<16x256xf32, #tpu.memory_space<vmem>>, vector<1x16xf32>,
        %get3A_1455 = vector.shape_cast %get3A_1454 : vector<1x16xf32> to vector<16xf32>
        %get3A_1456 = arith.constant 3 : i32
        %get3A_1457 = arith.index_cast %get3A_1456 : i32 to index
        %get3A_1458 = arith.constant 224 : index
        %get3A_1459 = tpu.vector_load %arg6[%get3A_1457, %get3A_1458] {strides = array<i32>} : memref<16x256xf32, #tpu.memory_space<vmem>>, vector<1x16xf32>,
        %get3A_1460 = vector.shape_cast %get3A_1459 : vector<1x16xf32> to vector<16xf32>
        %get3A_1461 = arith.constant 4 : i32
        %get3A_1462 = arith.index_cast %get3A_1461 : i32 to index
        %get3A_1463 = arith.constant 224 : index
        %get3A_1464 = tpu.vector_load %arg6[%get3A_1462, %get3A_1463] {strides = array<i32>} : memref<16x256xf32, #tpu.memory_space<vmem>>, vector<1x16xf32>,
        %get3A_1465 = vector.shape_cast %get3A_1464 : vector<1x16xf32> to vector<16xf32>
        %get3A_1466 = arith.constant 5 : i32
        %get3A_1467 = arith.index_cast %get3A_1466 : i32 to index
        %get3A_1468 = arith.constant 224 : index
        %get3A_1469 = tpu.vector_load %arg6[%get3A_1467, %get3A_1468] {strides = array<i32>} : memref<16x256xf32, #tpu.memory_space<vmem>>, vector<1x16xf32>,
        %get3A_1470 = vector.shape_cast %get3A_1469 : vector<1x16xf32> to vector<16xf32>
        %get3A_1471 = arith.constant 6 : i32
        %get3A_1472 = arith.index_cast %get3A_1471 : i32 to index
        %get3A_1473 = arith.constant 224 : index
        %get3A_1474 = tpu.vector_load %arg6[%get3A_1472, %get3A_1473] {strides = array<i32>} : memref<16x256xf32, #tpu.memory_space<vmem>>, vector<1x16xf32>,
        %get3A_1475 = vector.shape_cast %get3A_1474 : vector<1x16xf32> to vector<16xf32>
        %get3A_1476 = arith.constant 7 : i32
        %get3A_1477 = arith.index_cast %get3A_1476 : i32 to index
        %get3A_1478 = arith.constant 224 : index
        %get3A_1479 = tpu.vector_load %arg6[%get3A_1477, %get3A_1478] {strides = array<i32>} : memref<16x256xf32, #tpu.memory_space<vmem>>, vector<1x16xf32>,
        %get3A_1480 = vector.shape_cast %get3A_1479 : vector<1x16xf32> to vector<16xf32>
        %get3A_1481 = arith.constant 8 : i32
        %get3A_1482 = arith.index_cast %get3A_1481 : i32 to index
        %get3A_1483 = arith.constant 224 : index
        %get3A_1484 = tpu.vector_load %arg6[%get3A_1482, %get3A_1483] {strides = array<i32>} : memref<16x256xf32, #tpu.memory_space<vmem>>, vector<1x16xf32>,
        %get3A_1485 = vector.shape_cast %get3A_1484 : vector<1x16xf32> to vector<16xf32>
        %get3A_1486 = arith.constant 9 : i32
        %get3A_1487 = arith.index_cast %get3A_1486 : i32 to index
        %get3A_1488 = arith.constant 224 : index
        %get3A_1489 = tpu.vector_load %arg6[%get3A_1487, %get3A_1488] {strides = array<i32>} : memref<16x256xf32, #tpu.memory_space<vmem>>, vector<1x16xf32>,
        %get3A_1490 = vector.shape_cast %get3A_1489 : vector<1x16xf32> to vector<16xf32>
        %get3A_1491 = arith.constant 10 : i32
        %get3A_1492 = arith.index_cast %get3A_1491 : i32 to index
        %get3A_1493 = arith.constant 224 : index
        %get3A_1494 = tpu.vector_load %arg6[%get3A_1492, %get3A_1493] {strides = array<i32>} : memref<16x256xf32, #tpu.memory_space<vmem>>, vector<1x16xf32>,
        %get3A_1495 = vector.shape_cast %get3A_1494 : vector<1x16xf32> to vector<16xf32>
        %get3A_1496 = arith.constant 11 : i32
        %get3A_1497 = arith.index_cast %get3A_1496 : i32 to index
        %get3A_1498 = arith.constant 224 : index
        %get3A_1499 = tpu.vector_load %arg6[%get3A_1497, %get3A_1498] {strides = array<i32>} : memref<16x256xf32, #tpu.memory_space<vmem>>, vector<1x16xf32>,
        %get3A_1500 = vector.shape_cast %get3A_1499 : vector<1x16xf32> to vector<16xf32>
        %get3A_1501 = arith.constant 12 : i32
        %get3A_1502 = arith.index_cast %get3A_1501 : i32 to index
        %get3A_1503 = arith.constant 224 : index
        %get3A_1504 = tpu.vector_load %arg6[%get3A_1502, %get3A_1503] {strides = array<i32>} : memref<16x256xf32, #tpu.memory_space<vmem>>, vector<1x16xf32>,
        %get3A_1505 = vector.shape_cast %get3A_1504 : vector<1x16xf32> to vector<16xf32>
        %get3A_1506 = arith.constant 13 : i32
        %get3A_1507 = arith.index_cast %get3A_1506 : i32 to index
        %get3A_1508 = arith.constant 224 : index
        %get3A_1509 = tpu.vector_load %arg6[%get3A_1507, %get3A_1508] {strides = array<i32>} : memref<16x256xf32, #tpu.memory_space<vmem>>, vector<1x16xf32>,
        %get3A_1510 = vector.shape_cast %get3A_1509 : vector<1x16xf32> to vector<16xf32>
        %get3A_1511 = arith.constant 14 : i32
        %get3A_1512 = arith.index_cast %get3A_1511 : i32 to index
        %get3A_1513 = arith.constant 224 : index
        %get3A_1514 = tpu.vector_load %arg6[%get3A_1512, %get3A_1513] {strides = array<i32>} : memref<16x256xf32, #tpu.memory_space<vmem>>, vector<1x16xf32>,
        %get3A_1515 = vector.shape_cast %get3A_1514 : vector<1x16xf32> to vector<16xf32>
        %get3A_1516 = arith.constant 15 : i32
        %get3A_1517 = arith.index_cast %get3A_1516 : i32 to index
        %get3A_1518 = arith.constant 224 : index
        %get3A_1519 = tpu.vector_load %arg6[%get3A_1517, %get3A_1518] {strides = array<i32>} : memref<16x256xf32, #tpu.memory_space<vmem>>, vector<1x16xf32>,
        %get3A_1520 = vector.shape_cast %get3A_1519 : vector<1x16xf32> to vector<16xf32>
        %max3A_1521 = arith.maximumf %get3A_1445, %get3A_1450 : vector<16xf32>
        %max3A_1522 = arith.maximumf %get3A_1455, %get3A_1460 : vector<16xf32>
        %max3A_1523 = arith.maximumf %get3A_1465, %get3A_1470 : vector<16xf32>
        %max3A_1524 = arith.maximumf %get3A_1475, %get3A_1480 : vector<16xf32>
        %max3A_1525 = arith.maximumf %get3A_1485, %get3A_1490 : vector<16xf32>
        %max3A_1526 = arith.maximumf %get3A_1495, %get3A_1500 : vector<16xf32>
        %max3A_1527 = arith.maximumf %get3A_1505, %get3A_1510 : vector<16xf32>
        %max3A_1528 = arith.maximumf %get3A_1515, %get3A_1520 : vector<16xf32>
        %max3A_1529 = arith.maximumf %max3A_1521, %max3A_1522 : vector<16xf32>
        %max3A_1530 = arith.maximumf %max3A_1523, %max3A_1524 : vector<16xf32>
        %max3A_1531 = arith.maximumf %max3A_1525, %max3A_1526 : vector<16xf32>
        %max3A_1532 = arith.maximumf %max3A_1527, %max3A_1528 : vector<16xf32>
        %max3A_1533 = arith.maximumf %max3A_1529, %max3A_1530 : vector<16xf32>
        %max3A_1534 = arith.maximumf %max3A_1531, %max3A_1532 : vector<16xf32>
        %max3A_1535 = arith.maximumf %max3A_1533, %max3A_1534 : vector<16xf32>
        %swap3A_1536 = arith.constant 48 : i32
        %swap3A_1537 = arith.index_cast %swap3A_1536 : i32 to index
        %swap3A_1538 = arith.constant 224 : index
        %swap3A_1539 = tpu.vector_load %arg8[%swap3A_1537, %swap3A_1538] {strides = array<i32>} : memref<49x256xf32, #tpu.memory_space<vmem>>, vector<1x16xf32>,
        %swap3A_1540 = vector.shape_cast %swap3A_1539 : vector<1x16xf32> to vector<16xf32>
        %swap3A_1541 = vector.shape_cast %max3A_1535 : vector<16xf32> to vector<1x16xf32>
        tpu.vector_store %arg8[%swap3A_1537, %swap3A_1538], %swap3A_1541 {strides = array<i32>} : memref<49x256xf32, #tpu.memory_space<vmem>>, vector<1x16xf32>,
        %get3A_1542 = arith.constant 0 : i32
        %get3A_1543 = arith.index_cast %get3A_1542 : i32 to index
        %get3A_1544 = arith.constant 240 : index
        %get3A_1545 = tpu.vector_load %arg6[%get3A_1543, %get3A_1544] {strides = array<i32>} : memref<16x256xf32, #tpu.memory_space<vmem>>, vector<1x16xf32>,
        %get3A_1546 = vector.shape_cast %get3A_1545 : vector<1x16xf32> to vector<16xf32>
        %get3A_1547 = arith.constant 1 : i32
        %get3A_1548 = arith.index_cast %get3A_1547 : i32 to index
        %get3A_1549 = arith.constant 240 : index
        %get3A_1550 = tpu.vector_load %arg6[%get3A_1548, %get3A_1549] {strides = array<i32>} : memref<16x256xf32, #tpu.memory_space<vmem>>, vector<1x16xf32>,
        %get3A_1551 = vector.shape_cast %get3A_1550 : vector<1x16xf32> to vector<16xf32>
        %get3A_1552 = arith.constant 2 : i32
        %get3A_1553 = arith.index_cast %get3A_1552 : i32 to index
        %get3A_1554 = arith.constant 240 : index
        %get3A_1555 = tpu.vector_load %arg6[%get3A_1553, %get3A_1554] {strides = array<i32>} : memref<16x256xf32, #tpu.memory_space<vmem>>, vector<1x16xf32>,
        %get3A_1556 = vector.shape_cast %get3A_1555 : vector<1x16xf32> to vector<16xf32>
        %get3A_1557 = arith.constant 3 : i32
        %get3A_1558 = arith.index_cast %get3A_1557 : i32 to index
        %get3A_1559 = arith.constant 240 : index
        %get3A_1560 = tpu.vector_load %arg6[%get3A_1558, %get3A_1559] {strides = array<i32>} : memref<16x256xf32, #tpu.memory_space<vmem>>, vector<1x16xf32>,
        %get3A_1561 = vector.shape_cast %get3A_1560 : vector<1x16xf32> to vector<16xf32>
        %get3A_1562 = arith.constant 4 : i32
        %get3A_1563 = arith.index_cast %get3A_1562 : i32 to index
        %get3A_1564 = arith.constant 240 : index
        %get3A_1565 = tpu.vector_load %arg6[%get3A_1563, %get3A_1564] {strides = array<i32>} : memref<16x256xf32, #tpu.memory_space<vmem>>, vector<1x16xf32>,
        %get3A_1566 = vector.shape_cast %get3A_1565 : vector<1x16xf32> to vector<16xf32>
        %get3A_1567 = arith.constant 5 : i32
        %get3A_1568 = arith.index_cast %get3A_1567 : i32 to index
        %get3A_1569 = arith.constant 240 : index
        %get3A_1570 = tpu.vector_load %arg6[%get3A_1568, %get3A_1569] {strides = array<i32>} : memref<16x256xf32, #tpu.memory_space<vmem>>, vector<1x16xf32>,
        %get3A_1571 = vector.shape_cast %get3A_1570 : vector<1x16xf32> to vector<16xf32>
        %get3A_1572 = arith.constant 6 : i32
        %get3A_1573 = arith.index_cast %get3A_1572 : i32 to index
        %get3A_1574 = arith.constant 240 : index
        %get3A_1575 = tpu.vector_load %arg6[%get3A_1573, %get3A_1574] {strides = array<i32>} : memref<16x256xf32, #tpu.memory_space<vmem>>, vector<1x16xf32>,
        %get3A_1576 = vector.shape_cast %get3A_1575 : vector<1x16xf32> to vector<16xf32>
        %get3A_1577 = arith.constant 7 : i32
        %get3A_1578 = arith.index_cast %get3A_1577 : i32 to index
        %get3A_1579 = arith.constant 240 : index
        %get3A_1580 = tpu.vector_load %arg6[%get3A_1578, %get3A_1579] {strides = array<i32>} : memref<16x256xf32, #tpu.memory_space<vmem>>, vector<1x16xf32>,
        %get3A_1581 = vector.shape_cast %get3A_1580 : vector<1x16xf32> to vector<16xf32>
        %get3A_1582 = arith.constant 8 : i32
        %get3A_1583 = arith.index_cast %get3A_1582 : i32 to index
        %get3A_1584 = arith.constant 240 : index
        %get3A_1585 = tpu.vector_load %arg6[%get3A_1583, %get3A_1584] {strides = array<i32>} : memref<16x256xf32, #tpu.memory_space<vmem>>, vector<1x16xf32>,
        %get3A_1586 = vector.shape_cast %get3A_1585 : vector<1x16xf32> to vector<16xf32>
        %get3A_1587 = arith.constant 9 : i32
        %get3A_1588 = arith.index_cast %get3A_1587 : i32 to index
        %get3A_1589 = arith.constant 240 : index
        %get3A_1590 = tpu.vector_load %arg6[%get3A_1588, %get3A_1589] {strides = array<i32>} : memref<16x256xf32, #tpu.memory_space<vmem>>, vector<1x16xf32>,
        %get3A_1591 = vector.shape_cast %get3A_1590 : vector<1x16xf32> to vector<16xf32>
        %get3A_1592 = arith.constant 10 : i32
        %get3A_1593 = arith.index_cast %get3A_1592 : i32 to index
        %get3A_1594 = arith.constant 240 : index
        %get3A_1595 = tpu.vector_load %arg6[%get3A_1593, %get3A_1594] {strides = array<i32>} : memref<16x256xf32, #tpu.memory_space<vmem>>, vector<1x16xf32>,
        %get3A_1596 = vector.shape_cast %get3A_1595 : vector<1x16xf32> to vector<16xf32>
        %get3A_1597 = arith.constant 11 : i32
        %get3A_1598 = arith.index_cast %get3A_1597 : i32 to index
        %get3A_1599 = arith.constant 240 : index
        %get3A_1600 = tpu.vector_load %arg6[%get3A_1598, %get3A_1599] {strides = array<i32>} : memref<16x256xf32, #tpu.memory_space<vmem>>, vector<1x16xf32>,
        %get3A_1601 = vector.shape_cast %get3A_1600 : vector<1x16xf32> to vector<16xf32>
        %get3A_1602 = arith.constant 12 : i32
        %get3A_1603 = arith.index_cast %get3A_1602 : i32 to index
        %get3A_1604 = arith.constant 240 : index
        %get3A_1605 = tpu.vector_load %arg6[%get3A_1603, %get3A_1604] {strides = array<i32>} : memref<16x256xf32, #tpu.memory_space<vmem>>, vector<1x16xf32>,
        %get3A_1606 = vector.shape_cast %get3A_1605 : vector<1x16xf32> to vector<16xf32>
        %get3A_1607 = arith.constant 13 : i32
        %get3A_1608 = arith.index_cast %get3A_1607 : i32 to index
        %get3A_1609 = arith.constant 240 : index
        %get3A_1610 = tpu.vector_load %arg6[%get3A_1608, %get3A_1609] {strides = array<i32>} : memref<16x256xf32, #tpu.memory_space<vmem>>, vector<1x16xf32>,
        %get3A_1611 = vector.shape_cast %get3A_1610 : vector<1x16xf32> to vector<16xf32>
        %get3A_1612 = arith.constant 14 : i32
        %get3A_1613 = arith.index_cast %get3A_1612 : i32 to index
        %get3A_1614 = arith.constant 240 : index
        %get3A_1615 = tpu.vector_load %arg6[%get3A_1613, %get3A_1614] {strides = array<i32>} : memref<16x256xf32, #tpu.memory_space<vmem>>, vector<1x16xf32>,
        %get3A_1616 = vector.shape_cast %get3A_1615 : vector<1x16xf32> to vector<16xf32>
        %get3A_1617 = arith.constant 15 : i32
        %get3A_1618 = arith.index_cast %get3A_1617 : i32 to index
        %get3A_1619 = arith.constant 240 : index
        %get3A_1620 = tpu.vector_load %arg6[%get3A_1618, %get3A_1619] {strides = array<i32>} : memref<16x256xf32, #tpu.memory_space<vmem>>, vector<1x16xf32>,
        %get3A_1621 = vector.shape_cast %get3A_1620 : vector<1x16xf32> to vector<16xf32>
        %max3A_1622 = arith.maximumf %get3A_1546, %get3A_1551 : vector<16xf32>
        %max3A_1623 = arith.maximumf %get3A_1556, %get3A_1561 : vector<16xf32>
        %max3A_1624 = arith.maximumf %get3A_1566, %get3A_1571 : vector<16xf32>
        %max3A_1625 = arith.maximumf %get3A_1576, %get3A_1581 : vector<16xf32>
        %max3A_1626 = arith.maximumf %get3A_1586, %get3A_1591 : vector<16xf32>
        %max3A_1627 = arith.maximumf %get3A_1596, %get3A_1601 : vector<16xf32>
        %max3A_1628 = arith.maximumf %get3A_1606, %get3A_1611 : vector<16xf32>
        %max3A_1629 = arith.maximumf %get3A_1616, %get3A_1621 : vector<16xf32>
        %max3A_1630 = arith.maximumf %max3A_1622, %max3A_1623 : vector<16xf32>
        %max3A_1631 = arith.maximumf %max3A_1624, %max3A_1625 : vector<16xf32>
        %max3A_1632 = arith.maximumf %max3A_1626, %max3A_1627 : vector<16xf32>
        %max3A_1633 = arith.maximumf %max3A_1628, %max3A_1629 : vector<16xf32>
        %max3A_1634 = arith.maximumf %max3A_1630, %max3A_1631 : vector<16xf32>
        %max3A_1635 = arith.maximumf %max3A_1632, %max3A_1633 : vector<16xf32>
        %max3A_1636 = arith.maximumf %max3A_1634, %max3A_1635 : vector<16xf32>
        %swap3A_1637 = arith.constant 48 : i32
        %swap3A_1638 = arith.index_cast %swap3A_1637 : i32 to index
        %swap3A_1639 = arith.constant 240 : index
        %swap3A_1640 = tpu.vector_load %arg8[%swap3A_1638, %swap3A_1639] {strides = array<i32>} : memref<49x256xf32, #tpu.memory_space<vmem>>, vector<1x16xf32>,
        %swap3A_1641 = vector.shape_cast %swap3A_1640 : vector<1x16xf32> to vector<16xf32>
        %swap3A_1642 = vector.shape_cast %max3A_1636 : vector<16xf32> to vector<1x16xf32>
        tpu.vector_store %arg8[%swap3A_1638, %swap3A_1639], %swap3A_1642 {strides = array<i32>} : memref<49x256xf32, #tpu.memory_space<vmem>>, vector<1x16xf32>,
        "tpu.region"() ({
          %run_scoped3A = tpu.sem_alloc : memref<!tpu.dma_semaphore, #tpu.memory_space<semaphore_mem>>
          %dma_start3A_1643 = arith.constant 0 : i32
          %dma_start3A_1644 = arith.constant 0 : i32
          %dma_start3A_1645 = tpu.memref_slice %arg4[%add3A_9, %dma_start3A_1643, %dma_start3A_1644] : memref<1000x49x256xf32, #tpu.memory_space<hbm>> -> memref<1x49x256xf32, #tpu.memory_space<hbm>>
          %dma_start3A_1646 = tpu.memref_squeeze %dma_start3A_1645 : memref<1x49x256xf32, #tpu.memory_space<hbm>> -> memref<49x256xf32, #tpu.memory_space<hbm>>
          %dma_start3A_1647 = arith.constant 0 : i32
          %dma_start3A_1648 = arith.constant 0 : i32
          %dma_start3A_1649 = tpu.memref_slice %arg4[%add3A_9, %dma_start3A_1647, %dma_start3A_1648] : memref<1000x49x256xf32, #tpu.memory_space<hbm>> -> memref<1x49x256xf32, #tpu.memory_space<hbm>>
          %dma_start3A_1650 = tpu.memref_squeeze %dma_start3A_1649 : memref<1x49x256xf32, #tpu.memory_space<hbm>> -> memref<49x256xf32, #tpu.memory_space<hbm>>
          tpu.enqueue_dma source(%arg8 : memref<49x256xf32, #tpu.memory_space<vmem>>) target(%dma_start3A_1650 : memref<49x256xf32, #tpu.memory_space<hbm>>) target_semaphore(%run_scoped3A : memref<!tpu.dma_semaphore, #tpu.memory_space<semaphore_mem>>)
          %dma_wait3A_1651 = arith.constant 0 : i32
          %dma_wait3A_1652 = arith.constant 0 : i32
          %dma_wait3A_1653 = tpu.memref_slice %arg4[%add3A_9, %dma_wait3A_1651, %dma_wait3A_1652] : memref<1000x49x256xf32, #tpu.memory_space<hbm>> -> memref<1x49x256xf32, #tpu.memory_space<hbm>>
          %dma_wait3A_1654 = tpu.memref_squeeze %dma_wait3A_1653 : memref<1x49x256xf32, #tpu.memory_space<hbm>> -> memref<49x256xf32, #tpu.memory_space<hbm>>
          %dma_wait3A_1655 = arith.constant 0 : i32
          %dma_wait3A_1656 = arith.constant 0 : i32
          %dma_wait3A_1657 = tpu.memref_slice %arg4[%add3A_9, %dma_wait3A_1655, %dma_wait3A_1656] : memref<1000x49x256xf32, #tpu.memory_space<hbm>> -> memref<1x49x256xf32, #tpu.memory_space<hbm>>
          %dma_wait3A_1658 = tpu.memref_squeeze %dma_wait3A_1657 : memref<1x49x256xf32, #tpu.memory_space<hbm>> -> memref<49x256xf32, #tpu.memory_space<hbm>>
          tpu.wait_dma2 semaphore(%run_scoped3A : memref<!tpu.dma_semaphore, #tpu.memory_space<semaphore_mem>>) src(%arg8 : memref<49x256xf32, #tpu.memory_space<vmem>>) dst(%dma_wait3A_1658 : memref<49x256xf32, #tpu.memory_space<hbm>>)
          tpu.yield
        }) : () -> ()
      } else {
      }
    }
    %scan3A_5 = arith.constant 32 : i32
    return
  }
}

</mosaic_0001>

<sc_bundles>
// kernel: kernel.3.cloned.1.call-start
scs
__scs_entry_jumppad:
0x0: {  	(pc) =	sbr.rel $0x88, $3  }
0x1: {  	(tag) =	ssettag $0x0;
	lr =	simm.s32 $0x1  }
0x2: {  	[smem:$0x3F9F] =	sst lr;
	_ =	strace $0xD0000000  }
0x3: {  	_ = 	snop  }
0x4: {  	_ = 	snop  }
0x5: {  	_ = 	snop  }
0x6: {  	_ = 	snop  }
0x7: {  	_ = 	snop  }
__scs_overlays_trampoline_lowered:
0x8: {  	[smem:$0x3FAE] =	sst s0  }
0x9: {  	[smem:$0x3FAF] =	sst s1  }
0xa: {  	[smem:$0x3FB0] =	sst s2  }
0xb: {  	[smem:$0x3FB1] =	sst s3  }
0xc: {  	[smem:$0x3FB2] =	sst s4  }
0xd: {  	[smem:$0x3FB3] =	sst s5  }
0xe: {  	[smem:$0x3FB4] =	sst s6  }
0xf: {  	[smem:$0x3FB5] =	sst s7  }
0x10: {  	[smem:$0x3FB6] =	sst s8  }
0x11: {  	[smem:$0x3FB7] =	sst s9;
	s0 =	simm.s32 @!p0 $0x0  }
0x12: {  	s1 =	sld [smem:$0x3F9D];
	s0 =	simm.s32 @p0 $0x1  }
0x13: {  	[smem:$0x3FB8] =	sst s0;
	s0 =	simm.s32 @!p1 $0x0  }
0x14: {  	s2 =	sld [smem:$0x3F9C];
	s0 =	simm.s32 @p1 $0x1  }
0x15: {  	[smem:$0x3FB9] =	sst s0;
	s0 =	simm.s32 @!p2 $0x0  }
0x16: {  	s3 =	sld [smem:$0x3FDB];
	s0 =	simm.s32 @p2 $0x1  }
0x17: {  	s4 =	simm.s32 $0x1BF5;
	[smem:$0x3FBB] =	sst s0  }
0x18: {  	s0 =	sld [smem:$0x3F9E];
	_ =	swait.ge [sflag:s4], $0x0  }
0x19: {  	s7 =	sld [smem:$0x3F9F]  }
0x1a: {  	s8 =	sadd.s32 $0xFFFFE003, lr  }
0x1b: {  	s9 =	sadd.s32 $0xFFFFFEF7, lr;
	s5 =	simm.s32 $0xFFFFFFFF;
	p2 =	slt.u32 s8, $0xFFFFF086  }
0x1c: {  	p1 =	slt.u32 s9, $0xF7A;
	s5 =	simm.s32 @!p2 $0x0  }
0x1d: {  	s5 =	simm.s32 @p1 $0x1;
	p0 =	seq.s32 s7, s2  }
0x1e: {  	s7 =	smul.u32 @!p0 $0xF7A, s2;
	p2 =	seq.s32 @!p0 s5, $0x0  }
0x1f: {  	s9 =	smul.u32 $0xF7A, s1;
	s8 =	simm.s32 @!p0 $0x1BF5;
	p2 =	por !p2, p0  }
0x20: {  	[sflag:s8] =	ssyncset.s32 @!p0 $0xFFFFF086;
	s6 =	sadd.s32 @!p0 s3, s7;
	s7 =	simm.s32 @!p0 $0x108  }
0x21: {  	s3 =	sadd.s32 s3, s9;
	s6 =	sadd.s32 @!p0 $0x88, s6;
	s7 =	simm.s32 @p2 $0x1082  }
0x22: {  	[simem:s7], [sflag:s8] =	dma.local @!p0 [hbm:s6], $0xF7A  }
0x23: {  	s9 =	sor.u32 $0xD0000000, s2;
	s6 =	simm.s32 $0x108;
	_ =	swait.ge @!p0 [sflag:s8], $0x0  }
0x24: {  	s3 =	sadd.s32 $0x88, s3;
	s6 =	simm.s32 @!p1 $0x1082;
	[sflag:s4] =	ssyncset.s32 $0xFFFFF086  }
0x25: {  	[simem:s6], [sflag:s4] =	dma.local [hbm:s3], $0xF7A  }
0x26: {  	[smem:$0x3F9F] =	sst s1;
	(tag) =	ssettag s2;
	_ =	strace s9  }
0x27: {  	s1 =	sld [smem:$0x3FAF]  }
0x28: {  	s2 =	sld [smem:$0x3FB0]  }
0x29: {  	s4 =	sld [smem:$0x3FB2]  }
0x2a: {  	p0 =	seq.s32 s5, $0x0;
	s5 =	sld [smem:$0x3FB3]  }
0x2b: {  	s6 =	sld [smem:$0x3FB4]  }
0x2c: {  	s7 =	sld [smem:$0x3FB5]  }
0x2d: {  	s3 =	simm.s32 $0x108;
	s8 =	sld [smem:$0x3FB6]  }
0x2e: {  	s3 =	simm.s32 @!p0 $0x1082;
	s9 =	sld [smem:$0x3FB7]  }
0x2f: {  	lr =	sadd.s32 s0, s3;
	s0 =	sld [smem:$0x3FAE]  }
0x30: {  	s3 =	sld [smem:$0x3FB1]  }
0x31: {  	[smem:$0x3FBA] =	sst s10  }
0x32: {  	s10 =	sld [smem:$0x3FB8];
	_ =	sdelay $0x3  }
0x33: {  	p0 =	seq.s32 s10, $0x1;
	s10 =	sld [smem:$0x3FBA];
	_ =	sdelay $0x3  }
0x34: {  	[smem:$0x3FBA] =	sst s10  }
0x35: {  	s10 =	sld [smem:$0x3FB9];
	_ =	sdelay $0x3  }
0x36: {  	p1 =	seq.s32 s10, $0x1;
	s10 =	sld [smem:$0x3FBA];
	_ =	sdelay $0x3  }
0x37: {  	[smem:$0x3FBA] =	sst s10  }
0x38: {  	s10 =	sld [smem:$0x3FBB]  }
0x39: {  	_ = 	snop;
	(pc) =	sbr.ind lr, $3  }
0x3a: {  	_ = 	snop  }
0x3b: {  	_ = 	snop  }
0x3c: {  	p2 =	seq.s32 s10, $0x1;
	s10 =	sld [smem:$0x3FBA]  }
0x3d: {  	_ =	shalt  }
0x3e: {  	_ =	shalt  }
0x3f: {  	_ =	shalt  }
0x40: {  	_ =	shalt  }
0x41: {  	_ =	shalt  }
0x42: {  	_ =	shalt  }
0x43: {  	_ =	shalt  }
0x44: {  	_ =	shalt  }
0x45: {  	_ =	shalt  }
0x46: {  	_ =	shalt  }
0x47: {  	_ =	shalt  }
0x48: {  	_ =	shalt  }
0x49: {  	_ =	shalt  }
0x4a: {  	_ =	shalt  }
0x4b: {  	_ =	shalt  }
0x4c: {  	_ =	shalt  }
0x4d: {  	_ =	shalt  }
0x4e: {  	_ =	shalt  }
0x4f: {  	_ =	shalt  }
0x50: {  	_ =	shalt  }
0x51: {  	_ =	shalt  }
0x52: {  	_ =	shalt  }
0x53: {  	_ =	shalt  }
0x54: {  	_ =	shalt  }
0x55: {  	_ =	shalt  }
0x56: {  	_ =	shalt  }
0x57: {  	_ =	shalt  }
0x58: {  	_ =	shalt  }
0x59: {  	_ =	shalt  }
0x5a: {  	_ =	shalt  }
0x5b: {  	_ =	shalt  }
0x5c: {  	_ =	shalt  }
0x5d: {  	_ =	shalt  }
0x5e: {  	_ =	shalt  }
0x5f: {  	_ =	shalt  }
0x60: {  	_ =	shalt  }
0x61: {  	_ =	shalt  }
0x62: {  	_ =	shalt  }
0x63: {  	_ =	shalt  }
0x64: {  	_ =	shalt  }
0x65: {  	_ =	shalt  }
0x66: {  	_ =	shalt  }
0x67: {  	_ =	shalt  }
0x68: {  	_ =	shalt  }
0x69: {  	_ =	shalt  }
0x6a: {  	_ =	shalt  }
0x6b: {  	_ =	shalt  }
0x6c: {  	_ =	shalt  }
0x6d: {  	_ =	shalt  }
0x6e: {  	_ =	shalt  }
0x6f: {  	_ =	shalt  }
0x70: {  	_ =	shalt  }
0x71: {  	_ =	shalt  }
0x72: {  	_ =	shalt  }
0x73: {  	_ =	shalt  }
0x74: {  	_ =	shalt  }
0x75: {  	_ =	shalt  }
0x76: {  	_ =	shalt  }
0x77: {  	_ =	shalt  }
0x78: {  	_ =	shalt  }
0x79: {  	_ =	shalt  }
0x7a: {  	_ =	shalt  }
0x7b: {  	_ =	shalt  }
0x7c: {  	_ =	shalt  }
0x7d: {  	_ =	shalt  }
0x7e: {  	_ =	shalt  }
0x7f: {  	_ =	shalt  }
0x80: {  	_ =	shalt  }
0x81: {  	_ =	shalt  }
0x82: {  	_ =	shalt  }
0x83: {  	_ =	shalt  }
0x84: {  	_ =	shalt  }
0x85: {  	_ =	shalt  }
0x86: {  	_ =	shalt  }
0x87: {  	_ =	shalt  }
.Lfunc_end0:
.L_simem_size_0:
called_computation_lowered:
.L_overlay_start_0:
0x88: {  	s2 =	sld [smem:$0x3FD9]  }
0x89: {  	s3 =	sld [smem:$0x3FFE];
	_ =	sdelay $0x1  }
0x8a: {  	s1 =	srdreg.scid  }
0x8b: {  	s0 =	sand.u32 $0x1, s1  }
0x8c: {  	s17 =	sshll.u32 s0, $0xA;
	s2 =	sadd.s32 s3, s2  }
0x8d: {  	s2 =	sadd.s32 s2, s17  }
0x8e: {  	[smem:$0x3FC6] =	sst s2  }
0x8f: {  	_ = 	snop  }
0x90: {  	s2 =	sld [smem:$0x3FD0];
	(tm) =	ssettm $0x1  }
0x91: {  	s18 =	sld [smem:$0x3FFB];
	_ =	sdelay $0x3  }
0x92: {  	_ =	strace s18  }
0x93: {  	s3 =	sld [smem:$0x3FFC];
	_ =	sdelay $0x3  }
0x94: {  	_ =	strace s3  }
0x95: {  	s3 =	sld [smem:$0x3FFD];
	_ =	sdelay $0x3  }
0x96: {  	_ =	strace s3  }
0x97: {  	_ =	strace $0x8FFFFFFF  }
0x98: {  	s19 =	sld [smem:$0x3FDB];
	_ =	sdelay $0x1  }
0x99: {  	s4 =	simm.s32 $_scs_section_size  }
0x9a: {  	s5 =	simm.s32 $_size__tile_overlayer_lowered;
	s6 =	simm.s32 $_tile_overlayer_lowered  }
0x9b: {  	s22 =	simm.s32 $0x1BFF;
	s21 =	sshll.u32 s6, $0x1;
	s3 =	sadd.s32 s4, s19  }
0x9c: {  	s7 =	simm.s32 $0x0;
	s20 =	sshll.u32 s5, $0x1;
	s5 =	sadd.s32 s21, s3  }
0x9d: {  	[timem:s7], [sflag:s22] =	dma.local [hbm:s5], s20  }
0x9e: {  	_ =	swait.ge [sflag:s22], s20  }
0x9f: {  	s4 =	ssub.s32 $0x0, s20;
	[sflag:s22] =	ssyncset.done $0x0  }
0xa0: {  	[sflag:s22] =	ssyncadd.s32 s4;
	_ =	sdelay $0x1  }
0xa1: {  	s23 =	simm.s32 $0x1B8B  }
0xa2: {  	_ =	swait.ge [sflag:s23], $0x1  }
0xa3: {  	[sflag:s23] =	ssyncset.done $0x0  }
0xa4: {  	s25 =	simm.s32 $0x1B8E;
	s24 =	sld [smem:$0x3FFE];
	[sflag:s23] =	ssyncadd.s32 $0xFFFFFFFF  }
0xa5: {  	s26 =	simm.s32 $execute0_lowered;
	[smem:$0x3FD2] =	sst s25  }
0xa6: {  	s5 =	sshll.u32 s26, $0x1;
	_ =	strace $0x80000046;
	[dreg:$0x1] =	wrdreg $0xFFFFFFFF  }
0xa7: {  	s28 =	simm.s32 $_size_execute0_lowered;
	s3 =	sadd.s32 s3, s5;
	[dreg:$0x0] =	wrdreg $0x0  }
0xa8: {  	s5 =	sshll.u32 s28, $0x1;
	[dreg:$0x2] =	wrdreg s3  }
0xa9: {  	[dreg:$0x3] =	wrdreg s5  }
0xaa: {  	[dreg:$0x4] =	wrdreg $0xC0  }
0xab: {  	_ =	task [dreg:s7], $0x5FFFF  }
0xac: {  	[dreg:$0x1] =	wrdreg $0xFFFFFFFF  }
0xad: {  	[dreg:$0x0] =	wrdreg $0x60  }
0xae: {  	[dreg:$0x2] =	wrdreg s24  }
0xaf: {  	[dreg:$0x3] =	wrdreg s2  }
0xb0: {  	[dreg:$0x4] =	wrdreg $0x9  }
0xb1: {  	_ =	task.clear_ibuf [dreg:s7], $0x5FFFF;
	_ =	strace $0x90000046  }
0xb2: {  	s29 =	simm.s32 $0x9;
	_ =	strace $0x80000048  }
0xb3: {  	_ =	swait.ge [sflag:s29], $0x1  }
0xb4: {  	[sflag:s29] =	ssyncadd.s32 $0xFFFFFFFF  }
0xb5: {  	_ =	strace $0x90000048  }
0xb6: {  	_ =	sfence  }
0xb7: {  	s30 =	sld [smem:$0x0];
	_ =	sdelay $0x2  }
0xb8: {  	s31 =	sshll.u32 s1, $0xD;
	s1 =	sshrl.u32 s1, $0x2  }
0xb9: {  	s3 =	sand.u32 $0x4000, s31;
	s1 =	sadd.s32 s1, s30  }
0xba: {  	s0 =	sor.u32 s3, s0;
	s1 =	sshll.u32 s1, $0x11  }
0xbb: {  	s0 =	sor.u32 s1, s0  }
0xbc: {  	s0 =	sadd.s32 $0x8F2B, s0  }
0xbd: {  	[sflag:s0] =	ssyncadd.remote.s32 $0x1  }
0xbe: {  	_ =	sfence.sel $0xFFFF  }
0xbf: {  	[dreg:$0x0] =	wrdreg $0xFFFFFFFF;
	(pc) =	sbr.abs _section_cstart, $3  }
0xc0: {  	[dreg:$0x1] =	wrdreg $0xFFFFFFFF  }
0xc1: {  	_ =	task.clear_ibuf [dreg:s7], $0x2FFFF;
	_ =	strace $0x9FFFFFFF  }
0xc2: {  	(tm) =	ssettm $0x7FFFFFFF  }
0xc3: {  	_ =	shalt  }
tec
execute0_lowered:
.L_overlay_start_1:
0x0: {  	(tag) =	ssettag $0x1  }
0x1: {  	s4 =	rddreg [dreg:$0x0]  }
0x2: {  	s1 =	rddreg [dreg:$0x1];
	s3 =	srdreg.scid  }
0x3: {  	s0 =	rddreg [dreg:$0x2];
	s2 =	simm.s32 $0x0;
	s9 =	simm.s32 $0x4  }
0x4: {  	s10 =	simm.s32 $0x1C00;
	s11 =	simm.s32 $0x2400;
	s12 =	simm.s32 $0x2C00  }
0x5: {  	s13 =	simm.s32 $0x3400;
	s14 =	simm.s32 $0x1;
	s15 =	simm.s32 $0x2  }
.Ltmp0:
0x6: {  	s16 =	simm.s32 $0x3C00;
	s3 =	sand.u32 $0x1, s3;
	(pc) =	sbr.rel .LBB2_1-.Ltmp0, $4  }
0x7: {  	s17 =	simm.s32 $0x3;
	s18 =	simm.s32 $0x0;
	s7 =	ssub.s32 $0x2, s3  }
0x8: {  	v2 =	vlaneseq.u32;
	[smem:$0x7FF] =	sst s2;
	s5 =	sadd.s32 $0x28000, s4;
	s8 =	sshrl.u32 s7, $0x1  }
0x9: {  	vm0 =	vmmov $0xffff;
	s6 =	sadd.s32 $0x4F200, s4;
	s4 =	stileid.u32;
	v1 =	vshrl.u32 v2, $0x3;
	s8 =	ssub.s32 s7, s8  }
0xa: {  	v61 =	vand.u32 $0x7, v2;
	v2 =	vor.u32 $0x8, v2;
	_ =	strace $0x80000047;
	v1 =	vmul.u32 $0x8, v1;
	s7 =	sshll.u32 s4, $0x1;
	s8 =	smax.u32 s8, $0x1  }
.LBB2_7:
0xb: {  	s18 =	sadd.s32 $0x1, s18  }
0xc: {  	p0 =	sne.s32 s18, s8  }
.Ltmp1:
0xd: {  	_ = 	snop;
	(pc) =	sbr.rel @!p0 .LBB2_8-.Ltmp1, $1  }
0xe: {  	_ =	sdelay $0x3  }
.LBB2_1:
.Ltmp2:
0xf: {  	(pc) =	sbr.rel .LBB2_2-.Ltmp2, $2  }
0x10: {  	_ =	sdelay $0x2  }
0x11: {  	s19 =	simm.s32 $0x0  }
.LBB2_6:
0x12: {  	s19 =	sadd.s32 $0x1, s19  }
0x13: {  	p0 =	sne.s32 s19, $0x20  }
.Ltmp3:
0x14: {  	_ = 	snop;
	(pc) =	sbr.rel @!p0 .LBB2_7-.Ltmp3, $1  }
0x15: {  	_ =	sdelay $0x3  }
.LBB2_2:
0x16: {  	s20 =	sshll.u32 s19, $0x5  }
0x17: {  	s20 =	sor.u32 s7, s20  }
0x18: {  	p0 =	sgt.u32 s20, $0x3E7  }
.Ltmp4:
0x19: {  	_ = 	snop;
	(pc) =	sbr.rel @p0 .LBB2_6-.Ltmp4, $1  }
0x1a: {  	_ =	sdelay $0x3  }
0x1b: {  	s20 =	sor.u32 s3, s20  }
0x1c: {  	s21 =	smul.u32 $0x380, s20;
	_ =	sdelay $0x1  }
0x1d: {  	s22 =	sadd.s32 s1, s21;
	s21 =	simm.s32 $0x0  }
0x1e: {  	[tilespmem:s21], [sflag:$0x4] =	stream.linear.gather [hbm4b:s22+s21], $0x1880, $0x38;
	[tilespmem:$0x7400] =	vst v63  }
0x1f: {  	_ =	swait.ge [sflag:s9], $0x1880  }
0x20: {  	[sflag:s9] =	ssyncset.done $0x0  }
0x21: {  	[sflag:s9] =	ssyncadd.s32 $0xFFFFE780  }
0x22: {  	v3 =	vld [tilespmem:$0x0];
	_ =	sdelay $0x4  }
0x23: {  	v4 =	vshll.u32 v3, $0x1  }
0x24: {  	v3 =	vand.u32 $0x7, v3;
	v4 =	vand.u32 $0xFFFFFFF0, v4  }
0x25: {  	v3 =	vor.u32 v3, v4  }
0x26: {  	v4 =	vperm.xlane v3, v61;
	_ =	sdelay $0x1  }
0x27: {  	v3 =	vperm.xlane v3, v2;
	v4 =	vadd.s32 v1, v4;
	_ =	sdelay $0x1  }
0x28: {  	v3 =	vadd.s32 v1, v3;
	_ =	sdelay $0x2  }
0x29: {  	[tilespmem:s10], [sflag:$0x1] =	stream.indirect_vreg.gather [hbm4b:s5+s21], $0x80, v4, vm0, $0xb8;
	[tilespmem:$0x7400] =	vst v63  }
0x2a: {  	s23 =	simm.s32 $0x100;
	s22 =	simm.s32 $0x80  }
0x2b: {  	[tilespmem:s11], [sflag:$0x1] =	stream.indirect_vreg.gather [hbm4b:s5+s21], $0x80, v3, vm0, $0xb8;
	[tilespmem:$0x7400] =	vst v63  }
.LBB2_4:
0x2c: {  	v3 =	vld [tilespmem:s23+$0xFFFFFF80];
	_ =	sdelay $0x4  }
0x2d: {  	v4 =	vshll.u32 v3, $0x1  }
0x2e: {  	v3 =	vand.u32 $0x7, v3;
	v4 =	vand.u32 $0xFFFFFFF0, v4  }
0x2f: {  	v3 =	vor.u32 v3, v4  }
0x30: {  	v4 =	vperm.xlane v3, v61;
	_ =	sdelay $0x1  }
0x31: {  	v3 =	vperm.xlane v3, v2;
	v4 =	vadd.s32 v1, v4;
	_ =	sdelay $0x1  }
0x32: {  	v3 =	vadd.s32 v1, v3;
	_ =	sdelay $0x2  }
0x33: {  	[tilespmem:s12], [sflag:$0x2] =	stream.indirect_vreg.gather [hbm4b:s5+s2], $0x80, v4, vm0, $0xb8;
	[tilespmem:$0x7400] =	vst v63  }
0x34: {  	_ = 	snop  }
0x35: {  	[tilespmem:s13], [sflag:$0x2] =	stream.indirect_vreg.gather [hbm4b:s5+s2], $0x80, v3, vm0, $0xb8;
	[tilespmem:$0x7400] =	vst v63  }
0x36: {  	_ =	swait.ge [sflag:s14], $0x1000  }
0x37: {  	[sflag:s14] =	ssyncset.done $0x0  }
0x38: {  	[sflag:s14] =	ssyncadd.s32 $0xFFFFF000  }
0x39: {  	v3 =	vld [tilespmem:$0x1C00]  }
0x3a: {  	v23 =	vld [tilespmem:$0x1C80]  }
0x3b: {  	v5 =	vld [tilespmem:$0x1D00]  }
0x3c: {  	v6 =	vld [tilespmem:$0x1D80]  }
0x3d: {  	v7 =	vld [tilespmem:$0x1E00]  }
0x3e: {  	v8 =	vld [tilespmem:$0x1E80]  }
0x3f: {  	v9 =	vld [tilespmem:$0x1F00]  }
0x40: {  	v10 =	vld [tilespmem:$0x1F80]  }
0x41: {  	v11 =	vld [tilespmem:$0x2400]  }
0x42: {  	v12 =	vld [tilespmem:$0x2480]  }
0x43: {  	v13 =	vld [tilespmem:$0x2500]  }
0x44: {  	v14 =	vld [tilespmem:$0x2580]  }
0x45: {  	v15 =	vld [tilespmem:$0x2600]  }
0x46: {  	v16 =	vld [tilespmem:$0x2680]  }
0x47: {  	v17 =	vld [tilespmem:$0x2700]  }
0x48: {  	v18 =	vld [tilespmem:$0x2780];
	_ =	sdelay $0x2  }
0x49: {  	v3 =	vmax.f32 v3, v23;
	v24 =	vmax.f32 v5, v6;
	v25 =	vmax.f32 v7, v8  }
0x4a: {  	v26 =	vmax.f32 v9, v10;
	v27 =	vmax.f32 v11, v12;
	v28 =	vmax.f32 v13, v14  }
0x4b: {  	v29 =	vmax.f32 v15, v16;
	v30 =	vmax.f32 v17, v18;
	v3 =	vmax.f32 v3, v24  }
0x4c: {  	s24 =	sand.u32 $0x3800, s21;
	s25 =	sadd.s32 $0xFFFFFF80, s22;
	v31 =	vmax.f32 v25, v26;
	v32 =	vmax.f32 v27, v28;
	v33 =	vmax.f32 v29, v30  }
0x4d: {  	s25 =	sand.u32 $0x300, s25;
	s24 =	sadd.s32 $0x3C00, s24;
	v3 =	vmax.f32 v3, v31;
	v34 =	vmax.f32 v32, v33  }
0x4e: {  	s25 =	sor.u32 s25, s24;
	v3 =	vmax.f32 v3, v34  }
0x4f: {  	[tilespmem:s25+$0x0] =	vst v3  }
0x50: {  	v3 =	vld [tilespmem:$0x1C10]  }
0x51: {  	v35 =	vld [tilespmem:$0x1C90]  }
0x52: {  	v36 =	vld [tilespmem:$0x1D10]  }
0x53: {  	v37 =	vld [tilespmem:$0x1D90]  }
0x54: {  	v38 =	vld [tilespmem:$0x1E10]  }
0x55: {  	v39 =	vld [tilespmem:$0x1E90]  }
0x56: {  	v40 =	vld [tilespmem:$0x1F10]  }
0x57: {  	v41 =	vld [tilespmem:$0x1F90]  }
0x58: {  	v42 =	vld [tilespmem:$0x2410]  }
0x59: {  	v43 =	vld [tilespmem:$0x2490]  }
0x5a: {  	v44 =	vld [tilespmem:$0x2510]  }
0x5b: {  	v45 =	vld [tilespmem:$0x2590]  }
0x5c: {  	v46 =	vld [tilespmem:$0x2610]  }
0x5d: {  	v47 =	vld [tilespmem:$0x2690]  }
0x5e: {  	v48 =	vld [tilespmem:$0x2710]  }
0x5f: {  	v49 =	vld [tilespmem:$0x2790];
	_ =	sdelay $0x2  }
0x60: {  	v3 =	vmax.f32 v3, v35;
	v50 =	vmax.f32 v36, v37;
	v51 =	vmax.f32 v38, v39  }
0x61: {  	v52 =	vmax.f32 v40, v41;
	v53 =	vmax.f32 v42, v43;
	v54 =	vmax.f32 v44, v45  }
0x62: {  	v55 =	vmax.f32 v46, v47;
	v56 =	vmax.f32 v48, v49;
	v3 =	vmax.f32 v3, v50  }
0x63: {  	v57 =	vmax.f32 v51, v52;
	v58 =	vmax.f32 v53, v54;
	v59 =	vmax.f32 v55, v56  }
0x64: {  	v3 =	vmax.f32 v3, v57;
	v60 =	vmax.f32 v58, v59  }
0x65: {  	v3 =	vmax.f32 v3, v60  }
0x66: {  	[tilespmem:s25+$0x10] =	vst v3  }
0x67: {  	v3 =	vld [tilespmem:$0x1C20]  }
0x68: {  	v62 =	vld [tilespmem:$0x1CA0]  }
0x69: {  	v63 =	vld [tilespmem:$0x1D20]  }
0x6a: {  	v21 =	vld [tilespmem:$0x1DA0]  }
0x6b: {  	v22 =	vld [tilespmem:$0x1E20]  }
0x6c: {  	v23 =	vld [tilespmem:$0x1EA0]  }
0x6d: {  	v24 =	vld [tilespmem:$0x1F20]  }
0x6e: {  	v25 =	vld [tilespmem:$0x1FA0]  }
0x6f: {  	v26 =	vld [tilespmem:$0x2420]  }
0x70: {  	v27 =	vld [tilespmem:$0x24A0]  }
0x71: {  	v28 =	vld [tilespmem:$0x2520]  }
0x72: {  	v29 =	vld [tilespmem:$0x25A0]  }
0x73: {  	v30 =	vld [tilespmem:$0x2620]  }
0x74: {  	v31 =	vld [tilespmem:$0x26A0]  }
0x75: {  	v32 =	vld [tilespmem:$0x2720]  }
0x76: {  	v33 =	vld [tilespmem:$0x27A0];
	_ =	sdelay $0x2  }
0x77: {  	v3 =	vmax.f32 v3, v62;
	v34 =	vmax.f32 v63, v21;
	v35 =	vmax.f32 v22, v23  }
0x78: {  	v36 =	vmax.f32 v24, v25;
	v37 =	vmax.f32 v26, v27;
	v38 =	vmax.f32 v28, v29  }
0x79: {  	v39 =	vmax.f32 v30, v31;
	v40 =	vmax.f32 v32, v33;
	v3 =	vmax.f32 v3, v34  }
0x7a: {  	v41 =	vmax.f32 v35, v36;
	v42 =	vmax.f32 v37, v38;
	v43 =	vmax.f32 v39, v40  }
0x7b: {  	v3 =	vmax.f32 v3, v41;
	v44 =	vmax.f32 v42, v43  }
0x7c: {  	v3 =	vmax.f32 v3, v44  }
0x7d: {  	[tilespmem:s25+$0x20] =	vst v3  }
0x7e: {  	v3 =	vld [tilespmem:$0x1C30]  }
0x7f: {  	v45 =	vld [tilespmem:$0x1CB0]  }
0x80: {  	v46 =	vld [tilespmem:$0x1D30]  }
0x81: {  	v47 =	vld [tilespmem:$0x1DB0]  }
0x82: {  	v48 =	vld [tilespmem:$0x1E30]  }
0x83: {  	v49 =	vld [tilespmem:$0x1EB0]  }
0x84: {  	v50 =	vld [tilespmem:$0x1F30]  }
0x85: {  	v51 =	vld [tilespmem:$0x1FB0]  }
0x86: {  	v52 =	vld [tilespmem:$0x2430]  }
0x87: {  	v53 =	vld [tilespmem:$0x24B0]  }
0x88: {  	v54 =	vld [tilespmem:$0x2530]  }
0x89: {  	v55 =	vld [tilespmem:$0x25B0]  }
0x8a: {  	v56 =	vld [tilespmem:$0x2630]  }
0x8b: {  	v57 =	vld [tilespmem:$0x26B0]  }
0x8c: {  	v58 =	vld [tilespmem:$0x2730]  }
0x8d: {  	v59 =	vld [tilespmem:$0x27B0];
	_ =	sdelay $0x2  }
0x8e: {  	v3 =	vmax.f32 v3, v45;
	v60 =	vmax.f32 v46, v47;
	v62 =	vmax.f32 v48, v49  }
0x8f: {  	v63 =	vmax.f32 v50, v51;
	v12 =	vmax.f32 v52, v53;
	v14 =	vmax.f32 v54, v55  }
0x90: {  	v19 =	vmax.f32 v56, v57;
	v20 =	vmax.f32 v58, v59;
	v3 =	vmax.f32 v3, v60  }
0x91: {  	v21 =	vmax.f32 v62, v63;
	v22 =	vmax.f32 v12, v14;
	v23 =	vmax.f32 v19, v20  }
0x92: {  	v3 =	vmax.f32 v3, v21;
	v24 =	vmax.f32 v22, v23  }
0x93: {  	v3 =	vmax.f32 v3, v24  }
0x94: {  	[tilespmem:s25+$0x30] =	vst v3  }
0x95: {  	v3 =	vld [tilespmem:$0x1C40]  }
0x96: {  	v25 =	vld [tilespmem:$0x1CC0]  }
0x97: {  	v26 =	vld [tilespmem:$0x1D40]  }
0x98: {  	v27 =	vld [tilespmem:$0x1DC0]  }
0x99: {  	v28 =	vld [tilespmem:$0x1E40]  }
0x9a: {  	v29 =	vld [tilespmem:$0x1EC0]  }
0x9b: {  	v30 =	vld [tilespmem:$0x1F40]  }
0x9c: {  	v31 =	vld [tilespmem:$0x1FC0]  }
0x9d: {  	v32 =	vld [tilespmem:$0x2440]  }
0x9e: {  	v33 =	vld [tilespmem:$0x24C0]  }
0x9f: {  	v34 =	vld [tilespmem:$0x2540]  }
0xa0: {  	v35 =	vld [tilespmem:$0x25C0]  }
0xa1: {  	v36 =	vld [tilespmem:$0x2640]  }
0xa2: {  	v37 =	vld [tilespmem:$0x26C0]  }
0xa3: {  	v38 =	vld [tilespmem:$0x2740]  }
0xa4: {  	v39 =	vld [tilespmem:$0x27C0];
	_ =	sdelay $0x2  }
0xa5: {  	v3 =	vmax.f32 v3, v25;
	v40 =	vmax.f32 v26, v27;
	v41 =	vmax.f32 v28, v29  }
0xa6: {  	v42 =	vmax.f32 v30, v31;
	v43 =	vmax.f32 v32, v33;
	v44 =	vmax.f32 v34, v35  }
0xa7: {  	v45 =	vmax.f32 v36, v37;
	v46 =	vmax.f32 v38, v39;
	v3 =	vmax.f32 v3, v40  }
0xa8: {  	v47 =	vmax.f32 v41, v42;
	v48 =	vmax.f32 v43, v44;
	v49 =	vmax.f32 v45, v46  }
0xa9: {  	v3 =	vmax.f32 v3, v47;
	v50 =	vmax.f32 v48, v49  }
0xaa: {  	v3 =	vmax.f32 v3, v50  }
0xab: {  	[tilespmem:s25+$0x40] =	vst v3  }
0xac: {  	v3 =	vld [tilespmem:$0x1C50]  }
0xad: {  	v51 =	vld [tilespmem:$0x1CD0]  }
0xae: {  	v52 =	vld [tilespmem:$0x1D50]  }
0xaf: {  	v53 =	vld [tilespmem:$0x1DD0]  }
0xb0: {  	v54 =	vld [tilespmem:$0x1E50]  }
0xb1: {  	v55 =	vld [tilespmem:$0x1ED0]  }
0xb2: {  	v56 =	vld [tilespmem:$0x1F50]  }
0xb3: {  	v57 =	vld [tilespmem:$0x1FD0]  }
0xb4: {  	v58 =	vld [tilespmem:$0x2450]  }
0xb5: {  	v59 =	vld [tilespmem:$0x24D0]  }
0xb6: {  	v60 =	vld [tilespmem:$0x2550]  }
0xb7: {  	v62 =	vld [tilespmem:$0x25D0]  }
0xb8: {  	v63 =	vld [tilespmem:$0x2650]  }
0xb9: {  	v21 =	vld [tilespmem:$0x26D0]  }
0xba: {  	v22 =	vld [tilespmem:$0x2750]  }
0xbb: {  	v23 =	vld [tilespmem:$0x27D0];
	_ =	sdelay $0x2  }
0xbc: {  	v3 =	vmax.f32 v3, v51;
	v24 =	vmax.f32 v52, v53;
	v25 =	vmax.f32 v54, v55  }
0xbd: {  	v26 =	vmax.f32 v56, v57;
	v27 =	vmax.f32 v58, v59;
	v28 =	vmax.f32 v60, v62  }
0xbe: {  	v29 =	vmax.f32 v63, v21;
	v30 =	vmax.f32 v22, v23;
	v3 =	vmax.f32 v3, v24  }
0xbf: {  	v31 =	vmax.f32 v25, v26;
	v32 =	vmax.f32 v27, v28;
	v33 =	vmax.f32 v29, v30  }
0xc0: {  	v3 =	vmax.f32 v3, v31;
	v34 =	vmax.f32 v32, v33  }
0xc1: {  	v3 =	vmax.f32 v3, v34  }
0xc2: {  	[tilespmem:s25+$0x50] =	vst v3  }
0xc3: {  	v3 =	vld [tilespmem:$0x1C60]  }
0xc4: {  	v35 =	vld [tilespmem:$0x1CE0]  }
0xc5: {  	v36 =	vld [tilespmem:$0x1D60]  }
0xc6: {  	v37 =	vld [tilespmem:$0x1DE0]  }
0xc7: {  	v38 =	vld [tilespmem:$0x1E60]  }
0xc8: {  	v39 =	vld [tilespmem:$0x1EE0]  }
0xc9: {  	v40 =	vld [tilespmem:$0x1F60]  }
0xca: {  	v41 =	vld [tilespmem:$0x1FE0]  }
0xcb: {  	v42 =	vld [tilespmem:$0x2460]  }
0xcc: {  	v43 =	vld [tilespmem:$0x24E0]  }
0xcd: {  	v44 =	vld [tilespmem:$0x2560]  }
0xce: {  	v45 =	vld [tilespmem:$0x25E0]  }
0xcf: {  	v46 =	vld [tilespmem:$0x2660]  }
0xd0: {  	v47 =	vld [tilespmem:$0x26E0]  }
0xd1: {  	v48 =	vld [tilespmem:$0x2760]  }
0xd2: {  	v49 =	vld [tilespmem:$0x27E0];
	_ =	sdelay $0x2  }
0xd3: {  	v3 =	vmax.f32 v3, v35;
	v50 =	vmax.f32 v36, v37;
	v51 =	vmax.f32 v38, v39  }
0xd4: {  	v52 =	vmax.f32 v40, v41;
	v53 =	vmax.f32 v42, v43;
	v54 =	vmax.f32 v44, v45  }
0xd5: {  	v55 =	vmax.f32 v46, v47;
	v56 =	vmax.f32 v48, v49;
	v3 =	vmax.f32 v3, v50  }
0xd6: {  	v57 =	vmax.f32 v51, v52;
	v58 =	vmax.f32 v53, v54;
	v59 =	vmax.f32 v55, v56  }
0xd7: {  	v3 =	vmax.f32 v3, v57;
	v60 =	vmax.f32 v58, v59  }
0xd8: {  	v3 =	vmax.f32 v3, v60  }
0xd9: {  	[tilespmem:s25+$0x60] =	vst v3  }
0xda: {  	v3 =	vld [tilespmem:$0x1C70]  }
0xdb: {  	v62 =	vld [tilespmem:$0x1CF0]  }
0xdc: {  	v63 =	vld [tilespmem:$0x1D70]  }
0xdd: {  	v21 =	vld [tilespmem:$0x1DF0]  }
0xde: {  	v22 =	vld [tilespmem:$0x1E70]  }
0xdf: {  	v23 =	vld [tilespmem:$0x1EF0]  }
0xe0: {  	v24 =	vld [tilespmem:$0x1F70]  }
0xe1: {  	v25 =	vld [tilespmem:$0x1FF0]  }
0xe2: {  	v26 =	vld [tilespmem:$0x2470]  }
0xe3: {  	v27 =	vld [tilespmem:$0x24F0]  }
0xe4: {  	v28 =	vld [tilespmem:$0x2570]  }
0xe5: {  	v29 =	vld [tilespmem:$0x25F0]  }
0xe6: {  	v30 =	vld [tilespmem:$0x2670]  }
0xe7: {  	v31 =	vld [tilespmem:$0x26F0]  }
0xe8: {  	v32 =	vld [tilespmem:$0x2770]  }
0xe9: {  	v33 =	vld [tilespmem:$0x27F0];
	_ =	sdelay $0x2  }
0xea: {  	v3 =	vmax.f32 v3, v62;
	v34 =	vmax.f32 v63, v21;
	v35 =	vmax.f32 v22, v23  }
0xeb: {  	v36 =	vmax.f32 v24, v25;
	v37 =	vmax.f32 v26, v27;
	v38 =	vmax.f32 v28, v29  }
0xec: {  	v39 =	vmax.f32 v30, v31;
	v40 =	vmax.f32 v32, v33;
	v3 =	vmax.f32 v3, v34  }
0xed: {  	v41 =	vmax.f32 v35, v36;
	v42 =	vmax.f32 v37, v38;
	v43 =	vmax.f32 v39, v40  }
0xee: {  	v3 =	vmax.f32 v3, v41;
	v44 =	vmax.f32 v42, v43  }
0xef: {  	v3 =	vmax.f32 v3, v44  }
0xf0: {  	[tilespmem:s25+$0x70] =	vst v3  }
0xf1: {  	v3 =	vld [tilespmem:$0x2000]  }
0xf2: {  	v45 =	vld [tilespmem:$0x2080]  }
0xf3: {  	v46 =	vld [tilespmem:$0x2100]  }
0xf4: {  	v47 =	vld [tilespmem:$0x2180]  }
0xf5: {  	v48 =	vld [tilespmem:$0x2200]  }
0xf6: {  	v49 =	vld [tilespmem:$0x2280]  }
0xf7: {  	v50 =	vld [tilespmem:$0x2300]  }
0xf8: {  	v51 =	vld [tilespmem:$0x2380]  }
0xf9: {  	v52 =	vld [tilespmem:$0x2800]  }
0xfa: {  	v53 =	vld [tilespmem:$0x2880]  }
0xfb: {  	v54 =	vld [tilespmem:$0x2900]  }
0xfc: {  	v55 =	vld [tilespmem:$0x2980]  }
0xfd: {  	v56 =	vld [tilespmem:$0x2A00]  }
0xfe: {  	v57 =	vld [tilespmem:$0x2A80]  }
0xff: {  	v58 =	vld [tilespmem:$0x2B00]  }
0x100: {  	v59 =	vld [tilespmem:$0x2B80];
	_ =	sdelay $0x2  }
0x101: {  	v3 =	vmax.f32 v3, v45;
	v60 =	vmax.f32 v46, v47;
	v62 =	vmax.f32 v48, v49  }
0x102: {  	v63 =	vmax.f32 v50, v51;
	v12 =	vmax.f32 v52, v53;
	v14 =	vmax.f32 v54, v55  }
0x103: {  	v19 =	vmax.f32 v56, v57;
	v20 =	vmax.f32 v58, v59;
	v3 =	vmax.f32 v3, v60  }
0x104: {  	v21 =	vmax.f32 v62, v63;
	v22 =	vmax.f32 v12, v14;
	v23 =	vmax.f32 v19, v20  }
0x105: {  	v3 =	vmax.f32 v3, v21;
	v24 =	vmax.f32 v22, v23  }
0x106: {  	v3 =	vmax.f32 v3, v24  }
0x107: {  	[tilespmem:s25+$0x400] =	vst v3  }
0x108: {  	v3 =	vld [tilespmem:$0x2010]  }
0x109: {  	v25 =	vld [tilespmem:$0x2090]  }
0x10a: {  	v26 =	vld [tilespmem:$0x2110]  }
0x10b: {  	v27 =	vld [tilespmem:$0x2190]  }
0x10c: {  	v28 =	vld [tilespmem:$0x2210]  }
0x10d: {  	v29 =	vld [tilespmem:$0x2290]  }
0x10e: {  	v30 =	vld [tilespmem:$0x2310]  }
0x10f: {  	v31 =	vld [tilespmem:$0x2390]  }
0x110: {  	v32 =	vld [tilespmem:$0x2810]  }
0x111: {  	v33 =	vld [tilespmem:$0x2890]  }
0x112: {  	v34 =	vld [tilespmem:$0x2910]  }
0x113: {  	v35 =	vld [tilespmem:$0x2990]  }
0x114: {  	v36 =	vld [tilespmem:$0x2A10]  }
0x115: {  	v37 =	vld [tilespmem:$0x2A90]  }
0x116: {  	v38 =	vld [tilespmem:$0x2B10]  }
0x117: {  	v39 =	vld [tilespmem:$0x2B90];
	_ =	sdelay $0x2  }
0x118: {  	v3 =	vmax.f32 v3, v25;
	v40 =	vmax.f32 v26, v27;
	v41 =	vmax.f32 v28, v29  }
0x119: {  	v42 =	vmax.f32 v30, v31;
	v43 =	vmax.f32 v32, v33;
	v44 =	vmax.f32 v34, v35  }
0x11a: {  	v45 =	vmax.f32 v36, v37;
	v46 =	vmax.f32 v38, v39;
	v3 =	vmax.f32 v3, v40  }
0x11b: {  	v47 =	vmax.f32 v41, v42;
	v48 =	vmax.f32 v43, v44;
	v49 =	vmax.f32 v45, v46  }
0x11c: {  	v3 =	vmax.f32 v3, v47;
	v50 =	vmax.f32 v48, v49  }
0x11d: {  	v3 =	vmax.f32 v3, v50  }
0x11e: {  	[tilespmem:s25+$0x410] =	vst v3  }
0x11f: {  	v3 =	vld [tilespmem:$0x2020]  }
0x120: {  	v51 =	vld [tilespmem:$0x20A0]  }
0x121: {  	v52 =	vld [tilespmem:$0x2120]  }
0x122: {  	v53 =	vld [tilespmem:$0x21A0]  }
0x123: {  	v54 =	vld [tilespmem:$0x2220]  }
0x124: {  	v55 =	vld [tilespmem:$0x22A0]  }
0x125: {  	v56 =	vld [tilespmem:$0x2320]  }
0x126: {  	v57 =	vld [tilespmem:$0x23A0]  }
0x127: {  	v58 =	vld [tilespmem:$0x2820]  }
0x128: {  	v59 =	vld [tilespmem:$0x28A0]  }
0x129: {  	v60 =	vld [tilespmem:$0x2920]  }
0x12a: {  	v62 =	vld [tilespmem:$0x29A0]  }
0x12b: {  	v63 =	vld [tilespmem:$0x2A20]  }
0x12c: {  	v21 =	vld [tilespmem:$0x2AA0]  }
0x12d: {  	v22 =	vld [tilespmem:$0x2B20]  }
0x12e: {  	v23 =	vld [tilespmem:$0x2BA0];
	_ =	sdelay $0x2  }
0x12f: {  	v3 =	vmax.f32 v3, v51;
	v24 =	vmax.f32 v52, v53;
	v25 =	vmax.f32 v54, v55  }
0x130: {  	v26 =	vmax.f32 v56, v57;
	v27 =	vmax.f32 v58, v59;
	v28 =	vmax.f32 v60, v62  }
0x131: {  	v29 =	vmax.f32 v63, v21;
	v30 =	vmax.f32 v22, v23;
	v3 =	vmax.f32 v3, v24  }
0x132: {  	v31 =	vmax.f32 v25, v26;
	v32 =	vmax.f32 v27, v28;
	v33 =	vmax.f32 v29, v30  }
0x133: {  	v3 =	vmax.f32 v3, v31;
	v34 =	vmax.f32 v32, v33  }
0x134: {  	v3 =	vmax.f32 v3, v34  }
0x135: {  	[tilespmem:s25+$0x420] =	vst v3  }
0x136: {  	v3 =	vld [tilespmem:$0x2030]  }
0x137: {  	v35 =	vld [tilespmem:$0x20B0]  }
0x138: {  	v36 =	vld [tilespmem:$0x2130]  }
0x139: {  	v37 =	vld [tilespmem:$0x21B0]  }
0x13a: {  	v38 =	vld [tilespmem:$0x2230]  }
0x13b: {  	v39 =	vld [tilespmem:$0x22B0]  }
0x13c: {  	v40 =	vld [tilespmem:$0x2330]  }
0x13d: {  	v41 =	vld [tilespmem:$0x23B0]  }
0x13e: {  	v42 =	vld [tilespmem:$0x2830]  }
0x13f: {  	v43 =	vld [tilespmem:$0x28B0]  }
0x140: {  	v44 =	vld [tilespmem:$0x2930]  }
0x141: {  	v45 =	vld [tilespmem:$0x29B0]  }
0x142: {  	v46 =	vld [tilespmem:$0x2A30]  }
0x143: {  	v47 =	vld [tilespmem:$0x2AB0]  }
0x144: {  	v48 =	vld [tilespmem:$0x2B30]  }
0x145: {  	v49 =	vld [tilespmem:$0x2BB0];
	_ =	sdelay $0x2  }
0x146: {  	v3 =	vmax.f32 v3, v35;
	v50 =	vmax.f32 v36, v37;
	v51 =	vmax.f32 v38, v39  }
0x147: {  	v52 =	vmax.f32 v40, v41;
	v53 =	vmax.f32 v42, v43;
	v54 =	vmax.f32 v44, v45  }
0x148: {  	v55 =	vmax.f32 v46, v47;
	v56 =	vmax.f32 v48, v49;
	v3 =	vmax.f32 v3, v50  }
0x149: {  	v57 =	vmax.f32 v51, v52;
	v58 =	vmax.f32 v53, v54;
	v59 =	vmax.f32 v55, v56  }
0x14a: {  	v3 =	vmax.f32 v3, v57;
	v60 =	vmax.f32 v58, v59  }
0x14b: {  	v3 =	vmax.f32 v3, v60  }
0x14c: {  	[tilespmem:s25+$0x430] =	vst v3  }
0x14d: {  	v3 =	vld [tilespmem:$0x2040]  }
0x14e: {  	v62 =	vld [tilespmem:$0x20C0]  }
0x14f: {  	v63 =	vld [tilespmem:$0x2140]  }
0x150: {  	v21 =	vld [tilespmem:$0x21C0]  }
0x151: {  	v22 =	vld [tilespmem:$0x2240]  }
0x152: {  	v23 =	vld [tilespmem:$0x22C0]  }
0x153: {  	v24 =	vld [tilespmem:$0x2340]  }
0x154: {  	v25 =	vld [tilespmem:$0x23C0]  }
0x155: {  	v26 =	vld [tilespmem:$0x2840]  }
0x156: {  	v27 =	vld [tilespmem:$0x28C0]  }
0x157: {  	v28 =	vld [tilespmem:$0x2940]  }
0x158: {  	v29 =	vld [tilespmem:$0x29C0]  }
0x159: {  	v30 =	vld [tilespmem:$0x2A40]  }
0x15a: {  	v31 =	vld [tilespmem:$0x2AC0]  }
0x15b: {  	v32 =	vld [tilespmem:$0x2B40]  }
0x15c: {  	v33 =	vld [tilespmem:$0x2BC0];
	_ =	sdelay $0x2  }
0x15d: {  	v3 =	vmax.f32 v3, v62;
	v34 =	vmax.f32 v63, v21;
	v35 =	vmax.f32 v22, v23  }
0x15e: {  	v36 =	vmax.f32 v24, v25;
	v37 =	vmax.f32 v26, v27;
	v38 =	vmax.f32 v28, v29  }
0x15f: {  	v39 =	vmax.f32 v30, v31;
	v40 =	vmax.f32 v32, v33;
	v3 =	vmax.f32 v3, v34  }
0x160: {  	v41 =	vmax.f32 v35, v36;
	v42 =	vmax.f32 v37, v38;
	v43 =	vmax.f32 v39, v40  }
0x161: {  	v3 =	vmax.f32 v3, v41;
	v44 =	vmax.f32 v42, v43  }
0x162: {  	v3 =	vmax.f32 v3, v44  }
0x163: {  	[tilespmem:s25+$0x440] =	vst v3  }
0x164: {  	v3 =	vld [tilespmem:$0x2050]  }
0x165: {  	v45 =	vld [tilespmem:$0x20D0]  }
0x166: {  	v46 =	vld [tilespmem:$0x2150]  }
0x167: {  	v47 =	vld [tilespmem:$0x21D0]  }
0x168: {  	v48 =	vld [tilespmem:$0x2250]  }
0x169: {  	v49 =	vld [tilespmem:$0x22D0]  }
0x16a: {  	v50 =	vld [tilespmem:$0x2350]  }
0x16b: {  	v51 =	vld [tilespmem:$0x23D0]  }
0x16c: {  	v52 =	vld [tilespmem:$0x2850]  }
0x16d: {  	v53 =	vld [tilespmem:$0x28D0]  }
0x16e: {  	v54 =	vld [tilespmem:$0x2950]  }
0x16f: {  	v55 =	vld [tilespmem:$0x29D0]  }
0x170: {  	v56 =	vld [tilespmem:$0x2A50]  }
0x171: {  	v57 =	vld [tilespmem:$0x2AD0]  }
0x172: {  	v58 =	vld [tilespmem:$0x2B50]  }
0x173: {  	v59 =	vld [tilespmem:$0x2BD0];
	_ =	sdelay $0x2  }
0x174: {  	v3 =	vmax.f32 v3, v45;
	v60 =	vmax.f32 v46, v47;
	v62 =	vmax.f32 v48, v49  }
0x175: {  	v63 =	vmax.f32 v50, v51;
	v12 =	vmax.f32 v52, v53;
	v14 =	vmax.f32 v54, v55  }
0x176: {  	v16 =	vmax.f32 v56, v57;
	v19 =	vmax.f32 v58, v59;
	v3 =	vmax.f32 v3, v60  }
0x177: {  	v20 =	vmax.f32 v62, v63;
	v21 =	vmax.f32 v12, v14;
	v22 =	vmax.f32 v16, v19  }
0x178: {  	v3 =	vmax.f32 v3, v20;
	v23 =	vmax.f32 v21, v22  }
0x179: {  	v3 =	vmax.f32 v3, v23  }
0x17a: {  	[tilespmem:s25+$0x450] =	vst v3  }
0x17b: {  	v3 =	vld [tilespmem:$0x2060]  }
0x17c: {  	v24 =	vld [tilespmem:$0x20E0]  }
0x17d: {  	v25 =	vld [tilespmem:$0x2160]  }
0x17e: {  	v26 =	vld [tilespmem:$0x21E0]  }
0x17f: {  	v27 =	vld [tilespmem:$0x2260]  }
0x180: {  	v28 =	vld [tilespmem:$0x22E0]  }
0x181: {  	v29 =	vld [tilespmem:$0x2360]  }
0x182: {  	v30 =	vld [tilespmem:$0x23E0]  }
0x183: {  	v31 =	vld [tilespmem:$0x2860]  }
0x184: {  	v32 =	vld [tilespmem:$0x28E0]  }
0x185: {  	v33 =	vld [tilespmem:$0x2960]  }
0x186: {  	v34 =	vld [tilespmem:$0x29E0]  }
0x187: {  	v35 =	vld [tilespmem:$0x2A60]  }
0x188: {  	v36 =	vld [tilespmem:$0x2AE0]  }
0x189: {  	v37 =	vld [tilespmem:$0x2B60]  }
0x18a: {  	v38 =	vld [tilespmem:$0x2BE0];
	_ =	sdelay $0x2  }
0x18b: {  	v3 =	vmax.f32 v3, v24;
	v39 =	vmax.f32 v25, v26;
	v40 =	vmax.f32 v27, v28  }
0x18c: {  	v41 =	vmax.f32 v29, v30;
	v42 =	vmax.f32 v31, v32;
	v43 =	vmax.f32 v33, v34  }
0x18d: {  	v44 =	vmax.f32 v35, v36;
	v45 =	vmax.f32 v37, v38;
	v3 =	vmax.f32 v3, v39  }
0x18e: {  	v46 =	vmax.f32 v40, v41;
	v47 =	vmax.f32 v42, v43;
	v48 =	vmax.f32 v44, v45  }
0x18f: {  	v3 =	vmax.f32 v3, v46;
	v49 =	vmax.f32 v47, v48  }
0x190: {  	v3 =	vmax.f32 v3, v49  }
0x191: {  	[tilespmem:s25+$0x460] =	vst v3  }
0x192: {  	v3 =	vld [tilespmem:$0x2070]  }
0x193: {  	v50 =	vld [tilespmem:$0x20F0]  }
0x194: {  	v51 =	vld [tilespmem:$0x2170]  }
0x195: {  	v52 =	vld [tilespmem:$0x21F0]  }
0x196: {  	v53 =	vld [tilespmem:$0x2270]  }
0x197: {  	v54 =	vld [tilespmem:$0x22F0]  }
0x198: {  	v55 =	vld [tilespmem:$0x2370]  }
0x199: {  	v56 =	vld [tilespmem:$0x23F0]  }
0x19a: {  	v57 =	vld [tilespmem:$0x2870]  }
0x19b: {  	v58 =	vld [tilespmem:$0x28F0]  }
0x19c: {  	v59 =	vld [tilespmem:$0x2970]  }
0x19d: {  	v60 =	vld [tilespmem:$0x29F0]  }
0x19e: {  	v62 =	vld [tilespmem:$0x2A70]  }
0x19f: {  	v63 =	vld [tilespmem:$0x2AF0]  }
0x1a0: {  	v21 =	vld [tilespmem:$0x2B70]  }
0x1a1: {  	v22 =	vld [tilespmem:$0x2BF0];
	_ =	sdelay $0x2  }
0x1a2: {  	v3 =	vmax.f32 v3, v50;
	v23 =	vmax.f32 v51, v52;
	v24 =	vmax.f32 v53, v54  }
0x1a3: {  	v25 =	vmax.f32 v55, v56;
	v26 =	vmax.f32 v57, v58;
	v27 =	vmax.f32 v59, v60  }
0x1a4: {  	v28 =	vmax.f32 v62, v63;
	v29 =	vmax.f32 v21, v22;
	v3 =	vmax.f32 v3, v23  }
0x1a5: {  	v30 =	vmax.f32 v24, v25;
	v31 =	vmax.f32 v26, v27;
	v32 =	vmax.f32 v28, v29  }
0x1a6: {  	v3 =	vmax.f32 v3, v30;
	v33 =	vmax.f32 v31, v32  }
0x1a7: {  	v3 =	vmax.f32 v3, v33  }
0x1a8: {  	[tilespmem:s25+$0x470] =	vst v3  }
0x1a9: {  	v3 =	vld [tilespmem:s23+$0x0];
	_ =	sdelay $0x4  }
0x1aa: {  	v34 =	vshll.u32 v3, $0x1  }
0x1ab: {  	v3 =	vand.u32 $0x7, v3;
	v4 =	vand.u32 $0xFFFFFFF0, v34  }
0x1ac: {  	v3 =	vor.u32 v3, v4  }
0x1ad: {  	v4 =	vperm.xlane v3, v61;
	_ =	sdelay $0x1  }
0x1ae: {  	v3 =	vperm.xlane v3, v2;
	v4 =	vadd.s32 v1, v4;
	_ =	sdelay $0x1  }
0x1af: {  	v3 =	vadd.s32 v1, v3;
	_ =	sdelay $0x2  }
0x1b0: {  	[tilespmem:s10], [sflag:$0x1] =	stream.indirect_vreg.gather [hbm4b:s5+s2], $0x80, v4, vm0, $0xb8;
	[tilespmem:$0x7400] =	vst v63  }
0x1b1: {  	_ = 	snop  }
0x1b2: {  	[tilespmem:s11], [sflag:$0x1] =	stream.indirect_vreg.gather [hbm4b:s5+s2], $0x80, v3, vm0, $0xb8;
	[tilespmem:$0x7400] =	vst v63  }
0x1b3: {  	_ =	swait.ge [sflag:s15], $0x1000  }
0x1b4: {  	[sflag:s15] =	ssyncset.done $0x0  }
0x1b5: {  	[sflag:s15] =	ssyncadd.s32 $0xFFFFF000  }
0x1b6: {  	v3 =	vld [tilespmem:$0x2C00]  }
0x1b7: {  	v35 =	vld [tilespmem:$0x2C80]  }
0x1b8: {  	v36 =	vld [tilespmem:$0x2D00]  }
0x1b9: {  	v37 =	vld [tilespmem:$0x2D80]  }
0x1ba: {  	v38 =	vld [tilespmem:$0x2E00]  }
0x1bb: {  	v39 =	vld [tilespmem:$0x2E80]  }
0x1bc: {  	v40 =	vld [tilespmem:$0x2F00]  }
0x1bd: {  	v41 =	vld [tilespmem:$0x2F80]  }
0x1be: {  	v42 =	vld [tilespmem:$0x3400]  }
0x1bf: {  	v43 =	vld [tilespmem:$0x3480]  }
0x1c0: {  	v44 =	vld [tilespmem:$0x3500]  }
0x1c1: {  	v45 =	vld [tilespmem:$0x3580]  }
0x1c2: {  	v46 =	vld [tilespmem:$0x3600]  }
0x1c3: {  	v47 =	vld [tilespmem:$0x3680]  }
0x1c4: {  	v48 =	vld [tilespmem:$0x3700]  }
0x1c5: {  	v49 =	vld [tilespmem:$0x3780];
	_ =	sdelay $0x2  }
0x1c6: {  	v3 =	vmax.f32 v3, v35;
	v50 =	vmax.f32 v36, v37;
	v51 =	vmax.f32 v38, v39  }
0x1c7: {  	v52 =	vmax.f32 v40, v41;
	v53 =	vmax.f32 v42, v43;
	v54 =	vmax.f32 v44, v45  }
0x1c8: {  	v55 =	vmax.f32 v46, v47;
	v56 =	vmax.f32 v48, v49;
	v3 =	vmax.f32 v3, v50  }
0x1c9: {  	v57 =	vmax.f32 v51, v52;
	v58 =	vmax.f32 v53, v54;
	v59 =	vmax.f32 v55, v56  }
0x1ca: {  	s31 =	sand.u32 $0x380, s22;
	v3 =	vmax.f32 v3, v57;
	v60 =	vmax.f32 v58, v59  }
0x1cb: {  	s24 =	sor.u32 s31, s24;
	v3 =	vmax.f32 v3, v60  }
0x1cc: {  	[tilespmem:s24+$0x0] =	vst v3  }
0x1cd: {  	v3 =	vld [tilespmem:$0x2C10]  }
0x1ce: {  	v62 =	vld [tilespmem:$0x2C90]  }
0x1cf: {  	v63 =	vld [tilespmem:$0x2D10]  }
0x1d0: {  	v21 =	vld [tilespmem:$0x2D90]  }
0x1d1: {  	v22 =	vld [tilespmem:$0x2E10]  }
0x1d2: {  	v23 =	vld [tilespmem:$0x2E90]  }
0x1d3: {  	v24 =	vld [tilespmem:$0x2F10]  }
0x1d4: {  	v25 =	vld [tilespmem:$0x2F90]  }
0x1d5: {  	v26 =	vld [tilespmem:$0x3410]  }
0x1d6: {  	v27 =	vld [tilespmem:$0x3490]  }
0x1d7: {  	v28 =	vld [tilespmem:$0x3510]  }
0x1d8: {  	v29 =	vld [tilespmem:$0x3590]  }
0x1d9: {  	v30 =	vld [tilespmem:$0x3610]  }
0x1da: {  	v31 =	vld [tilespmem:$0x3690]  }
0x1db: {  	v32 =	vld [tilespmem:$0x3710]  }
0x1dc: {  	v33 =	vld [tilespmem:$0x3790];
	_ =	sdelay $0x2  }
0x1dd: {  	v3 =	vmax.f32 v3, v62;
	v34 =	vmax.f32 v63, v21;
	v35 =	vmax.f32 v22, v23  }
0x1de: {  	v36 =	vmax.f32 v24, v25;
	v37 =	vmax.f32 v26, v27;
	v38 =	vmax.f32 v28, v29  }
0x1df: {  	v39 =	vmax.f32 v30, v31;
	v40 =	vmax.f32 v32, v33;
	v3 =	vmax.f32 v3, v34  }
0x1e0: {  	v41 =	vmax.f32 v35, v36;
	v42 =	vmax.f32 v37, v38;
	v43 =	vmax.f32 v39, v40  }
0x1e1: {  	v3 =	vmax.f32 v3, v41;
	v44 =	vmax.f32 v42, v43  }
0x1e2: {  	v3 =	vmax.f32 v3, v44  }
0x1e3: {  	[tilespmem:s24+$0x10] =	vst v3  }
0x1e4: {  	v3 =	vld [tilespmem:$0x2C20]  }
0x1e5: {  	v45 =	vld [tilespmem:$0x2CA0]  }
0x1e6: {  	v46 =	vld [tilespmem:$0x2D20]  }
0x1e7: {  	v47 =	vld [tilespmem:$0x2DA0]  }
0x1e8: {  	v48 =	vld [tilespmem:$0x2E20]  }
0x1e9: {  	v49 =	vld [tilespmem:$0x2EA0]  }
0x1ea: {  	v50 =	vld [tilespmem:$0x2F20]  }
0x1eb: {  	v51 =	vld [tilespmem:$0x2FA0]  }
0x1ec: {  	v52 =	vld [tilespmem:$0x3420]  }
0x1ed: {  	v53 =	vld [tilespmem:$0x34A0]  }
0x1ee: {  	v54 =	vld [tilespmem:$0x3520]  }
0x1ef: {  	v55 =	vld [tilespmem:$0x35A0]  }
0x1f0: {  	v56 =	vld [tilespmem:$0x3620]  }
0x1f1: {  	v57 =	vld [tilespmem:$0x36A0]  }
0x1f2: {  	v58 =	vld [tilespmem:$0x3720]  }
0x1f3: {  	v59 =	vld [tilespmem:$0x37A0];
	_ =	sdelay $0x2  }
0x1f4: {  	v3 =	vmax.f32 v3, v45;
	v60 =	vmax.f32 v46, v47;
	v62 =	vmax.f32 v48, v49  }
0x1f5: {  	v63 =	vmax.f32 v50, v51;
	v12 =	vmax.f32 v52, v53;
	v14 =	vmax.f32 v54, v55  }
0x1f6: {  	v19 =	vmax.f32 v56, v57;
	v20 =	vmax.f32 v58, v59;
	v3 =	vmax.f32 v3, v60  }
0x1f7: {  	v21 =	vmax.f32 v62, v63;
	v22 =	vmax.f32 v12, v14;
	v23 =	vmax.f32 v19, v20  }
0x1f8: {  	v3 =	vmax.f32 v3, v21;
	v24 =	vmax.f32 v22, v23  }
0x1f9: {  	v3 =	vmax.f32 v3, v24  }
0x1fa: {  	[tilespmem:s24+$0x20] =	vst v3  }
0x1fb: {  	v3 =	vld [tilespmem:$0x2C30]  }
0x1fc: {  	v25 =	vld [tilespmem:$0x2CB0]  }
0x1fd: {  	v26 =	vld [tilespmem:$0x2D30]  }
0x1fe: {  	v27 =	vld [tilespmem:$0x2DB0]  }
0x1ff: {  	v28 =	vld [tilespmem:$0x2E30]  }
0x200: {  	v29 =	vld [tilespmem:$0x2EB0]  }
0x201: {  	v30 =	vld [tilespmem:$0x2F30]  }
0x202: {  	v31 =	vld [tilespmem:$0x2FB0]  }
0x203: {  	v32 =	vld [tilespmem:$0x3430]  }
0x204: {  	v33 =	vld [tilespmem:$0x34B0]  }
0x205: {  	v34 =	vld [tilespmem:$0x3530]  }
0x206: {  	v35 =	vld [tilespmem:$0x35B0]  }
0x207: {  	v36 =	vld [tilespmem:$0x3630]  }
0x208: {  	v37 =	vld [tilespmem:$0x36B0]  }
0x209: {  	v38 =	vld [tilespmem:$0x3730]  }
0x20a: {  	v39 =	vld [tilespmem:$0x37B0];
	_ =	sdelay $0x2  }
0x20b: {  	v3 =	vmax.f32 v3, v25;
	v40 =	vmax.f32 v26, v27;
	v41 =	vmax.f32 v28, v29  }
0x20c: {  	v42 =	vmax.f32 v30, v31;
	v43 =	vmax.f32 v32, v33;
	v44 =	vmax.f32 v34, v35  }
0x20d: {  	v45 =	vmax.f32 v36, v37;
	v46 =	vmax.f32 v38, v39;
	v3 =	vmax.f32 v3, v40  }
0x20e: {  	v47 =	vmax.f32 v41, v42;
	v48 =	vmax.f32 v43, v44;
	v49 =	vmax.f32 v45, v46  }
0x20f: {  	v3 =	vmax.f32 v3, v47;
	v50 =	vmax.f32 v48, v49  }
0x210: {  	v3 =	vmax.f32 v3, v50  }
0x211: {  	[tilespmem:s24+$0x30] =	vst v3  }
0x212: {  	v3 =	vld [tilespmem:$0x2C40]  }
0x213: {  	v51 =	vld [tilespmem:$0x2CC0]  }
0x214: {  	v52 =	vld [tilespmem:$0x2D40]  }
0x215: {  	v53 =	vld [tilespmem:$0x2DC0]  }
0x216: {  	v54 =	vld [tilespmem:$0x2E40]  }
0x217: {  	v55 =	vld [tilespmem:$0x2EC0]  }
0x218: {  	v56 =	vld [tilespmem:$0x2F40]  }
0x219: {  	v57 =	vld [tilespmem:$0x2FC0]  }
0x21a: {  	v58 =	vld [tilespmem:$0x3440]  }
0x21b: {  	v59 =	vld [tilespmem:$0x34C0]  }
0x21c: {  	v60 =	vld [tilespmem:$0x3540]  }
0x21d: {  	v62 =	vld [tilespmem:$0x35C0]  }
0x21e: {  	v63 =	vld [tilespmem:$0x3640]  }
0x21f: {  	v21 =	vld [tilespmem:$0x36C0]  }
0x220: {  	v22 =	vld [tilespmem:$0x3740]  }
0x221: {  	v23 =	vld [tilespmem:$0x37C0];
	_ =	sdelay $0x2  }
0x222: {  	v3 =	vmax.f32 v3, v51;
	v24 =	vmax.f32 v52, v53;
	v25 =	vmax.f32 v54, v55  }
0x223: {  	v26 =	vmax.f32 v56, v57;
	v27 =	vmax.f32 v58, v59;
	v28 =	vmax.f32 v60, v62  }
0x224: {  	v29 =	vmax.f32 v63, v21;
	v30 =	vmax.f32 v22, v23;
	v3 =	vmax.f32 v3, v24  }
0x225: {  	v31 =	vmax.f32 v25, v26;
	v32 =	vmax.f32 v27, v28;
	v33 =	vmax.f32 v29, v30  }
0x226: {  	v3 =	vmax.f32 v3, v31;
	v34 =	vmax.f32 v32, v33  }
0x227: {  	v3 =	vmax.f32 v3, v34  }
0x228: {  	[tilespmem:s24+$0x40] =	vst v3  }
0x229: {  	v3 =	vld [tilespmem:$0x2C50]  }
0x22a: {  	v35 =	vld [tilespmem:$0x2CD0]  }
0x22b: {  	v36 =	vld [tilespmem:$0x2D50]  }
0x22c: {  	v37 =	vld [tilespmem:$0x2DD0]  }
0x22d: {  	v38 =	vld [tilespmem:$0x2E50]  }
0x22e: {  	v39 =	vld [tilespmem:$0x2ED0]  }
0x22f: {  	v40 =	vld [tilespmem:$0x2F50]  }
0x230: {  	v41 =	vld [tilespmem:$0x2FD0]  }
0x231: {  	v42 =	vld [tilespmem:$0x3450]  }
0x232: {  	v43 =	vld [tilespmem:$0x34D0]  }
0x233: {  	v44 =	vld [tilespmem:$0x3550]  }
0x234: {  	v45 =	vld [tilespmem:$0x35D0]  }
0x235: {  	v46 =	vld [tilespmem:$0x3650]  }
0x236: {  	v47 =	vld [tilespmem:$0x36D0]  }
0x237: {  	v48 =	vld [tilespmem:$0x3750]  }
0x238: {  	v49 =	vld [tilespmem:$0x37D0];
	_ =	sdelay $0x2  }
0x239: {  	v3 =	vmax.f32 v3, v35;
	v50 =	vmax.f32 v36, v37;
	v51 =	vmax.f32 v38, v39  }
0x23a: {  	v52 =	vmax.f32 v40, v41;
	v53 =	vmax.f32 v42, v43;
	v54 =	vmax.f32 v44, v45  }
0x23b: {  	v55 =	vmax.f32 v46, v47;
	v56 =	vmax.f32 v48, v49;
	v3 =	vmax.f32 v3, v50  }
0x23c: {  	v57 =	vmax.f32 v51, v52;
	v58 =	vmax.f32 v53, v54;
	v59 =	vmax.f32 v55, v56  }
0x23d: {  	v3 =	vmax.f32 v3, v57;
	v60 =	vmax.f32 v58, v59  }
0x23e: {  	v3 =	vmax.f32 v3, v60  }
0x23f: {  	[tilespmem:s24+$0x50] =	vst v3  }
0x240: {  	v3 =	vld [tilespmem:$0x2C60]  }
0x241: {  	v62 =	vld [tilespmem:$0x2CE0]  }
0x242: {  	v63 =	vld [tilespmem:$0x2D60]  }
0x243: {  	v21 =	vld [tilespmem:$0x2DE0]  }
0x244: {  	v22 =	vld [tilespmem:$0x2E60]  }
0x245: {  	v23 =	vld [tilespmem:$0x2EE0]  }
0x246: {  	v24 =	vld [tilespmem:$0x2F60]  }
0x247: {  	v25 =	vld [tilespmem:$0x2FE0]  }
0x248: {  	v26 =	vld [tilespmem:$0x3460]  }
0x249: {  	v27 =	vld [tilespmem:$0x34E0]  }
0x24a: {  	v28 =	vld [tilespmem:$0x3560]  }
0x24b: {  	v29 =	vld [tilespmem:$0x35E0]  }
0x24c: {  	v30 =	vld [tilespmem:$0x3660]  }
0x24d: {  	v31 =	vld [tilespmem:$0x36E0]  }
0x24e: {  	v32 =	vld [tilespmem:$0x3760]  }
0x24f: {  	v33 =	vld [tilespmem:$0x37E0];
	_ =	sdelay $0x2  }
0x250: {  	v3 =	vmax.f32 v3, v62;
	v34 =	vmax.f32 v63, v21;
	v35 =	vmax.f32 v22, v23  }
0x251: {  	v36 =	vmax.f32 v24, v25;
	v37 =	vmax.f32 v26, v27;
	v38 =	vmax.f32 v28, v29  }
0x252: {  	v39 =	vmax.f32 v30, v31;
	v40 =	vmax.f32 v32, v33;
	v3 =	vmax.f32 v3, v34  }
0x253: {  	v41 =	vmax.f32 v35, v36;
	v42 =	vmax.f32 v37, v38;
	v43 =	vmax.f32 v39, v40  }
0x254: {  	v3 =	vmax.f32 v3, v41;
	v44 =	vmax.f32 v42, v43  }
0x255: {  	v3 =	vmax.f32 v3, v44  }
0x256: {  	[tilespmem:s24+$0x60] =	vst v3  }
0x257: {  	v3 =	vld [tilespmem:$0x2C70]  }
0x258: {  	v45 =	vld [tilespmem:$0x2CF0]  }
0x259: {  	v46 =	vld [tilespmem:$0x2D70]  }
0x25a: {  	v47 =	vld [tilespmem:$0x2DF0]  }
0x25b: {  	v48 =	vld [tilespmem:$0x2E70]  }
0x25c: {  	v49 =	vld [tilespmem:$0x2EF0]  }
0x25d: {  	v50 =	vld [tilespmem:$0x2F70]  }
0x25e: {  	v51 =	vld [tilespmem:$0x2FF0]  }
0x25f: {  	v52 =	vld [tilespmem:$0x3470]  }
0x260: {  	v53 =	vld [tilespmem:$0x34F0]  }
0x261: {  	v54 =	vld [tilespmem:$0x3570]  }
0x262: {  	v55 =	vld [tilespmem:$0x35F0]  }
0x263: {  	v56 =	vld [tilespmem:$0x3670]  }
0x264: {  	v57 =	vld [tilespmem:$0x36F0]  }
0x265: {  	v58 =	vld [tilespmem:$0x3770]  }
0x266: {  	v59 =	vld [tilespmem:$0x37F0];
	_ =	sdelay $0x2  }
0x267: {  	v3 =	vmax.f32 v3, v45;
	v60 =	vmax.f32 v46, v47;
	v62 =	vmax.f32 v48, v49  }
0x268: {  	v63 =	vmax.f32 v50, v51;
	v12 =	vmax.f32 v52, v53;
	v14 =	vmax.f32 v54, v55  }
0x269: {  	v19 =	vmax.f32 v56, v57;
	v20 =	vmax.f32 v58, v59;
	v3 =	vmax.f32 v3, v60  }
0x26a: {  	v21 =	vmax.f32 v62, v63;
	v22 =	vmax.f32 v12, v14;
	v23 =	vmax.f32 v19, v20  }
0x26b: {  	v3 =	vmax.f32 v3, v21;
	v24 =	vmax.f32 v22, v23  }
0x26c: {  	v3 =	vmax.f32 v3, v24  }
0x26d: {  	[tilespmem:s24+$0x70] =	vst v3  }
0x26e: {  	v3 =	vld [tilespmem:$0x3000]  }
0x26f: {  	v25 =	vld [tilespmem:$0x3080]  }
0x270: {  	v26 =	vld [tilespmem:$0x3100]  }
0x271: {  	v27 =	vld [tilespmem:$0x3180]  }
0x272: {  	v28 =	vld [tilespmem:$0x3200]  }
0x273: {  	v29 =	vld [tilespmem:$0x3280]  }
0x274: {  	v30 =	vld [tilespmem:$0x3300]  }
0x275: {  	v31 =	vld [tilespmem:$0x3380]  }
0x276: {  	v32 =	vld [tilespmem:$0x3800]  }
0x277: {  	v33 =	vld [tilespmem:$0x3880]  }
0x278: {  	v34 =	vld [tilespmem:$0x3900]  }
0x279: {  	v35 =	vld [tilespmem:$0x3980]  }
0x27a: {  	v36 =	vld [tilespmem:$0x3A00]  }
0x27b: {  	v37 =	vld [tilespmem:$0x3A80]  }
0x27c: {  	v38 =	vld [tilespmem:$0x3B00]  }
0x27d: {  	v39 =	vld [tilespmem:$0x3B80];
	_ =	sdelay $0x2  }
0x27e: {  	v3 =	vmax.f32 v3, v25;
	v40 =	vmax.f32 v26, v27;
	v41 =	vmax.f32 v28, v29  }
0x27f: {  	v42 =	vmax.f32 v30, v31;
	v43 =	vmax.f32 v32, v33;
	v44 =	vmax.f32 v34, v35  }
0x280: {  	v45 =	vmax.f32 v36, v37;
	v46 =	vmax.f32 v38, v39;
	v3 =	vmax.f32 v3, v40  }
0x281: {  	v47 =	vmax.f32 v41, v42;
	v48 =	vmax.f32 v43, v44;
	v49 =	vmax.f32 v45, v46  }
0x282: {  	v3 =	vmax.f32 v3, v47;
	v50 =	vmax.f32 v48, v49  }
0x283: {  	v3 =	vmax.f32 v3, v50  }
0x284: {  	[tilespmem:s24+$0x400] =	vst v3  }
0x285: {  	v3 =	vld [tilespmem:$0x3010]  }
0x286: {  	v51 =	vld [tilespmem:$0x3090]  }
0x287: {  	v52 =	vld [tilespmem:$0x3110]  }
0x288: {  	v53 =	vld [tilespmem:$0x3190]  }
0x289: {  	v54 =	vld [tilespmem:$0x3210]  }
0x28a: {  	v55 =	vld [tilespmem:$0x3290]  }
0x28b: {  	v56 =	vld [tilespmem:$0x3310]  }
0x28c: {  	v57 =	vld [tilespmem:$0x3390]  }
0x28d: {  	v58 =	vld [tilespmem:$0x3810]  }
0x28e: {  	v59 =	vld [tilespmem:$0x3890]  }
0x28f: {  	v60 =	vld [tilespmem:$0x3910]  }
0x290: {  	v62 =	vld [tilespmem:$0x3990]  }
0x291: {  	v63 =	vld [tilespmem:$0x3A10]  }
0x292: {  	v21 =	vld [tilespmem:$0x3A90]  }
0x293: {  	v22 =	vld [tilespmem:$0x3B10]  }
0x294: {  	v23 =	vld [tilespmem:$0x3B90];
	_ =	sdelay $0x2  }
0x295: {  	v3 =	vmax.f32 v3, v51;
	v24 =	vmax.f32 v52, v53;
	v25 =	vmax.f32 v54, v55  }
0x296: {  	v26 =	vmax.f32 v56, v57;
	v27 =	vmax.f32 v58, v59;
	v28 =	vmax.f32 v60, v62  }
0x297: {  	v29 =	vmax.f32 v63, v21;
	v30 =	vmax.f32 v22, v23;
	v3 =	vmax.f32 v3, v24  }
0x298: {  	v31 =	vmax.f32 v25, v26;
	v32 =	vmax.f32 v27, v28;
	v33 =	vmax.f32 v29, v30  }
0x299: {  	v3 =	vmax.f32 v3, v31;
	v34 =	vmax.f32 v32, v33  }
0x29a: {  	v3 =	vmax.f32 v3, v34  }
0x29b: {  	[tilespmem:s24+$0x410] =	vst v3  }
0x29c: {  	v3 =	vld [tilespmem:$0x3020]  }
0x29d: {  	v35 =	vld [tilespmem:$0x30A0]  }
0x29e: {  	v36 =	vld [tilespmem:$0x3120]  }
0x29f: {  	v37 =	vld [tilespmem:$0x31A0]  }
0x2a0: {  	v38 =	vld [tilespmem:$0x3220]  }
0x2a1: {  	v39 =	vld [tilespmem:$0x32A0]  }
0x2a2: {  	v40 =	vld [tilespmem:$0x3320]  }
0x2a3: {  	v41 =	vld [tilespmem:$0x33A0]  }
0x2a4: {  	v42 =	vld [tilespmem:$0x3820]  }
0x2a5: {  	v43 =	vld [tilespmem:$0x38A0]  }
0x2a6: {  	v44 =	vld [tilespmem:$0x3920]  }
0x2a7: {  	v45 =	vld [tilespmem:$0x39A0]  }
0x2a8: {  	v46 =	vld [tilespmem:$0x3A20]  }
0x2a9: {  	v47 =	vld [tilespmem:$0x3AA0]  }
0x2aa: {  	v48 =	vld [tilespmem:$0x3B20]  }
0x2ab: {  	v49 =	vld [tilespmem:$0x3BA0];
	_ =	sdelay $0x2  }
0x2ac: {  	v3 =	vmax.f32 v3, v35;
	v50 =	vmax.f32 v36, v37;
	v51 =	vmax.f32 v38, v39  }
0x2ad: {  	v52 =	vmax.f32 v40, v41;
	v53 =	vmax.f32 v42, v43;
	v54 =	vmax.f32 v44, v45  }
0x2ae: {  	v55 =	vmax.f32 v46, v47;
	v56 =	vmax.f32 v48, v49;
	v3 =	vmax.f32 v3, v50  }
0x2af: {  	v57 =	vmax.f32 v51, v52;
	v58 =	vmax.f32 v53, v54;
	v59 =	vmax.f32 v55, v56  }
0x2b0: {  	v3 =	vmax.f32 v3, v57;
	v60 =	vmax.f32 v58, v59  }
0x2b1: {  	v3 =	vmax.f32 v3, v60  }
0x2b2: {  	[tilespmem:s24+$0x420] =	vst v3  }
0x2b3: {  	v3 =	vld [tilespmem:$0x3030]  }
0x2b4: {  	v62 =	vld [tilespmem:$0x30B0]  }
0x2b5: {  	v63 =	vld [tilespmem:$0x3130]  }
0x2b6: {  	v21 =	vld [tilespmem:$0x31B0]  }
0x2b7: {  	v22 =	vld [tilespmem:$0x3230]  }
0x2b8: {  	v23 =	vld [tilespmem:$0x32B0]  }
0x2b9: {  	v24 =	vld [tilespmem:$0x3330]  }
0x2ba: {  	v25 =	vld [tilespmem:$0x33B0]  }
0x2bb: {  	v26 =	vld [tilespmem:$0x3830]  }
0x2bc: {  	v27 =	vld [tilespmem:$0x38B0]  }
0x2bd: {  	v28 =	vld [tilespmem:$0x3930]  }
0x2be: {  	v29 =	vld [tilespmem:$0x39B0]  }
0x2bf: {  	v30 =	vld [tilespmem:$0x3A30]  }
0x2c0: {  	v31 =	vld [tilespmem:$0x3AB0]  }
0x2c1: {  	v32 =	vld [tilespmem:$0x3B30]  }
0x2c2: {  	v33 =	vld [tilespmem:$0x3BB0];
	_ =	sdelay $0x2  }
0x2c3: {  	v3 =	vmax.f32 v3, v62;
	v34 =	vmax.f32 v63, v21;
	v35 =	vmax.f32 v22, v23  }
0x2c4: {  	v36 =	vmax.f32 v24, v25;
	v37 =	vmax.f32 v26, v27;
	v38 =	vmax.f32 v28, v29  }
0x2c5: {  	v39 =	vmax.f32 v30, v31;
	v40 =	vmax.f32 v32, v33;
	v3 =	vmax.f32 v3, v34  }
0x2c6: {  	v41 =	vmax.f32 v35, v36;
	v42 =	vmax.f32 v37, v38;
	v43 =	vmax.f32 v39, v40  }
0x2c7: {  	v3 =	vmax.f32 v3, v41;
	v44 =	vmax.f32 v42, v43  }
0x2c8: {  	v3 =	vmax.f32 v3, v44  }
0x2c9: {  	[tilespmem:s24+$0x430] =	vst v3  }
0x2ca: {  	v3 =	vld [tilespmem:$0x3040]  }
0x2cb: {  	v45 =	vld [tilespmem:$0x30C0]  }
0x2cc: {  	v46 =	vld [tilespmem:$0x3140]  }
0x2cd: {  	v47 =	vld [tilespmem:$0x31C0]  }
0x2ce: {  	v48 =	vld [tilespmem:$0x3240]  }
0x2cf: {  	v49 =	vld [tilespmem:$0x32C0]  }
0x2d0: {  	v50 =	vld [tilespmem:$0x3340]  }
0x2d1: {  	v51 =	vld [tilespmem:$0x33C0]  }
0x2d2: {  	v52 =	vld [tilespmem:$0x3840]  }
0x2d3: {  	v53 =	vld [tilespmem:$0x38C0]  }
0x2d4: {  	v54 =	vld [tilespmem:$0x3940]  }
0x2d5: {  	v55 =	vld [tilespmem:$0x39C0]  }
0x2d6: {  	v56 =	vld [tilespmem:$0x3A40]  }
0x2d7: {  	v57 =	vld [tilespmem:$0x3AC0]  }
0x2d8: {  	v58 =	vld [tilespmem:$0x3B40]  }
0x2d9: {  	v59 =	vld [tilespmem:$0x3BC0];
	_ =	sdelay $0x2  }
0x2da: {  	v3 =	vmax.f32 v3, v45;
	v60 =	vmax.f32 v46, v47;
	v62 =	vmax.f32 v48, v49  }
0x2db: {  	v63 =	vmax.f32 v50, v51;
	v19 =	vmax.f32 v52, v53;
	v20 =	vmax.f32 v54, v55  }
0x2dc: {  	v21 =	vmax.f32 v56, v57;
	v22 =	vmax.f32 v58, v59;
	v3 =	vmax.f32 v3, v60  }
0x2dd: {  	v23 =	vmax.f32 v62, v63;
	v24 =	vmax.f32 v19, v20;
	v25 =	vmax.f32 v21, v22  }
0x2de: {  	v3 =	vmax.f32 v3, v23;
	v26 =	vmax.f32 v24, v25  }
0x2df: {  	v3 =	vmax.f32 v3, v26  }
0x2e0: {  	[tilespmem:s24+$0x440] =	vst v3  }
0x2e1: {  	v3 =	vld [tilespmem:$0x3050]  }
0x2e2: {  	v27 =	vld [tilespmem:$0x30D0]  }
0x2e3: {  	v28 =	vld [tilespmem:$0x3150]  }
0x2e4: {  	v29 =	vld [tilespmem:$0x31D0]  }
0x2e5: {  	v30 =	vld [tilespmem:$0x3250]  }
0x2e6: {  	v31 =	vld [tilespmem:$0x32D0]  }
0x2e7: {  	v32 =	vld [tilespmem:$0x3350]  }
0x2e8: {  	v33 =	vld [tilespmem:$0x33D0]  }
0x2e9: {  	v34 =	vld [tilespmem:$0x3850]  }
0x2ea: {  	v35 =	vld [tilespmem:$0x38D0]  }
0x2eb: {  	v36 =	vld [tilespmem:$0x3950]  }
0x2ec: {  	v37 =	vld [tilespmem:$0x39D0]  }
0x2ed: {  	v38 =	vld [tilespmem:$0x3A50]  }
0x2ee: {  	v39 =	vld [tilespmem:$0x3AD0]  }
0x2ef: {  	v40 =	vld [tilespmem:$0x3B50]  }
0x2f0: {  	v41 =	vld [tilespmem:$0x3BD0];
	_ =	sdelay $0x2  }
0x2f1: {  	v3 =	vmax.f32 v3, v27;
	v42 =	vmax.f32 v28, v29;
	v43 =	vmax.f32 v30, v31  }
0x2f2: {  	v44 =	vmax.f32 v32, v33;
	v45 =	vmax.f32 v34, v35;
	v46 =	vmax.f32 v36, v37  }
0x2f3: {  	v47 =	vmax.f32 v38, v39;
	v48 =	vmax.f32 v40, v41;
	v3 =	vmax.f32 v3, v42  }
0x2f4: {  	v49 =	vmax.f32 v43, v44;
	v50 =	vmax.f32 v45, v46;
	v51 =	vmax.f32 v47, v48  }
0x2f5: {  	v3 =	vmax.f32 v3, v49;
	v52 =	vmax.f32 v50, v51  }
0x2f6: {  	v3 =	vmax.f32 v3, v52  }
0x2f7: {  	[tilespmem:s24+$0x450] =	vst v3  }
0x2f8: {  	v3 =	vld [tilespmem:$0x3060]  }
0x2f9: {  	v53 =	vld [tilespmem:$0x30E0]  }
0x2fa: {  	v54 =	vld [tilespmem:$0x3160]  }
0x2fb: {  	v55 =	vld [tilespmem:$0x31E0]  }
0x2fc: {  	v56 =	vld [tilespmem:$0x3260]  }
0x2fd: {  	v57 =	vld [tilespmem:$0x32E0]  }
0x2fe: {  	v58 =	vld [tilespmem:$0x3360]  }
0x2ff: {  	v59 =	vld [tilespmem:$0x33E0]  }
0x300: {  	v60 =	vld [tilespmem:$0x3860]  }
0x301: {  	v62 =	vld [tilespmem:$0x38E0]  }
0x302: {  	v63 =	vld [tilespmem:$0x3960]  }
0x303: {  	v21 =	vld [tilespmem:$0x39E0]  }
0x304: {  	v22 =	vld [tilespmem:$0x3A60]  }
0x305: {  	v23 =	vld [tilespmem:$0x3AE0]  }
0x306: {  	v24 =	vld [tilespmem:$0x3B60]  }
0x307: {  	v25 =	vld [tilespmem:$0x3BE0];
	_ =	sdelay $0x2  }
0x308: {  	v3 =	vmax.f32 v3, v53;
	v26 =	vmax.f32 v54, v55;
	v27 =	vmax.f32 v56, v57  }
0x309: {  	v28 =	vmax.f32 v58, v59;
	v29 =	vmax.f32 v60, v62;
	v30 =	vmax.f32 v63, v21  }
0x30a: {  	v31 =	vmax.f32 v22, v23;
	v32 =	vmax.f32 v24, v25;
	v3 =	vmax.f32 v3, v26  }
0x30b: {  	v33 =	vmax.f32 v27, v28;
	v34 =	vmax.f32 v29, v30;
	v35 =	vmax.f32 v31, v32  }
0x30c: {  	v3 =	vmax.f32 v3, v33;
	v36 =	vmax.f32 v34, v35  }
0x30d: {  	v3 =	vmax.f32 v3, v36  }
0x30e: {  	[tilespmem:s24+$0x460] =	vst v3  }
0x30f: {  	v3 =	vld [tilespmem:$0x3070]  }
0x310: {  	v37 =	vld [tilespmem:$0x30F0]  }
0x311: {  	v38 =	vld [tilespmem:$0x3170]  }
0x312: {  	v39 =	vld [tilespmem:$0x31F0]  }
0x313: {  	v40 =	vld [tilespmem:$0x3270]  }
0x314: {  	v41 =	vld [tilespmem:$0x32F0]  }
0x315: {  	v42 =	vld [tilespmem:$0x3370]  }
0x316: {  	v43 =	vld [tilespmem:$0x33F0]  }
0x317: {  	v44 =	vld [tilespmem:$0x3870]  }
0x318: {  	v45 =	vld [tilespmem:$0x38F0]  }
0x319: {  	v46 =	vld [tilespmem:$0x3970]  }
0x31a: {  	v47 =	vld [tilespmem:$0x39F0]  }
0x31b: {  	v48 =	vld [tilespmem:$0x3A70]  }
0x31c: {  	v49 =	vld [tilespmem:$0x3AF0]  }
0x31d: {  	v50 =	vld [tilespmem:$0x3B70]  }
0x31e: {  	v51 =	vld [tilespmem:$0x3BF0];
	_ =	sdelay $0x2  }
0x31f: {  	v3 =	vmax.f32 v3, v37;
	v52 =	vmax.f32 v38, v39;
	v53 =	vmax.f32 v40, v41  }
0x320: {  	p0 =	sne.s32 s22, $0x1780;
	v54 =	vmax.f32 v42, v43;
	v55 =	vmax.f32 v44, v45;
	v56 =	vmax.f32 v46, v47  }
.Ltmp5:
0x321: {  	v57 =	vmax.f32 v48, v49;
	v58 =	vmax.f32 v50, v51;
	v3 =	vmax.f32 v3, v52;
	(pc) =	sbr.rel @p0 .LBB2_4-.Ltmp5, $4  }
0x322: {  	v59 =	vmax.f32 v53, v54;
	v60 =	vmax.f32 v55, v56;
	v62 =	vmax.f32 v57, v58  }
0x323: {  	v3 =	vmax.f32 v3, v59;
	v63 =	vmax.f32 v60, v62  }
0x324: {  	v3 =	vmax.f32 v3, v63  }
0x325: {  	s21 =	sadd.s32 $0x200, s21;
	s22 =	sadd.s32 $0x100, s22;
	s23 =	sadd.s32 $0x100, s23;
	[tilespmem:s24+$0x470] =	vst v3  }
0x326: {  	_ =	swait.ge [sflag:s14], $0x1000  }
0x327: {  	[sflag:s14] =	ssyncset.done $0x0  }
0x328: {  	[sflag:s14] =	ssyncadd.s32 $0xFFFFF000  }
0x329: {  	v27 =	vld [tilespmem:$0x1C00]  }
0x32a: {  	v23 =	vld [tilespmem:$0x1C80]  }
0x32b: {  	v24 =	vld [tilespmem:$0x1D00]  }
0x32c: {  	v15 =	vld [tilespmem:$0x1D80]  }
0x32d: {  	v16 =	vld [tilespmem:$0x1E00]  }
0x32e: {  	v11 =	vld [tilespmem:$0x1E80]  }
0x32f: {  	v17 =	vld [tilespmem:$0x1F00]  }
0x330: {  	v12 =	vld [tilespmem:$0x1F80]  }
0x331: {  	v13 =	vld [tilespmem:$0x2400]  }
0x332: {  	v9 =	vld [tilespmem:$0x2480]  }
0x333: {  	v7 =	vld [tilespmem:$0x2500]  }
0x334: {  	v6 =	vld [tilespmem:$0x2580]  }
0x335: {  	v8 =	vld [tilespmem:$0x2600]  }
0x336: {  	v4 =	vld [tilespmem:$0x2680]  }
0x337: {  	v5 =	vld [tilespmem:$0x2700]  }
0x338: {  	v3 =	vld [tilespmem:$0x2780]  }
0x339: {  	v40 =	vld [tilespmem:$0x1C10]  }
0x33a: {  	v0 =	vld [tilespmem:$0x1C90]  }
0x33b: {  	v35 =	vld [tilespmem:$0x1D10]  }
0x33c: {  	v31 =	vld [tilespmem:$0x1D90]  }
0x33d: {  	v32 =	vld [tilespmem:$0x1E10]  }
0x33e: {  	v28 =	vld [tilespmem:$0x1E90]  }
0x33f: {  	v29 =	vld [tilespmem:$0x1F10]  }
0x340: {  	v25 =	vld [tilespmem:$0x1F90]  }
0x341: {  	v26 =	vld [tilespmem:$0x2410]  }
0x342: {  	v20 =	vld [tilespmem:$0x2490]  }
0x343: {  	v21 =	vld [tilespmem:$0x2510]  }
0x344: {  	v18 =	vld [tilespmem:$0x2590]  }
0x345: {  	v22 =	vld [tilespmem:$0x2610]  }
0x346: {  	v19 =	vld [tilespmem:$0x2690]  }
0x347: {  	v14 =	vld [tilespmem:$0x2710]  }
0x348: {  	v10 =	vld [tilespmem:$0x2790]  }
0x349: {  	v56 =	vld [tilespmem:$0x1C20]  }
0x34a: {  	v52 =	vld [tilespmem:$0x1CA0]  }
0x34b: {  	v42 =	vld [tilespmem:$0x1D20]  }
0x34c: {  	v44 =	vld [tilespmem:$0x1DA0]  }
0x34d: {  	v45 =	vld [tilespmem:$0x1E20]  }
0x34e: {  	v43 =	vld [tilespmem:$0x1EA0]  }
0x34f: {  	v46 =	vld [tilespmem:$0x1F20]  }
0x350: {  	v41 =	vld [tilespmem:$0x1FA0]  }
0x351: {  	v51 =	vld [tilespmem:$0x2420]  }
0x352: {  	v38 =	vld [tilespmem:$0x24A0]  }
0x353: {  	v39 =	vld [tilespmem:$0x2520]  }
0x354: {  	v47 =	vld [tilespmem:$0x1C30]  }
0x355: {  	v58 =	vld [tilespmem:$0x1CB0]  }
0x356: {  	v59 =	vld [tilespmem:$0x1D30]  }
0x357: {  	v36 =	vld [tilespmem:$0x25A0]  }
0x358: {  	v37 =	vld [tilespmem:$0x2620]  }
0x359: {  	v33 =	vld [tilespmem:$0x26A0];
	[tilespmem:$0x1F750] =	vst v47  }
0x35a: {  	v34 =	vld [tilespmem:$0x2720];
	[tilespmem:$0x1F760] =	vst v58  }
0x35b: {  	v30 =	vld [tilespmem:$0x27A0];
	[tilespmem:$0x1F770] =	vst v59  }
0x35c: {  	v55 =	vld [tilespmem:$0x1C40];
	_ =	sdelay $0x4  }
0x35d: {  	[tilespmem:$0x1F7A0] =	vst v55;
	v55 =	vld [tilespmem:$0x1C50];
	_ =	sdelay $0x4  }
0x35e: {  	[tilespmem:$0x1F890] =	vst v55;
	v55 =	vld [tilespmem:$0x1CD0];
	_ =	sdelay $0x4  }
0x35f: {  	[tilespmem:$0x1F8A0] =	vst v55;
	v55 =	vld [tilespmem:$0x1D50];
	_ =	sdelay $0x4  }
0x360: {  	[tilespmem:$0x1F8B0] =	vst v55;
	v55 =	vld [tilespmem:$0x1DD0];
	_ =	sdelay $0x4  }
0x361: {  	[tilespmem:$0x1F8C0] =	vst v55;
	v55 =	vld [tilespmem:$0x1E50];
	_ =	sdelay $0x4  }
0x362: {  	[tilespmem:$0x1F8D0] =	vst v55;
	v55 =	vld [tilespmem:$0x1ED0];
	_ =	sdelay $0x4  }
0x363: {  	[tilespmem:$0x1F8E0] =	vst v55;
	v55 =	vld [tilespmem:$0x1F50];
	_ =	sdelay $0x4  }
0x364: {  	[tilespmem:$0x1F8F0] =	vst v55;
	v55 =	vld [tilespmem:$0x1FD0];
	_ =	sdelay $0x4  }
0x365: {  	[tilespmem:$0x1F900] =	vst v55;
	v55 =	vld [tilespmem:$0x2450];
	_ =	sdelay $0x4  }
0x366: {  	[tilespmem:$0x1F910] =	vst v55;
	v55 =	vld [tilespmem:$0x24D0];
	_ =	sdelay $0x4  }
0x367: {  	[tilespmem:$0x1F920] =	vst v55;
	v55 =	vld [tilespmem:$0x2550];
	_ =	sdelay $0x4  }
0x368: {  	[tilespmem:$0x1F930] =	vst v55;
	v55 =	vld [tilespmem:$0x25D0];
	_ =	sdelay $0x4  }
0x369: {  	[tilespmem:$0x1F940] =	vst v55;
	v55 =	vld [tilespmem:$0x2650];
	_ =	sdelay $0x4  }
0x36a: {  	[tilespmem:$0x1F950] =	vst v55;
	v55 =	vld [tilespmem:$0x26D0];
	_ =	sdelay $0x4  }
0x36b: {  	[tilespmem:$0x1F960] =	vst v55;
	v55 =	vld [tilespmem:$0x2750];
	_ =	sdelay $0x4  }
0x36c: {  	[tilespmem:$0x1F970] =	vst v55;
	v55 =	vld [tilespmem:$0x27D0];
	_ =	sdelay $0x1  }
0x36d: {  	v23 =	vmax.f32 v27, v23;
	v27 =	vld [tilespmem:$0x2830];
	_ =	sdelay $0x2  }
0x36e: {  	[tilespmem:$0x1F980] =	vst v55;
	v55 =	vld [tilespmem:$0x1C60];
	_ =	sdelay $0x1  }
0x36f: {  	[tilespmem:$0x1FF00] =	vst v27;
	v27 =	vmax.f32 v40, v0;
	v0 =	vld [tilespmem:$0x2A30];
	_ =	sdelay $0x2  }
0x370: {  	[tilespmem:$0x1F990] =	vst v55;
	v55 =	vld [tilespmem:$0x1CE0];
	_ =	sdelay $0x1  }
0x371: {  	[tilespmem:$0x1FF40] =	vst v0;
	v0 =	vld [tilespmem:$0x2AB0];
	_ =	sdelay $0x2  }
0x372: {  	[tilespmem:$0x1F9A0] =	vst v55;
	v55 =	vld [tilespmem:$0x1D60];
	_ =	sdelay $0x1  }
0x373: {  	[tilespmem:$0x1FF50] =	vst v0;
	v0 =	vld [tilespmem:$0x2B30];
	_ =	sdelay $0x2  }
0x374: {  	[tilespmem:$0x1F9B0] =	vst v55;
	v55 =	vld [tilespmem:$0x1DE0];
	_ =	sdelay $0x1  }
0x375: {  	v15 =	vmax.f32 v24, v15;
	v11 =	vmax.f32 v16, v11;
	[tilespmem:$0x1FF60] =	vst v0;
	v0 =	vld [tilespmem:$0x2BB0]  }
0x376: {  	v12 =	vmax.f32 v17, v12;
	v9 =	vmax.f32 v13, v9;
	v6 =	vmax.f32 v7, v6  }
0x377: {  	v4 =	vmax.f32 v8, v4;
	v3 =	vmax.f32 v5, v3;
	v13 =	vmax.f32 v23, v15  }
0x378: {  	v16 =	vmax.f32 v11, v12;
	v6 =	vmax.f32 v9, v6;
	v3 =	vmax.f32 v4, v3;
	[tilespmem:$0x1F9C0] =	vst v55;
	v55 =	vld [tilespmem:$0x1E60]  }
0x379: {  	v23 =	vmax.f32 v13, v16;
	v3 =	vmax.f32 v6, v3  }
0x37a: {  	[tilespmem:$0x1FF70] =	vst v0;
	v0 =	vmax.f32 v23, v3  }
0x37b: {  	[tilespmem:$0x1FFD0] =	vst v0;
	v0 =	vld [tilespmem:$0x2040];
	_ =	sdelay $0x1  }
0x37c: {  	[tilespmem:$0x1F9D0] =	vst v55;
	v55 =	vld [tilespmem:$0x1EE0];
	_ =	sdelay $0x2  }
0x37d: {  	[tilespmem:$0x1FF80] =	vst v0;
	v0 =	vld [tilespmem:$0x20C0];
	_ =	sdelay $0x1  }
0x37e: {  	[tilespmem:$0x1F9E0] =	vst v55;
	v55 =	vld [tilespmem:$0x1F60];
	_ =	sdelay $0x1  }
0x37f: {  	v62 =	vld [tilespmem:$0x1CC0]  }
0x380: {  	[tilespmem:$0x1FF90] =	vst v0;
	v0 =	vld [tilespmem:$0x2140];
	_ =	sdelay $0x1  }
0x381: {  	[tilespmem:$0x1F9F0] =	vst v55;
	v55 =	vld [tilespmem:$0x1FE0];
	_ =	sdelay $0x1  }
0x382: {  	[tilespmem:$0x1F7B0] =	vst v62;
	v62 =	vld [tilespmem:$0x1D40]  }
0x383: {  	[tilespmem:$0x1FFA0] =	vst v0;
	v0 =	vld [tilespmem:$0x21C0]  }
0x384: {  	v17 =	vld [tilespmem:$0x2930]  }
0x385: {  	[tilespmem:$0x1FA00] =	vst v55;
	v55 =	vld [tilespmem:$0x2460];
	_ =	sdelay $0x1  }
0x386: {  	[tilespmem:$0x1F7C0] =	vst v62;
	v62 =	vld [tilespmem:$0x1DC0]  }
0x387: {  	v31 =	vmax.f32 v35, v31;
	v35 =	vmax.f32 v32, v28;
	[tilespmem:$0x1FFB0] =	vst v0;
	v0 =	vld [tilespmem:$0x2240]  }
0x388: {  	v10 =	vmax.f32 v14, v10;
	v16 =	vmax.f32 v26, v20;
	[tilespmem:$0x1FF20] =	vst v17;
	v40 =	vmax.f32 v29, v25  }
0x389: {  	v17 =	vmax.f32 v21, v18;
	v18 =	vmax.f32 v22, v19;
	v5 =	vmax.f32 v27, v31;
	[tilespmem:$0x1FA10] =	vst v55;
	v55 =	vld [tilespmem:$0x24E0]  }
0x38a: {  	v63 =	vld [tilespmem:$0x1DB0];
	v19 =	vmax.f32 v35, v40;
	v20 =	vmax.f32 v16, v17;
	v21 =	vmax.f32 v18, v10  }
0x38b: {  	v28 =	vmax.f32 v39, v36;
	v36 =	vld [tilespmem:$0x1F760];
	v22 =	vmax.f32 v20, v21;
	[tilespmem:$0x1F7D0] =	vst v62;
	v3 =	vmax.f32 v5, v19  }
0x38c: {  	v62 =	vld [tilespmem:$0x1E40];
	[tilespmem:$0x1FFC0] =	vst v0;
	v0 =	vmax.f32 v3, v22  }
0x38d: {  	[tilespmem:$0x1FFE0] =	vst v0;
	v0 =	vld [tilespmem:$0x1F750]  }
0x38e: {  	[tilespmem:$0x1FA20] =	vst v55;
	v55 =	vld [tilespmem:$0x2560]  }
0x38f: {  	v47 =	vld [tilespmem:$0x1E30]  }
0x390: {  	v58 =	vld [tilespmem:$0x1EB0]  }
0x391: {  	[tilespmem:$0x1F7E0] =	vst v62;
	v62 =	vld [tilespmem:$0x1EC0]  }
0x392: {  	v29 =	vmax.f32 v37, v33;
	v37 =	vmax.f32 v0, v36;
	v0 =	vld [tilespmem:$0x1F770]  }
0x393: {  	[tilespmem:$0x1FA30] =	vst v55;
	v55 =	vld [tilespmem:$0x25E0]  }
0x394: {  	v24 =	vld [tilespmem:$0x23B0]  }
0x395: {  	v60 =	vld [tilespmem:$0x1F30];
	[tilespmem:$0x1F780] =	vst v47  }
0x396: {  	[tilespmem:$0x1F7F0] =	vst v62;
	v62 =	vld [tilespmem:$0x1F40]  }
0x397: {  	v27 =	vmax.f32 v51, v38;
	v38 =	vmax.f32 v0, v63;
	v0 =	vld [tilespmem:$0x1F780]  }
0x398: {  	[tilespmem:$0x1FA40] =	vst v55;
	v55 =	vld [tilespmem:$0x2660]  }
0x399: {  	[tilespmem:$0x1FEF0] =	vst v24;
	v24 =	vld [tilespmem:$0x29B0]  }
0x39a: {  	v59 =	vld [tilespmem:$0x1FB0];
	[tilespmem:$0x1F790] =	vst v60  }
0x39b: {  	[tilespmem:$0x1F800] =	vst v62;
	v62 =	vld [tilespmem:$0x1FC0]  }
0x39c: {  	v39 =	vmax.f32 v0, v58;
	v0 =	vld [tilespmem:$0x1F790]  }
0x39d: {  	v26 =	vmax.f32 v46, v41;
	v25 =	vmax.f32 v45, v43;
	v31 =	vmax.f32 v34, v30;
	[tilespmem:$0x1FA50] =	vst v55;
	v55 =	vld [tilespmem:$0x26E0]  }
0x39e: {  	v50 =	vld [tilespmem:$0x2730];
	v8 =	vmax.f32 v25, v26;
	[tilespmem:$0x1FF30] =	vst v24;
	v24 =	vmax.f32 v42, v44;
	v23 =	vmax.f32 v56, v52  }
0x39f: {  	v47 =	vld [tilespmem:$0x27B0];
	v33 =	vmax.f32 v27, v28;
	v34 =	vmax.f32 v29, v31;
	v32 =	vmax.f32 v23, v24  }
0x3a0: {  	v35 =	vmax.f32 v33, v34;
	[tilespmem:$0x1F810] =	vst v62;
	v62 =	vld [tilespmem:$0x2440];
	v3 =	vmax.f32 v32, v8  }
0x3a1: {  	v40 =	vmax.f32 v0, v59;
	v0 =	vmax.f32 v3, v35;
	v3 =	vld [tilespmem:$0x1F7B0]  }
0x3a2: {  	[tilespmem:$0x1FA60] =	vst v55;
	v55 =	vld [tilespmem:$0x2760]  }
0x3a3: {  	[tilespmem:$0x1FFF0] =	vst v0;
	v0 =	vld [tilespmem:$0x1F7A0];
	_ =	sdelay $0x2  }
0x3a4: {  	[tilespmem:$0x1F820] =	vst v62;
	v62 =	vld [tilespmem:$0x24C0]  }
0x3a5: {  	[tilespmem:$0x1FA70] =	vst v55;
	v55 =	vld [tilespmem:$0x27E0]  }
0x3a6: {  	v44 =	vmax.f32 v50, v47;
	v50 =	vmax.f32 v0, v3;
	v0 =	vld [tilespmem:$0x1F7C0]  }
0x3a7: {  	v3 =	vld [tilespmem:$0x1F7D0];
	_ =	sdelay $0x2  }
0x3a8: {  	[tilespmem:$0x1FA80] =	vst v55;
	v55 =	vld [tilespmem:$0x1C70]  }
0x3a9: {  	[tilespmem:$0x1F830] =	vst v62;
	v62 =	vld [tilespmem:$0x2540]  }
0x3aa: {  	v51 =	vmax.f32 v0, v3;
	v0 =	vld [tilespmem:$0x1F7E0]  }
0x3ab: {  	v3 =	vld [tilespmem:$0x1F7F0]  }
0x3ac: {  	v57 =	vld [tilespmem:$0x2530]  }
0x3ad: {  	[tilespmem:$0x1FA90] =	vst v55;
	v55 =	vld [tilespmem:$0x1CF0]  }
0x3ae: {  	v53 =	vld [tilespmem:$0x25B0]  }
0x3af: {  	[tilespmem:$0x1F840] =	vst v62;
	v62 =	vld [tilespmem:$0x25C0]  }
0x3b0: {  	v52 =	vmax.f32 v0, v3;
	v0 =	vld [tilespmem:$0x1F800]  }
0x3b1: {  	v3 =	vld [tilespmem:$0x1F810]  }
0x3b2: {  	[tilespmem:$0x1FAA0] =	vst v55;
	v55 =	vld [tilespmem:$0x1D70]  }
0x3b3: {  	v54 =	vld [tilespmem:$0x2630]  }
0x3b4: {  	v49 =	vld [tilespmem:$0x26B0]  }
0x3b5: {  	[tilespmem:$0x1F850] =	vst v62;
	v62 =	vld [tilespmem:$0x2640]  }
0x3b6: {  	v42 =	vmax.f32 v57, v53;
	v53 =	vmax.f32 v0, v3;
	v0 =	vld [tilespmem:$0x1F820]  }
0x3b7: {  	[tilespmem:$0x1FAB0] =	vst v55;
	v55 =	vld [tilespmem:$0x1DF0]  }
0x3b8: {  	v3 =	vld [tilespmem:$0x1F830];
	_ =	sdelay $0x2  }
0x3b9: {  	[tilespmem:$0x1F860] =	vst v62;
	v62 =	vld [tilespmem:$0x26C0]  }
0x3ba: {  	[tilespmem:$0x1FAC0] =	vst v55;
	v55 =	vld [tilespmem:$0x1E70]  }
0x3bb: {  	v43 =	vmax.f32 v54, v49;
	v54 =	vmax.f32 v0, v3;
	v0 =	vld [tilespmem:$0x1F840]  }
0x3bc: {  	v3 =	vld [tilespmem:$0x1F850];
	_ =	sdelay $0x2  }
0x3bd: {  	[tilespmem:$0x1FAD0] =	vst v55;
	v55 =	vld [tilespmem:$0x1EF0]  }
0x3be: {  	[tilespmem:$0x1F870] =	vst v62;
	v62 =	vld [tilespmem:$0x2740]  }
0x3bf: {  	v56 =	vmax.f32 v0, v3;
	v0 =	vld [tilespmem:$0x1F860]  }
0x3c0: {  	v3 =	vld [tilespmem:$0x1F870];
	_ =	sdelay $0x1  }
0x3c1: {  	[tilespmem:$0x1FAE0] =	vst v55;
	v55 =	vld [tilespmem:$0x1F70];
	_ =	sdelay $0x1  }
0x3c2: {  	[tilespmem:$0x1F880] =	vst v62;
	v62 =	vld [tilespmem:$0x27C0]  }
0x3c3: {  	v57 =	vmax.f32 v0, v3;
	v0 =	vld [tilespmem:$0x1F880];
	_ =	sdelay $0x1  }
0x3c4: {  	[tilespmem:$0x1FAF0] =	vst v55;
	v55 =	vld [tilespmem:$0x1FF0];
	_ =	sdelay $0x1  }
0x3c5: {  	v3 =	vld [tilespmem:$0x1F8A0]  }
0x3c6: {  	v58 =	vmax.f32 v0, v62;
	v0 =	vld [tilespmem:$0x1F890];
	_ =	sdelay $0x1  }
0x3c7: {  	[tilespmem:$0x1FB00] =	vst v55;
	v55 =	vld [tilespmem:$0x2470];
	_ =	sdelay $0x2  }
0x3c8: {  	v63 =	vmax.f32 v0, v3;
	v0 =	vld [tilespmem:$0x1F8B0]  }
0x3c9: {  	v3 =	vld [tilespmem:$0x1F8C0]  }
0x3ca: {  	[tilespmem:$0x1FB10] =	vst v55;
	v55 =	vld [tilespmem:$0x24F0];
	_ =	sdelay $0x3  }
0x3cb: {  	v6 =	vmax.f32 v0, v3;
	v0 =	vld [tilespmem:$0x1F8D0]  }
0x3cc: {  	[tilespmem:$0x1FB20] =	vst v55;
	v55 =	vld [tilespmem:$0x2570]  }
0x3cd: {  	v3 =	vld [tilespmem:$0x1F8E0];
	_ =	sdelay $0x3  }
0x3ce: {  	[tilespmem:$0x1FB30] =	vst v55;
	v55 =	vld [tilespmem:$0x25F0]  }
0x3cf: {  	v7 =	vmax.f32 v0, v3;
	v0 =	vld [tilespmem:$0x1F8F0]  }
0x3d0: {  	v3 =	vld [tilespmem:$0x1F900];
	_ =	sdelay $0x2  }
0x3d1: {  	[tilespmem:$0x1FB40] =	vst v55;
	v55 =	vld [tilespmem:$0x2670];
	_ =	sdelay $0x1  }
0x3d2: {  	v11 =	vmax.f32 v0, v3;
	v0 =	vld [tilespmem:$0x1F910]  }
0x3d3: {  	v3 =	vld [tilespmem:$0x1F920];
	_ =	sdelay $0x1  }
0x3d4: {  	[tilespmem:$0x1FB50] =	vst v55;
	v55 =	vld [tilespmem:$0x26F0];
	_ =	sdelay $0x2  }
0x3d5: {  	v36 =	vmax.f32 v0, v3;
	v0 =	vld [tilespmem:$0x1F930]  }
0x3d6: {  	v3 =	vld [tilespmem:$0x1F940]  }
0x3d7: {  	[tilespmem:$0x1FB60] =	vst v55;
	v55 =	vld [tilespmem:$0x2770];
	_ =	sdelay $0x3  }
0x3d8: {  	v45 =	vmax.f32 v37, v38;
	v37 =	vmax.f32 v0, v3;
	v0 =	vld [tilespmem:$0x1F950]  }
0x3d9: {  	[tilespmem:$0x1FB70] =	vst v55;
	v55 =	vld [tilespmem:$0x27F0]  }
0x3da: {  	v3 =	vld [tilespmem:$0x1F960];
	_ =	sdelay $0x2  }
0x3db: {  	v15 =	vld [tilespmem:$0x28B0]  }
0x3dc: {  	[tilespmem:$0x1FB80] =	vst v55;
	v55 =	vld [tilespmem:$0x2000]  }
0x3dd: {  	v38 =	vmax.f32 v0, v3;
	v0 =	vld [tilespmem:$0x1F970]  }
0x3de: {  	v3 =	vld [tilespmem:$0x1F980];
	_ =	sdelay $0x2  }
0x3df: {  	[tilespmem:$0x1FB90] =	vst v55;
	v55 =	vld [tilespmem:$0x2080];
	_ =	sdelay $0x1  }
0x3e0: {  	[tilespmem:$0x1FF10] =	vst v15;
	v15 =	vmax.f32 v39, v40;
	v39 =	vmax.f32 v0, v3;
	v0 =	vld [tilespmem:$0x1F990]  }
0x3e1: {  	v3 =	vld [tilespmem:$0x1F9A0];
	_ =	sdelay $0x1  }
0x3e2: {  	[tilespmem:$0x1FBA0] =	vst v55;
	v55 =	vld [tilespmem:$0x2100]  }
0x3e3: {  	v48 =	vld [tilespmem:$0x24B0]  }
0x3e4: {  	v60 =	vld [tilespmem:$0x2430]  }
0x3e5: {  	v47 =	vmax.f32 v43, v44;
	v44 =	vmax.f32 v0, v3;
	v0 =	vld [tilespmem:$0x1F9B0]  }
0x3e6: {  	v3 =	vld [tilespmem:$0x1F9C0]  }
0x3e7: {  	[tilespmem:$0x1FBB0] =	vst v55;
	v55 =	vld [tilespmem:$0x2180];
	_ =	sdelay $0x3  }
0x3e8: {  	v41 =	vmax.f32 v60, v48;
	v48 =	vmax.f32 v45, v15;
	v45 =	vmax.f32 v0, v3;
	v0 =	vld [tilespmem:$0x1F9D0]  }
0x3e9: {  	[tilespmem:$0x1FBC0] =	vst v55;
	v55 =	vld [tilespmem:$0x2200]  }
0x3ea: {  	v3 =	vld [tilespmem:$0x1F9E0];
	_ =	sdelay $0x3  }
0x3eb: {  	v46 =	vmax.f32 v41, v42;
	[tilespmem:$0x1FBD0] =	vst v55;
	v55 =	vld [tilespmem:$0x2280]  }
0x3ec: {  	v49 =	vmax.f32 v46, v47;
	v46 =	vmax.f32 v0, v3;
	v0 =	vld [tilespmem:$0x1F9F0]  }
0x3ed: {  	v3 =	vld [tilespmem:$0x1FA00];
	_ =	sdelay $0x2  }
0x3ee: {  	[tilespmem:$0x1FBE0] =	vst v55;
	v55 =	vld [tilespmem:$0x2300];
	_ =	sdelay $0x1  }
0x3ef: {  	v47 =	vmax.f32 v0, v3;
	v0 =	vld [tilespmem:$0x1FA10]  }
0x3f0: {  	v3 =	vld [tilespmem:$0x1FA20];
	_ =	sdelay $0x1  }
0x3f1: {  	[tilespmem:$0x1FBF0] =	vst v55;
	v55 =	vld [tilespmem:$0x2380];
	_ =	sdelay $0x2  }
0x3f2: {  	v10 =	vmax.f32 v48, v49;
	v48 =	vmax.f32 v0, v3;
	v0 =	vld [tilespmem:$0x1FA30]  }
0x3f3: {  	v3 =	vld [tilespmem:$0x1FA40]  }
0x3f4: {  	[tilespmem:$0x1FC00] =	vst v55;
	v55 =	vld [tilespmem:$0x2800];
	_ =	sdelay $0x3  }
0x3f5: {  	v49 =	vmax.f32 v0, v3;
	v0 =	vld [tilespmem:$0x1FA50]  }
0x3f6: {  	[tilespmem:$0x1FC10] =	vst v55;
	v55 =	vld [tilespmem:$0x2880]  }
0x3f7: {  	v3 =	vld [tilespmem:$0x1FA60];
	_ =	sdelay $0x3  }
0x3f8: {  	[tilespmem:$0x1FC20] =	vst v55;
	v55 =	vld [tilespmem:$0x2900]  }
0x3f9: {  	v20 =	vmax.f32 v50, v51;
	v50 =	vmax.f32 v0, v3;
	v0 =	vld [tilespmem:$0x1FA70]  }
0x3fa: {  	v3 =	vld [tilespmem:$0x1FA80];
	_ =	sdelay $0x2  }
0x3fb: {  	[tilespmem:$0x1FC30] =	vst v55;
	v55 =	vld [tilespmem:$0x2980];
	_ =	sdelay $0x1  }
0x3fc: {  	v51 =	vmax.f32 v0, v3;
	v0 =	vld [tilespmem:$0x1FA90]  }
0x3fd: {  	v3 =	vld [tilespmem:$0x1FAA0];
	_ =	sdelay $0x1  }
0x3fe: {  	[tilespmem:$0x1FC40] =	vst v55;
	v55 =	vld [tilespmem:$0x2A00];
	_ =	sdelay $0x2  }
0x3ff: {  	v59 =	vmax.f32 v57, v58;
	v58 =	vmax.f32 v0, v3;
	v0 =	vld [tilespmem:$0x1FAB0]  }
0x400: {  	v3 =	vld [tilespmem:$0x1FAC0]  }
0x401: {  	[tilespmem:$0x1FC50] =	vst v55;
	v55 =	vld [tilespmem:$0x2A80];
	_ =	sdelay $0x2  }
0x402: {  	v23 =	vmax.f32 v54, v56  }
0x403: {  	v62 =	vmax.f32 v23, v59;
	v59 =	vmax.f32 v0, v3;
	v0 =	vld [tilespmem:$0x1FAD0]  }
0x404: {  	[tilespmem:$0x1FC60] =	vst v55;
	v55 =	vld [tilespmem:$0x2B00]  }
0x405: {  	v3 =	vld [tilespmem:$0x1FAE0];
	_ =	sdelay $0x2  }
0x406: {  	v22 =	vmax.f32 v52, v53  }
0x407: {  	v60 =	vmax.f32 v20, v22;
	[tilespmem:$0x1FC70] =	vst v55;
	v55 =	vld [tilespmem:$0x2B80]  }
0x408: {  	v15 =	vmax.f32 v60, v62;
	v60 =	vmax.f32 v0, v3;
	v0 =	vld [tilespmem:$0x1FAF0]  }
0x409: {  	v3 =	vld [tilespmem:$0x1FB00];
	_ =	sdelay $0x2  }
0x40a: {  	[tilespmem:$0x1FC80] =	vst v55;
	v55 =	vld [tilespmem:$0x2010];
	_ =	sdelay $0x1  }
0x40b: {  	v62 =	vmax.f32 v0, v3;
	v0 =	vld [tilespmem:$0x1FB10]  }
0x40c: {  	v3 =	vld [tilespmem:$0x1FB20];
	_ =	sdelay $0x1  }
0x40d: {  	[tilespmem:$0x1FC90] =	vst v55;
	v55 =	vld [tilespmem:$0x2090];
	_ =	sdelay $0x2  }
0x40e: {  	v40 =	vmax.f32 v63, v6;
	v63 =	vmax.f32 v0, v3;
	v0 =	vld [tilespmem:$0x1FB30]  }
0x40f: {  	v3 =	vld [tilespmem:$0x1FB40]  }
0x410: {  	[tilespmem:$0x1FCA0] =	vst v55;
	v55 =	vld [tilespmem:$0x2110];
	_ =	sdelay $0x3  }
0x411: {  	v27 =	vmax.f32 v7, v11;
	v11 =	vmax.f32 v0, v3;
	v0 =	vld [tilespmem:$0x1FB50]  }
0x412: {  	[tilespmem:$0x1FCB0] =	vst v55;
	v55 =	vld [tilespmem:$0x2190]  }
0x413: {  	v3 =	vld [tilespmem:$0x1FB60];
	_ =	sdelay $0x3  }
0x414: {  	[tilespmem:$0x1FCC0] =	vst v55;
	v55 =	vld [tilespmem:$0x2210]  }
0x415: {  	v53 =	vmax.f32 v48, v49;
	v48 =	vmax.f32 v0, v3;
	v0 =	vld [tilespmem:$0x1FB70]  }
0x416: {  	v3 =	vld [tilespmem:$0x1FB80];
	_ =	sdelay $0x2  }
0x417: {  	[tilespmem:$0x1FCD0] =	vst v55;
	v55 =	vld [tilespmem:$0x2290];
	_ =	sdelay $0x1  }
0x418: {  	v49 =	vmax.f32 v0, v3;
	v0 =	vld [tilespmem:$0x1FB90]  }
0x419: {  	v3 =	vld [tilespmem:$0x1FBA0];
	_ =	sdelay $0x1  }
0x41a: {  	[tilespmem:$0x1FCE0] =	vst v55;
	v55 =	vld [tilespmem:$0x2310];
	_ =	sdelay $0x1  }
0x41b: {  	v54 =	vmax.f32 v50, v51  }
0x41c: {  	v57 =	vmax.f32 v53, v54;
	v54 =	vmax.f32 v0, v3;
	v0 =	vld [tilespmem:$0x1FBB0]  }
0x41d: {  	v3 =	vld [tilespmem:$0x1FBC0]  }
0x41e: {  	[tilespmem:$0x1FCF0] =	vst v55;
	v55 =	vld [tilespmem:$0x2390]  }
0x41f: {  	v41 =	vmax.f32 v36, v37  }
0x420: {  	v42 =	vmax.f32 v38, v39;
	v52 =	vmax.f32 v44, v45;
	v33 =	vmax.f32 v46, v47  }
0x421: {  	v43 =	vmax.f32 v40, v27;
	v29 =	vmax.f32 v41, v42;
	v56 =	vmax.f32 v52, v33  }
0x422: {  	v22 =	vmax.f32 v43, v29;
	v29 =	vmax.f32 v56, v57;
	v56 =	vmax.f32 v0, v3;
	v0 =	vld [tilespmem:$0x1FBD0]  }
0x423: {  	[tilespmem:$0x1FD00] =	vst v55;
	v55 =	vld [tilespmem:$0x2810]  }
0x424: {  	v3 =	vld [tilespmem:$0x1FBE0];
	_ =	sdelay $0x3  }
0x425: {  	[tilespmem:$0x1FD10] =	vst v55;
	v55 =	vld [tilespmem:$0x2890]  }
0x426: {  	v57 =	vmax.f32 v0, v3;
	v0 =	vld [tilespmem:$0x1FBF0]  }
0x427: {  	v3 =	vld [tilespmem:$0x1FC00];
	_ =	sdelay $0x2  }
0x428: {  	[tilespmem:$0x1FD20] =	vst v55;
	v55 =	vld [tilespmem:$0x2910];
	_ =	sdelay $0x1  }
0x429: {  	v35 =	vmax.f32 v58, v59;
	v58 =	vmax.f32 v0, v3;
	v0 =	vld [tilespmem:$0x1FC10]  }
0x42a: {  	v3 =	vld [tilespmem:$0x1FC20];
	_ =	sdelay $0x1  }
0x42b: {  	[tilespmem:$0x1FD30] =	vst v55;
	v55 =	vld [tilespmem:$0x2990];
	_ =	sdelay $0x2  }
0x42c: {  	v59 =	vmax.f32 v0, v3;
	v0 =	vld [tilespmem:$0x1FC30]  }
0x42d: {  	v3 =	vld [tilespmem:$0x1FC40]  }
0x42e: {  	[tilespmem:$0x1FD40] =	vst v55;
	v55 =	vld [tilespmem:$0x2A10];
	_ =	sdelay $0x3  }
0x42f: {  	v37 =	vmax.f32 v60, v62;
	v60 =	vmax.f32 v0, v3;
	v0 =	vld [tilespmem:$0x1FC50]  }
0x430: {  	[tilespmem:$0x1FD50] =	vst v55;
	v55 =	vld [tilespmem:$0x2A90]  }
0x431: {  	v3 =	vld [tilespmem:$0x1FC60];
	_ =	sdelay $0x3  }
0x432: {  	[tilespmem:$0x1FD60] =	vst v55;
	v55 =	vld [tilespmem:$0x2B10]  }
0x433: {  	v62 =	vmax.f32 v0, v3;
	v0 =	vld [tilespmem:$0x1FC70]  }
0x434: {  	v3 =	vld [tilespmem:$0x1FC80];
	_ =	sdelay $0x2  }
0x435: {  	[tilespmem:$0x1FD70] =	vst v55;
	v55 =	vld [tilespmem:$0x2B90];
	_ =	sdelay $0x1  }
0x436: {  	v50 =	vmax.f32 v63, v11;
	v63 =	vmax.f32 v0, v3;
	v0 =	vld [tilespmem:$0x1FC90]  }
0x437: {  	v3 =	vld [tilespmem:$0x1FCA0];
	_ =	sdelay $0x1  }
0x438: {  	[tilespmem:$0x1FD80] =	vst v55;
	v55 =	vld [tilespmem:$0x2020];
	_ =	sdelay $0x2  }
0x439: {  	v45 =	vmax.f32 v0, v3;
	v0 =	vld [tilespmem:$0x1FCB0]  }
0x43a: {  	v3 =	vld [tilespmem:$0x1FCC0]  }
0x43b: {  	[tilespmem:$0x1FD90] =	vst v55;
	v55 =	vld [tilespmem:$0x20A0];
	_ =	sdelay $0x3  }
0x43c: {  	v46 =	vmax.f32 v0, v3;
	v0 =	vld [tilespmem:$0x1FCD0]  }
0x43d: {  	[tilespmem:$0x1FDA0] =	vst v55;
	v55 =	vld [tilespmem:$0x2120]  }
0x43e: {  	v3 =	vld [tilespmem:$0x1FCE0];
	_ =	sdelay $0x3  }
0x43f: {  	[tilespmem:$0x1FDB0] =	vst v55;
	v55 =	vld [tilespmem:$0x21A0]  }
0x440: {  	v51 =	vmax.f32 v48, v49;
	v49 =	vmax.f32 v0, v3;
	v0 =	vld [tilespmem:$0x1FCF0]  }
0x441: {  	v3 =	vld [tilespmem:$0x1FD00];
	_ =	sdelay $0x2  }
0x442: {  	[tilespmem:$0x1FDC0] =	vst v55;
	v55 =	vld [tilespmem:$0x2220];
	_ =	sdelay $0x1  }
0x443: {  	v11 =	vmax.f32 v0, v3;
	v0 =	vld [tilespmem:$0x1FD10]  }
0x444: {  	v3 =	vld [tilespmem:$0x1FD20];
	_ =	sdelay $0x1  }
0x445: {  	[tilespmem:$0x1FDD0] =	vst v55;
	v55 =	vld [tilespmem:$0x22A0];
	_ =	sdelay $0x2  }
0x446: {  	v42 =	vmax.f32 v0, v3;
	v0 =	vld [tilespmem:$0x1FD30]  }
0x447: {  	v3 =	vld [tilespmem:$0x1FD40]  }
0x448: {  	[tilespmem:$0x1FDE0] =	vst v55;
	v55 =	vld [tilespmem:$0x2320];
	_ =	sdelay $0x3  }
0x449: {  	v4 =	vmax.f32 v59, v60;
	v60 =	vmax.f32 v0, v3;
	v0 =	vld [tilespmem:$0x1FD50]  }
0x44a: {  	[tilespmem:$0x1FDF0] =	vst v55;
	v55 =	vld [tilespmem:$0x23A0]  }
0x44b: {  	v3 =	vld [tilespmem:$0x1FD60];
	_ =	sdelay $0x1  }
0x44c: {  	v9 =	vld [tilespmem:$0x2340]  }
0x44d: {  	v12 =	vld [tilespmem:$0x23C0]  }
0x44e: {  	[tilespmem:$0x1FE00] =	vst v55;
	v55 =	vld [tilespmem:$0x2820]  }
0x44f: {  	v5 =	vmax.f32 v62, v63;
	v62 =	vmax.f32 v0, v3;
	v0 =	vld [tilespmem:$0x1FD70]  }
0x450: {  	v3 =	vld [tilespmem:$0x1FD80]  }
0x451: {  	v14 =	vld [tilespmem:$0x28C0]  }
0x452: {  	v13 =	vld [tilespmem:$0x2840]  }
0x453: {  	[tilespmem:$0x1FE10] =	vst v55;
	v55 =	vld [tilespmem:$0x28A0]  }
0x454: {  	v16 =	vld [tilespmem:$0x2940]  }
0x455: {  	v63 =	vmax.f32 v0, v3;
	v0 =	vld [tilespmem:$0x1FD90]  }
0x456: {  	v3 =	vld [tilespmem:$0x1FDA0]  }
0x457: {  	v17 =	vld [tilespmem:$0x29C0]  }
0x458: {  	[tilespmem:$0x1FE20] =	vst v55;
	v55 =	vld [tilespmem:$0x2920]  }
0x459: {  	v18 =	vld [tilespmem:$0x2A40]  }
0x45a: {  	v25 =	vld [tilespmem:$0x2150];
	v52 =	vmax.f32 v35, v37;
	v53 =	vmax.f32 v50, v51  }
0x45b: {  	v33 =	vmax.f32 v52, v53;
	v52 =	vmax.f32 v0, v3;
	v0 =	vld [tilespmem:$0x1FDB0]  }
0x45c: {  	v3 =	vld [tilespmem:$0x1FDC0]  }
0x45d: {  	[tilespmem:$0x1FE30] =	vst v55;
	v55 =	vld [tilespmem:$0x29A0]  }
0x45e: {  	v26 =	vld [tilespmem:$0x21D0]  }
0x45f: {  	v30 =	vld [tilespmem:$0x2350]  }
0x460: {  	v9 =	vmax.f32 v9, v12;
	v12 =	vmax.f32 v13, v14;
	v14 =	vld [tilespmem:$0x2270]  }
0x461: {  	v53 =	vmax.f32 v0, v3;
	v0 =	vld [tilespmem:$0x1FDD0]  }
0x462: {  	[tilespmem:$0x1FE40] =	vst v55;
	v55 =	vld [tilespmem:$0x2A20]  }
0x463: {  	v3 =	vld [tilespmem:$0x1FDE0]  }
0x464: {  	v21 =	vld [tilespmem:$0x2B40]  }
0x465: {  	v28 =	vld [tilespmem:$0x22D0]  }
0x466: {  	v31 =	vld [tilespmem:$0x23D0]  }
0x467: {  	[tilespmem:$0x1FE50] =	vst v55;
	v55 =	vld [tilespmem:$0x2AA0]  }
0x468: {  	v39 =	vmax.f32 v54, v56;
	v56 =	vmax.f32 v0, v3;
	v0 =	vld [tilespmem:$0x1FDF0]  }
0x469: {  	v3 =	vld [tilespmem:$0x1FE00]  }
0x46a: {  	v34 =	vld [tilespmem:$0x28D0]  }
0x46b: {  	v19 =	vld [tilespmem:$0x2AC0]  }
0x46c: {  	[tilespmem:$0x1FE60] =	vst v55;
	v55 =	vld [tilespmem:$0x2B20]  }
0x46d: {  	v24 =	vld [tilespmem:$0x2BC0]  }
0x46e: {  	v43 =	vmax.f32 v57, v58;
	v58 =	vmax.f32 v0, v3;
	v0 =	vld [tilespmem:$0x1FE10]  }
0x46f: {  	v3 =	vld [tilespmem:$0x1FE20]  }
0x470: {  	v13 =	vmax.f32 v16, v17;
	v16 =	vmax.f32 v18, v19;
	v19 =	vld [tilespmem:$0x22F0]  }
0x471: {  	[tilespmem:$0x1FE70] =	vst v55;
	v55 =	vld [tilespmem:$0x2BA0]  }
0x472: {  	v8 =	vld [tilespmem:$0x22C0]  }
0x473: {  	v32 =	vld [tilespmem:$0x2850]  }
0x474: {  	v59 =	vmax.f32 v0, v3;
	v0 =	vld [tilespmem:$0x1FE30]  }
0x475: {  	v3 =	vld [tilespmem:$0x1FE40]  }
0x476: {  	[tilespmem:$0x1FE80] =	vst v55;
	v55 =	vld [tilespmem:$0x2030]  }
0x477: {  	v20 =	vld [tilespmem:$0x2050]  }
0x478: {  	v23 =	vld [tilespmem:$0x20D0]  }
0x479: {  	v6 =	vld [tilespmem:$0x2060];
	v35 =	vmax.f32 v39, v43  }
0x47a: {  	v39 =	vmax.f32 v4, v5;
	v4 =	vmax.f32 v42, v60;
	v42 =	vmax.f32 v0, v3;
	v0 =	vld [tilespmem:$0x1FE50]  }
0x47b: {  	[tilespmem:$0x1FE90] =	vst v55;
	v55 =	vld [tilespmem:$0x20B0]  }
0x47c: {  	v3 =	vld [tilespmem:$0x1FE60]  }
0x47d: {  	v7 =	vld [tilespmem:$0x29D0]  }
0x47e: {  	v27 =	vld [tilespmem:$0x2250]  }
0x47f: {  	v40 =	vld [tilespmem:$0x20E0]  }
0x480: {  	[tilespmem:$0x1FEA0] =	vst v55;
	v55 =	vld [tilespmem:$0x2130]  }
0x481: {  	v48 =	vmax.f32 v0, v3;
	v0 =	vld [tilespmem:$0x1FE70]  }
0x482: {  	v3 =	vld [tilespmem:$0x1FE80]  }
0x483: {  	v36 =	vld [tilespmem:$0x2A50]  }
0x484: {  	v38 =	vld [tilespmem:$0x2950]  }
0x485: {  	v35 =	vmax.f32 v35, v39;
	[tilespmem:$0x1FEB0] =	vst v55;
	v55 =	vld [tilespmem:$0x21B0]  }
0x486: {  	v41 =	vld [tilespmem:$0x2AD0];
	v45 =	vmax.f32 v45, v46;
	v49 =	vmax.f32 v49, v11;
	v11 =	vmax.f32 v62, v63  }
0x487: {  	v39 =	vmax.f32 v45, v49;
	v45 =	vmax.f32 v4, v11;
	v11 =	vmax.f32 v0, v3;
	v0 =	vld [tilespmem:$0x1FE90]  }
0x488: {  	v3 =	vld [tilespmem:$0x1FEA0]  }
0x489: {  	v7 =	vmax.f32 v38, v7;
	v38 =	vld [tilespmem:$0x29F0]  }
0x48a: {  	[tilespmem:$0x1FEC0] =	vst v55;
	v55 =	vld [tilespmem:$0x2230]  }
0x48b: {  	v44 =	vld [tilespmem:$0x2BD0]  }
0x48c: {  	v47 =	vld [tilespmem:$0x2160]  }
0x48d: {  	v56 =	vmax.f32 v56, v58;
	v58 =	vmax.f32 v0, v3;
	v0 =	vld [tilespmem:$0x1FEB0]  }
0x48e: {  	v3 =	vld [tilespmem:$0x1FEC0]  }
0x48f: {  	[tilespmem:$0x1FED0] =	vst v55;
	v55 =	vld [tilespmem:$0x22B0]  }
0x490: {  	v37 =	vld [tilespmem:$0x2B50]  }
0x491: {  	v50 =	vld [tilespmem:$0x2260]  }
0x492: {  	v51 =	vld [tilespmem:$0x1FF10]  }
0x493: {  	v54 =	vld [tilespmem:$0x23E0]  }
0x494: {  	v42 =	vmax.f32 v59, v42;
	v59 =	vmax.f32 v0, v3;
	v0 =	vld [tilespmem:$0x1FED0];
	[tilespmem:$0x1FEE0] =	vst v55  }
0x495: {  	v3 =	vld [tilespmem:$0x1FEE0]  }
0x496: {  	v57 =	vld [tilespmem:$0x28E0]  }
0x497: {  	v5 =	vld [tilespmem:$0x22E0]  }
0x498: {  	v43 =	vld [tilespmem:$0x21E0]  }
0x499: {  	v55 =	vld [tilespmem:$0x2330]  }
0x49a: {  	v62 =	vmax.f32 v0, v3;
	v3 =	vld [tilespmem:$0x1FF00]  }
0x49b: {  	v0 =	vld [tilespmem:$0x1FEF0]  }
0x49c: {  	v5 =	vmax.f32 v50, v5;
	v50 =	vld [tilespmem:$0x2B70]  }
0x49d: {  	v52 =	vmax.f32 v52, v53;
	v48 =	vmax.f32 v48, v11;
	v11 =	vld [tilespmem:$0x1FF50]  }
0x49e: {  	v39 =	vmax.f32 v39, v45;
	v45 =	vmax.f32 v52, v56;
	v52 =	vmax.f32 v42, v48;
	v48 =	vld [tilespmem:$0x1FF40]  }
0x49f: {  	v51 =	vmax.f32 v3, v51;
	v3 =	vld [tilespmem:$0x1FF20]  }
0x4a0: {  	v0 =	vmax.f32 v55, v0;
	v55 =	vld [tilespmem:$0x1FF30]  }
0x4a1: {  	v46 =	vld [tilespmem:$0x2360]  }
0x4a2: {  	v49 =	vld [tilespmem:$0x2860]  }
0x4a3: {  	v4 =	vld [tilespmem:$0x2960]  }
0x4a4: {  	v48 =	vmax.f32 v48, v11;
	v11 =	vld [tilespmem:$0x1FF70]  }
0x4a5: {  	v42 =	vmax.f32 v3, v55;
	v55 =	vld [tilespmem:$0x1FF60]  }
0x4a6: {  	v53 =	vld [tilespmem:$0x29E0]  }
0x4a7: {  	v60 =	vld [tilespmem:$0x2A60]  }
0x4a8: {  	v63 =	vld [tilespmem:$0x2B60];
	v58 =	vmax.f32 v58, v59;
	v0 =	vmax.f32 v62, v0  }
0x4a9: {  	v0 =	vmax.f32 v58, v0;
	v58 =	vld [tilespmem:$0x1FF90]  }
0x4aa: {  	v55 =	vmax.f32 v55, v11;
	v11 =	vld [tilespmem:$0x1FF80]  }
0x4ab: {  	v4 =	vmax.f32 v4, v53;
	v53 =	vld [tilespmem:$0x2BF0]  }
0x4ac: {  	v56 =	vld [tilespmem:$0x2AE0]  }
0x4ad: {  	v59 =	vld [tilespmem:$0x2070]  }
0x4ae: {  	v62 =	vld [tilespmem:$0x1FFA0]  }
0x4af: {  	v45 =	vmax.f32 v45, v52;
	v52 =	vmax.f32 v11, v58;
	v58 =	vld [tilespmem:$0x1FFB0]  }
0x4b0: {  	v3 =	vld [tilespmem:$0x2BE0]  }
0x4b1: {  	v42 =	vmax.f32 v51, v42;
	v51 =	vld [tilespmem:$0x20F0];
	v48 =	vmax.f32 v48, v55  }
0x4b2: {  	v17 =	vmax.f32 v25, v26;
	v42 =	vmax.f32 v42, v48;
	v48 =	vld [tilespmem:$0x2170]  }
0x4b3: {  	v6 =	vmax.f32 v6, v40;
	v43 =	vmax.f32 v47, v43;
	v47 =	vmax.f32 v46, v54;
	v11 =	vld [tilespmem:$0x21F0]  }
0x4b4: {  	v6 =	vmax.f32 v6, v43;
	v5 =	vmax.f32 v5, v47;
	v55 =	vmax.f32 v62, v58;
	v62 =	vld [tilespmem:$0x1FFC0]  }
0x4b5: {  	v49 =	vmax.f32 v49, v57;
	v58 =	vmax.f32 v21, v24;
	v21 =	vmax.f32 v12, v13;
	v13 =	vld [tilespmem:$0x2370]  }
0x4b6: {  	[tilespmem:$0x6C30] =	vst v10;
	v5 =	vmax.f32 v6, v5;
	v4 =	vmax.f32 v49, v4;
	v3 =	vmax.f32 v63, v3;
	v12 =	vld [tilespmem:$0x23F0]  }
0x4b7: {  	[tilespmem:$0x6C40] =	vst v15;
	v54 =	vmax.f32 v59, v51;
	v24 =	vmax.f32 v16, v58;
	v16 =	vmax.f32 v20, v23;
	v20 =	vld [tilespmem:$0x2870]  }
0x4b8: {  	[tilespmem:$0x6C50] =	vst v22;
	v0 =	vmax.f32 v0, v42;
	v42 =	vmax.f32 v27, v28;
	v58 =	vmax.f32 v32, v34;
	v34 =	vld [tilespmem:$0x2970]  }
0x4b9: {  	[tilespmem:$0x6C60] =	vst v29;
	v32 =	vmax.f32 v37, v44;
	v44 =	vld [tilespmem:$0x2AF0];
	v16 =	vmax.f32 v16, v17;
	v7 =	vmax.f32 v58, v7  }
0x4ba: {  	[tilespmem:$0x6C70] =	vst v33;
	v8 =	vmax.f32 v62, v8;
	v62 =	vmax.f32 v52, v55;
	v52 =	vld [tilespmem:$0x1FFD0];
	v55 =	vmax.f32 v30, v31  }
0x4bb: {  	[tilespmem:$0x7000] =	vst v35;
	v31 =	vmax.f32 v36, v41;
	v8 =	vmax.f32 v8, v9;
	v18 =	vmax.f32 v42, v55;
	v42 =	vld [tilespmem:$0x2A70]  }
0x4bc: {  	[tilespmem:$0x7010] =	vst v39;
	v57 =	vmax.f32 v13, v12;
	v9 =	vmax.f32 v21, v24;
	v8 =	vmax.f32 v62, v8;
	v62 =	vld [tilespmem:$0x28F0]  }
0x4bd: {  	[tilespmem:$0x7020] =	vst v45;
	v30 =	vld [tilespmem:$0x1FFE0];
	v37 =	vmax.f32 v31, v32;
	v55 =	vmax.f32 v48, v11;
	v59 =	vmax.f32 v34, v38  }
0x4be: {  	[tilespmem:$0x7030] =	vst v0;
	v36 =	vld [tilespmem:$0x1FFF0];
	v41 =	vmax.f32 v16, v18;
	v7 =	vmax.f32 v7, v37;
	v8 =	vmax.f32 v8, v9  }
0x4bf: {  	v7 =	vmax.f32 v41, v7;
	[tilespmem:$0x6C00] =	vst v52;
	v52 =	vmax.f32 v60, v56;
	v56 =	vmax.f32 v14, v19  }
0x4c0: {  	[tilespmem:$0x7040] =	vst v8;
	v60 =	vmax.f32 v50, v53;
	v3 =	vmax.f32 v52, v3;
	v0 =	vmax.f32 v42, v44  }
0x4c1: {  	[tilespmem:$0x7050] =	vst v7;
	v3 =	vmax.f32 v4, v3;
	v58 =	vmax.f32 v20, v62;
	v4 =	vmax.f32 v54, v55  }
0x4c2: {  	[tilespmem:$0x6C10] =	vst v30;
	v62 =	vmax.f32 v56, v57;
	v0 =	vmax.f32 v0, v60;
	v63 =	vmax.f32 v58, v59  }
0x4c3: {  	s20 =	smul.u32 $0x700, s20;
	[tilespmem:$0x6C20] =	vst v36;
	v3 =	vmax.f32 v5, v3;
	v4 =	vmax.f32 v4, v62;
	v0 =	vmax.f32 v63, v0  }
0x4c4: {  	[tilespmem:$0x7060] =	vst v3;
	v0 =	vmax.f32 v4, v0  }
.Ltmp6:
0x4c5: {  	s20 =	sadd.s32 s6, s20;
	[tilespmem:$0x7070] =	vst v0;
	(pc) =	sbr.rel .LBB2_6-.Ltmp6, $4  }
0x4c6: {  	[hbm4b:s20+s2] =	stream.linear.scatter [tilespmem:s16], [sflag:$0x3], $0x3800, $0x38;
	[tilespmem:$0x7400] =	vst v63  }
0x4c7: {  	_ =	swait.ge [sflag:s17], $0x3800  }
0x4c8: {  	[sflag:s17] =	ssyncset.done $0x0  }
0x4c9: {  	[sflag:s17] =	ssyncadd.s32 $0xFFFFC800  }
.LBB2_8:
0x4ca: {  	_ =	sfence.sel $0x180000  }
0x4cb: {  	[bflag:$0x0] =	sbarrier.arrive $0xFFFF  }
0x4cc: {  	p0 =	sne.s32 s4, $0x0;
	_ =	strace $0x90000047  }
0x4cd: {  	s0 =	sadd.s32 @!p0 $0x100000, s0;
	[bflag:$0x2] =	sbarrier.arrive $0xFFFF  }
0x4ce: {  	[sflag:s0] =	ssyncadd.tile.s32 @!p0 $0x1;
	_ =	shalt  }
.Lfunc_end2:
_tile_overlayer_lowered:
.L_overlay_start_2:
0x4cf: {  	(tag) =	ssettag $0x2  }
0x4d0: {  	s0 =	rddreg [dreg:$0x0];
	s2 =	stileid.u32  }
0x4d1: {  	s1 =	rddreg [dreg:$0x1];
	p0 =	sne.s32 s2, $0x0  }
0x4d2: {  	s3 =	rddreg [dreg:$0x2];
	[bflag:$0x3] =	sbarrier.arrive $0xFFFF;
	s2 =	simm.s32 @!p0 $0x1C03  }
0x4d3: {  	[timem:s3], [sflag:s2] =	dma.local @!p0 [hbm:s0], s1  }
0x4d4: {  	s0 =	simm.s32 @!p0 $0x3  }
0x4d5: {  	_ =	swait.ge @!p0 [sflag:s0], s1  }
0x4d6: {  	s1 =	ssub.s32 @!p0 $0x0, s1;
	[sflag:s0] =	ssyncset.done @!p0 $0x0  }
0x4d7: {  	[sflag:s0] =	ssyncadd.s32 @!p0 s1  }
0x4d8: {  	[bflag:$0x3] =	sbarrier.arrive $0xFFFF  }
0x4d9: {  	_ =	shalt  }

</sc_bundles>
